<compile_context>
chip_gen: v7x
topology: tpu7x:2x2x1
jax: 0.10.2.dev20260603
libtpu: 0.0.44.dev20260713+nightly
codegen_flags: <defaults>
</compile_context>

<pallas_src>
import functools

import jax
import jax.numpy as jnp
from jax import lax
from jax.experimental import pallas as pl
from jax.experimental.pallas import tpu as pltpu
from jax.experimental.pallas import tpu_sc as plsc

_NC = 2
_NS = 16
_NW = _NC * _NS
_CH = 128

_F32 = jnp.float32



def _pack2(t, d):
    hi = lax.bitcast_convert_type(t[:, :d], jnp.int32)
    lo = lax.bitcast_convert_type(t[:, d:], jnp.int32)
    hi = (hi + 0x8000) & jnp.int32(-65536)
    lo = lax.shift_right_logical(lo + 0x8000, 16)
    return hi | lo


def _unpack_hi(g):
    return lax.bitcast_convert_type(g & jnp.int32(-65536), _F32)


def _unpack_lo(g):
    return lax.bitcast_convert_type(lax.shift_left(g, 16), _F32)


def _proj_body(x_ref, wd_ref, ws_ref, od_ref, os_ref):
    xb = x_ref[...]
    d = x_ref.shape[1]
    od_ref[...] = _pack2(
        jnp.dot(xb, wd_ref[...], preferred_element_type=_F32), d)
    os_ref[...] = _pack2(
        jnp.dot(xb, ws_ref[...], preferred_element_type=_F32), d)


def _project(x, wd, ws, bn, nrows):
    n, d = x.shape
    dd = wd.shape[1]
    return pl.pallas_call(
        _proj_body,
        grid=(n // bn,),
        in_specs=[
            pl.BlockSpec((bn, d), lambda i: (i, 0)),
            pl.BlockSpec((d, dd), lambda i: (0, 0)),
            pl.BlockSpec((d, dd), lambda i: (0, 0)),
        ],
        out_specs=[
            pl.BlockSpec((bn, d), lambda i: (i, 0)),
            pl.BlockSpec((bn, d), lambda i: (i, 0)),
        ],
        out_shape=[jax.ShapeDtypeStruct((nrows, d), jnp.int32)] * 2,
    )(x, wd, ws)


def _bdot(a, w):
    return jnp.dot(a.astype(jnp.bfloat16), w.astype(jnp.bfloat16),
                   preferred_element_type=_F32)


def _edge_body(gd_ref, gs_ref, ea_ref, ew1c_ref, eb1_ref, ew2_ref, eb2_ref,
               mw1c_ref, mb1_ref, mw2_ref, mb2_ref, ne_ref, msg_ref):
    gd = gd_ref[...]
    gs = gs_ref[...]
    he = (_unpack_hi(gd) + _unpack_hi(gs) + _bdot(ea_ref[...], ew1c_ref[...])
          + eb1_ref[...])
    he = jnp.maximum(he, 0.0)
    ne = _bdot(he, ew2_ref[...]) + eb2_ref[...]
    hm = (_unpack_lo(gd) + _unpack_lo(gs) + _bdot(ne, mw1c_ref[...])
          + mb1_ref[...])
    hm = jnp.maximum(hm, 0.0)
    msg_ref[...] = _bdot(hm, mw2_ref[...]) + mb2_ref[...]
    ne_ref[...] = ne.astype(ne_ref.dtype)


def _edge_mlps(gd, gs, ea, ew1c, eb1, ew2, eb2, mw1c, mb1, mw2, mb2, be,
               ne_dtype):
    ep, d = gd.shape
    ew = ea.shape[1]
    wspec = lambda sh: pl.BlockSpec(sh, lambda i: (0, 0))
    return pl.pallas_call(
        _edge_body,
        grid=(ep // be,),
        in_specs=[
            pl.BlockSpec((be, d), lambda i: (i, 0)),
            pl.BlockSpec((be, d), lambda i: (i, 0)),
            pl.BlockSpec((be, ew), lambda i: (i, 0)),
            wspec((ew, d)), wspec((1, d)), wspec((d, d)), wspec((1, d)),
            wspec((d, d)), wspec((1, d)), wspec((d, d)), wspec((1, d)),
        ],
        out_specs=[
            pl.BlockSpec((be, d), lambda i: (i, 0)),
            pl.BlockSpec((be, d), lambda i: (i, 0)),
        ],
        out_shape=[jax.ShapeDtypeStruct((ep, d), ne_dtype),
                   jax.ShapeDtypeStruct((ep, d), _F32)],
    )(gd, gs, ea, ew1c, eb1, ew2, eb2, mw1c, mb1, mw2, mb2)


def _node_body(x_ref, p0_ref, p1_ref, p2_ref, p3_ref, w1a_ref, w1b_ref,
               b1_ref, w2_ref, b2_ref, o_ref):
    aggr = p0_ref[0] + p1_ref[0] + p2_ref[0] + p3_ref[0]
    h = (jnp.dot(x_ref[...], w1a_ref[...], preferred_element_type=_F32)
         + jnp.dot(aggr, w1b_ref[...], preferred_element_type=_F32)
         + b1_ref[...])
    h = jnp.maximum(h, 0.0)
    o_ref[...] = jnp.dot(h, w2_ref[...], preferred_element_type=_F32) + b2_ref[...]


def _node_mlp(x, parts_a, parts_b, w1a, w1b, b1, w2, b2, bn):
    n, d = x.shape
    wspec = lambda sh: pl.BlockSpec(sh, lambda i: (0, 0))
    pspec = lambda c: pl.BlockSpec((1, bn, d), lambda i, c=c: (c, i, 0))
    return pl.pallas_call(
        _node_body,
        grid=(n // bn,),
        in_specs=[
            pl.BlockSpec((bn, d), lambda i: (i, 0)),
            pspec(0), pspec(1), pspec(0), pspec(1),
            wspec((d, d)), wspec((d, d)), wspec((1, d)), wspec((d, d)),
            wspec((1, d)),
        ],
        out_specs=pl.BlockSpec((bn, d), lambda i: (i, 0)),
        out_shape=jax.ShapeDtypeStruct((n, d), _F32),
    )(x, parts_a, parts_a, parts_b, parts_b, w1a, w1b, b1, w2, b2)



_NB = 2
_NBS = 2
_CHS = 96


def _gather_two(table_d, table_s, idx_d, idx_s):
    ep = idx_d.shape[0]
    nrows, d = table_d.shape
    per_w = ep // _NS
    nch = per_w // _CH
    ngr = nch // _NB
    rs = nrows // _NS
    mesh = plsc.VectorSubcoreMesh(core_axis_name="c", subcore_axis_name="s")

    @functools.partial(
        pl.kernel,
        out_type=[jax.ShapeDtypeStruct((ep, d), jnp.int32)] * 2,
        mesh=mesh,
        scratch_types=(
            [pltpu.VMEM((per_w,), jnp.int32)]
            + [pltpu.VMEM((_CH, d), jnp.int32)] * _NB
            + [pltpu.SemaphoreType.DMA] * (2 * _NB)
            + [pltpu.VMEM_SHARED((nrows, d), jnp.int32)]
        ),
    )
    def gather_kernel(td_hbm, ts_hbm, id_hbm, is_hbm, gd_hbm, gs_hbm,
                      idx_all, b0, b1, g0, g1, w0, w1, tstage):
        cid = lax.axis_index("c")
        sid = lax.axis_index("s")
        bufs = (b0, b1)
        gsem = (g0, g1)
        wsem = (w0, w1)
        base = sid * per_w

        def run(table, idh, outh):
            pltpu.sync_copy(table.at[pl.ds(sid * rs, rs)],
                            tstage.at[pl.ds(sid * rs, rs)])
            pltpu.sync_copy(idh.at[pl.ds(base, per_w)], idx_all)
            plsc.subcore_barrier()

            def grp(g, carry):
                for b in range(_NB):
                    j = g * _NB + b

                    @pl.when(g > 0)
                    def _():
                        pltpu.make_async_copy(
                            outh.at[pl.ds(0, _CH)], bufs[b], wsem[b]).wait()

                    pltpu.async_copy(
                        tstage.at[idx_all.at[pl.ds(j * _CH, _CH)]],
                        bufs[b], gsem[b])
                for b in range(_NB):
                    j = g * _NB + b
                    pltpu.make_async_copy(
                        outh.at[pl.ds(0, _CH)], bufs[b], gsem[b]).wait()
                    pltpu.async_copy(
                        bufs[b], outh.at[pl.ds(base + j * _CH, _CH)], wsem[b])
                return carry

            lax.fori_loop(0, ngr, grp, 0)
            for b in range(_NB):
                pltpu.make_async_copy(
                    outh.at[pl.ds(0, _CH)], bufs[b], wsem[b]).wait()

        @pl.when(cid == 0)
        def _():
            run(td_hbm, id_hbm, gd_hbm)

        @pl.when(cid == 1)
        def _():
            run(ts_hbm, is_hbm, gs_hbm)

    return gather_kernel(table_d, table_s, idx_d, idx_s)


def _scatter_add(msg, idx, zeros, n):
    ep, d = msg.shape
    npad = zeros.shape[0]
    per_w = ep // _NW
    nch = per_w // _CHS
    ngr = nch // _NBS
    rpt = npad // _NS
    mesh = plsc.VectorSubcoreMesh(core_axis_name="c", subcore_axis_name="s")

    @functools.partial(
        pl.kernel,
        out_type=jax.ShapeDtypeStruct((2, npad, d), _F32),
        mesh=mesh,
        scratch_types=(
            [pltpu.VMEM((nch, _CHS), jnp.int32)]
            + [pltpu.VMEM((_CHS, d), _F32)] * _NBS
            + [pltpu.SemaphoreType.DMA] * (2 * _NBS)
            + [pltpu.VMEM_SHARED((npad, d), _F32)]
        ),
    )
    def scatter_kernel(msg_hbm, idx_hbm, z_hbm, out_hbm,
                       idx_all, b0, b1, l0, l1, a0, a1, acc):
        cid = lax.axis_index("c")
        sid = lax.axis_index("s")
        wid = sid * _NC + cid
        bufs = (b0, b1)
        lsem = (l0, l1)
        asem = (a0, a1)

        pltpu.sync_copy(z_hbm.at[pl.ds(sid * rpt, rpt)],
                        acc.at[pl.ds(sid * rpt, rpt)])
        pltpu.sync_copy(idx_hbm.at[wid], idx_all)
        plsc.subcore_barrier()

        def grp(g, carry):
            for b in range(_NBS):
                j = g * _NBS + b

                @pl.when(g > 0)
                def _():
                    pltpu.make_async_copy(
                        msg_hbm.at[pl.ds(0, _CHS)], bufs[b], asem[b]).wait()

                pltpu.async_copy(
                    msg_hbm.at[pl.ds(wid * per_w + j * _CHS, _CHS)],
                    bufs[b], lsem[b])
            for b in range(_NBS):
                j = g * _NBS + b
                pltpu.make_async_copy(
                    msg_hbm.at[pl.ds(0, _CHS)], bufs[b], lsem[b]).wait()
                pltpu.async_copy(bufs[b], acc.at[idx_all.at[j]], asem[b],
                                 add=True)
            return carry

        lax.fori_loop(0, ngr, grp, 0)
        for b in range(_NBS):
            pltpu.make_async_copy(
                msg_hbm.at[pl.ds(0, _CHS)], bufs[b], asem[b]).wait()
        plsc.subcore_barrier()
        pltpu.sync_copy(acc.at[pl.ds(sid * rpt, rpt)],
                        out_hbm.at[cid, pl.ds(sid * rpt, rpt)])

    return scatter_kernel(msg, idx, zeros)



def kernel(x, edge_index, edge_attr,
           l0_ew1, l0_eb1, l0_ew2, l0_eb2,
           l0_mw1, l0_mb1, l0_mw2, l0_mb2,
           l0_nw1, l0_nb1, l0_nw2, l0_nb2,
           l1_ew1, l1_eb1, l1_ew2, l1_eb2,
           l1_mw1, l1_mb1, l1_mw2, l1_mb2,
           l1_nw1, l1_nb1, l1_nw2, l1_nb2):
    n, d = x.shape
    e = edge_index.shape[1]
    ed = edge_attr.shape[1]
    e_real = e + n
    quant = 2 * _NW * _CH
    ep = ((e_real + quant - 1) // quant) * quant
    eph = ep // 2
    pad = ep - e_real
    npad = ((n + 1 + 8 * _NS - 1) // (8 * _NS)) * (8 * _NS)

    loop = jnp.arange(n, dtype=jnp.int32)
    zpad_i = jnp.zeros((pad,), jnp.int32)
    src = jnp.concatenate([edge_index[0].astype(jnp.int32), loop, zpad_i])
    dst_g = jnp.concatenate([edge_index[1].astype(jnp.int32), loop, zpad_i])
    dst_s = jnp.concatenate([edge_index[1].astype(jnp.int32), loop,
                             jnp.full((pad,), n, jnp.int32)])
    ea = jnp.concatenate(
        [edge_attr, jnp.zeros((n + pad, ed), edge_attr.dtype)], axis=0)
    zeros_acc = jnp.zeros((npad, d), _F32)

    srcs = [src[:eph], src[eph:]]
    dstg = [dst_g[:eph], dst_g[eph:]]
    dsts = [dst_s[:eph].reshape(_NW, -1, _CHS),
            dst_s[eph:].reshape(_NW, -1, _CHS)]
    eas = [ea[:eph], ea[eph:]]

    layers = [
        (l0_ew1, l0_eb1, l0_ew2, l0_eb2, l0_mw1, l0_mb1, l0_mw2, l0_mb2,
         l0_nw1, l0_nb1, l0_nw2, l0_nb2),
        (l1_ew1, l1_eb1, l1_ew2, l1_eb2, l1_mw1, l1_mb1, l1_mw2, l1_mb2,
         l1_nw1, l1_nb1, l1_nw2, l1_nb2),
    ]

    bn = 1000
    be = 4096

    for li, (ew1, eb1, ew2, eb2, mw1, mb1, mw2, mb2,
             nw1, nb1, nw2, nb2) in enumerate(layers):
        wd = jnp.concatenate([ew1[:d], mw1[:d]], axis=1)
        wsc = jnp.concatenate([ew1[d:2 * d], mw1[d:2 * d]], axis=1)
        ne_dtype = jnp.bfloat16 if li == 0 else _F32
        td, ts = _project(x, wd, wsc, bn, npad)
        nes = []
        parts = []
        for h in (0, 1):
            gd, gs = _gather_two(td, ts, dstg[h], srcs[h])
            ne, msg = _edge_mlps(
                gd, gs, eas[h],
                ew1[2 * d:], eb1.reshape(1, d), ew2, eb2.reshape(1, d),
                mw1[2 * d:], mb1.reshape(1, d), mw2, mb2.reshape(1, d), be,
                ne_dtype)
            parts.append(_scatter_add(msg, dsts[h], zeros_acc, n))
            nes.append(ne)
        x = _node_mlp(x, parts[0], parts[1], nw1[:d], nw1[d:],
                      nb1.reshape(1, d), nw2, nb2.reshape(1, d), bn)
        eas = nes

    return (x, jnp.concatenate(eas)[:e_real])

# --- scband reference (transcript-rebuilt; emitter-appended) ---
"""Pipeline reference for scband-graph-pointer-net-30580167147638 (READ-ONLY COPY).

The authoritative reference and input builder live on the scoring server;
editing this copy changes nothing except your own understanding.
"""

import jax, jax.numpy as jnp
import numpy as np

N = 10000
E = 160000
D = 128
ED = 16

_WNAMES = ["l0_ew1","l0_eb1","l0_ew2","l0_eb2","l0_mw1","l0_mb1","l0_mw2","l0_mb2","l0_nw1","l0_nb1","l0_nw2","l0_nb2","l1_ew1","l1_eb1","l1_ew2","l1_eb2","l1_mw1","l1_mb1","l1_mw2","l1_mb2","l1_nw1","l1_nb1","l1_nw2","l1_nb2"]
_WSHAPES = [(272,128),(128,),(128,128),(128,),(384,128),(128,),(128,128),(128,),(256,128),(128,),(128,128),(128,),(384,128),(128,),(128,128),(128,),(384,128),(128,),(128,128),(128,),(256,128),(128,),(128,128),(128,)]


def _mlp(h, w1, b1, w2, b2):
    return jax.nn.relu(h @ w1 + b1) @ w2 + b2


def setup_inputs(seed: int = 0):
    key = jax.random.key(seed)
    ks = jax.random.split(key, 3 + len(_WNAMES))
    inp = {}
    inp["x"] = jax.random.normal(ks[0], (N, D), dtype=jnp.float32)
    inp["edge_index"] = jax.random.randint(ks[1], (2, E), 0, N, dtype=jnp.int32)
    inp["edge_attr"] = jax.random.normal(ks[2], (E, ED), dtype=jnp.float32)
    for i, (nm, sh) in enumerate(zip(_WNAMES, _WSHAPES)):
        scale = 1.0 / np.sqrt(sh[0])
        inp[nm] = jax.random.normal(ks[3 + i], sh, dtype=jnp.float32) * scale
    return inp


def reference(x, edge_index, edge_attr,
              l0_ew1, l0_eb1, l0_ew2, l0_eb2,
              l0_mw1, l0_mb1, l0_mw2, l0_mb2,
              l0_nw1, l0_nb1, l0_nw2, l0_nb2,
              l1_ew1, l1_eb1, l1_ew2, l1_eb2,
              l1_mw1, l1_mb1, l1_mw2, l1_mb2,
              l1_nw1, l1_nb1, l1_nw2, l1_nb2):
    # MP_GNN forward: add self loops (edge_attr fill 0), then 2 message-passing
    # layers with edge update (PyG flow: edge_index[0]=src=x_j, edge_index[1]=dst=x_i, aggr='add').
    ws = dict(zip(_WNAMES, (
        l0_ew1, l0_eb1, l0_ew2, l0_eb2,
        l0_mw1, l0_mb1, l0_mw2, l0_mb2,
        l0_nw1, l0_nb1, l0_nw2, l0_nb2,
        l1_ew1, l1_eb1, l1_ew2, l1_eb2,
        l1_mw1, l1_mb1, l1_mw2, l1_mb2,
        l1_nw1, l1_nb1, l1_nw2, l1_nb2,
    )))
    n = x.shape[0]
    loop = jnp.arange(n, dtype=edge_index.dtype)
    src = jnp.concatenate([edge_index[0], loop])
    dst = jnp.concatenate([edge_index[1], loop])
    ea = jnp.concatenate([edge_attr, jnp.zeros((n, edge_attr.shape[1]), edge_attr.dtype)], axis=0)
    for lp in ["l0", "l1"]:
        x_i = x[dst]
        x_j = x[src]
        # EdgeNetwork: cat([x_i, x_j, edge_attr]) -> MLP -> updated edge attr
        new_ea = _mlp(jnp.concatenate([x_i, x_j, ea], axis=1), ws[lp + "_ew1"], ws[lp + "_eb1"], ws[lp + "_ew2"], ws[lp + "_eb2"])
        # message MLP on cat([x_i, x_j, updated_edge_attr])
        msg = _mlp(jnp.concatenate([x_i, x_j, new_ea], axis=1), ws[lp + "_mw1"], ws[lp + "_mb1"], ws[lp + "_mw2"], ws[lp + "_mb2"])
        # aggregate messages at destination nodes (scatter-add)
        aggr = jax.ops.segment_sum(msg, dst, num_segments=n)
        # node update: cat([x, aggr]) -> MLP
        x = _mlp(jnp.concatenate([x, aggr], axis=1), ws[lp + "_nw1"], ws[lp + "_nb1"], ws[lp + "_nw2"], ws[lp + "_nb2"])
        ea = new_ea
    return (x, ea)

if __name__ == "__main__":
    import jax
    _d = setup_inputs()
    print(jax.jit(kernel)(*tuple(_d.values())))

</pallas_src>

<mosaic_0001>
#map = affine_map<(d0, d1) -> (0, 0)>
#map1 = affine_map<(d0, d1) -> (0)>
module attributes {stable_mosaic.version = 14 : i64} {
  func.func @gather_kernel(%arg0: i32, %arg1: i32, %arg2: memref<10112x128xi32, #tpu.memory_space<hbm>>, %arg3: memref<10112x128xi32, #tpu.memory_space<hbm>>, %arg4: memref<86016xi32, #tpu.memory_space<hbm>>, %arg5: memref<86016xi32, #tpu.memory_space<hbm>>, %arg6: memref<86016x128xi32, #tpu.memory_space<hbm>>, %arg7: memref<86016x128xi32, #tpu.memory_space<hbm>>, %arg8: memref<5376xi32, #tpu.memory_space<vmem>>, %arg9: memref<128x128xi32, #tpu.memory_space<vmem>>, %arg10: memref<128x128xi32, #tpu.memory_space<vmem>>, %arg11: memref<!tpu.dma_semaphore, #tpu.memory_space<semaphore_mem>>, %arg12: memref<!tpu.dma_semaphore, #tpu.memory_space<semaphore_mem>>, %arg13: memref<!tpu.dma_semaphore, #tpu.memory_space<semaphore_mem>>, %arg14: memref<!tpu.dma_semaphore, #tpu.memory_space<semaphore_mem>>, %arg15: memref<10112x128xi32, #tpu.memory_space<vmem_shared>>) attributes {dimension_semantics = [#tpu.dimension_semantics<core_parallel>, #tpu.dimension_semantics<subcore_parallel>], iteration_bounds = array<i64: 2, 16>, scalar_prefetch = 0 : i64, scratch_operands = 8 : i64, tpu.core_type = #tpu.core_type<sc_vector_subcore>, window_params = [{transform_indices = #map}, {transform_indices = #map}, {transform_indices = #map1}, {transform_indices = #map1}, {transform_indices = #map}, {transform_indices = #map}]} {
    %mul3A = arith.constant 5376 : i32
    %mul3A_0 = arith.muli %arg1, %mul3A : i32
    %eq3A = arith.constant 0 : i32
    %eq3A_1 = arith.cmpi eq, %arg0, %eq3A : i32
    %convert_element_type3A = arith.extui %eq3A_1 : i1 to i32
    %cond3A = arith.constant 0 : i32
    %cond3A_2 = arith.cmpi ne, %convert_element_type3A, %cond3A : i32
    scf.if %cond3A_2 {
      %mul3A_8 = arith.constant 632 : i32
      %mul3A_9 = arith.muli %arg1, %mul3A_8 : i32
      %mul3A_10 = arith.constant 632 : i32
      %mul3A_11 = arith.muli %arg1, %mul3A_10 : i32
      "tpu.region"() ({
        %run_scoped3A = tpu.sem_alloc : memref<!tpu.dma_semaphore, #tpu.memory_space<semaphore_mem>>
        %dma_start3A = arith.constant 0 : i32
        %dma_start3A_28 = tpu.memref_slice %arg15[%mul3A_11, %dma_start3A] : memref<10112x128xi32, #tpu.memory_space<vmem_shared>> -> memref<632x128xi32, #tpu.memory_space<vmem_shared>>
        %dma_start3A_29 = arith.constant 0 : i32
        %dma_start3A_30 = tpu.memref_slice %arg2[%mul3A_9, %dma_start3A_29] : memref<10112x128xi32, #tpu.memory_space<hbm>> -> memref<632x128xi32, #tpu.memory_space<hbm>>
        tpu.enqueue_dma source(%dma_start3A_30 : memref<632x128xi32, #tpu.memory_space<hbm>>) target(%dma_start3A_28 : memref<632x128xi32, #tpu.memory_space<vmem_shared>>) target_semaphore(%run_scoped3A : memref<!tpu.dma_semaphore, #tpu.memory_space<semaphore_mem>>)
        %dma_wait3A_31 = arith.constant 0 : i32
        %dma_wait3A_32 = tpu.memref_slice %arg15[%mul3A_11, %dma_wait3A_31] : memref<10112x128xi32, #tpu.memory_space<vmem_shared>> -> memref<632x128xi32, #tpu.memory_space<vmem_shared>>
        %dma_wait3A_33 = arith.constant 0 : i32
        %dma_wait3A_34 = tpu.memref_slice %arg2[%mul3A_9, %dma_wait3A_33] : memref<10112x128xi32, #tpu.memory_space<hbm>> -> memref<632x128xi32, #tpu.memory_space<hbm>>
        tpu.wait_dma2 semaphore(%run_scoped3A : memref<!tpu.dma_semaphore, #tpu.memory_space<semaphore_mem>>) src(%dma_wait3A_34 : memref<632x128xi32, #tpu.memory_space<hbm>>) dst(%dma_wait3A_32 : memref<632x128xi32, #tpu.memory_space<vmem_shared>>)
        tpu.yield
      }) : () -> ()
      "tpu.region"() ({
        %run_scoped3A = tpu.sem_alloc : memref<!tpu.dma_semaphore, #tpu.memory_space<semaphore_mem>>
        %dma_start3A = tpu.memref_slice %arg4[%mul3A_0] : memref<86016xi32, #tpu.memory_space<hbm>> -> memref<5376xi32, #tpu.memory_space<hbm>>
        %dma_start3A_28 = tpu.memref_slice %arg4[%mul3A_0] : memref<86016xi32, #tpu.memory_space<hbm>> -> memref<5376xi32, #tpu.memory_space<hbm>>
        tpu.enqueue_dma source(%dma_start3A_28 : memref<5376xi32, #tpu.memory_space<hbm>>) target(%arg8 : memref<5376xi32, #tpu.memory_space<vmem>>) target_semaphore(%run_scoped3A : memref<!tpu.dma_semaphore, #tpu.memory_space<semaphore_mem>>)
        %dma_wait3A_29 = tpu.memref_slice %arg4[%mul3A_0] : memref<86016xi32, #tpu.memory_space<hbm>> -> memref<5376xi32, #tpu.memory_space<hbm>>
        %dma_wait3A_30 = tpu.memref_slice %arg4[%mul3A_0] : memref<86016xi32, #tpu.memory_space<hbm>> -> memref<5376xi32, #tpu.memory_space<hbm>>
        tpu.wait_dma2 semaphore(%run_scoped3A : memref<!tpu.dma_semaphore, #tpu.memory_space<semaphore_mem>>) src(%dma_wait3A_30 : memref<5376xi32, #tpu.memory_space<hbm>>) dst(%arg8 : memref<5376xi32, #tpu.memory_space<vmem>>)
        tpu.yield
      }) : () -> ()
      %barrier3A = arith.constant 0 : index
      tpu.barrier barrier_id(%barrier3A)
      %scan3A = arith.constant 0 : i32
      %scan3A_12 = arith.constant 0 : i32
      %scan3A_13 = arith.constant 21 : i32
      %scan3A_14 = arith.addi %scan3A_12, %scan3A_13 : i32
      %scan3A_15 = arith.constant 1 : i32
      scf.for %scan3A_28 = %scan3A_12 to %scan3A_14 step %scan3A_15  : i32 {
        %mul3A_29 = arith.constant 2 : i32
        %mul3A_30 = arith.muli %scan3A_28, %mul3A_29 : i32
        %add3A = arith.constant 0 : i32
        %add3A_31 = arith.addi %mul3A_30, %add3A : i32
        %gt3A = arith.constant 0 : i32
        %gt3A_32 = arith.cmpi sgt, %scan3A_28, %gt3A : i32
        %convert_element_type3A_33 = arith.extui %gt3A_32 : i1 to i32
        %cond3A_34 = arith.constant 0 : i32
        %cond3A_35 = arith.cmpi ne, %convert_element_type3A_33, %cond3A_34 : i32
        scf.if %cond3A_35 {
          %dma_wait3A_90 = arith.constant 0 : i32
          %dma_wait3A_91 = arith.constant 0 : i32
          %dma_wait3A_92 = tpu.memref_slice %arg6[%dma_wait3A_90, %dma_wait3A_91] : memref<86016x128xi32, #tpu.memory_space<hbm>> -> memref<128x128xi32, #tpu.memory_space<hbm>>
          %dma_wait3A_93 = arith.constant 0 : i32
          %dma_wait3A_94 = arith.constant 0 : i32
          %dma_wait3A_95 = tpu.memref_slice %arg6[%dma_wait3A_93, %dma_wait3A_94] : memref<86016x128xi32, #tpu.memory_space<hbm>> -> memref<128x128xi32, #tpu.memory_space<hbm>>
          tpu.wait_dma2 semaphore(%arg13 : memref<!tpu.dma_semaphore, #tpu.memory_space<semaphore_mem>>) src(%dma_wait3A_95 : memref<128x128xi32, #tpu.memory_space<hbm>>) dst(%arg9 : memref<128x128xi32, #tpu.memory_space<vmem>>)
        } else {
        }
        %mul3A_36 = arith.constant 128 : i32
        %mul3A_37 = arith.muli %add3A_31, %mul3A_36 : i32
        %dma_start3A = tpu.memref_slice %arg8[%mul3A_37] : memref<5376xi32, #tpu.memory_space<vmem>> -> memref<128xi32, #tpu.memory_space<vmem>>
        %dma_start3A_38 = arith.constant 0 : i32
        %dma_start3A_39 = arith.constant 0 : i32
        %dma_start3A_40 = tpu.memref_slice %arg15[%dma_start3A_38, %dma_start3A_39] : memref<10112x128xi32, #tpu.memory_space<vmem_shared>> -> memref<10112x128xi32, #tpu.memory_space<vmem_shared>>
        tpu.enqueue_indirect_dma source(%dma_start3A_40 : memref<10112x128xi32, #tpu.memory_space<vmem_shared>>) target(%arg9 : memref<128x128xi32, #tpu.memory_space<vmem>>) offsets(%dma_start3A : memref<128xi32, #tpu.memory_space<vmem>>) semaphore(%arg11 : memref<!tpu.dma_semaphore, #tpu.memory_space<semaphore_mem>>)
        %mul3A_41 = arith.constant 2 : i32
        %mul3A_42 = arith.muli %scan3A_28, %mul3A_41 : i32
        %add3A_43 = arith.constant 1 : i32
        %add3A_44 = arith.addi %mul3A_42, %add3A_43 : i32
        %gt3A_45 = arith.constant 0 : i32
        %gt3A_46 = arith.cmpi sgt, %scan3A_28, %gt3A_45 : i32
        %convert_element_type3A_47 = arith.extui %gt3A_46 : i1 to i32
        %cond3A_48 = arith.constant 0 : i32
        %cond3A_49 = arith.cmpi ne, %convert_element_type3A_47, %cond3A_48 : i32
        scf.if %cond3A_49 {
          %dma_wait3A_90 = arith.constant 0 : i32
          %dma_wait3A_91 = arith.constant 0 : i32
          %dma_wait3A_92 = tpu.memref_slice %arg6[%dma_wait3A_90, %dma_wait3A_91] : memref<86016x128xi32, #tpu.memory_space<hbm>> -> memref<128x128xi32, #tpu.memory_space<hbm>>
          %dma_wait3A_93 = arith.constant 0 : i32
          %dma_wait3A_94 = arith.constant 0 : i32
          %dma_wait3A_95 = tpu.memref_slice %arg6[%dma_wait3A_93, %dma_wait3A_94] : memref<86016x128xi32, #tpu.memory_space<hbm>> -> memref<128x128xi32, #tpu.memory_space<hbm>>
          tpu.wait_dma2 semaphore(%arg14 : memref<!tpu.dma_semaphore, #tpu.memory_space<semaphore_mem>>) src(%dma_wait3A_95 : memref<128x128xi32, #tpu.memory_space<hbm>>) dst(%arg10 : memref<128x128xi32, #tpu.memory_space<vmem>>)
        } else {
        }
        %mul3A_50 = arith.constant 128 : i32
        %mul3A_51 = arith.muli %add3A_44, %mul3A_50 : i32
        %dma_start3A_52 = tpu.memref_slice %arg8[%mul3A_51] : memref<5376xi32, #tpu.memory_space<vmem>> -> memref<128xi32, #tpu.memory_space<vmem>>
        %dma_start3A_53 = arith.constant 0 : i32
        %dma_start3A_54 = arith.constant 0 : i32
        %dma_start3A_55 = tpu.memref_slice %arg15[%dma_start3A_53, %dma_start3A_54] : memref<10112x128xi32, #tpu.memory_space<vmem_shared>> -> memref<10112x128xi32, #tpu.memory_space<vmem_shared>>
        tpu.enqueue_indirect_dma source(%dma_start3A_55 : memref<10112x128xi32, #tpu.memory_space<vmem_shared>>) target(%arg10 : memref<128x128xi32, #tpu.memory_space<vmem>>) offsets(%dma_start3A_52 : memref<128xi32, #tpu.memory_space<vmem>>) semaphore(%arg12 : memref<!tpu.dma_semaphore, #tpu.memory_space<semaphore_mem>>)
        %mul3A_56 = arith.constant 2 : i32
        %mul3A_57 = arith.muli %scan3A_28, %mul3A_56 : i32
        %add3A_58 = arith.constant 0 : i32
        %add3A_59 = arith.addi %mul3A_57, %add3A_58 : i32
        %dma_wait3A_60 = arith.constant 0 : i32
        %dma_wait3A_61 = arith.constant 0 : i32
        %dma_wait3A_62 = tpu.memref_slice %arg6[%dma_wait3A_60, %dma_wait3A_61] : memref<86016x128xi32, #tpu.memory_space<hbm>> -> memref<128x128xi32, #tpu.memory_space<hbm>>
        %dma_wait3A_63 = arith.constant 0 : i32
        %dma_wait3A_64 = arith.constant 0 : i32
        %dma_wait3A_65 = tpu.memref_slice %arg6[%dma_wait3A_63, %dma_wait3A_64] : memref<86016x128xi32, #tpu.memory_space<hbm>> -> memref<128x128xi32, #tpu.memory_space<hbm>>
        tpu.wait_dma2 semaphore(%arg11 : memref<!tpu.dma_semaphore, #tpu.memory_space<semaphore_mem>>) src(%dma_wait3A_65 : memref<128x128xi32, #tpu.memory_space<hbm>>) dst(%arg9 : memref<128x128xi32, #tpu.memory_space<vmem>>)
        %mul3A_66 = arith.constant 128 : i32
        %mul3A_67 = arith.muli %add3A_59, %mul3A_66 : i32
        %add3A_68 = arith.addi %mul3A_0, %mul3A_67 : i32
        %dma_start3A_69 = arith.constant 0 : i32
        %dma_start3A_70 = tpu.memref_slice %arg6[%add3A_68, %dma_start3A_69] : memref<86016x128xi32, #tpu.memory_space<hbm>> -> memref<128x128xi32, #tpu.memory_space<hbm>>
        %dma_start3A_71 = arith.constant 0 : i32
        %dma_start3A_72 = tpu.memref_slice %arg6[%add3A_68, %dma_start3A_71] : memref<86016x128xi32, #tpu.memory_space<hbm>> -> memref<128x128xi32, #tpu.memory_space<hbm>>
        tpu.enqueue_dma source(%arg9 : memref<128x128xi32, #tpu.memory_space<vmem>>) target(%dma_start3A_72 : memref<128x128xi32, #tpu.memory_space<hbm>>) target_semaphore(%arg13 : memref<!tpu.dma_semaphore, #tpu.memory_space<semaphore_mem>>)
        %mul3A_73 = arith.constant 2 : i32
        %mul3A_74 = arith.muli %scan3A_28, %mul3A_73 : i32
        %add3A_75 = arith.constant 1 : i32
        %add3A_76 = arith.addi %mul3A_74, %add3A_75 : i32
        %dma_wait3A_77 = arith.constant 0 : i32
        %dma_wait3A_78 = arith.constant 0 : i32
        %dma_wait3A_79 = tpu.memref_slice %arg6[%dma_wait3A_77, %dma_wait3A_78] : memref<86016x128xi32, #tpu.memory_space<hbm>> -> memref<128x128xi32, #tpu.memory_space<hbm>>
        %dma_wait3A_80 = arith.constant 0 : i32
        %dma_wait3A_81 = arith.constant 0 : i32
        %dma_wait3A_82 = tpu.memref_slice %arg6[%dma_wait3A_80, %dma_wait3A_81] : memref<86016x128xi32, #tpu.memory_space<hbm>> -> memref<128x128xi32, #tpu.memory_space<hbm>>
        tpu.wait_dma2 semaphore(%arg12 : memref<!tpu.dma_semaphore, #tpu.memory_space<semaphore_mem>>) src(%dma_wait3A_82 : memref<128x128xi32, #tpu.memory_space<hbm>>) dst(%arg10 : memref<128x128xi32, #tpu.memory_space<vmem>>)
        %mul3A_83 = arith.constant 128 : i32
        %mul3A_84 = arith.muli %add3A_76, %mul3A_83 : i32
        %add3A_85 = arith.addi %mul3A_0, %mul3A_84 : i32
        %dma_start3A_86 = arith.constant 0 : i32
        %dma_start3A_87 = tpu.memref_slice %arg6[%add3A_85, %dma_start3A_86] : memref<86016x128xi32, #tpu.memory_space<hbm>> -> memref<128x128xi32, #tpu.memory_space<hbm>>
        %dma_start3A_88 = arith.constant 0 : i32
        %dma_start3A_89 = tpu.memref_slice %arg6[%add3A_85, %dma_start3A_88] : memref<86016x128xi32, #tpu.memory_space<hbm>> -> memref<128x128xi32, #tpu.memory_space<hbm>>
        tpu.enqueue_dma source(%arg10 : memref<128x128xi32, #tpu.memory_space<vmem>>) target(%dma_start3A_89 : memref<128x128xi32, #tpu.memory_space<hbm>>) target_semaphore(%arg14 : memref<!tpu.dma_semaphore, #tpu.memory_space<semaphore_mem>>)
      }
      %scan3A_16 = arith.constant 21 : i32
      %dma_wait3A = arith.constant 0 : i32
      %dma_wait3A_17 = arith.constant 0 : i32
      %dma_wait3A_18 = tpu.memref_slice %arg6[%dma_wait3A, %dma_wait3A_17] : memref<86016x128xi32, #tpu.memory_space<hbm>> -> memref<128x128xi32, #tpu.memory_space<hbm>>
      %dma_wait3A_19 = arith.constant 0 : i32
      %dma_wait3A_20 = arith.constant 0 : i32
      %dma_wait3A_21 = tpu.memref_slice %arg6[%dma_wait3A_19, %dma_wait3A_20] : memref<86016x128xi32, #tpu.memory_space<hbm>> -> memref<128x128xi32, #tpu.memory_space<hbm>>
      tpu.wait_dma2 semaphore(%arg13 : memref<!tpu.dma_semaphore, #tpu.memory_space<semaphore_mem>>) src(%dma_wait3A_21 : memref<128x128xi32, #tpu.memory_space<hbm>>) dst(%arg9 : memref<128x128xi32, #tpu.memory_space<vmem>>)
      %dma_wait3A_22 = arith.constant 0 : i32
      %dma_wait3A_23 = arith.constant 0 : i32
      %dma_wait3A_24 = tpu.memref_slice %arg6[%dma_wait3A_22, %dma_wait3A_23] : memref<86016x128xi32, #tpu.memory_space<hbm>> -> memref<128x128xi32, #tpu.memory_space<hbm>>
      %dma_wait3A_25 = arith.constant 0 : i32
      %dma_wait3A_26 = arith.constant 0 : i32
      %dma_wait3A_27 = tpu.memref_slice %arg6[%dma_wait3A_25, %dma_wait3A_26] : memref<86016x128xi32, #tpu.memory_space<hbm>> -> memref<128x128xi32, #tpu.memory_space<hbm>>
      tpu.wait_dma2 semaphore(%arg14 : memref<!tpu.dma_semaphore, #tpu.memory_space<semaphore_mem>>) src(%dma_wait3A_27 : memref<128x128xi32, #tpu.memory_space<hbm>>) dst(%arg10 : memref<128x128xi32, #tpu.memory_space<vmem>>)
    } else {
    }
    %eq3A_3 = arith.constant 1 : i32
    %eq3A_4 = arith.cmpi eq, %arg0, %eq3A_3 : i32
    %convert_element_type3A_5 = arith.extui %eq3A_4 : i1 to i32
    %cond3A_6 = arith.constant 0 : i32
    %cond3A_7 = arith.cmpi ne, %convert_element_type3A_5, %cond3A_6 : i32
    scf.if %cond3A_7 {
      %mul3A_8 = arith.constant 632 : i32
      %mul3A_9 = arith.muli %arg1, %mul3A_8 : i32
      %mul3A_10 = arith.constant 632 : i32
      %mul3A_11 = arith.muli %arg1, %mul3A_10 : i32
      "tpu.region"() ({
        %run_scoped3A = tpu.sem_alloc : memref<!tpu.dma_semaphore, #tpu.memory_space<semaphore_mem>>
        %dma_start3A = arith.constant 0 : i32
        %dma_start3A_28 = tpu.memref_slice %arg15[%mul3A_11, %dma_start3A] : memref<10112x128xi32, #tpu.memory_space<vmem_shared>> -> memref<632x128xi32, #tpu.memory_space<vmem_shared>>
        %dma_start3A_29 = arith.constant 0 : i32
        %dma_start3A_30 = tpu.memref_slice %arg3[%mul3A_9, %dma_start3A_29] : memref<10112x128xi32, #tpu.memory_space<hbm>> -> memref<632x128xi32, #tpu.memory_space<hbm>>
        tpu.enqueue_dma source(%dma_start3A_30 : memref<632x128xi32, #tpu.memory_space<hbm>>) target(%dma_start3A_28 : memref<632x128xi32, #tpu.memory_space<vmem_shared>>) target_semaphore(%run_scoped3A : memref<!tpu.dma_semaphore, #tpu.memory_space<semaphore_mem>>)
        %dma_wait3A_31 = arith.constant 0 : i32
        %dma_wait3A_32 = tpu.memref_slice %arg15[%mul3A_11, %dma_wait3A_31] : memref<10112x128xi32, #tpu.memory_space<vmem_shared>> -> memref<632x128xi32, #tpu.memory_space<vmem_shared>>
        %dma_wait3A_33 = arith.constant 0 : i32
        %dma_wait3A_34 = tpu.memref_slice %arg3[%mul3A_9, %dma_wait3A_33] : memref<10112x128xi32, #tpu.memory_space<hbm>> -> memref<632x128xi32, #tpu.memory_space<hbm>>
        tpu.wait_dma2 semaphore(%run_scoped3A : memref<!tpu.dma_semaphore, #tpu.memory_space<semaphore_mem>>) src(%dma_wait3A_34 : memref<632x128xi32, #tpu.memory_space<hbm>>) dst(%dma_wait3A_32 : memref<632x128xi32, #tpu.memory_space<vmem_shared>>)
        tpu.yield
      }) : () -> ()
      "tpu.region"() ({
        %run_scoped3A = tpu.sem_alloc : memref<!tpu.dma_semaphore, #tpu.memory_space<semaphore_mem>>
        %dma_start3A = tpu.memref_slice %arg5[%mul3A_0] : memref<86016xi32, #tpu.memory_space<hbm>> -> memref<5376xi32, #tpu.memory_space<hbm>>
        %dma_start3A_28 = tpu.memref_slice %arg5[%mul3A_0] : memref<86016xi32, #tpu.memory_space<hbm>> -> memref<5376xi32, #tpu.memory_space<hbm>>
        tpu.enqueue_dma source(%dma_start3A_28 : memref<5376xi32, #tpu.memory_space<hbm>>) target(%arg8 : memref<5376xi32, #tpu.memory_space<vmem>>) target_semaphore(%run_scoped3A : memref<!tpu.dma_semaphore, #tpu.memory_space<semaphore_mem>>)
        %dma_wait3A_29 = tpu.memref_slice %arg5[%mul3A_0] : memref<86016xi32, #tpu.memory_space<hbm>> -> memref<5376xi32, #tpu.memory_space<hbm>>
        %dma_wait3A_30 = tpu.memref_slice %arg5[%mul3A_0] : memref<86016xi32, #tpu.memory_space<hbm>> -> memref<5376xi32, #tpu.memory_space<hbm>>
        tpu.wait_dma2 semaphore(%run_scoped3A : memref<!tpu.dma_semaphore, #tpu.memory_space<semaphore_mem>>) src(%dma_wait3A_30 : memref<5376xi32, #tpu.memory_space<hbm>>) dst(%arg8 : memref<5376xi32, #tpu.memory_space<vmem>>)
        tpu.yield
      }) : () -> ()
      %barrier3A = arith.constant 0 : index
      tpu.barrier barrier_id(%barrier3A)
      %scan3A = arith.constant 0 : i32
      %scan3A_12 = arith.constant 0 : i32
      %scan3A_13 = arith.constant 21 : i32
      %scan3A_14 = arith.addi %scan3A_12, %scan3A_13 : i32
      %scan3A_15 = arith.constant 1 : i32
      scf.for %scan3A_28 = %scan3A_12 to %scan3A_14 step %scan3A_15  : i32 {
        %mul3A_29 = arith.constant 2 : i32
        %mul3A_30 = arith.muli %scan3A_28, %mul3A_29 : i32
        %add3A = arith.constant 0 : i32
        %add3A_31 = arith.addi %mul3A_30, %add3A : i32
        %gt3A = arith.constant 0 : i32
        %gt3A_32 = arith.cmpi sgt, %scan3A_28, %gt3A : i32
        %convert_element_type3A_33 = arith.extui %gt3A_32 : i1 to i32
        %cond3A_34 = arith.constant 0 : i32
        %cond3A_35 = arith.cmpi ne, %convert_element_type3A_33, %cond3A_34 : i32
        scf.if %cond3A_35 {
          %dma_wait3A_90 = arith.constant 0 : i32
          %dma_wait3A_91 = arith.constant 0 : i32
          %dma_wait3A_92 = tpu.memref_slice %arg7[%dma_wait3A_90, %dma_wait3A_91] : memref<86016x128xi32, #tpu.memory_space<hbm>> -> memref<128x128xi32, #tpu.memory_space<hbm>>
          %dma_wait3A_93 = arith.constant 0 : i32
          %dma_wait3A_94 = arith.constant 0 : i32
          %dma_wait3A_95 = tpu.memref_slice %arg7[%dma_wait3A_93, %dma_wait3A_94] : memref<86016x128xi32, #tpu.memory_space<hbm>> -> memref<128x128xi32, #tpu.memory_space<hbm>>
          tpu.wait_dma2 semaphore(%arg13 : memref<!tpu.dma_semaphore, #tpu.memory_space<semaphore_mem>>) src(%dma_wait3A_95 : memref<128x128xi32, #tpu.memory_space<hbm>>) dst(%arg9 : memref<128x128xi32, #tpu.memory_space<vmem>>)
        } else {
        }
        %mul3A_36 = arith.constant 128 : i32
        %mul3A_37 = arith.muli %add3A_31, %mul3A_36 : i32
        %dma_start3A = tpu.memref_slice %arg8[%mul3A_37] : memref<5376xi32, #tpu.memory_space<vmem>> -> memref<128xi32, #tpu.memory_space<vmem>>
        %dma_start3A_38 = arith.constant 0 : i32
        %dma_start3A_39 = arith.constant 0 : i32
        %dma_start3A_40 = tpu.memref_slice %arg15[%dma_start3A_38, %dma_start3A_39] : memref<10112x128xi32, #tpu.memory_space<vmem_shared>> -> memref<10112x128xi32, #tpu.memory_space<vmem_shared>>
        tpu.enqueue_indirect_dma source(%dma_start3A_40 : memref<10112x128xi32, #tpu.memory_space<vmem_shared>>) target(%arg9 : memref<128x128xi32, #tpu.memory_space<vmem>>) offsets(%dma_start3A : memref<128xi32, #tpu.memory_space<vmem>>) semaphore(%arg11 : memref<!tpu.dma_semaphore, #tpu.memory_space<semaphore_mem>>)
        %mul3A_41 = arith.constant 2 : i32
        %mul3A_42 = arith.muli %scan3A_28, %mul3A_41 : i32
        %add3A_43 = arith.constant 1 : i32
        %add3A_44 = arith.addi %mul3A_42, %add3A_43 : i32
        %gt3A_45 = arith.constant 0 : i32
        %gt3A_46 = arith.cmpi sgt, %scan3A_28, %gt3A_45 : i32
        %convert_element_type3A_47 = arith.extui %gt3A_46 : i1 to i32
        %cond3A_48 = arith.constant 0 : i32
        %cond3A_49 = arith.cmpi ne, %convert_element_type3A_47, %cond3A_48 : i32
        scf.if %cond3A_49 {
          %dma_wait3A_90 = arith.constant 0 : i32
          %dma_wait3A_91 = arith.constant 0 : i32
          %dma_wait3A_92 = tpu.memref_slice %arg7[%dma_wait3A_90, %dma_wait3A_91] : memref<86016x128xi32, #tpu.memory_space<hbm>> -> memref<128x128xi32, #tpu.memory_space<hbm>>
          %dma_wait3A_93 = arith.constant 0 : i32
          %dma_wait3A_94 = arith.constant 0 : i32
          %dma_wait3A_95 = tpu.memref_slice %arg7[%dma_wait3A_93, %dma_wait3A_94] : memref<86016x128xi32, #tpu.memory_space<hbm>> -> memref<128x128xi32, #tpu.memory_space<hbm>>
          tpu.wait_dma2 semaphore(%arg14 : memref<!tpu.dma_semaphore, #tpu.memory_space<semaphore_mem>>) src(%dma_wait3A_95 : memref<128x128xi32, #tpu.memory_space<hbm>>) dst(%arg10 : memref<128x128xi32, #tpu.memory_space<vmem>>)
        } else {
        }
        %mul3A_50 = arith.constant 128 : i32
        %mul3A_51 = arith.muli %add3A_44, %mul3A_50 : i32
        %dma_start3A_52 = tpu.memref_slice %arg8[%mul3A_51] : memref<5376xi32, #tpu.memory_space<vmem>> -> memref<128xi32, #tpu.memory_space<vmem>>
        %dma_start3A_53 = arith.constant 0 : i32
        %dma_start3A_54 = arith.constant 0 : i32
        %dma_start3A_55 = tpu.memref_slice %arg15[%dma_start3A_53, %dma_start3A_54] : memref<10112x128xi32, #tpu.memory_space<vmem_shared>> -> memref<10112x128xi32, #tpu.memory_space<vmem_shared>>
        tpu.enqueue_indirect_dma source(%dma_start3A_55 : memref<10112x128xi32, #tpu.memory_space<vmem_shared>>) target(%arg10 : memref<128x128xi32, #tpu.memory_space<vmem>>) offsets(%dma_start3A_52 : memref<128xi32, #tpu.memory_space<vmem>>) semaphore(%arg12 : memref<!tpu.dma_semaphore, #tpu.memory_space<semaphore_mem>>)
        %mul3A_56 = arith.constant 2 : i32
        %mul3A_57 = arith.muli %scan3A_28, %mul3A_56 : i32
        %add3A_58 = arith.constant 0 : i32
        %add3A_59 = arith.addi %mul3A_57, %add3A_58 : i32
        %dma_wait3A_60 = arith.constant 0 : i32
        %dma_wait3A_61 = arith.constant 0 : i32
        %dma_wait3A_62 = tpu.memref_slice %arg7[%dma_wait3A_60, %dma_wait3A_61] : memref<86016x128xi32, #tpu.memory_space<hbm>> -> memref<128x128xi32, #tpu.memory_space<hbm>>
        %dma_wait3A_63 = arith.constant 0 : i32
        %dma_wait3A_64 = arith.constant 0 : i32
        %dma_wait3A_65 = tpu.memref_slice %arg7[%dma_wait3A_63, %dma_wait3A_64] : memref<86016x128xi32, #tpu.memory_space<hbm>> -> memref<128x128xi32, #tpu.memory_space<hbm>>
        tpu.wait_dma2 semaphore(%arg11 : memref<!tpu.dma_semaphore, #tpu.memory_space<semaphore_mem>>) src(%dma_wait3A_65 : memref<128x128xi32, #tpu.memory_space<hbm>>) dst(%arg9 : memref<128x128xi32, #tpu.memory_space<vmem>>)
        %mul3A_66 = arith.constant 128 : i32
        %mul3A_67 = arith.muli %add3A_59, %mul3A_66 : i32
        %add3A_68 = arith.addi %mul3A_0, %mul3A_67 : i32
        %dma_start3A_69 = arith.constant 0 : i32
        %dma_start3A_70 = tpu.memref_slice %arg7[%add3A_68, %dma_start3A_69] : memref<86016x128xi32, #tpu.memory_space<hbm>> -> memref<128x128xi32, #tpu.memory_space<hbm>>
        %dma_start3A_71 = arith.constant 0 : i32
        %dma_start3A_72 = tpu.memref_slice %arg7[%add3A_68, %dma_start3A_71] : memref<86016x128xi32, #tpu.memory_space<hbm>> -> memref<128x128xi32, #tpu.memory_space<hbm>>
        tpu.enqueue_dma source(%arg9 : memref<128x128xi32, #tpu.memory_space<vmem>>) target(%dma_start3A_72 : memref<128x128xi32, #tpu.memory_space<hbm>>) target_semaphore(%arg13 : memref<!tpu.dma_semaphore, #tpu.memory_space<semaphore_mem>>)
        %mul3A_73 = arith.constant 2 : i32
        %mul3A_74 = arith.muli %scan3A_28, %mul3A_73 : i32
        %add3A_75 = arith.constant 1 : i32
        %add3A_76 = arith.addi %mul3A_74, %add3A_75 : i32
        %dma_wait3A_77 = arith.constant 0 : i32
        %dma_wait3A_78 = arith.constant 0 : i32
        %dma_wait3A_79 = tpu.memref_slice %arg7[%dma_wait3A_77, %dma_wait3A_78] : memref<86016x128xi32, #tpu.memory_space<hbm>> -> memref<128x128xi32, #tpu.memory_space<hbm>>
        %dma_wait3A_80 = arith.constant 0 : i32
        %dma_wait3A_81 = arith.constant 0 : i32
        %dma_wait3A_82 = tpu.memref_slice %arg7[%dma_wait3A_80, %dma_wait3A_81] : memref<86016x128xi32, #tpu.memory_space<hbm>> -> memref<128x128xi32, #tpu.memory_space<hbm>>
        tpu.wait_dma2 semaphore(%arg12 : memref<!tpu.dma_semaphore, #tpu.memory_space<semaphore_mem>>) src(%dma_wait3A_82 : memref<128x128xi32, #tpu.memory_space<hbm>>) dst(%arg10 : memref<128x128xi32, #tpu.memory_space<vmem>>)
        %mul3A_83 = arith.constant 128 : i32
        %mul3A_84 = arith.muli %add3A_76, %mul3A_83 : i32
        %add3A_85 = arith.addi %mul3A_0, %mul3A_84 : i32
        %dma_start3A_86 = arith.constant 0 : i32
        %dma_start3A_87 = tpu.memref_slice %arg7[%add3A_85, %dma_start3A_86] : memref<86016x128xi32, #tpu.memory_space<hbm>> -> memref<128x128xi32, #tpu.memory_space<hbm>>
        %dma_start3A_88 = arith.constant 0 : i32
        %dma_start3A_89 = tpu.memref_slice %arg7[%add3A_85, %dma_start3A_88] : memref<86016x128xi32, #tpu.memory_space<hbm>> -> memref<128x128xi32, #tpu.memory_space<hbm>>
        tpu.enqueue_dma source(%arg10 : memref<128x128xi32, #tpu.memory_space<vmem>>) target(%dma_start3A_89 : memref<128x128xi32, #tpu.memory_space<hbm>>) target_semaphore(%arg14 : memref<!tpu.dma_semaphore, #tpu.memory_space<semaphore_mem>>)
      }
      %scan3A_16 = arith.constant 21 : i32
      %dma_wait3A = arith.constant 0 : i32
      %dma_wait3A_17 = arith.constant 0 : i32
      %dma_wait3A_18 = tpu.memref_slice %arg7[%dma_wait3A, %dma_wait3A_17] : memref<86016x128xi32, #tpu.memory_space<hbm>> -> memref<128x128xi32, #tpu.memory_space<hbm>>
      %dma_wait3A_19 = arith.constant 0 : i32
      %dma_wait3A_20 = arith.constant 0 : i32
      %dma_wait3A_21 = tpu.memref_slice %arg7[%dma_wait3A_19, %dma_wait3A_20] : memref<86016x128xi32, #tpu.memory_space<hbm>> -> memref<128x128xi32, #tpu.memory_space<hbm>>
      tpu.wait_dma2 semaphore(%arg13 : memref<!tpu.dma_semaphore, #tpu.memory_space<semaphore_mem>>) src(%dma_wait3A_21 : memref<128x128xi32, #tpu.memory_space<hbm>>) dst(%arg9 : memref<128x128xi32, #tpu.memory_space<vmem>>)
      %dma_wait3A_22 = arith.constant 0 : i32
      %dma_wait3A_23 = arith.constant 0 : i32
      %dma_wait3A_24 = tpu.memref_slice %arg7[%dma_wait3A_22, %dma_wait3A_23] : memref<86016x128xi32, #tpu.memory_space<hbm>> -> memref<128x128xi32, #tpu.memory_space<hbm>>
      %dma_wait3A_25 = arith.constant 0 : i32
      %dma_wait3A_26 = arith.constant 0 : i32
      %dma_wait3A_27 = tpu.memref_slice %arg7[%dma_wait3A_25, %dma_wait3A_26] : memref<86016x128xi32, #tpu.memory_space<hbm>> -> memref<128x128xi32, #tpu.memory_space<hbm>>
      tpu.wait_dma2 semaphore(%arg14 : memref<!tpu.dma_semaphore, #tpu.memory_space<semaphore_mem>>) src(%dma_wait3A_27 : memref<128x128xi32, #tpu.memory_space<hbm>>) dst(%arg10 : memref<128x128xi32, #tpu.memory_space<vmem>>)
    } else {
    }
    return
  }
}

#map = affine_map<(d0, d1) -> (0, 0)>
#map1 = affine_map<(d0, d1) -> (0)>
module attributes {stable_mosaic.version = 14 : i64} {
  func.func @gather_kernel(%arg0: i32, %arg1: i32, %arg2: memref<10112x128xi32, #tpu.memory_space<hbm>>, %arg3: memref<10112x128xi32, #tpu.memory_space<hbm>>, %arg4: memref<86016xi32, #tpu.memory_space<hbm>>, %arg5: memref<86016xi32, #tpu.memory_space<hbm>>, %arg6: memref<86016x128xi32, #tpu.memory_space<hbm>>, %arg7: memref<86016x128xi32, #tpu.memory_space<hbm>>, %arg8: memref<5376xi32, #tpu.memory_space<vmem>>, %arg9: memref<128x128xi32, #tpu.memory_space<vmem>>, %arg10: memref<128x128xi32, #tpu.memory_space<vmem>>, %arg11: memref<!tpu.dma_semaphore, #tpu.memory_space<semaphore_mem>>, %arg12: memref<!tpu.dma_semaphore, #tpu.memory_space<semaphore_mem>>, %arg13: memref<!tpu.dma_semaphore, #tpu.memory_space<semaphore_mem>>, %arg14: memref<!tpu.dma_semaphore, #tpu.memory_space<semaphore_mem>>, %arg15: memref<10112x128xi32, #tpu.memory_space<vmem_shared>>) attributes {dimension_semantics = [#tpu.dimension_semantics<core_parallel>, #tpu.dimension_semantics<subcore_parallel>], iteration_bounds = array<i64: 2, 16>, scalar_prefetch = 0 : i64, scratch_operands = 8 : i64, tpu.core_type = #tpu.core_type<sc_vector_subcore>, window_params = [{transform_indices = #map}, {transform_indices = #map}, {transform_indices = #map1}, {transform_indices = #map1}, {transform_indices = #map}, {transform_indices = #map}]} {
    %mul3A = arith.constant 5376 : i32
    %mul3A_0 = arith.muli %arg1, %mul3A : i32
    %eq3A = arith.constant 0 : i32
    %eq3A_1 = arith.cmpi eq, %arg0, %eq3A : i32
    %convert_element_type3A = arith.extui %eq3A_1 : i1 to i32
    %cond3A = arith.constant 0 : i32
    %cond3A_2 = arith.cmpi ne, %convert_element_type3A, %cond3A : i32
    scf.if %cond3A_2 {
      %mul3A_8 = arith.constant 632 : i32
      %mul3A_9 = arith.muli %arg1, %mul3A_8 : i32
      %mul3A_10 = arith.constant 632 : i32
      %mul3A_11 = arith.muli %arg1, %mul3A_10 : i32
      "tpu.region"() ({
        %run_scoped3A = tpu.sem_alloc : memref<!tpu.dma_semaphore, #tpu.memory_space<semaphore_mem>>
        %dma_start3A = arith.constant 0 : i32
        %dma_start3A_28 = tpu.memref_slice %arg15[%mul3A_11, %dma_start3A] : memref<10112x128xi32, #tpu.memory_space<vmem_shared>> -> memref<632x128xi32, #tpu.memory_space<vmem_shared>>
        %dma_start3A_29 = arith.constant 0 : i32
        %dma_start3A_30 = tpu.memref_slice %arg2[%mul3A_9, %dma_start3A_29] : memref<10112x128xi32, #tpu.memory_space<hbm>> -> memref<632x128xi32, #tpu.memory_space<hbm>>
        tpu.enqueue_dma source(%dma_start3A_30 : memref<632x128xi32, #tpu.memory_space<hbm>>) target(%dma_start3A_28 : memref<632x128xi32, #tpu.memory_space<vmem_shared>>) target_semaphore(%run_scoped3A : memref<!tpu.dma_semaphore, #tpu.memory_space<semaphore_mem>>)
        %dma_wait3A_31 = arith.constant 0 : i32
        %dma_wait3A_32 = tpu.memref_slice %arg15[%mul3A_11, %dma_wait3A_31] : memref<10112x128xi32, #tpu.memory_space<vmem_shared>> -> memref<632x128xi32, #tpu.memory_space<vmem_shared>>
        %dma_wait3A_33 = arith.constant 0 : i32
        %dma_wait3A_34 = tpu.memref_slice %arg2[%mul3A_9, %dma_wait3A_33] : memref<10112x128xi32, #tpu.memory_space<hbm>> -> memref<632x128xi32, #tpu.memory_space<hbm>>
        tpu.wait_dma2 semaphore(%run_scoped3A : memref<!tpu.dma_semaphore, #tpu.memory_space<semaphore_mem>>) src(%dma_wait3A_34 : memref<632x128xi32, #tpu.memory_space<hbm>>) dst(%dma_wait3A_32 : memref<632x128xi32, #tpu.memory_space<vmem_shared>>)
        tpu.yield
      }) : () -> ()
      "tpu.region"() ({
        %run_scoped3A = tpu.sem_alloc : memref<!tpu.dma_semaphore, #tpu.memory_space<semaphore_mem>>
        %dma_start3A = tpu.memref_slice %arg4[%mul3A_0] : memref<86016xi32, #tpu.memory_space<hbm>> -> memref<5376xi32, #tpu.memory_space<hbm>>
        %dma_start3A_28 = tpu.memref_slice %arg4[%mul3A_0] : memref<86016xi32, #tpu.memory_space<hbm>> -> memref<5376xi32, #tpu.memory_space<hbm>>
        tpu.enqueue_dma source(%dma_start3A_28 : memref<5376xi32, #tpu.memory_space<hbm>>) target(%arg8 : memref<5376xi32, #tpu.memory_space<vmem>>) target_semaphore(%run_scoped3A : memref<!tpu.dma_semaphore, #tpu.memory_space<semaphore_mem>>)
        %dma_wait3A_29 = tpu.memref_slice %arg4[%mul3A_0] : memref<86016xi32, #tpu.memory_space<hbm>> -> memref<5376xi32, #tpu.memory_space<hbm>>
        %dma_wait3A_30 = tpu.memref_slice %arg4[%mul3A_0] : memref<86016xi32, #tpu.memory_space<hbm>> -> memref<5376xi32, #tpu.memory_space<hbm>>
        tpu.wait_dma2 semaphore(%run_scoped3A : memref<!tpu.dma_semaphore, #tpu.memory_space<semaphore_mem>>) src(%dma_wait3A_30 : memref<5376xi32, #tpu.memory_space<hbm>>) dst(%arg8 : memref<5376xi32, #tpu.memory_space<vmem>>)
        tpu.yield
      }) : () -> ()
      %barrier3A = arith.constant 0 : index
      tpu.barrier barrier_id(%barrier3A)
      %scan3A = arith.constant 0 : i32
      %scan3A_12 = arith.constant 0 : i32
      %scan3A_13 = arith.constant 21 : i32
      %scan3A_14 = arith.addi %scan3A_12, %scan3A_13 : i32
      %scan3A_15 = arith.constant 1 : i32
      scf.for %scan3A_28 = %scan3A_12 to %scan3A_14 step %scan3A_15  : i32 {
        %mul3A_29 = arith.constant 2 : i32
        %mul3A_30 = arith.muli %scan3A_28, %mul3A_29 : i32
        %add3A = arith.constant 0 : i32
        %add3A_31 = arith.addi %mul3A_30, %add3A : i32
        %gt3A = arith.constant 0 : i32
        %gt3A_32 = arith.cmpi sgt, %scan3A_28, %gt3A : i32
        %convert_element_type3A_33 = arith.extui %gt3A_32 : i1 to i32
        %cond3A_34 = arith.constant 0 : i32
        %cond3A_35 = arith.cmpi ne, %convert_element_type3A_33, %cond3A_34 : i32
        scf.if %cond3A_35 {
          %dma_wait3A_90 = arith.constant 0 : i32
          %dma_wait3A_91 = arith.constant 0 : i32
          %dma_wait3A_92 = tpu.memref_slice %arg6[%dma_wait3A_90, %dma_wait3A_91] : memref<86016x128xi32, #tpu.memory_space<hbm>> -> memref<128x128xi32, #tpu.memory_space<hbm>>
          %dma_wait3A_93 = arith.constant 0 : i32
          %dma_wait3A_94 = arith.constant 0 : i32
          %dma_wait3A_95 = tpu.memref_slice %arg6[%dma_wait3A_93, %dma_wait3A_94] : memref<86016x128xi32, #tpu.memory_space<hbm>> -> memref<128x128xi32, #tpu.memory_space<hbm>>
          tpu.wait_dma2 semaphore(%arg13 : memref<!tpu.dma_semaphore, #tpu.memory_space<semaphore_mem>>) src(%dma_wait3A_95 : memref<128x128xi32, #tpu.memory_space<hbm>>) dst(%arg9 : memref<128x128xi32, #tpu.memory_space<vmem>>)
        } else {
        }
        %mul3A_36 = arith.constant 128 : i32
        %mul3A_37 = arith.muli %add3A_31, %mul3A_36 : i32
        %dma_start3A = tpu.memref_slice %arg8[%mul3A_37] : memref<5376xi32, #tpu.memory_space<vmem>> -> memref<128xi32, #tpu.memory_space<vmem>>
        %dma_start3A_38 = arith.constant 0 : i32
        %dma_start3A_39 = arith.constant 0 : i32
        %dma_start3A_40 = tpu.memref_slice %arg15[%dma_start3A_38, %dma_start3A_39] : memref<10112x128xi32, #tpu.memory_space<vmem_shared>> -> memref<10112x128xi32, #tpu.memory_space<vmem_shared>>
        tpu.enqueue_indirect_dma source(%dma_start3A_40 : memref<10112x128xi32, #tpu.memory_space<vmem_shared>>) target(%arg9 : memref<128x128xi32, #tpu.memory_space<vmem>>) offsets(%dma_start3A : memref<128xi32, #tpu.memory_space<vmem>>) semaphore(%arg11 : memref<!tpu.dma_semaphore, #tpu.memory_space<semaphore_mem>>)
        %mul3A_41 = arith.constant 2 : i32
        %mul3A_42 = arith.muli %scan3A_28, %mul3A_41 : i32
        %add3A_43 = arith.constant 1 : i32
        %add3A_44 = arith.addi %mul3A_42, %add3A_43 : i32
        %gt3A_45 = arith.constant 0 : i32
        %gt3A_46 = arith.cmpi sgt, %scan3A_28, %gt3A_45 : i32
        %convert_element_type3A_47 = arith.extui %gt3A_46 : i1 to i32
        %cond3A_48 = arith.constant 0 : i32
        %cond3A_49 = arith.cmpi ne, %convert_element_type3A_47, %cond3A_48 : i32
        scf.if %cond3A_49 {
          %dma_wait3A_90 = arith.constant 0 : i32
          %dma_wait3A_91 = arith.constant 0 : i32
          %dma_wait3A_92 = tpu.memref_slice %arg6[%dma_wait3A_90, %dma_wait3A_91] : memref<86016x128xi32, #tpu.memory_space<hbm>> -> memref<128x128xi32, #tpu.memory_space<hbm>>
          %dma_wait3A_93 = arith.constant 0 : i32
          %dma_wait3A_94 = arith.constant 0 : i32
          %dma_wait3A_95 = tpu.memref_slice %arg6[%dma_wait3A_93, %dma_wait3A_94] : memref<86016x128xi32, #tpu.memory_space<hbm>> -> memref<128x128xi32, #tpu.memory_space<hbm>>
          tpu.wait_dma2 semaphore(%arg14 : memref<!tpu.dma_semaphore, #tpu.memory_space<semaphore_mem>>) src(%dma_wait3A_95 : memref<128x128xi32, #tpu.memory_space<hbm>>) dst(%arg10 : memref<128x128xi32, #tpu.memory_space<vmem>>)
        } else {
        }
        %mul3A_50 = arith.constant 128 : i32
        %mul3A_51 = arith.muli %add3A_44, %mul3A_50 : i32
        %dma_start3A_52 = tpu.memref_slice %arg8[%mul3A_51] : memref<5376xi32, #tpu.memory_space<vmem>> -> memref<128xi32, #tpu.memory_space<vmem>>
        %dma_start3A_53 = arith.constant 0 : i32
        %dma_start3A_54 = arith.constant 0 : i32
        %dma_start3A_55 = tpu.memref_slice %arg15[%dma_start3A_53, %dma_start3A_54] : memref<10112x128xi32, #tpu.memory_space<vmem_shared>> -> memref<10112x128xi32, #tpu.memory_space<vmem_shared>>
        tpu.enqueue_indirect_dma source(%dma_start3A_55 : memref<10112x128xi32, #tpu.memory_space<vmem_shared>>) target(%arg10 : memref<128x128xi32, #tpu.memory_space<vmem>>) offsets(%dma_start3A_52 : memref<128xi32, #tpu.memory_space<vmem>>) semaphore(%arg12 : memref<!tpu.dma_semaphore, #tpu.memory_space<semaphore_mem>>)
        %mul3A_56 = arith.constant 2 : i32
        %mul3A_57 = arith.muli %scan3A_28, %mul3A_56 : i32
        %add3A_58 = arith.constant 0 : i32
        %add3A_59 = arith.addi %mul3A_57, %add3A_58 : i32
        %dma_wait3A_60 = arith.constant 0 : i32
        %dma_wait3A_61 = arith.constant 0 : i32
        %dma_wait3A_62 = tpu.memref_slice %arg6[%dma_wait3A_60, %dma_wait3A_61] : memref<86016x128xi32, #tpu.memory_space<hbm>> -> memref<128x128xi32, #tpu.memory_space<hbm>>
        %dma_wait3A_63 = arith.constant 0 : i32
        %dma_wait3A_64 = arith.constant 0 : i32
        %dma_wait3A_65 = tpu.memref_slice %arg6[%dma_wait3A_63, %dma_wait3A_64] : memref<86016x128xi32, #tpu.memory_space<hbm>> -> memref<128x128xi32, #tpu.memory_space<hbm>>
        tpu.wait_dma2 semaphore(%arg11 : memref<!tpu.dma_semaphore, #tpu.memory_space<semaphore_mem>>) src(%dma_wait3A_65 : memref<128x128xi32, #tpu.memory_space<hbm>>) dst(%arg9 : memref<128x128xi32, #tpu.memory_space<vmem>>)
        %mul3A_66 = arith.constant 128 : i32
        %mul3A_67 = arith.muli %add3A_59, %mul3A_66 : i32
        %add3A_68 = arith.addi %mul3A_0, %mul3A_67 : i32
        %dma_start3A_69 = arith.constant 0 : i32
        %dma_start3A_70 = tpu.memref_slice %arg6[%add3A_68, %dma_start3A_69] : memref<86016x128xi32, #tpu.memory_space<hbm>> -> memref<128x128xi32, #tpu.memory_space<hbm>>
        %dma_start3A_71 = arith.constant 0 : i32
        %dma_start3A_72 = tpu.memref_slice %arg6[%add3A_68, %dma_start3A_71] : memref<86016x128xi32, #tpu.memory_space<hbm>> -> memref<128x128xi32, #tpu.memory_space<hbm>>
        tpu.enqueue_dma source(%arg9 : memref<128x128xi32, #tpu.memory_space<vmem>>) target(%dma_start3A_72 : memref<128x128xi32, #tpu.memory_space<hbm>>) target_semaphore(%arg13 : memref<!tpu.dma_semaphore, #tpu.memory_space<semaphore_mem>>)
        %mul3A_73 = arith.constant 2 : i32
        %mul3A_74 = arith.muli %scan3A_28, %mul3A_73 : i32
        %add3A_75 = arith.constant 1 : i32
        %add3A_76 = arith.addi %mul3A_74, %add3A_75 : i32
        %dma_wait3A_77 = arith.constant 0 : i32
        %dma_wait3A_78 = arith.constant 0 : i32
        %dma_wait3A_79 = tpu.memref_slice %arg6[%dma_wait3A_77, %dma_wait3A_78] : memref<86016x128xi32, #tpu.memory_space<hbm>> -> memref<128x128xi32, #tpu.memory_space<hbm>>
        %dma_wait3A_80 = arith.constant 0 : i32
        %dma_wait3A_81 = arith.constant 0 : i32
        %dma_wait3A_82 = tpu.memref_slice %arg6[%dma_wait3A_80, %dma_wait3A_81] : memref<86016x128xi32, #tpu.memory_space<hbm>> -> memref<128x128xi32, #tpu.memory_space<hbm>>
        tpu.wait_dma2 semaphore(%arg12 : memref<!tpu.dma_semaphore, #tpu.memory_space<semaphore_mem>>) src(%dma_wait3A_82 : memref<128x128xi32, #tpu.memory_space<hbm>>) dst(%arg10 : memref<128x128xi32, #tpu.memory_space<vmem>>)
        %mul3A_83 = arith.constant 128 : i32
        %mul3A_84 = arith.muli %add3A_76, %mul3A_83 : i32
        %add3A_85 = arith.addi %mul3A_0, %mul3A_84 : i32
        %dma_start3A_86 = arith.constant 0 : i32
        %dma_start3A_87 = tpu.memref_slice %arg6[%add3A_85, %dma_start3A_86] : memref<86016x128xi32, #tpu.memory_space<hbm>> -> memref<128x128xi32, #tpu.memory_space<hbm>>
        %dma_start3A_88 = arith.constant 0 : i32
        %dma_start3A_89 = tpu.memref_slice %arg6[%add3A_85, %dma_start3A_88] : memref<86016x128xi32, #tpu.memory_space<hbm>> -> memref<128x128xi32, #tpu.memory_space<hbm>>
        tpu.enqueue_dma source(%arg10 : memref<128x128xi32, #tpu.memory_space<vmem>>) target(%dma_start3A_89 : memref<128x128xi32, #tpu.memory_space<hbm>>) target_semaphore(%arg14 : memref<!tpu.dma_semaphore, #tpu.memory_space<semaphore_mem>>)
      }
      %scan3A_16 = arith.constant 21 : i32
      %dma_wait3A = arith.constant 0 : i32
      %dma_wait3A_17 = arith.constant 0 : i32
      %dma_wait3A_18 = tpu.memref_slice %arg6[%dma_wait3A, %dma_wait3A_17] : memref<86016x128xi32, #tpu.memory_space<hbm>> -> memref<128x128xi32, #tpu.memory_space<hbm>>
      %dma_wait3A_19 = arith.constant 0 : i32
      %dma_wait3A_20 = arith.constant 0 : i32
      %dma_wait3A_21 = tpu.memref_slice %arg6[%dma_wait3A_19, %dma_wait3A_20] : memref<86016x128xi32, #tpu.memory_space<hbm>> -> memref<128x128xi32, #tpu.memory_space<hbm>>
      tpu.wait_dma2 semaphore(%arg13 : memref<!tpu.dma_semaphore, #tpu.memory_space<semaphore_mem>>) src(%dma_wait3A_21 : memref<128x128xi32, #tpu.memory_space<hbm>>) dst(%arg9 : memref<128x128xi32, #tpu.memory_space<vmem>>)
      %dma_wait3A_22 = arith.constant 0 : i32
      %dma_wait3A_23 = arith.constant 0 : i32
      %dma_wait3A_24 = tpu.memref_slice %arg6[%dma_wait3A_22, %dma_wait3A_23] : memref<86016x128xi32, #tpu.memory_space<hbm>> -> memref<128x128xi32, #tpu.memory_space<hbm>>
      %dma_wait3A_25 = arith.constant 0 : i32
      %dma_wait3A_26 = arith.constant 0 : i32
      %dma_wait3A_27 = tpu.memref_slice %arg6[%dma_wait3A_25, %dma_wait3A_26] : memref<86016x128xi32, #tpu.memory_space<hbm>> -> memref<128x128xi32, #tpu.memory_space<hbm>>
      tpu.wait_dma2 semaphore(%arg14 : memref<!tpu.dma_semaphore, #tpu.memory_space<semaphore_mem>>) src(%dma_wait3A_27 : memref<128x128xi32, #tpu.memory_space<hbm>>) dst(%arg10 : memref<128x128xi32, #tpu.memory_space<vmem>>)
    } else {
    }
    %eq3A_3 = arith.constant 1 : i32
    %eq3A_4 = arith.cmpi eq, %arg0, %eq3A_3 : i32
    %convert_element_type3A_5 = arith.extui %eq3A_4 : i1 to i32
    %cond3A_6 = arith.constant 0 : i32
    %cond3A_7 = arith.cmpi ne, %convert_element_type3A_5, %cond3A_6 : i32
    scf.if %cond3A_7 {
      %mul3A_8 = arith.constant 632 : i32
      %mul3A_9 = arith.muli %arg1, %mul3A_8 : i32
      %mul3A_10 = arith.constant 632 : i32
      %mul3A_11 = arith.muli %arg1, %mul3A_10 : i32
      "tpu.region"() ({
        %run_scoped3A = tpu.sem_alloc : memref<!tpu.dma_semaphore, #tpu.memory_space<semaphore_mem>>
        %dma_start3A = arith.constant 0 : i32
        %dma_start3A_28 = tpu.memref_slice %arg15[%mul3A_11, %dma_start3A] : memref<10112x128xi32, #tpu.memory_space<vmem_shared>> -> memref<632x128xi32, #tpu.memory_space<vmem_shared>>
        %dma_start3A_29 = arith.constant 0 : i32
        %dma_start3A_30 = tpu.memref_slice %arg3[%mul3A_9, %dma_start3A_29] : memref<10112x128xi32, #tpu.memory_space<hbm>> -> memref<632x128xi32, #tpu.memory_space<hbm>>
        tpu.enqueue_dma source(%dma_start3A_30 : memref<632x128xi32, #tpu.memory_space<hbm>>) target(%dma_start3A_28 : memref<632x128xi32, #tpu.memory_space<vmem_shared>>) target_semaphore(%run_scoped3A : memref<!tpu.dma_semaphore, #tpu.memory_space<semaphore_mem>>)
        %dma_wait3A_31 = arith.constant 0 : i32
        %dma_wait3A_32 = tpu.memref_slice %arg15[%mul3A_11, %dma_wait3A_31] : memref<10112x128xi32, #tpu.memory_space<vmem_shared>> -> memref<632x128xi32, #tpu.memory_space<vmem_shared>>
        %dma_wait3A_33 = arith.constant 0 : i32
        %dma_wait3A_34 = tpu.memref_slice %arg3[%mul3A_9, %dma_wait3A_33] : memref<10112x128xi32, #tpu.memory_space<hbm>> -> memref<632x128xi32, #tpu.memory_space<hbm>>
        tpu.wait_dma2 semaphore(%run_scoped3A : memref<!tpu.dma_semaphore, #tpu.memory_space<semaphore_mem>>) src(%dma_wait3A_34 : memref<632x128xi32, #tpu.memory_space<hbm>>) dst(%dma_wait3A_32 : memref<632x128xi32, #tpu.memory_space<vmem_shared>>)
        tpu.yield
      }) : () -> ()
      "tpu.region"() ({
        %run_scoped3A = tpu.sem_alloc : memref<!tpu.dma_semaphore, #tpu.memory_space<semaphore_mem>>
        %dma_start3A = tpu.memref_slice %arg5[%mul3A_0] : memref<86016xi32, #tpu.memory_space<hbm>> -> memref<5376xi32, #tpu.memory_space<hbm>>
        %dma_start3A_28 = tpu.memref_slice %arg5[%mul3A_0] : memref<86016xi32, #tpu.memory_space<hbm>> -> memref<5376xi32, #tpu.memory_space<hbm>>
        tpu.enqueue_dma source(%dma_start3A_28 : memref<5376xi32, #tpu.memory_space<hbm>>) target(%arg8 : memref<5376xi32, #tpu.memory_space<vmem>>) target_semaphore(%run_scoped3A : memref<!tpu.dma_semaphore, #tpu.memory_space<semaphore_mem>>)
        %dma_wait3A_29 = tpu.memref_slice %arg5[%mul3A_0] : memref<86016xi32, #tpu.memory_space<hbm>> -> memref<5376xi32, #tpu.memory_space<hbm>>
        %dma_wait3A_30 = tpu.memref_slice %arg5[%mul3A_0] : memref<86016xi32, #tpu.memory_space<hbm>> -> memref<5376xi32, #tpu.memory_space<hbm>>
        tpu.wait_dma2 semaphore(%run_scoped3A : memref<!tpu.dma_semaphore, #tpu.memory_space<semaphore_mem>>) src(%dma_wait3A_30 : memref<5376xi32, #tpu.memory_space<hbm>>) dst(%arg8 : memref<5376xi32, #tpu.memory_space<vmem>>)
        tpu.yield
      }) : () -> ()
      %barrier3A = arith.constant 0 : index
      tpu.barrier barrier_id(%barrier3A)
      %scan3A = arith.constant 0 : i32
      %scan3A_12 = arith.constant 0 : i32
      %scan3A_13 = arith.constant 21 : i32
      %scan3A_14 = arith.addi %scan3A_12, %scan3A_13 : i32
      %scan3A_15 = arith.constant 1 : i32
      scf.for %scan3A_28 = %scan3A_12 to %scan3A_14 step %scan3A_15  : i32 {
        %mul3A_29 = arith.constant 2 : i32
        %mul3A_30 = arith.muli %scan3A_28, %mul3A_29 : i32
        %add3A = arith.constant 0 : i32
        %add3A_31 = arith.addi %mul3A_30, %add3A : i32
        %gt3A = arith.constant 0 : i32
        %gt3A_32 = arith.cmpi sgt, %scan3A_28, %gt3A : i32
        %convert_element_type3A_33 = arith.extui %gt3A_32 : i1 to i32
        %cond3A_34 = arith.constant 0 : i32
        %cond3A_35 = arith.cmpi ne, %convert_element_type3A_33, %cond3A_34 : i32
        scf.if %cond3A_35 {
          %dma_wait3A_90 = arith.constant 0 : i32
          %dma_wait3A_91 = arith.constant 0 : i32
          %dma_wait3A_92 = tpu.memref_slice %arg7[%dma_wait3A_90, %dma_wait3A_91] : memref<86016x128xi32, #tpu.memory_space<hbm>> -> memref<128x128xi32, #tpu.memory_space<hbm>>
          %dma_wait3A_93 = arith.constant 0 : i32
          %dma_wait3A_94 = arith.constant 0 : i32
          %dma_wait3A_95 = tpu.memref_slice %arg7[%dma_wait3A_93, %dma_wait3A_94] : memref<86016x128xi32, #tpu.memory_space<hbm>> -> memref<128x128xi32, #tpu.memory_space<hbm>>
          tpu.wait_dma2 semaphore(%arg13 : memref<!tpu.dma_semaphore, #tpu.memory_space<semaphore_mem>>) src(%dma_wait3A_95 : memref<128x128xi32, #tpu.memory_space<hbm>>) dst(%arg9 : memref<128x128xi32, #tpu.memory_space<vmem>>)
        } else {
        }
        %mul3A_36 = arith.constant 128 : i32
        %mul3A_37 = arith.muli %add3A_31, %mul3A_36 : i32
        %dma_start3A = tpu.memref_slice %arg8[%mul3A_37] : memref<5376xi32, #tpu.memory_space<vmem>> -> memref<128xi32, #tpu.memory_space<vmem>>
        %dma_start3A_38 = arith.constant 0 : i32
        %dma_start3A_39 = arith.constant 0 : i32
        %dma_start3A_40 = tpu.memref_slice %arg15[%dma_start3A_38, %dma_start3A_39] : memref<10112x128xi32, #tpu.memory_space<vmem_shared>> -> memref<10112x128xi32, #tpu.memory_space<vmem_shared>>
        tpu.enqueue_indirect_dma source(%dma_start3A_40 : memref<10112x128xi32, #tpu.memory_space<vmem_shared>>) target(%arg9 : memref<128x128xi32, #tpu.memory_space<vmem>>) offsets(%dma_start3A : memref<128xi32, #tpu.memory_space<vmem>>) semaphore(%arg11 : memref<!tpu.dma_semaphore, #tpu.memory_space<semaphore_mem>>)
        %mul3A_41 = arith.constant 2 : i32
        %mul3A_42 = arith.muli %scan3A_28, %mul3A_41 : i32
        %add3A_43 = arith.constant 1 : i32
        %add3A_44 = arith.addi %mul3A_42, %add3A_43 : i32
        %gt3A_45 = arith.constant 0 : i32
        %gt3A_46 = arith.cmpi sgt, %scan3A_28, %gt3A_45 : i32
        %convert_element_type3A_47 = arith.extui %gt3A_46 : i1 to i32
        %cond3A_48 = arith.constant 0 : i32
        %cond3A_49 = arith.cmpi ne, %convert_element_type3A_47, %cond3A_48 : i32
        scf.if %cond3A_49 {
          %dma_wait3A_90 = arith.constant 0 : i32
          %dma_wait3A_91 = arith.constant 0 : i32
          %dma_wait3A_92 = tpu.memref_slice %arg7[%dma_wait3A_90, %dma_wait3A_91] : memref<86016x128xi32, #tpu.memory_space<hbm>> -> memref<128x128xi32, #tpu.memory_space<hbm>>
          %dma_wait3A_93 = arith.constant 0 : i32
          %dma_wait3A_94 = arith.constant 0 : i32
          %dma_wait3A_95 = tpu.memref_slice %arg7[%dma_wait3A_93, %dma_wait3A_94] : memref<86016x128xi32, #tpu.memory_space<hbm>> -> memref<128x128xi32, #tpu.memory_space<hbm>>
          tpu.wait_dma2 semaphore(%arg14 : memref<!tpu.dma_semaphore, #tpu.memory_space<semaphore_mem>>) src(%dma_wait3A_95 : memref<128x128xi32, #tpu.memory_space<hbm>>) dst(%arg10 : memref<128x128xi32, #tpu.memory_space<vmem>>)
        } else {
        }
        %mul3A_50 = arith.constant 128 : i32
        %mul3A_51 = arith.muli %add3A_44, %mul3A_50 : i32
        %dma_start3A_52 = tpu.memref_slice %arg8[%mul3A_51] : memref<5376xi32, #tpu.memory_space<vmem>> -> memref<128xi32, #tpu.memory_space<vmem>>
        %dma_start3A_53 = arith.constant 0 : i32
        %dma_start3A_54 = arith.constant 0 : i32
        %dma_start3A_55 = tpu.memref_slice %arg15[%dma_start3A_53, %dma_start3A_54] : memref<10112x128xi32, #tpu.memory_space<vmem_shared>> -> memref<10112x128xi32, #tpu.memory_space<vmem_shared>>
        tpu.enqueue_indirect_dma source(%dma_start3A_55 : memref<10112x128xi32, #tpu.memory_space<vmem_shared>>) target(%arg10 : memref<128x128xi32, #tpu.memory_space<vmem>>) offsets(%dma_start3A_52 : memref<128xi32, #tpu.memory_space<vmem>>) semaphore(%arg12 : memref<!tpu.dma_semaphore, #tpu.memory_space<semaphore_mem>>)
        %mul3A_56 = arith.constant 2 : i32
        %mul3A_57 = arith.muli %scan3A_28, %mul3A_56 : i32
        %add3A_58 = arith.constant 0 : i32
        %add3A_59 = arith.addi %mul3A_57, %add3A_58 : i32
        %dma_wait3A_60 = arith.constant 0 : i32
        %dma_wait3A_61 = arith.constant 0 : i32
        %dma_wait3A_62 = tpu.memref_slice %arg7[%dma_wait3A_60, %dma_wait3A_61] : memref<86016x128xi32, #tpu.memory_space<hbm>> -> memref<128x128xi32, #tpu.memory_space<hbm>>
        %dma_wait3A_63 = arith.constant 0 : i32
        %dma_wait3A_64 = arith.constant 0 : i32
        %dma_wait3A_65 = tpu.memref_slice %arg7[%dma_wait3A_63, %dma_wait3A_64] : memref<86016x128xi32, #tpu.memory_space<hbm>> -> memref<128x128xi32, #tpu.memory_space<hbm>>
        tpu.wait_dma2 semaphore(%arg11 : memref<!tpu.dma_semaphore, #tpu.memory_space<semaphore_mem>>) src(%dma_wait3A_65 : memref<128x128xi32, #tpu.memory_space<hbm>>) dst(%arg9 : memref<128x128xi32, #tpu.memory_space<vmem>>)
        %mul3A_66 = arith.constant 128 : i32
        %mul3A_67 = arith.muli %add3A_59, %mul3A_66 : i32
        %add3A_68 = arith.addi %mul3A_0, %mul3A_67 : i32
        %dma_start3A_69 = arith.constant 0 : i32
        %dma_start3A_70 = tpu.memref_slice %arg7[%add3A_68, %dma_start3A_69] : memref<86016x128xi32, #tpu.memory_space<hbm>> -> memref<128x128xi32, #tpu.memory_space<hbm>>
        %dma_start3A_71 = arith.constant 0 : i32
        %dma_start3A_72 = tpu.memref_slice %arg7[%add3A_68, %dma_start3A_71] : memref<86016x128xi32, #tpu.memory_space<hbm>> -> memref<128x128xi32, #tpu.memory_space<hbm>>
        tpu.enqueue_dma source(%arg9 : memref<128x128xi32, #tpu.memory_space<vmem>>) target(%dma_start3A_72 : memref<128x128xi32, #tpu.memory_space<hbm>>) target_semaphore(%arg13 : memref<!tpu.dma_semaphore, #tpu.memory_space<semaphore_mem>>)
        %mul3A_73 = arith.constant 2 : i32
        %mul3A_74 = arith.muli %scan3A_28, %mul3A_73 : i32
        %add3A_75 = arith.constant 1 : i32
        %add3A_76 = arith.addi %mul3A_74, %add3A_75 : i32
        %dma_wait3A_77 = arith.constant 0 : i32
        %dma_wait3A_78 = arith.constant 0 : i32
        %dma_wait3A_79 = tpu.memref_slice %arg7[%dma_wait3A_77, %dma_wait3A_78] : memref<86016x128xi32, #tpu.memory_space<hbm>> -> memref<128x128xi32, #tpu.memory_space<hbm>>
        %dma_wait3A_80 = arith.constant 0 : i32
        %dma_wait3A_81 = arith.constant 0 : i32
        %dma_wait3A_82 = tpu.memref_slice %arg7[%dma_wait3A_80, %dma_wait3A_81] : memref<86016x128xi32, #tpu.memory_space<hbm>> -> memref<128x128xi32, #tpu.memory_space<hbm>>
        tpu.wait_dma2 semaphore(%arg12 : memref<!tpu.dma_semaphore, #tpu.memory_space<semaphore_mem>>) src(%dma_wait3A_82 : memref<128x128xi32, #tpu.memory_space<hbm>>) dst(%arg10 : memref<128x128xi32, #tpu.memory_space<vmem>>)
        %mul3A_83 = arith.constant 128 : i32
        %mul3A_84 = arith.muli %add3A_76, %mul3A_83 : i32
        %add3A_85 = arith.addi %mul3A_0, %mul3A_84 : i32
        %dma_start3A_86 = arith.constant 0 : i32
        %dma_start3A_87 = tpu.memref_slice %arg7[%add3A_85, %dma_start3A_86] : memref<86016x128xi32, #tpu.memory_space<hbm>> -> memref<128x128xi32, #tpu.memory_space<hbm>>
        %dma_start3A_88 = arith.constant 0 : i32
        %dma_start3A_89 = tpu.memref_slice %arg7[%add3A_85, %dma_start3A_88] : memref<86016x128xi32, #tpu.memory_space<hbm>> -> memref<128x128xi32, #tpu.memory_space<hbm>>
        tpu.enqueue_dma source(%arg10 : memref<128x128xi32, #tpu.memory_space<vmem>>) target(%dma_start3A_89 : memref<128x128xi32, #tpu.memory_space<hbm>>) target_semaphore(%arg14 : memref<!tpu.dma_semaphore, #tpu.memory_space<semaphore_mem>>)
      }
      %scan3A_16 = arith.constant 21 : i32
      %dma_wait3A = arith.constant 0 : i32
      %dma_wait3A_17 = arith.constant 0 : i32
      %dma_wait3A_18 = tpu.memref_slice %arg7[%dma_wait3A, %dma_wait3A_17] : memref<86016x128xi32, #tpu.memory_space<hbm>> -> memref<128x128xi32, #tpu.memory_space<hbm>>
      %dma_wait3A_19 = arith.constant 0 : i32
      %dma_wait3A_20 = arith.constant 0 : i32
      %dma_wait3A_21 = tpu.memref_slice %arg7[%dma_wait3A_19, %dma_wait3A_20] : memref<86016x128xi32, #tpu.memory_space<hbm>> -> memref<128x128xi32, #tpu.memory_space<hbm>>
      tpu.wait_dma2 semaphore(%arg13 : memref<!tpu.dma_semaphore, #tpu.memory_space<semaphore_mem>>) src(%dma_wait3A_21 : memref<128x128xi32, #tpu.memory_space<hbm>>) dst(%arg9 : memref<128x128xi32, #tpu.memory_space<vmem>>)
      %dma_wait3A_22 = arith.constant 0 : i32
      %dma_wait3A_23 = arith.constant 0 : i32
      %dma_wait3A_24 = tpu.memref_slice %arg7[%dma_wait3A_22, %dma_wait3A_23] : memref<86016x128xi32, #tpu.memory_space<hbm>> -> memref<128x128xi32, #tpu.memory_space<hbm>>
      %dma_wait3A_25 = arith.constant 0 : i32
      %dma_wait3A_26 = arith.constant 0 : i32
      %dma_wait3A_27 = tpu.memref_slice %arg7[%dma_wait3A_25, %dma_wait3A_26] : memref<86016x128xi32, #tpu.memory_space<hbm>> -> memref<128x128xi32, #tpu.memory_space<hbm>>
      tpu.wait_dma2 semaphore(%arg14 : memref<!tpu.dma_semaphore, #tpu.memory_space<semaphore_mem>>) src(%dma_wait3A_27 : memref<128x128xi32, #tpu.memory_space<hbm>>) dst(%arg10 : memref<128x128xi32, #tpu.memory_space<vmem>>)
    } else {
    }
    return
  }
}

#map = affine_map<(d0, d1) -> (0, 0)>
#map1 = affine_map<(d0, d1) -> (0, 0, 0)>
module attributes {stable_mosaic.version = 14 : i64} {
  func.func @scatter_kernel(%arg0: i32, %arg1: i32, %arg2: memref<86016x128xf32, #tpu.memory_space<hbm>>, %arg3: memref<32x28x96xi32, #tpu.memory_space<hbm>>, %arg4: memref<10112x128xf32, #tpu.memory_space<hbm>>, %arg5: memref<2x10112x128xf32, #tpu.memory_space<hbm>>, %arg6: memref<28x96xi32, #tpu.memory_space<vmem>>, %arg7: memref<96x128xf32, #tpu.memory_space<vmem>>, %arg8: memref<96x128xf32, #tpu.memory_space<vmem>>, %arg9: memref<!tpu.dma_semaphore, #tpu.memory_space<semaphore_mem>>, %arg10: memref<!tpu.dma_semaphore, #tpu.memory_space<semaphore_mem>>, %arg11: memref<!tpu.dma_semaphore, #tpu.memory_space<semaphore_mem>>, %arg12: memref<!tpu.dma_semaphore, #tpu.memory_space<semaphore_mem>>, %arg13: memref<10112x128xf32, #tpu.memory_space<vmem_shared>>) attributes {dimension_semantics = [#tpu.dimension_semantics<core_parallel>, #tpu.dimension_semantics<subcore_parallel>], iteration_bounds = array<i64: 2, 16>, scalar_prefetch = 0 : i64, scratch_operands = 8 : i64, tpu.core_type = #tpu.core_type<sc_vector_subcore>, window_params = [{transform_indices = #map}, {transform_indices = #map1}, {transform_indices = #map}, {transform_indices = #map1}]} {
    %mul3A = arith.constant 2 : i32
    %mul3A_0 = arith.muli %arg1, %mul3A : i32
    %add3A = arith.addi %mul3A_0, %arg0 : i32
    %mul3A_1 = arith.constant 632 : i32
    %mul3A_2 = arith.muli %arg1, %mul3A_1 : i32
    %mul3A_3 = arith.constant 632 : i32
    %mul3A_4 = arith.muli %arg1, %mul3A_3 : i32
    "tpu.region"() ({
      %run_scoped3A = tpu.sem_alloc : memref<!tpu.dma_semaphore, #tpu.memory_space<semaphore_mem>>
      %dma_start3A = arith.constant 0 : i32
      %dma_start3A_26 = tpu.memref_slice %arg13[%mul3A_4, %dma_start3A] : memref<10112x128xf32, #tpu.memory_space<vmem_shared>> -> memref<632x128xf32, #tpu.memory_space<vmem_shared>>
      %dma_start3A_27 = arith.constant 0 : i32
      %dma_start3A_28 = tpu.memref_slice %arg4[%mul3A_2, %dma_start3A_27] : memref<10112x128xf32, #tpu.memory_space<hbm>> -> memref<632x128xf32, #tpu.memory_space<hbm>>
      tpu.enqueue_dma source(%dma_start3A_28 : memref<632x128xf32, #tpu.memory_space<hbm>>) target(%dma_start3A_26 : memref<632x128xf32, #tpu.memory_space<vmem_shared>>) target_semaphore(%run_scoped3A : memref<!tpu.dma_semaphore, #tpu.memory_space<semaphore_mem>>)
      %dma_wait3A_29 = arith.constant 0 : i32
      %dma_wait3A_30 = tpu.memref_slice %arg13[%mul3A_4, %dma_wait3A_29] : memref<10112x128xf32, #tpu.memory_space<vmem_shared>> -> memref<632x128xf32, #tpu.memory_space<vmem_shared>>
      %dma_wait3A_31 = arith.constant 0 : i32
      %dma_wait3A_32 = tpu.memref_slice %arg4[%mul3A_2, %dma_wait3A_31] : memref<10112x128xf32, #tpu.memory_space<hbm>> -> memref<632x128xf32, #tpu.memory_space<hbm>>
      tpu.wait_dma2 semaphore(%run_scoped3A : memref<!tpu.dma_semaphore, #tpu.memory_space<semaphore_mem>>) src(%dma_wait3A_32 : memref<632x128xf32, #tpu.memory_space<hbm>>) dst(%dma_wait3A_30 : memref<632x128xf32, #tpu.memory_space<vmem_shared>>)
      tpu.yield
    }) : () -> ()
    "tpu.region"() ({
      %run_scoped3A = tpu.sem_alloc : memref<!tpu.dma_semaphore, #tpu.memory_space<semaphore_mem>>
      %dma_start3A = arith.constant 0 : i32
      %dma_start3A_26 = arith.constant 0 : i32
      %dma_start3A_27 = tpu.memref_slice %arg3[%add3A, %dma_start3A, %dma_start3A_26] : memref<32x28x96xi32, #tpu.memory_space<hbm>> -> memref<1x28x96xi32, #tpu.memory_space<hbm>>
      %dma_start3A_28 = tpu.memref_squeeze %dma_start3A_27 : memref<1x28x96xi32, #tpu.memory_space<hbm>> -> memref<28x96xi32, #tpu.memory_space<hbm>>
      %dma_start3A_29 = arith.constant 0 : i32
      %dma_start3A_30 = arith.constant 0 : i32
      %dma_start3A_31 = tpu.memref_slice %arg3[%add3A, %dma_start3A_29, %dma_start3A_30] : memref<32x28x96xi32, #tpu.memory_space<hbm>> -> memref<1x28x96xi32, #tpu.memory_space<hbm>>
      %dma_start3A_32 = tpu.memref_squeeze %dma_start3A_31 : memref<1x28x96xi32, #tpu.memory_space<hbm>> -> memref<28x96xi32, #tpu.memory_space<hbm>>
      tpu.enqueue_dma source(%dma_start3A_32 : memref<28x96xi32, #tpu.memory_space<hbm>>) target(%arg6 : memref<28x96xi32, #tpu.memory_space<vmem>>) target_semaphore(%run_scoped3A : memref<!tpu.dma_semaphore, #tpu.memory_space<semaphore_mem>>)
      %dma_wait3A_33 = arith.constant 0 : i32
      %dma_wait3A_34 = arith.constant 0 : i32
      %dma_wait3A_35 = tpu.memref_slice %arg3[%add3A, %dma_wait3A_33, %dma_wait3A_34] : memref<32x28x96xi32, #tpu.memory_space<hbm>> -> memref<1x28x96xi32, #tpu.memory_space<hbm>>
      %dma_wait3A_36 = tpu.memref_squeeze %dma_wait3A_35 : memref<1x28x96xi32, #tpu.memory_space<hbm>> -> memref<28x96xi32, #tpu.memory_space<hbm>>
      %dma_wait3A_37 = arith.constant 0 : i32
      %dma_wait3A_38 = arith.constant 0 : i32
      %dma_wait3A_39 = tpu.memref_slice %arg3[%add3A, %dma_wait3A_37, %dma_wait3A_38] : memref<32x28x96xi32, #tpu.memory_space<hbm>> -> memref<1x28x96xi32, #tpu.memory_space<hbm>>
      %dma_wait3A_40 = tpu.memref_squeeze %dma_wait3A_39 : memref<1x28x96xi32, #tpu.memory_space<hbm>> -> memref<28x96xi32, #tpu.memory_space<hbm>>
      tpu.wait_dma2 semaphore(%run_scoped3A : memref<!tpu.dma_semaphore, #tpu.memory_space<semaphore_mem>>) src(%dma_wait3A_40 : memref<28x96xi32, #tpu.memory_space<hbm>>) dst(%arg6 : memref<28x96xi32, #tpu.memory_space<vmem>>)
      tpu.yield
    }) : () -> ()
    %barrier3A = arith.constant 0 : index
    tpu.barrier barrier_id(%barrier3A)
    %scan3A = arith.constant 0 : i32
    %scan3A_5 = arith.constant 0 : i32
    %scan3A_6 = arith.constant 14 : i32
    %scan3A_7 = arith.addi %scan3A_5, %scan3A_6 : i32
    %scan3A_8 = arith.constant 1 : i32
    scf.for %scan3A_26 = %scan3A_5 to %scan3A_7 step %scan3A_8  : i32 {
      %mul3A_27 = arith.constant 2 : i32
      %mul3A_28 = arith.muli %scan3A_26, %mul3A_27 : i32
      %add3A_29 = arith.constant 0 : i32
      %add3A_30 = arith.addi %mul3A_28, %add3A_29 : i32
      %gt3A = arith.constant 0 : i32
      %gt3A_31 = arith.cmpi sgt, %scan3A_26, %gt3A : i32
      %convert_element_type3A = arith.extui %gt3A_31 : i1 to i32
      %cond3A = arith.constant 0 : i32
      %cond3A_32 = arith.cmpi ne, %convert_element_type3A, %cond3A : i32
      scf.if %cond3A_32 {
        %dma_wait3A_91 = arith.constant 0 : i32
        %dma_wait3A_92 = arith.constant 0 : i32
        %dma_wait3A_93 = tpu.memref_slice %arg2[%dma_wait3A_91, %dma_wait3A_92] : memref<86016x128xf32, #tpu.memory_space<hbm>> -> memref<96x128xf32, #tpu.memory_space<hbm>>
        %dma_wait3A_94 = arith.constant 0 : i32
        %dma_wait3A_95 = arith.constant 0 : i32
        %dma_wait3A_96 = tpu.memref_slice %arg2[%dma_wait3A_94, %dma_wait3A_95] : memref<86016x128xf32, #tpu.memory_space<hbm>> -> memref<96x128xf32, #tpu.memory_space<hbm>>
        tpu.wait_dma2 semaphore(%arg11 : memref<!tpu.dma_semaphore, #tpu.memory_space<semaphore_mem>>) src(%dma_wait3A_96 : memref<96x128xf32, #tpu.memory_space<hbm>>) dst(%arg7 : memref<96x128xf32, #tpu.memory_space<vmem>>)
      } else {
      }
      %mul3A_33 = arith.constant 2688 : i32
      %mul3A_34 = arith.muli %add3A, %mul3A_33 : i32
      %mul3A_35 = arith.constant 96 : i32
      %mul3A_36 = arith.muli %add3A_30, %mul3A_35 : i32
      %add3A_37 = arith.addi %mul3A_34, %mul3A_36 : i32
      %dma_start3A = arith.constant 0 : i32
      %dma_start3A_38 = tpu.memref_slice %arg2[%add3A_37, %dma_start3A] : memref<86016x128xf32, #tpu.memory_space<hbm>> -> memref<96x128xf32, #tpu.memory_space<hbm>>
      %dma_start3A_39 = arith.constant 0 : i32
      %dma_start3A_40 = tpu.memref_slice %arg2[%add3A_37, %dma_start3A_39] : memref<86016x128xf32, #tpu.memory_space<hbm>> -> memref<96x128xf32, #tpu.memory_space<hbm>>
      tpu.enqueue_dma source(%dma_start3A_40 : memref<96x128xf32, #tpu.memory_space<hbm>>) target(%arg7 : memref<96x128xf32, #tpu.memory_space<vmem>>) target_semaphore(%arg9 : memref<!tpu.dma_semaphore, #tpu.memory_space<semaphore_mem>>)
      %mul3A_41 = arith.constant 2 : i32
      %mul3A_42 = arith.muli %scan3A_26, %mul3A_41 : i32
      %add3A_43 = arith.constant 1 : i32
      %add3A_44 = arith.addi %mul3A_42, %add3A_43 : i32
      %gt3A_45 = arith.constant 0 : i32
      %gt3A_46 = arith.cmpi sgt, %scan3A_26, %gt3A_45 : i32
      %convert_element_type3A_47 = arith.extui %gt3A_46 : i1 to i32
      %cond3A_48 = arith.constant 0 : i32
      %cond3A_49 = arith.cmpi ne, %convert_element_type3A_47, %cond3A_48 : i32
      scf.if %cond3A_49 {
        %dma_wait3A_91 = arith.constant 0 : i32
        %dma_wait3A_92 = arith.constant 0 : i32
        %dma_wait3A_93 = tpu.memref_slice %arg2[%dma_wait3A_91, %dma_wait3A_92] : memref<86016x128xf32, #tpu.memory_space<hbm>> -> memref<96x128xf32, #tpu.memory_space<hbm>>
        %dma_wait3A_94 = arith.constant 0 : i32
        %dma_wait3A_95 = arith.constant 0 : i32
        %dma_wait3A_96 = tpu.memref_slice %arg2[%dma_wait3A_94, %dma_wait3A_95] : memref<86016x128xf32, #tpu.memory_space<hbm>> -> memref<96x128xf32, #tpu.memory_space<hbm>>
        tpu.wait_dma2 semaphore(%arg12 : memref<!tpu.dma_semaphore, #tpu.memory_space<semaphore_mem>>) src(%dma_wait3A_96 : memref<96x128xf32, #tpu.memory_space<hbm>>) dst(%arg8 : memref<96x128xf32, #tpu.memory_space<vmem>>)
      } else {
      }
      %mul3A_50 = arith.constant 2688 : i32
      %mul3A_51 = arith.muli %add3A, %mul3A_50 : i32
      %mul3A_52 = arith.constant 96 : i32
      %mul3A_53 = arith.muli %add3A_44, %mul3A_52 : i32
      %add3A_54 = arith.addi %mul3A_51, %mul3A_53 : i32
      %dma_start3A_55 = arith.constant 0 : i32
      %dma_start3A_56 = tpu.memref_slice %arg2[%add3A_54, %dma_start3A_55] : memref<86016x128xf32, #tpu.memory_space<hbm>> -> memref<96x128xf32, #tpu.memory_space<hbm>>
      %dma_start3A_57 = arith.constant 0 : i32
      %dma_start3A_58 = tpu.memref_slice %arg2[%add3A_54, %dma_start3A_57] : memref<86016x128xf32, #tpu.memory_space<hbm>> -> memref<96x128xf32, #tpu.memory_space<hbm>>
      tpu.enqueue_dma source(%dma_start3A_58 : memref<96x128xf32, #tpu.memory_space<hbm>>) target(%arg8 : memref<96x128xf32, #tpu.memory_space<vmem>>) target_semaphore(%arg10 : memref<!tpu.dma_semaphore, #tpu.memory_space<semaphore_mem>>)
      %mul3A_59 = arith.constant 2 : i32
      %mul3A_60 = arith.muli %scan3A_26, %mul3A_59 : i32
      %add3A_61 = arith.constant 0 : i32
      %add3A_62 = arith.addi %mul3A_60, %add3A_61 : i32
      %dma_wait3A_63 = arith.constant 0 : i32
      %dma_wait3A_64 = arith.constant 0 : i32
      %dma_wait3A_65 = tpu.memref_slice %arg2[%dma_wait3A_63, %dma_wait3A_64] : memref<86016x128xf32, #tpu.memory_space<hbm>> -> memref<96x128xf32, #tpu.memory_space<hbm>>
      %dma_wait3A_66 = arith.constant 0 : i32
      %dma_wait3A_67 = arith.constant 0 : i32
      %dma_wait3A_68 = tpu.memref_slice %arg2[%dma_wait3A_66, %dma_wait3A_67] : memref<86016x128xf32, #tpu.memory_space<hbm>> -> memref<96x128xf32, #tpu.memory_space<hbm>>
      tpu.wait_dma2 semaphore(%arg9 : memref<!tpu.dma_semaphore, #tpu.memory_space<semaphore_mem>>) src(%dma_wait3A_68 : memref<96x128xf32, #tpu.memory_space<hbm>>) dst(%arg7 : memref<96x128xf32, #tpu.memory_space<vmem>>)
      %dma_start3A_69 = arith.constant 0 : i32
      %dma_start3A_70 = tpu.memref_slice %arg6[%add3A_62, %dma_start3A_69] : memref<28x96xi32, #tpu.memory_space<vmem>> -> memref<1x96xi32, #tpu.memory_space<vmem>>
      %dma_start3A_71 = tpu.memref_squeeze %dma_start3A_70 : memref<1x96xi32, #tpu.memory_space<vmem>> -> memref<96xi32, #tpu.memory_space<vmem>>
      %dma_start3A_72 = arith.constant 0 : i32
      %dma_start3A_73 = arith.constant 0 : i32
      %dma_start3A_74 = tpu.memref_slice %arg13[%dma_start3A_72, %dma_start3A_73] : memref<10112x128xf32, #tpu.memory_space<vmem_shared>> -> memref<10112x128xf32, #tpu.memory_space<vmem_shared>>
      tpu.enqueue_indirect_dma source(%arg7 : memref<96x128xf32, #tpu.memory_space<vmem>>) target(%dma_start3A_74 : memref<10112x128xf32, #tpu.memory_space<vmem_shared>>) offsets(%dma_start3A_71 : memref<96xi32, #tpu.memory_space<vmem>>) semaphore(%arg11 : memref<!tpu.dma_semaphore, #tpu.memory_space<semaphore_mem>>) {add = true}
      %mul3A_75 = arith.constant 2 : i32
      %mul3A_76 = arith.muli %scan3A_26, %mul3A_75 : i32
      %add3A_77 = arith.constant 1 : i32
      %add3A_78 = arith.addi %mul3A_76, %add3A_77 : i32
      %dma_wait3A_79 = arith.constant 0 : i32
      %dma_wait3A_80 = arith.constant 0 : i32
      %dma_wait3A_81 = tpu.memref_slice %arg2[%dma_wait3A_79, %dma_wait3A_80] : memref<86016x128xf32, #tpu.memory_space<hbm>> -> memref<96x128xf32, #tpu.memory_space<hbm>>
      %dma_wait3A_82 = arith.constant 0 : i32
      %dma_wait3A_83 = arith.constant 0 : i32
      %dma_wait3A_84 = tpu.memref_slice %arg2[%dma_wait3A_82, %dma_wait3A_83] : memref<86016x128xf32, #tpu.memory_space<hbm>> -> memref<96x128xf32, #tpu.memory_space<hbm>>
      tpu.wait_dma2 semaphore(%arg10 : memref<!tpu.dma_semaphore, #tpu.memory_space<semaphore_mem>>) src(%dma_wait3A_84 : memref<96x128xf32, #tpu.memory_space<hbm>>) dst(%arg8 : memref<96x128xf32, #tpu.memory_space<vmem>>)
      %dma_start3A_85 = arith.constant 0 : i32
      %dma_start3A_86 = tpu.memref_slice %arg6[%add3A_78, %dma_start3A_85] : memref<28x96xi32, #tpu.memory_space<vmem>> -> memref<1x96xi32, #tpu.memory_space<vmem>>
      %dma_start3A_87 = tpu.memref_squeeze %dma_start3A_86 : memref<1x96xi32, #tpu.memory_space<vmem>> -> memref<96xi32, #tpu.memory_space<vmem>>
      %dma_start3A_88 = arith.constant 0 : i32
      %dma_start3A_89 = arith.constant 0 : i32
      %dma_start3A_90 = tpu.memref_slice %arg13[%dma_start3A_88, %dma_start3A_89] : memref<10112x128xf32, #tpu.memory_space<vmem_shared>> -> memref<10112x128xf32, #tpu.memory_space<vmem_shared>>
      tpu.enqueue_indirect_dma source(%arg8 : memref<96x128xf32, #tpu.memory_space<vmem>>) target(%dma_start3A_90 : memref<10112x128xf32, #tpu.memory_space<vmem_shared>>) offsets(%dma_start3A_87 : memref<96xi32, #tpu.memory_space<vmem>>) semaphore(%arg12 : memref<!tpu.dma_semaphore, #tpu.memory_space<semaphore_mem>>) {add = true}
    }
    %scan3A_9 = arith.constant 14 : i32
    %dma_wait3A = arith.constant 0 : i32
    %dma_wait3A_10 = arith.constant 0 : i32
    %dma_wait3A_11 = tpu.memref_slice %arg2[%dma_wait3A, %dma_wait3A_10] : memref<86016x128xf32, #tpu.memory_space<hbm>> -> memref<96x128xf32, #tpu.memory_space<hbm>>
    %dma_wait3A_12 = arith.constant 0 : i32
    %dma_wait3A_13 = arith.constant 0 : i32
    %dma_wait3A_14 = tpu.memref_slice %arg2[%dma_wait3A_12, %dma_wait3A_13] : memref<86016x128xf32, #tpu.memory_space<hbm>> -> memref<96x128xf32, #tpu.memory_space<hbm>>
    tpu.wait_dma2 semaphore(%arg11 : memref<!tpu.dma_semaphore, #tpu.memory_space<semaphore_mem>>) src(%dma_wait3A_14 : memref<96x128xf32, #tpu.memory_space<hbm>>) dst(%arg7 : memref<96x128xf32, #tpu.memory_space<vmem>>)
    %dma_wait3A_15 = arith.constant 0 : i32
    %dma_wait3A_16 = arith.constant 0 : i32
    %dma_wait3A_17 = tpu.memref_slice %arg2[%dma_wait3A_15, %dma_wait3A_16] : memref<86016x128xf32, #tpu.memory_space<hbm>> -> memref<96x128xf32, #tpu.memory_space<hbm>>
    %dma_wait3A_18 = arith.constant 0 : i32
    %dma_wait3A_19 = arith.constant 0 : i32
    %dma_wait3A_20 = tpu.memref_slice %arg2[%dma_wait3A_18, %dma_wait3A_19] : memref<86016x128xf32, #tpu.memory_space<hbm>> -> memref<96x128xf32, #tpu.memory_space<hbm>>
    tpu.wait_dma2 semaphore(%arg12 : memref<!tpu.dma_semaphore, #tpu.memory_space<semaphore_mem>>) src(%dma_wait3A_20 : memref<96x128xf32, #tpu.memory_space<hbm>>) dst(%arg8 : memref<96x128xf32, #tpu.memory_space<vmem>>)
    %barrier3A_21 = arith.constant 0 : index
    tpu.barrier barrier_id(%barrier3A_21)
    %mul3A_22 = arith.constant 632 : i32
    %mul3A_23 = arith.muli %arg1, %mul3A_22 : i32
    %mul3A_24 = arith.constant 632 : i32
    %mul3A_25 = arith.muli %arg1, %mul3A_24 : i32
    "tpu.region"() ({
      %run_scoped3A = tpu.sem_alloc : memref<!tpu.dma_semaphore, #tpu.memory_space<semaphore_mem>>
      %dma_start3A = arith.constant 0 : i32
      %dma_start3A_26 = tpu.memref_slice %arg5[%arg0, %mul3A_25, %dma_start3A] : memref<2x10112x128xf32, #tpu.memory_space<hbm>> -> memref<1x632x128xf32, #tpu.memory_space<hbm>>
      %dma_start3A_27 = tpu.memref_squeeze %dma_start3A_26 : memref<1x632x128xf32, #tpu.memory_space<hbm>> -> memref<632x128xf32, #tpu.memory_space<hbm>>
      %dma_start3A_28 = arith.constant 0 : i32
      %dma_start3A_29 = tpu.memref_slice %arg13[%mul3A_23, %dma_start3A_28] : memref<10112x128xf32, #tpu.memory_space<vmem_shared>> -> memref<632x128xf32, #tpu.memory_space<vmem_shared>>
      tpu.enqueue_dma source(%dma_start3A_29 : memref<632x128xf32, #tpu.memory_space<vmem_shared>>) target(%dma_start3A_27 : memref<632x128xf32, #tpu.memory_space<hbm>>) target_semaphore(%run_scoped3A : memref<!tpu.dma_semaphore, #tpu.memory_space<semaphore_mem>>)
      %dma_wait3A_30 = arith.constant 0 : i32
      %dma_wait3A_31 = tpu.memref_slice %arg5[%arg0, %mul3A_25, %dma_wait3A_30] : memref<2x10112x128xf32, #tpu.memory_space<hbm>> -> memref<1x632x128xf32, #tpu.memory_space<hbm>>
      %dma_wait3A_32 = tpu.memref_squeeze %dma_wait3A_31 : memref<1x632x128xf32, #tpu.memory_space<hbm>> -> memref<632x128xf32, #tpu.memory_space<hbm>>
      %dma_wait3A_33 = arith.constant 0 : i32
      %dma_wait3A_34 = tpu.memref_slice %arg13[%mul3A_23, %dma_wait3A_33] : memref<10112x128xf32, #tpu.memory_space<vmem_shared>> -> memref<632x128xf32, #tpu.memory_space<vmem_shared>>
      tpu.wait_dma2 semaphore(%run_scoped3A : memref<!tpu.dma_semaphore, #tpu.memory_space<semaphore_mem>>) src(%dma_wait3A_34 : memref<632x128xf32, #tpu.memory_space<vmem_shared>>) dst(%dma_wait3A_32 : memref<632x128xf32, #tpu.memory_space<hbm>>)
      tpu.yield
    }) : () -> ()
    return
  }
}

#map = affine_map<(d0, d1) -> (0, 0)>
#map1 = affine_map<(d0, d1) -> (0, 0, 0)>
module attributes {stable_mosaic.version = 14 : i64} {
  func.func @scatter_kernel(%arg0: i32, %arg1: i32, %arg2: memref<86016x128xf32, #tpu.memory_space<hbm>>, %arg3: memref<32x28x96xi32, #tpu.memory_space<hbm>>, %arg4: memref<10112x128xf32, #tpu.memory_space<hbm>>, %arg5: memref<2x10112x128xf32, #tpu.memory_space<hbm>>, %arg6: memref<28x96xi32, #tpu.memory_space<vmem>>, %arg7: memref<96x128xf32, #tpu.memory_space<vmem>>, %arg8: memref<96x128xf32, #tpu.memory_space<vmem>>, %arg9: memref<!tpu.dma_semaphore, #tpu.memory_space<semaphore_mem>>, %arg10: memref<!tpu.dma_semaphore, #tpu.memory_space<semaphore_mem>>, %arg11: memref<!tpu.dma_semaphore, #tpu.memory_space<semaphore_mem>>, %arg12: memref<!tpu.dma_semaphore, #tpu.memory_space<semaphore_mem>>, %arg13: memref<10112x128xf32, #tpu.memory_space<vmem_shared>>) attributes {dimension_semantics = [#tpu.dimension_semantics<core_parallel>, #tpu.dimension_semantics<subcore_parallel>], iteration_bounds = array<i64: 2, 16>, scalar_prefetch = 0 : i64, scratch_operands = 8 : i64, tpu.core_type = #tpu.core_type<sc_vector_subcore>, window_params = [{transform_indices = #map}, {transform_indices = #map1}, {transform_indices = #map}, {transform_indices = #map1}]} {
    %mul3A = arith.constant 2 : i32
    %mul3A_0 = arith.muli %arg1, %mul3A : i32
    %add3A = arith.addi %mul3A_0, %arg0 : i32
    %mul3A_1 = arith.constant 632 : i32
    %mul3A_2 = arith.muli %arg1, %mul3A_1 : i32
    %mul3A_3 = arith.constant 632 : i32
    %mul3A_4 = arith.muli %arg1, %mul3A_3 : i32
    "tpu.region"() ({
      %run_scoped3A = tpu.sem_alloc : memref<!tpu.dma_semaphore, #tpu.memory_space<semaphore_mem>>
      %dma_start3A = arith.constant 0 : i32
      %dma_start3A_26 = tpu.memref_slice %arg13[%mul3A_4, %dma_start3A] : memref<10112x128xf32, #tpu.memory_space<vmem_shared>> -> memref<632x128xf32, #tpu.memory_space<vmem_shared>>
      %dma_start3A_27 = arith.constant 0 : i32
      %dma_start3A_28 = tpu.memref_slice %arg4[%mul3A_2, %dma_start3A_27] : memref<10112x128xf32, #tpu.memory_space<hbm>> -> memref<632x128xf32, #tpu.memory_space<hbm>>
      tpu.enqueue_dma source(%dma_start3A_28 : memref<632x128xf32, #tpu.memory_space<hbm>>) target(%dma_start3A_26 : memref<632x128xf32, #tpu.memory_space<vmem_shared>>) target_semaphore(%run_scoped3A : memref<!tpu.dma_semaphore, #tpu.memory_space<semaphore_mem>>)
      %dma_wait3A_29 = arith.constant 0 : i32
      %dma_wait3A_30 = tpu.memref_slice %arg13[%mul3A_4, %dma_wait3A_29] : memref<10112x128xf32, #tpu.memory_space<vmem_shared>> -> memref<632x128xf32, #tpu.memory_space<vmem_shared>>
      %dma_wait3A_31 = arith.constant 0 : i32
      %dma_wait3A_32 = tpu.memref_slice %arg4[%mul3A_2, %dma_wait3A_31] : memref<10112x128xf32, #tpu.memory_space<hbm>> -> memref<632x128xf32, #tpu.memory_space<hbm>>
      tpu.wait_dma2 semaphore(%run_scoped3A : memref<!tpu.dma_semaphore, #tpu.memory_space<semaphore_mem>>) src(%dma_wait3A_32 : memref<632x128xf32, #tpu.memory_space<hbm>>) dst(%dma_wait3A_30 : memref<632x128xf32, #tpu.memory_space<vmem_shared>>)
      tpu.yield
    }) : () -> ()
    "tpu.region"() ({
      %run_scoped3A = tpu.sem_alloc : memref<!tpu.dma_semaphore, #tpu.memory_space<semaphore_mem>>
      %dma_start3A = arith.constant 0 : i32
      %dma_start3A_26 = arith.constant 0 : i32
      %dma_start3A_27 = tpu.memref_slice %arg3[%add3A, %dma_start3A, %dma_start3A_26] : memref<32x28x96xi32, #tpu.memory_space<hbm>> -> memref<1x28x96xi32, #tpu.memory_space<hbm>>
      %dma_start3A_28 = tpu.memref_squeeze %dma_start3A_27 : memref<1x28x96xi32, #tpu.memory_space<hbm>> -> memref<28x96xi32, #tpu.memory_space<hbm>>
      %dma_start3A_29 = arith.constant 0 : i32
      %dma_start3A_30 = arith.constant 0 : i32
      %dma_start3A_31 = tpu.memref_slice %arg3[%add3A, %dma_start3A_29, %dma_start3A_30] : memref<32x28x96xi32, #tpu.memory_space<hbm>> -> memref<1x28x96xi32, #tpu.memory_space<hbm>>
      %dma_start3A_32 = tpu.memref_squeeze %dma_start3A_31 : memref<1x28x96xi32, #tpu.memory_space<hbm>> -> memref<28x96xi32, #tpu.memory_space<hbm>>
      tpu.enqueue_dma source(%dma_start3A_32 : memref<28x96xi32, #tpu.memory_space<hbm>>) target(%arg6 : memref<28x96xi32, #tpu.memory_space<vmem>>) target_semaphore(%run_scoped3A : memref<!tpu.dma_semaphore, #tpu.memory_space<semaphore_mem>>)
      %dma_wait3A_33 = arith.constant 0 : i32
      %dma_wait3A_34 = arith.constant 0 : i32
      %dma_wait3A_35 = tpu.memref_slice %arg3[%add3A, %dma_wait3A_33, %dma_wait3A_34] : memref<32x28x96xi32, #tpu.memory_space<hbm>> -> memref<1x28x96xi32, #tpu.memory_space<hbm>>
      %dma_wait3A_36 = tpu.memref_squeeze %dma_wait3A_35 : memref<1x28x96xi32, #tpu.memory_space<hbm>> -> memref<28x96xi32, #tpu.memory_space<hbm>>
      %dma_wait3A_37 = arith.constant 0 : i32
      %dma_wait3A_38 = arith.constant 0 : i32
      %dma_wait3A_39 = tpu.memref_slice %arg3[%add3A, %dma_wait3A_37, %dma_wait3A_38] : memref<32x28x96xi32, #tpu.memory_space<hbm>> -> memref<1x28x96xi32, #tpu.memory_space<hbm>>
      %dma_wait3A_40 = tpu.memref_squeeze %dma_wait3A_39 : memref<1x28x96xi32, #tpu.memory_space<hbm>> -> memref<28x96xi32, #tpu.memory_space<hbm>>
      tpu.wait_dma2 semaphore(%run_scoped3A : memref<!tpu.dma_semaphore, #tpu.memory_space<semaphore_mem>>) src(%dma_wait3A_40 : memref<28x96xi32, #tpu.memory_space<hbm>>) dst(%arg6 : memref<28x96xi32, #tpu.memory_space<vmem>>)
      tpu.yield
    }) : () -> ()
    %barrier3A = arith.constant 0 : index
    tpu.barrier barrier_id(%barrier3A)
    %scan3A = arith.constant 0 : i32
    %scan3A_5 = arith.constant 0 : i32
    %scan3A_6 = arith.constant 14 : i32
    %scan3A_7 = arith.addi %scan3A_5, %scan3A_6 : i32
    %scan3A_8 = arith.constant 1 : i32
    scf.for %scan3A_26 = %scan3A_5 to %scan3A_7 step %scan3A_8  : i32 {
      %mul3A_27 = arith.constant 2 : i32
      %mul3A_28 = arith.muli %scan3A_26, %mul3A_27 : i32
      %add3A_29 = arith.constant 0 : i32
      %add3A_30 = arith.addi %mul3A_28, %add3A_29 : i32
      %gt3A = arith.constant 0 : i32
      %gt3A_31 = arith.cmpi sgt, %scan3A_26, %gt3A : i32
      %convert_element_type3A = arith.extui %gt3A_31 : i1 to i32
      %cond3A = arith.constant 0 : i32
      %cond3A_32 = arith.cmpi ne, %convert_element_type3A, %cond3A : i32
      scf.if %cond3A_32 {
        %dma_wait3A_91 = arith.constant 0 : i32
        %dma_wait3A_92 = arith.constant 0 : i32
        %dma_wait3A_93 = tpu.memref_slice %arg2[%dma_wait3A_91, %dma_wait3A_92] : memref<86016x128xf32, #tpu.memory_space<hbm>> -> memref<96x128xf32, #tpu.memory_space<hbm>>
        %dma_wait3A_94 = arith.constant 0 : i32
        %dma_wait3A_95 = arith.constant 0 : i32
        %dma_wait3A_96 = tpu.memref_slice %arg2[%dma_wait3A_94, %dma_wait3A_95] : memref<86016x128xf32, #tpu.memory_space<hbm>> -> memref<96x128xf32, #tpu.memory_space<hbm>>
        tpu.wait_dma2 semaphore(%arg11 : memref<!tpu.dma_semaphore, #tpu.memory_space<semaphore_mem>>) src(%dma_wait3A_96 : memref<96x128xf32, #tpu.memory_space<hbm>>) dst(%arg7 : memref<96x128xf32, #tpu.memory_space<vmem>>)
      } else {
      }
      %mul3A_33 = arith.constant 2688 : i32
      %mul3A_34 = arith.muli %add3A, %mul3A_33 : i32
      %mul3A_35 = arith.constant 96 : i32
      %mul3A_36 = arith.muli %add3A_30, %mul3A_35 : i32
      %add3A_37 = arith.addi %mul3A_34, %mul3A_36 : i32
      %dma_start3A = arith.constant 0 : i32
      %dma_start3A_38 = tpu.memref_slice %arg2[%add3A_37, %dma_start3A] : memref<86016x128xf32, #tpu.memory_space<hbm>> -> memref<96x128xf32, #tpu.memory_space<hbm>>
      %dma_start3A_39 = arith.constant 0 : i32
      %dma_start3A_40 = tpu.memref_slice %arg2[%add3A_37, %dma_start3A_39] : memref<86016x128xf32, #tpu.memory_space<hbm>> -> memref<96x128xf32, #tpu.memory_space<hbm>>
      tpu.enqueue_dma source(%dma_start3A_40 : memref<96x128xf32, #tpu.memory_space<hbm>>) target(%arg7 : memref<96x128xf32, #tpu.memory_space<vmem>>) target_semaphore(%arg9 : memref<!tpu.dma_semaphore, #tpu.memory_space<semaphore_mem>>)
      %mul3A_41 = arith.constant 2 : i32
      %mul3A_42 = arith.muli %scan3A_26, %mul3A_41 : i32
      %add3A_43 = arith.constant 1 : i32
      %add3A_44 = arith.addi %mul3A_42, %add3A_43 : i32
      %gt3A_45 = arith.constant 0 : i32
      %gt3A_46 = arith.cmpi sgt, %scan3A_26, %gt3A_45 : i32
      %convert_element_type3A_47 = arith.extui %gt3A_46 : i1 to i32
      %cond3A_48 = arith.constant 0 : i32
      %cond3A_49 = arith.cmpi ne, %convert_element_type3A_47, %cond3A_48 : i32
      scf.if %cond3A_49 {
        %dma_wait3A_91 = arith.constant 0 : i32
        %dma_wait3A_92 = arith.constant 0 : i32
        %dma_wait3A_93 = tpu.memref_slice %arg2[%dma_wait3A_91, %dma_wait3A_92] : memref<86016x128xf32, #tpu.memory_space<hbm>> -> memref<96x128xf32, #tpu.memory_space<hbm>>
        %dma_wait3A_94 = arith.constant 0 : i32
        %dma_wait3A_95 = arith.constant 0 : i32
        %dma_wait3A_96 = tpu.memref_slice %arg2[%dma_wait3A_94, %dma_wait3A_95] : memref<86016x128xf32, #tpu.memory_space<hbm>> -> memref<96x128xf32, #tpu.memory_space<hbm>>
        tpu.wait_dma2 semaphore(%arg12 : memref<!tpu.dma_semaphore, #tpu.memory_space<semaphore_mem>>) src(%dma_wait3A_96 : memref<96x128xf32, #tpu.memory_space<hbm>>) dst(%arg8 : memref<96x128xf32, #tpu.memory_space<vmem>>)
      } else {
      }
      %mul3A_50 = arith.constant 2688 : i32
      %mul3A_51 = arith.muli %add3A, %mul3A_50 : i32
      %mul3A_52 = arith.constant 96 : i32
      %mul3A_53 = arith.muli %add3A_44, %mul3A_52 : i32
      %add3A_54 = arith.addi %mul3A_51, %mul3A_53 : i32
      %dma_start3A_55 = arith.constant 0 : i32
      %dma_start3A_56 = tpu.memref_slice %arg2[%add3A_54, %dma_start3A_55] : memref<86016x128xf32, #tpu.memory_space<hbm>> -> memref<96x128xf32, #tpu.memory_space<hbm>>
      %dma_start3A_57 = arith.constant 0 : i32
      %dma_start3A_58 = tpu.memref_slice %arg2[%add3A_54, %dma_start3A_57] : memref<86016x128xf32, #tpu.memory_space<hbm>> -> memref<96x128xf32, #tpu.memory_space<hbm>>
      tpu.enqueue_dma source(%dma_start3A_58 : memref<96x128xf32, #tpu.memory_space<hbm>>) target(%arg8 : memref<96x128xf32, #tpu.memory_space<vmem>>) target_semaphore(%arg10 : memref<!tpu.dma_semaphore, #tpu.memory_space<semaphore_mem>>)
      %mul3A_59 = arith.constant 2 : i32
      %mul3A_60 = arith.muli %scan3A_26, %mul3A_59 : i32
      %add3A_61 = arith.constant 0 : i32
      %add3A_62 = arith.addi %mul3A_60, %add3A_61 : i32
      %dma_wait3A_63 = arith.constant 0 : i32
      %dma_wait3A_64 = arith.constant 0 : i32
      %dma_wait3A_65 = tpu.memref_slice %arg2[%dma_wait3A_63, %dma_wait3A_64] : memref<86016x128xf32, #tpu.memory_space<hbm>> -> memref<96x128xf32, #tpu.memory_space<hbm>>
      %dma_wait3A_66 = arith.constant 0 : i32
      %dma_wait3A_67 = arith.constant 0 : i32
      %dma_wait3A_68 = tpu.memref_slice %arg2[%dma_wait3A_66, %dma_wait3A_67] : memref<86016x128xf32, #tpu.memory_space<hbm>> -> memref<96x128xf32, #tpu.memory_space<hbm>>
      tpu.wait_dma2 semaphore(%arg9 : memref<!tpu.dma_semaphore, #tpu.memory_space<semaphore_mem>>) src(%dma_wait3A_68 : memref<96x128xf32, #tpu.memory_space<hbm>>) dst(%arg7 : memref<96x128xf32, #tpu.memory_space<vmem>>)
      %dma_start3A_69 = arith.constant 0 : i32
      %dma_start3A_70 = tpu.memref_slice %arg6[%add3A_62, %dma_start3A_69] : memref<28x96xi32, #tpu.memory_space<vmem>> -> memref<1x96xi32, #tpu.memory_space<vmem>>
      %dma_start3A_71 = tpu.memref_squeeze %dma_start3A_70 : memref<1x96xi32, #tpu.memory_space<vmem>> -> memref<96xi32, #tpu.memory_space<vmem>>
      %dma_start3A_72 = arith.constant 0 : i32
      %dma_start3A_73 = arith.constant 0 : i32
      %dma_start3A_74 = tpu.memref_slice %arg13[%dma_start3A_72, %dma_start3A_73] : memref<10112x128xf32, #tpu.memory_space<vmem_shared>> -> memref<10112x128xf32, #tpu.memory_space<vmem_shared>>
      tpu.enqueue_indirect_dma source(%arg7 : memref<96x128xf32, #tpu.memory_space<vmem>>) target(%dma_start3A_74 : memref<10112x128xf32, #tpu.memory_space<vmem_shared>>) offsets(%dma_start3A_71 : memref<96xi32, #tpu.memory_space<vmem>>) semaphore(%arg11 : memref<!tpu.dma_semaphore, #tpu.memory_space<semaphore_mem>>) {add = true}
      %mul3A_75 = arith.constant 2 : i32
      %mul3A_76 = arith.muli %scan3A_26, %mul3A_75 : i32
      %add3A_77 = arith.constant 1 : i32
      %add3A_78 = arith.addi %mul3A_76, %add3A_77 : i32
      %dma_wait3A_79 = arith.constant 0 : i32
      %dma_wait3A_80 = arith.constant 0 : i32
      %dma_wait3A_81 = tpu.memref_slice %arg2[%dma_wait3A_79, %dma_wait3A_80] : memref<86016x128xf32, #tpu.memory_space<hbm>> -> memref<96x128xf32, #tpu.memory_space<hbm>>
      %dma_wait3A_82 = arith.constant 0 : i32
      %dma_wait3A_83 = arith.constant 0 : i32
      %dma_wait3A_84 = tpu.memref_slice %arg2[%dma_wait3A_82, %dma_wait3A_83] : memref<86016x128xf32, #tpu.memory_space<hbm>> -> memref<96x128xf32, #tpu.memory_space<hbm>>
      tpu.wait_dma2 semaphore(%arg10 : memref<!tpu.dma_semaphore, #tpu.memory_space<semaphore_mem>>) src(%dma_wait3A_84 : memref<96x128xf32, #tpu.memory_space<hbm>>) dst(%arg8 : memref<96x128xf32, #tpu.memory_space<vmem>>)
      %dma_start3A_85 = arith.constant 0 : i32
      %dma_start3A_86 = tpu.memref_slice %arg6[%add3A_78, %dma_start3A_85] : memref<28x96xi32, #tpu.memory_space<vmem>> -> memref<1x96xi32, #tpu.memory_space<vmem>>
      %dma_start3A_87 = tpu.memref_squeeze %dma_start3A_86 : memref<1x96xi32, #tpu.memory_space<vmem>> -> memref<96xi32, #tpu.memory_space<vmem>>
      %dma_start3A_88 = arith.constant 0 : i32
      %dma_start3A_89 = arith.constant 0 : i32
      %dma_start3A_90 = tpu.memref_slice %arg13[%dma_start3A_88, %dma_start3A_89] : memref<10112x128xf32, #tpu.memory_space<vmem_shared>> -> memref<10112x128xf32, #tpu.memory_space<vmem_shared>>
      tpu.enqueue_indirect_dma source(%arg8 : memref<96x128xf32, #tpu.memory_space<vmem>>) target(%dma_start3A_90 : memref<10112x128xf32, #tpu.memory_space<vmem_shared>>) offsets(%dma_start3A_87 : memref<96xi32, #tpu.memory_space<vmem>>) semaphore(%arg12 : memref<!tpu.dma_semaphore, #tpu.memory_space<semaphore_mem>>) {add = true}
    }
    %scan3A_9 = arith.constant 14 : i32
    %dma_wait3A = arith.constant 0 : i32
    %dma_wait3A_10 = arith.constant 0 : i32
    %dma_wait3A_11 = tpu.memref_slice %arg2[%dma_wait3A, %dma_wait3A_10] : memref<86016x128xf32, #tpu.memory_space<hbm>> -> memref<96x128xf32, #tpu.memory_space<hbm>>
    %dma_wait3A_12 = arith.constant 0 : i32
    %dma_wait3A_13 = arith.constant 0 : i32
    %dma_wait3A_14 = tpu.memref_slice %arg2[%dma_wait3A_12, %dma_wait3A_13] : memref<86016x128xf32, #tpu.memory_space<hbm>> -> memref<96x128xf32, #tpu.memory_space<hbm>>
    tpu.wait_dma2 semaphore(%arg11 : memref<!tpu.dma_semaphore, #tpu.memory_space<semaphore_mem>>) src(%dma_wait3A_14 : memref<96x128xf32, #tpu.memory_space<hbm>>) dst(%arg7 : memref<96x128xf32, #tpu.memory_space<vmem>>)
    %dma_wait3A_15 = arith.constant 0 : i32
    %dma_wait3A_16 = arith.constant 0 : i32
    %dma_wait3A_17 = tpu.memref_slice %arg2[%dma_wait3A_15, %dma_wait3A_16] : memref<86016x128xf32, #tpu.memory_space<hbm>> -> memref<96x128xf32, #tpu.memory_space<hbm>>
    %dma_wait3A_18 = arith.constant 0 : i32
    %dma_wait3A_19 = arith.constant 0 : i32
    %dma_wait3A_20 = tpu.memref_slice %arg2[%dma_wait3A_18, %dma_wait3A_19] : memref<86016x128xf32, #tpu.memory_space<hbm>> -> memref<96x128xf32, #tpu.memory_space<hbm>>
    tpu.wait_dma2 semaphore(%arg12 : memref<!tpu.dma_semaphore, #tpu.memory_space<semaphore_mem>>) src(%dma_wait3A_20 : memref<96x128xf32, #tpu.memory_space<hbm>>) dst(%arg8 : memref<96x128xf32, #tpu.memory_space<vmem>>)
    %barrier3A_21 = arith.constant 0 : index
    tpu.barrier barrier_id(%barrier3A_21)
    %mul3A_22 = arith.constant 632 : i32
    %mul3A_23 = arith.muli %arg1, %mul3A_22 : i32
    %mul3A_24 = arith.constant 632 : i32
    %mul3A_25 = arith.muli %arg1, %mul3A_24 : i32
    "tpu.region"() ({
      %run_scoped3A = tpu.sem_alloc : memref<!tpu.dma_semaphore, #tpu.memory_space<semaphore_mem>>
      %dma_start3A = arith.constant 0 : i32
      %dma_start3A_26 = tpu.memref_slice %arg5[%arg0, %mul3A_25, %dma_start3A] : memref<2x10112x128xf32, #tpu.memory_space<hbm>> -> memref<1x632x128xf32, #tpu.memory_space<hbm>>
      %dma_start3A_27 = tpu.memref_squeeze %dma_start3A_26 : memref<1x632x128xf32, #tpu.memory_space<hbm>> -> memref<632x128xf32, #tpu.memory_space<hbm>>
      %dma_start3A_28 = arith.constant 0 : i32
      %dma_start3A_29 = tpu.memref_slice %arg13[%mul3A_23, %dma_start3A_28] : memref<10112x128xf32, #tpu.memory_space<vmem_shared>> -> memref<632x128xf32, #tpu.memory_space<vmem_shared>>
      tpu.enqueue_dma source(%dma_start3A_29 : memref<632x128xf32, #tpu.memory_space<vmem_shared>>) target(%dma_start3A_27 : memref<632x128xf32, #tpu.memory_space<hbm>>) target_semaphore(%run_scoped3A : memref<!tpu.dma_semaphore, #tpu.memory_space<semaphore_mem>>)
      %dma_wait3A_30 = arith.constant 0 : i32
      %dma_wait3A_31 = tpu.memref_slice %arg5[%arg0, %mul3A_25, %dma_wait3A_30] : memref<2x10112x128xf32, #tpu.memory_space<hbm>> -> memref<1x632x128xf32, #tpu.memory_space<hbm>>
      %dma_wait3A_32 = tpu.memref_squeeze %dma_wait3A_31 : memref<1x632x128xf32, #tpu.memory_space<hbm>> -> memref<632x128xf32, #tpu.memory_space<hbm>>
      %dma_wait3A_33 = arith.constant 0 : i32
      %dma_wait3A_34 = tpu.memref_slice %arg13[%mul3A_23, %dma_wait3A_33] : memref<10112x128xf32, #tpu.memory_space<vmem_shared>> -> memref<632x128xf32, #tpu.memory_space<vmem_shared>>
      tpu.wait_dma2 semaphore(%run_scoped3A : memref<!tpu.dma_semaphore, #tpu.memory_space<semaphore_mem>>) src(%dma_wait3A_34 : memref<632x128xf32, #tpu.memory_space<vmem_shared>>) dst(%dma_wait3A_32 : memref<632x128xf32, #tpu.memory_space<hbm>>)
      tpu.yield
    }) : () -> ()
    return
  }
}

#map = affine_map<(d0, d1) -> (0, 0)>
#map1 = affine_map<(d0, d1) -> (0)>
module attributes {stable_mosaic.version = 14 : i64} {
  func.func @gather_kernel(%arg0: i32, %arg1: i32, %arg2: memref<10112x128xi32, #tpu.memory_space<hbm>>, %arg3: memref<10112x128xi32, #tpu.memory_space<hbm>>, %arg4: memref<86016xi32, #tpu.memory_space<hbm>>, %arg5: memref<86016xi32, #tpu.memory_space<hbm>>, %arg6: memref<86016x128xi32, #tpu.memory_space<hbm>>, %arg7: memref<86016x128xi32, #tpu.memory_space<hbm>>, %arg8: memref<5376xi32, #tpu.memory_space<vmem>>, %arg9: memref<128x128xi32, #tpu.memory_space<vmem>>, %arg10: memref<128x128xi32, #tpu.memory_space<vmem>>, %arg11: memref<!tpu.dma_semaphore, #tpu.memory_space<semaphore_mem>>, %arg12: memref<!tpu.dma_semaphore, #tpu.memory_space<semaphore_mem>>, %arg13: memref<!tpu.dma_semaphore, #tpu.memory_space<semaphore_mem>>, %arg14: memref<!tpu.dma_semaphore, #tpu.memory_space<semaphore_mem>>, %arg15: memref<10112x128xi32, #tpu.memory_space<vmem_shared>>) attributes {dimension_semantics = [#tpu.dimension_semantics<core_parallel>, #tpu.dimension_semantics<subcore_parallel>], iteration_bounds = array<i64: 2, 16>, scalar_prefetch = 0 : i64, scratch_operands = 8 : i64, tpu.core_type = #tpu.core_type<sc_vector_subcore>, window_params = [{transform_indices = #map}, {transform_indices = #map}, {transform_indices = #map1}, {transform_indices = #map1}, {transform_indices = #map}, {transform_indices = #map}]} {
    %mul3A = arith.constant 5376 : i32
    %mul3A_0 = arith.muli %arg1, %mul3A : i32
    %eq3A = arith.constant 0 : i32
    %eq3A_1 = arith.cmpi eq, %arg0, %eq3A : i32
    %convert_element_type3A = arith.extui %eq3A_1 : i1 to i32
    %cond3A = arith.constant 0 : i32
    %cond3A_2 = arith.cmpi ne, %convert_element_type3A, %cond3A : i32
    scf.if %cond3A_2 {
      %mul3A_8 = arith.constant 632 : i32
      %mul3A_9 = arith.muli %arg1, %mul3A_8 : i32
      %mul3A_10 = arith.constant 632 : i32
      %mul3A_11 = arith.muli %arg1, %mul3A_10 : i32
      "tpu.region"() ({
        %run_scoped3A = tpu.sem_alloc : memref<!tpu.dma_semaphore, #tpu.memory_space<semaphore_mem>>
        %dma_start3A = arith.constant 0 : i32
        %dma_start3A_28 = tpu.memref_slice %arg15[%mul3A_11, %dma_start3A] : memref<10112x128xi32, #tpu.memory_space<vmem_shared>> -> memref<632x128xi32, #tpu.memory_space<vmem_shared>>
        %dma_start3A_29 = arith.constant 0 : i32
        %dma_start3A_30 = tpu.memref_slice %arg2[%mul3A_9, %dma_start3A_29] : memref<10112x128xi32, #tpu.memory_space<hbm>> -> memref<632x128xi32, #tpu.memory_space<hbm>>
        tpu.enqueue_dma source(%dma_start3A_30 : memref<632x128xi32, #tpu.memory_space<hbm>>) target(%dma_start3A_28 : memref<632x128xi32, #tpu.memory_space<vmem_shared>>) target_semaphore(%run_scoped3A : memref<!tpu.dma_semaphore, #tpu.memory_space<semaphore_mem>>)
        %dma_wait3A_31 = arith.constant 0 : i32
        %dma_wait3A_32 = tpu.memref_slice %arg15[%mul3A_11, %dma_wait3A_31] : memref<10112x128xi32, #tpu.memory_space<vmem_shared>> -> memref<632x128xi32, #tpu.memory_space<vmem_shared>>
        %dma_wait3A_33 = arith.constant 0 : i32
        %dma_wait3A_34 = tpu.memref_slice %arg2[%mul3A_9, %dma_wait3A_33] : memref<10112x128xi32, #tpu.memory_space<hbm>> -> memref<632x128xi32, #tpu.memory_space<hbm>>
        tpu.wait_dma2 semaphore(%run_scoped3A : memref<!tpu.dma_semaphore, #tpu.memory_space<semaphore_mem>>) src(%dma_wait3A_34 : memref<632x128xi32, #tpu.memory_space<hbm>>) dst(%dma_wait3A_32 : memref<632x128xi32, #tpu.memory_space<vmem_shared>>)
        tpu.yield
      }) : () -> ()
      "tpu.region"() ({
        %run_scoped3A = tpu.sem_alloc : memref<!tpu.dma_semaphore, #tpu.memory_space<semaphore_mem>>
        %dma_start3A = tpu.memref_slice %arg4[%mul3A_0] : memref<86016xi32, #tpu.memory_space<hbm>> -> memref<5376xi32, #tpu.memory_space<hbm>>
        %dma_start3A_28 = tpu.memref_slice %arg4[%mul3A_0] : memref<86016xi32, #tpu.memory_space<hbm>> -> memref<5376xi32, #tpu.memory_space<hbm>>
        tpu.enqueue_dma source(%dma_start3A_28 : memref<5376xi32, #tpu.memory_space<hbm>>) target(%arg8 : memref<5376xi32, #tpu.memory_space<vmem>>) target_semaphore(%run_scoped3A : memref<!tpu.dma_semaphore, #tpu.memory_space<semaphore_mem>>)
        %dma_wait3A_29 = tpu.memref_slice %arg4[%mul3A_0] : memref<86016xi32, #tpu.memory_space<hbm>> -> memref<5376xi32, #tpu.memory_space<hbm>>
        %dma_wait3A_30 = tpu.memref_slice %arg4[%mul3A_0] : memref<86016xi32, #tpu.memory_space<hbm>> -> memref<5376xi32, #tpu.memory_space<hbm>>
        tpu.wait_dma2 semaphore(%run_scoped3A : memref<!tpu.dma_semaphore, #tpu.memory_space<semaphore_mem>>) src(%dma_wait3A_30 : memref<5376xi32, #tpu.memory_space<hbm>>) dst(%arg8 : memref<5376xi32, #tpu.memory_space<vmem>>)
        tpu.yield
      }) : () -> ()
      %barrier3A = arith.constant 0 : index
      tpu.barrier barrier_id(%barrier3A)
      %scan3A = arith.constant 0 : i32
      %scan3A_12 = arith.constant 0 : i32
      %scan3A_13 = arith.constant 21 : i32
      %scan3A_14 = arith.addi %scan3A_12, %scan3A_13 : i32
      %scan3A_15 = arith.constant 1 : i32
      scf.for %scan3A_28 = %scan3A_12 to %scan3A_14 step %scan3A_15  : i32 {
        %mul3A_29 = arith.constant 2 : i32
        %mul3A_30 = arith.muli %scan3A_28, %mul3A_29 : i32
        %add3A = arith.constant 0 : i32
        %add3A_31 = arith.addi %mul3A_30, %add3A : i32
        %gt3A = arith.constant 0 : i32
        %gt3A_32 = arith.cmpi sgt, %scan3A_28, %gt3A : i32
        %convert_element_type3A_33 = arith.extui %gt3A_32 : i1 to i32
        %cond3A_34 = arith.constant 0 : i32
        %cond3A_35 = arith.cmpi ne, %convert_element_type3A_33, %cond3A_34 : i32
        scf.if %cond3A_35 {
          %dma_wait3A_90 = arith.constant 0 : i32
          %dma_wait3A_91 = arith.constant 0 : i32
          %dma_wait3A_92 = tpu.memref_slice %arg6[%dma_wait3A_90, %dma_wait3A_91] : memref<86016x128xi32, #tpu.memory_space<hbm>> -> memref<128x128xi32, #tpu.memory_space<hbm>>
          %dma_wait3A_93 = arith.constant 0 : i32
          %dma_wait3A_94 = arith.constant 0 : i32
          %dma_wait3A_95 = tpu.memref_slice %arg6[%dma_wait3A_93, %dma_wait3A_94] : memref<86016x128xi32, #tpu.memory_space<hbm>> -> memref<128x128xi32, #tpu.memory_space<hbm>>
          tpu.wait_dma2 semaphore(%arg13 : memref<!tpu.dma_semaphore, #tpu.memory_space<semaphore_mem>>) src(%dma_wait3A_95 : memref<128x128xi32, #tpu.memory_space<hbm>>) dst(%arg9 : memref<128x128xi32, #tpu.memory_space<vmem>>)
        } else {
        }
        %mul3A_36 = arith.constant 128 : i32
        %mul3A_37 = arith.muli %add3A_31, %mul3A_36 : i32
        %dma_start3A = tpu.memref_slice %arg8[%mul3A_37] : memref<5376xi32, #tpu.memory_space<vmem>> -> memref<128xi32, #tpu.memory_space<vmem>>
        %dma_start3A_38 = arith.constant 0 : i32
        %dma_start3A_39 = arith.constant 0 : i32
        %dma_start3A_40 = tpu.memref_slice %arg15[%dma_start3A_38, %dma_start3A_39] : memref<10112x128xi32, #tpu.memory_space<vmem_shared>> -> memref<10112x128xi32, #tpu.memory_space<vmem_shared>>
        tpu.enqueue_indirect_dma source(%dma_start3A_40 : memref<10112x128xi32, #tpu.memory_space<vmem_shared>>) target(%arg9 : memref<128x128xi32, #tpu.memory_space<vmem>>) offsets(%dma_start3A : memref<128xi32, #tpu.memory_space<vmem>>) semaphore(%arg11 : memref<!tpu.dma_semaphore, #tpu.memory_space<semaphore_mem>>)
        %mul3A_41 = arith.constant 2 : i32
        %mul3A_42 = arith.muli %scan3A_28, %mul3A_41 : i32
        %add3A_43 = arith.constant 1 : i32
        %add3A_44 = arith.addi %mul3A_42, %add3A_43 : i32
        %gt3A_45 = arith.constant 0 : i32
        %gt3A_46 = arith.cmpi sgt, %scan3A_28, %gt3A_45 : i32
        %convert_element_type3A_47 = arith.extui %gt3A_46 : i1 to i32
        %cond3A_48 = arith.constant 0 : i32
        %cond3A_49 = arith.cmpi ne, %convert_element_type3A_47, %cond3A_48 : i32
        scf.if %cond3A_49 {
          %dma_wait3A_90 = arith.constant 0 : i32
          %dma_wait3A_91 = arith.constant 0 : i32
          %dma_wait3A_92 = tpu.memref_slice %arg6[%dma_wait3A_90, %dma_wait3A_91] : memref<86016x128xi32, #tpu.memory_space<hbm>> -> memref<128x128xi32, #tpu.memory_space<hbm>>
          %dma_wait3A_93 = arith.constant 0 : i32
          %dma_wait3A_94 = arith.constant 0 : i32
          %dma_wait3A_95 = tpu.memref_slice %arg6[%dma_wait3A_93, %dma_wait3A_94] : memref<86016x128xi32, #tpu.memory_space<hbm>> -> memref<128x128xi32, #tpu.memory_space<hbm>>
          tpu.wait_dma2 semaphore(%arg14 : memref<!tpu.dma_semaphore, #tpu.memory_space<semaphore_mem>>) src(%dma_wait3A_95 : memref<128x128xi32, #tpu.memory_space<hbm>>) dst(%arg10 : memref<128x128xi32, #tpu.memory_space<vmem>>)
        } else {
        }
        %mul3A_50 = arith.constant 128 : i32
        %mul3A_51 = arith.muli %add3A_44, %mul3A_50 : i32
        %dma_start3A_52 = tpu.memref_slice %arg8[%mul3A_51] : memref<5376xi32, #tpu.memory_space<vmem>> -> memref<128xi32, #tpu.memory_space<vmem>>
        %dma_start3A_53 = arith.constant 0 : i32
        %dma_start3A_54 = arith.constant 0 : i32
        %dma_start3A_55 = tpu.memref_slice %arg15[%dma_start3A_53, %dma_start3A_54] : memref<10112x128xi32, #tpu.memory_space<vmem_shared>> -> memref<10112x128xi32, #tpu.memory_space<vmem_shared>>
        tpu.enqueue_indirect_dma source(%dma_start3A_55 : memref<10112x128xi32, #tpu.memory_space<vmem_shared>>) target(%arg10 : memref<128x128xi32, #tpu.memory_space<vmem>>) offsets(%dma_start3A_52 : memref<128xi32, #tpu.memory_space<vmem>>) semaphore(%arg12 : memref<!tpu.dma_semaphore, #tpu.memory_space<semaphore_mem>>)
        %mul3A_56 = arith.constant 2 : i32
        %mul3A_57 = arith.muli %scan3A_28, %mul3A_56 : i32
        %add3A_58 = arith.constant 0 : i32
        %add3A_59 = arith.addi %mul3A_57, %add3A_58 : i32
        %dma_wait3A_60 = arith.constant 0 : i32
        %dma_wait3A_61 = arith.constant 0 : i32
        %dma_wait3A_62 = tpu.memref_slice %arg6[%dma_wait3A_60, %dma_wait3A_61] : memref<86016x128xi32, #tpu.memory_space<hbm>> -> memref<128x128xi32, #tpu.memory_space<hbm>>
        %dma_wait3A_63 = arith.constant 0 : i32
        %dma_wait3A_64 = arith.constant 0 : i32
        %dma_wait3A_65 = tpu.memref_slice %arg6[%dma_wait3A_63, %dma_wait3A_64] : memref<86016x128xi32, #tpu.memory_space<hbm>> -> memref<128x128xi32, #tpu.memory_space<hbm>>
        tpu.wait_dma2 semaphore(%arg11 : memref<!tpu.dma_semaphore, #tpu.memory_space<semaphore_mem>>) src(%dma_wait3A_65 : memref<128x128xi32, #tpu.memory_space<hbm>>) dst(%arg9 : memref<128x128xi32, #tpu.memory_space<vmem>>)
        %mul3A_66 = arith.constant 128 : i32
        %mul3A_67 = arith.muli %add3A_59, %mul3A_66 : i32
        %add3A_68 = arith.addi %mul3A_0, %mul3A_67 : i32
        %dma_start3A_69 = arith.constant 0 : i32
        %dma_start3A_70 = tpu.memref_slice %arg6[%add3A_68, %dma_start3A_69] : memref<86016x128xi32, #tpu.memory_space<hbm>> -> memref<128x128xi32, #tpu.memory_space<hbm>>
        %dma_start3A_71 = arith.constant 0 : i32
        %dma_start3A_72 = tpu.memref_slice %arg6[%add3A_68, %dma_start3A_71] : memref<86016x128xi32, #tpu.memory_space<hbm>> -> memref<128x128xi32, #tpu.memory_space<hbm>>
        tpu.enqueue_dma source(%arg9 : memref<128x128xi32, #tpu.memory_space<vmem>>) target(%dma_start3A_72 : memref<128x128xi32, #tpu.memory_space<hbm>>) target_semaphore(%arg13 : memref<!tpu.dma_semaphore, #tpu.memory_space<semaphore_mem>>)
        %mul3A_73 = arith.constant 2 : i32
        %mul3A_74 = arith.muli %scan3A_28, %mul3A_73 : i32
        %add3A_75 = arith.constant 1 : i32
        %add3A_76 = arith.addi %mul3A_74, %add3A_75 : i32
        %dma_wait3A_77 = arith.constant 0 : i32
        %dma_wait3A_78 = arith.constant 0 : i32
        %dma_wait3A_79 = tpu.memref_slice %arg6[%dma_wait3A_77, %dma_wait3A_78] : memref<86016x128xi32, #tpu.memory_space<hbm>> -> memref<128x128xi32, #tpu.memory_space<hbm>>
        %dma_wait3A_80 = arith.constant 0 : i32
        %dma_wait3A_81 = arith.constant 0 : i32
        %dma_wait3A_82 = tpu.memref_slice %arg6[%dma_wait3A_80, %dma_wait3A_81] : memref<86016x128xi32, #tpu.memory_space<hbm>> -> memref<128x128xi32, #tpu.memory_space<hbm>>
        tpu.wait_dma2 semaphore(%arg12 : memref<!tpu.dma_semaphore, #tpu.memory_space<semaphore_mem>>) src(%dma_wait3A_82 : memref<128x128xi32, #tpu.memory_space<hbm>>) dst(%arg10 : memref<128x128xi32, #tpu.memory_space<vmem>>)
        %mul3A_83 = arith.constant 128 : i32
        %mul3A_84 = arith.muli %add3A_76, %mul3A_83 : i32
        %add3A_85 = arith.addi %mul3A_0, %mul3A_84 : i32
        %dma_start3A_86 = arith.constant 0 : i32
        %dma_start3A_87 = tpu.memref_slice %arg6[%add3A_85, %dma_start3A_86] : memref<86016x128xi32, #tpu.memory_space<hbm>> -> memref<128x128xi32, #tpu.memory_space<hbm>>
        %dma_start3A_88 = arith.constant 0 : i32
        %dma_start3A_89 = tpu.memref_slice %arg6[%add3A_85, %dma_start3A_88] : memref<86016x128xi32, #tpu.memory_space<hbm>> -> memref<128x128xi32, #tpu.memory_space<hbm>>
        tpu.enqueue_dma source(%arg10 : memref<128x128xi32, #tpu.memory_space<vmem>>) target(%dma_start3A_89 : memref<128x128xi32, #tpu.memory_space<hbm>>) target_semaphore(%arg14 : memref<!tpu.dma_semaphore, #tpu.memory_space<semaphore_mem>>)
      }
      %scan3A_16 = arith.constant 21 : i32
      %dma_wait3A = arith.constant 0 : i32
      %dma_wait3A_17 = arith.constant 0 : i32
      %dma_wait3A_18 = tpu.memref_slice %arg6[%dma_wait3A, %dma_wait3A_17] : memref<86016x128xi32, #tpu.memory_space<hbm>> -> memref<128x128xi32, #tpu.memory_space<hbm>>
      %dma_wait3A_19 = arith.constant 0 : i32
      %dma_wait3A_20 = arith.constant 0 : i32
      %dma_wait3A_21 = tpu.memref_slice %arg6[%dma_wait3A_19, %dma_wait3A_20] : memref<86016x128xi32, #tpu.memory_space<hbm>> -> memref<128x128xi32, #tpu.memory_space<hbm>>
      tpu.wait_dma2 semaphore(%arg13 : memref<!tpu.dma_semaphore, #tpu.memory_space<semaphore_mem>>) src(%dma_wait3A_21 : memref<128x128xi32, #tpu.memory_space<hbm>>) dst(%arg9 : memref<128x128xi32, #tpu.memory_space<vmem>>)
      %dma_wait3A_22 = arith.constant 0 : i32
      %dma_wait3A_23 = arith.constant 0 : i32
      %dma_wait3A_24 = tpu.memref_slice %arg6[%dma_wait3A_22, %dma_wait3A_23] : memref<86016x128xi32, #tpu.memory_space<hbm>> -> memref<128x128xi32, #tpu.memory_space<hbm>>
      %dma_wait3A_25 = arith.constant 0 : i32
      %dma_wait3A_26 = arith.constant 0 : i32
      %dma_wait3A_27 = tpu.memref_slice %arg6[%dma_wait3A_25, %dma_wait3A_26] : memref<86016x128xi32, #tpu.memory_space<hbm>> -> memref<128x128xi32, #tpu.memory_space<hbm>>
      tpu.wait_dma2 semaphore(%arg14 : memref<!tpu.dma_semaphore, #tpu.memory_space<semaphore_mem>>) src(%dma_wait3A_27 : memref<128x128xi32, #tpu.memory_space<hbm>>) dst(%arg10 : memref<128x128xi32, #tpu.memory_space<vmem>>)
    } else {
    }
    %eq3A_3 = arith.constant 1 : i32
    %eq3A_4 = arith.cmpi eq, %arg0, %eq3A_3 : i32
    %convert_element_type3A_5 = arith.extui %eq3A_4 : i1 to i32
    %cond3A_6 = arith.constant 0 : i32
    %cond3A_7 = arith.cmpi ne, %convert_element_type3A_5, %cond3A_6 : i32
    scf.if %cond3A_7 {
      %mul3A_8 = arith.constant 632 : i32
      %mul3A_9 = arith.muli %arg1, %mul3A_8 : i32
      %mul3A_10 = arith.constant 632 : i32
      %mul3A_11 = arith.muli %arg1, %mul3A_10 : i32
      "tpu.region"() ({
        %run_scoped3A = tpu.sem_alloc : memref<!tpu.dma_semaphore, #tpu.memory_space<semaphore_mem>>
        %dma_start3A = arith.constant 0 : i32
        %dma_start3A_28 = tpu.memref_slice %arg15[%mul3A_11, %dma_start3A] : memref<10112x128xi32, #tpu.memory_space<vmem_shared>> -> memref<632x128xi32, #tpu.memory_space<vmem_shared>>
        %dma_start3A_29 = arith.constant 0 : i32
        %dma_start3A_30 = tpu.memref_slice %arg3[%mul3A_9, %dma_start3A_29] : memref<10112x128xi32, #tpu.memory_space<hbm>> -> memref<632x128xi32, #tpu.memory_space<hbm>>
        tpu.enqueue_dma source(%dma_start3A_30 : memref<632x128xi32, #tpu.memory_space<hbm>>) target(%dma_start3A_28 : memref<632x128xi32, #tpu.memory_space<vmem_shared>>) target_semaphore(%run_scoped3A : memref<!tpu.dma_semaphore, #tpu.memory_space<semaphore_mem>>)
        %dma_wait3A_31 = arith.constant 0 : i32
        %dma_wait3A_32 = tpu.memref_slice %arg15[%mul3A_11, %dma_wait3A_31] : memref<10112x128xi32, #tpu.memory_space<vmem_shared>> -> memref<632x128xi32, #tpu.memory_space<vmem_shared>>
        %dma_wait3A_33 = arith.constant 0 : i32
        %dma_wait3A_34 = tpu.memref_slice %arg3[%mul3A_9, %dma_wait3A_33] : memref<10112x128xi32, #tpu.memory_space<hbm>> -> memref<632x128xi32, #tpu.memory_space<hbm>>
        tpu.wait_dma2 semaphore(%run_scoped3A : memref<!tpu.dma_semaphore, #tpu.memory_space<semaphore_mem>>) src(%dma_wait3A_34 : memref<632x128xi32, #tpu.memory_space<hbm>>) dst(%dma_wait3A_32 : memref<632x128xi32, #tpu.memory_space<vmem_shared>>)
        tpu.yield
      }) : () -> ()
      "tpu.region"() ({
        %run_scoped3A = tpu.sem_alloc : memref<!tpu.dma_semaphore, #tpu.memory_space<semaphore_mem>>
        %dma_start3A = tpu.memref_slice %arg5[%mul3A_0] : memref<86016xi32, #tpu.memory_space<hbm>> -> memref<5376xi32, #tpu.memory_space<hbm>>
        %dma_start3A_28 = tpu.memref_slice %arg5[%mul3A_0] : memref<86016xi32, #tpu.memory_space<hbm>> -> memref<5376xi32, #tpu.memory_space<hbm>>
        tpu.enqueue_dma source(%dma_start3A_28 : memref<5376xi32, #tpu.memory_space<hbm>>) target(%arg8 : memref<5376xi32, #tpu.memory_space<vmem>>) target_semaphore(%run_scoped3A : memref<!tpu.dma_semaphore, #tpu.memory_space<semaphore_mem>>)
        %dma_wait3A_29 = tpu.memref_slice %arg5[%mul3A_0] : memref<86016xi32, #tpu.memory_space<hbm>> -> memref<5376xi32, #tpu.memory_space<hbm>>
        %dma_wait3A_30 = tpu.memref_slice %arg5[%mul3A_0] : memref<86016xi32, #tpu.memory_space<hbm>> -> memref<5376xi32, #tpu.memory_space<hbm>>
        tpu.wait_dma2 semaphore(%run_scoped3A : memref<!tpu.dma_semaphore, #tpu.memory_space<semaphore_mem>>) src(%dma_wait3A_30 : memref<5376xi32, #tpu.memory_space<hbm>>) dst(%arg8 : memref<5376xi32, #tpu.memory_space<vmem>>)
        tpu.yield
      }) : () -> ()
      %barrier3A = arith.constant 0 : index
      tpu.barrier barrier_id(%barrier3A)
      %scan3A = arith.constant 0 : i32
      %scan3A_12 = arith.constant 0 : i32
      %scan3A_13 = arith.constant 21 : i32
      %scan3A_14 = arith.addi %scan3A_12, %scan3A_13 : i32
      %scan3A_15 = arith.constant 1 : i32
      scf.for %scan3A_28 = %scan3A_12 to %scan3A_14 step %scan3A_15  : i32 {
        %mul3A_29 = arith.constant 2 : i32
        %mul3A_30 = arith.muli %scan3A_28, %mul3A_29 : i32
        %add3A = arith.constant 0 : i32
        %add3A_31 = arith.addi %mul3A_30, %add3A : i32
        %gt3A = arith.constant 0 : i32
        %gt3A_32 = arith.cmpi sgt, %scan3A_28, %gt3A : i32
        %convert_element_type3A_33 = arith.extui %gt3A_32 : i1 to i32
        %cond3A_34 = arith.constant 0 : i32
        %cond3A_35 = arith.cmpi ne, %convert_element_type3A_33, %cond3A_34 : i32
        scf.if %cond3A_35 {
          %dma_wait3A_90 = arith.constant 0 : i32
          %dma_wait3A_91 = arith.constant 0 : i32
          %dma_wait3A_92 = tpu.memref_slice %arg7[%dma_wait3A_90, %dma_wait3A_91] : memref<86016x128xi32, #tpu.memory_space<hbm>> -> memref<128x128xi32, #tpu.memory_space<hbm>>
          %dma_wait3A_93 = arith.constant 0 : i32
          %dma_wait3A_94 = arith.constant 0 : i32
          %dma_wait3A_95 = tpu.memref_slice %arg7[%dma_wait3A_93, %dma_wait3A_94] : memref<86016x128xi32, #tpu.memory_space<hbm>> -> memref<128x128xi32, #tpu.memory_space<hbm>>
          tpu.wait_dma2 semaphore(%arg13 : memref<!tpu.dma_semaphore, #tpu.memory_space<semaphore_mem>>) src(%dma_wait3A_95 : memref<128x128xi32, #tpu.memory_space<hbm>>) dst(%arg9 : memref<128x128xi32, #tpu.memory_space<vmem>>)
        } else {
        }
        %mul3A_36 = arith.constant 128 : i32
        %mul3A_37 = arith.muli %add3A_31, %mul3A_36 : i32
        %dma_start3A = tpu.memref_slice %arg8[%mul3A_37] : memref<5376xi32, #tpu.memory_space<vmem>> -> memref<128xi32, #tpu.memory_space<vmem>>
        %dma_start3A_38 = arith.constant 0 : i32
        %dma_start3A_39 = arith.constant 0 : i32
        %dma_start3A_40 = tpu.memref_slice %arg15[%dma_start3A_38, %dma_start3A_39] : memref<10112x128xi32, #tpu.memory_space<vmem_shared>> -> memref<10112x128xi32, #tpu.memory_space<vmem_shared>>
        tpu.enqueue_indirect_dma source(%dma_start3A_40 : memref<10112x128xi32, #tpu.memory_space<vmem_shared>>) target(%arg9 : memref<128x128xi32, #tpu.memory_space<vmem>>) offsets(%dma_start3A : memref<128xi32, #tpu.memory_space<vmem>>) semaphore(%arg11 : memref<!tpu.dma_semaphore, #tpu.memory_space<semaphore_mem>>)
        %mul3A_41 = arith.constant 2 : i32
        %mul3A_42 = arith.muli %scan3A_28, %mul3A_41 : i32
        %add3A_43 = arith.constant 1 : i32
        %add3A_44 = arith.addi %mul3A_42, %add3A_43 : i32
        %gt3A_45 = arith.constant 0 : i32
        %gt3A_46 = arith.cmpi sgt, %scan3A_28, %gt3A_45 : i32
        %convert_element_type3A_47 = arith.extui %gt3A_46 : i1 to i32
        %cond3A_48 = arith.constant 0 : i32
        %cond3A_49 = arith.cmpi ne, %convert_element_type3A_47, %cond3A_48 : i32
        scf.if %cond3A_49 {
          %dma_wait3A_90 = arith.constant 0 : i32
          %dma_wait3A_91 = arith.constant 0 : i32
          %dma_wait3A_92 = tpu.memref_slice %arg7[%dma_wait3A_90, %dma_wait3A_91] : memref<86016x128xi32, #tpu.memory_space<hbm>> -> memref<128x128xi32, #tpu.memory_space<hbm>>
          %dma_wait3A_93 = arith.constant 0 : i32
          %dma_wait3A_94 = arith.constant 0 : i32
          %dma_wait3A_95 = tpu.memref_slice %arg7[%dma_wait3A_93, %dma_wait3A_94] : memref<86016x128xi32, #tpu.memory_space<hbm>> -> memref<128x128xi32, #tpu.memory_space<hbm>>
          tpu.wait_dma2 semaphore(%arg14 : memref<!tpu.dma_semaphore, #tpu.memory_space<semaphore_mem>>) src(%dma_wait3A_95 : memref<128x128xi32, #tpu.memory_space<hbm>>) dst(%arg10 : memref<128x128xi32, #tpu.memory_space<vmem>>)
        } else {
        }
        %mul3A_50 = arith.constant 128 : i32
        %mul3A_51 = arith.muli %add3A_44, %mul3A_50 : i32
        %dma_start3A_52 = tpu.memref_slice %arg8[%mul3A_51] : memref<5376xi32, #tpu.memory_space<vmem>> -> memref<128xi32, #tpu.memory_space<vmem>>
        %dma_start3A_53 = arith.constant 0 : i32
        %dma_start3A_54 = arith.constant 0 : i32
        %dma_start3A_55 = tpu.memref_slice %arg15[%dma_start3A_53, %dma_start3A_54] : memref<10112x128xi32, #tpu.memory_space<vmem_shared>> -> memref<10112x128xi32, #tpu.memory_space<vmem_shared>>
        tpu.enqueue_indirect_dma source(%dma_start3A_55 : memref<10112x128xi32, #tpu.memory_space<vmem_shared>>) target(%arg10 : memref<128x128xi32, #tpu.memory_space<vmem>>) offsets(%dma_start3A_52 : memref<128xi32, #tpu.memory_space<vmem>>) semaphore(%arg12 : memref<!tpu.dma_semaphore, #tpu.memory_space<semaphore_mem>>)
        %mul3A_56 = arith.constant 2 : i32
        %mul3A_57 = arith.muli %scan3A_28, %mul3A_56 : i32
        %add3A_58 = arith.constant 0 : i32
        %add3A_59 = arith.addi %mul3A_57, %add3A_58 : i32
        %dma_wait3A_60 = arith.constant 0 : i32
        %dma_wait3A_61 = arith.constant 0 : i32
        %dma_wait3A_62 = tpu.memref_slice %arg7[%dma_wait3A_60, %dma_wait3A_61] : memref<86016x128xi32, #tpu.memory_space<hbm>> -> memref<128x128xi32, #tpu.memory_space<hbm>>
        %dma_wait3A_63 = arith.constant 0 : i32
        %dma_wait3A_64 = arith.constant 0 : i32
        %dma_wait3A_65 = tpu.memref_slice %arg7[%dma_wait3A_63, %dma_wait3A_64] : memref<86016x128xi32, #tpu.memory_space<hbm>> -> memref<128x128xi32, #tpu.memory_space<hbm>>
        tpu.wait_dma2 semaphore(%arg11 : memref<!tpu.dma_semaphore, #tpu.memory_space<semaphore_mem>>) src(%dma_wait3A_65 : memref<128x128xi32, #tpu.memory_space<hbm>>) dst(%arg9 : memref<128x128xi32, #tpu.memory_space<vmem>>)
        %mul3A_66 = arith.constant 128 : i32
        %mul3A_67 = arith.muli %add3A_59, %mul3A_66 : i32
        %add3A_68 = arith.addi %mul3A_0, %mul3A_67 : i32
        %dma_start3A_69 = arith.constant 0 : i32
        %dma_start3A_70 = tpu.memref_slice %arg7[%add3A_68, %dma_start3A_69] : memref<86016x128xi32, #tpu.memory_space<hbm>> -> memref<128x128xi32, #tpu.memory_space<hbm>>
        %dma_start3A_71 = arith.constant 0 : i32
        %dma_start3A_72 = tpu.memref_slice %arg7[%add3A_68, %dma_start3A_71] : memref<86016x128xi32, #tpu.memory_space<hbm>> -> memref<128x128xi32, #tpu.memory_space<hbm>>
        tpu.enqueue_dma source(%arg9 : memref<128x128xi32, #tpu.memory_space<vmem>>) target(%dma_start3A_72 : memref<128x128xi32, #tpu.memory_space<hbm>>) target_semaphore(%arg13 : memref<!tpu.dma_semaphore, #tpu.memory_space<semaphore_mem>>)
        %mul3A_73 = arith.constant 2 : i32
        %mul3A_74 = arith.muli %scan3A_28, %mul3A_73 : i32
        %add3A_75 = arith.constant 1 : i32
        %add3A_76 = arith.addi %mul3A_74, %add3A_75 : i32
        %dma_wait3A_77 = arith.constant 0 : i32
        %dma_wait3A_78 = arith.constant 0 : i32
        %dma_wait3A_79 = tpu.memref_slice %arg7[%dma_wait3A_77, %dma_wait3A_78] : memref<86016x128xi32, #tpu.memory_space<hbm>> -> memref<128x128xi32, #tpu.memory_space<hbm>>
        %dma_wait3A_80 = arith.constant 0 : i32
        %dma_wait3A_81 = arith.constant 0 : i32
        %dma_wait3A_82 = tpu.memref_slice %arg7[%dma_wait3A_80, %dma_wait3A_81] : memref<86016x128xi32, #tpu.memory_space<hbm>> -> memref<128x128xi32, #tpu.memory_space<hbm>>
        tpu.wait_dma2 semaphore(%arg12 : memref<!tpu.dma_semaphore, #tpu.memory_space<semaphore_mem>>) src(%dma_wait3A_82 : memref<128x128xi32, #tpu.memory_space<hbm>>) dst(%arg10 : memref<128x128xi32, #tpu.memory_space<vmem>>)
        %mul3A_83 = arith.constant 128 : i32
        %mul3A_84 = arith.muli %add3A_76, %mul3A_83 : i32
        %add3A_85 = arith.addi %mul3A_0, %mul3A_84 : i32
        %dma_start3A_86 = arith.constant 0 : i32
        %dma_start3A_87 = tpu.memref_slice %arg7[%add3A_85, %dma_start3A_86] : memref<86016x128xi32, #tpu.memory_space<hbm>> -> memref<128x128xi32, #tpu.memory_space<hbm>>
        %dma_start3A_88 = arith.constant 0 : i32
        %dma_start3A_89 = tpu.memref_slice %arg7[%add3A_85, %dma_start3A_88] : memref<86016x128xi32, #tpu.memory_space<hbm>> -> memref<128x128xi32, #tpu.memory_space<hbm>>
        tpu.enqueue_dma source(%arg10 : memref<128x128xi32, #tpu.memory_space<vmem>>) target(%dma_start3A_89 : memref<128x128xi32, #tpu.memory_space<hbm>>) target_semaphore(%arg14 : memref<!tpu.dma_semaphore, #tpu.memory_space<semaphore_mem>>)
      }
      %scan3A_16 = arith.constant 21 : i32
      %dma_wait3A = arith.constant 0 : i32
      %dma_wait3A_17 = arith.constant 0 : i32
      %dma_wait3A_18 = tpu.memref_slice %arg7[%dma_wait3A, %dma_wait3A_17] : memref<86016x128xi32, #tpu.memory_space<hbm>> -> memref<128x128xi32, #tpu.memory_space<hbm>>
      %dma_wait3A_19 = arith.constant 0 : i32
      %dma_wait3A_20 = arith.constant 0 : i32
      %dma_wait3A_21 = tpu.memref_slice %arg7[%dma_wait3A_19, %dma_wait3A_20] : memref<86016x128xi32, #tpu.memory_space<hbm>> -> memref<128x128xi32, #tpu.memory_space<hbm>>
      tpu.wait_dma2 semaphore(%arg13 : memref<!tpu.dma_semaphore, #tpu.memory_space<semaphore_mem>>) src(%dma_wait3A_21 : memref<128x128xi32, #tpu.memory_space<hbm>>) dst(%arg9 : memref<128x128xi32, #tpu.memory_space<vmem>>)
      %dma_wait3A_22 = arith.constant 0 : i32
      %dma_wait3A_23 = arith.constant 0 : i32
      %dma_wait3A_24 = tpu.memref_slice %arg7[%dma_wait3A_22, %dma_wait3A_23] : memref<86016x128xi32, #tpu.memory_space<hbm>> -> memref<128x128xi32, #tpu.memory_space<hbm>>
      %dma_wait3A_25 = arith.constant 0 : i32
      %dma_wait3A_26 = arith.constant 0 : i32
      %dma_wait3A_27 = tpu.memref_slice %arg7[%dma_wait3A_25, %dma_wait3A_26] : memref<86016x128xi32, #tpu.memory_space<hbm>> -> memref<128x128xi32, #tpu.memory_space<hbm>>
      tpu.wait_dma2 semaphore(%arg14 : memref<!tpu.dma_semaphore, #tpu.memory_space<semaphore_mem>>) src(%dma_wait3A_27 : memref<128x128xi32, #tpu.memory_space<hbm>>) dst(%arg10 : memref<128x128xi32, #tpu.memory_space<vmem>>)
    } else {
    }
    return
  }
}

#map = affine_map<(d0, d1) -> (0, 0)>
#map1 = affine_map<(d0, d1) -> (0)>
module attributes {stable_mosaic.version = 14 : i64} {
  func.func @gather_kernel(%arg0: i32, %arg1: i32, %arg2: memref<10112x128xi32, #tpu.memory_space<hbm>>, %arg3: memref<10112x128xi32, #tpu.memory_space<hbm>>, %arg4: memref<86016xi32, #tpu.memory_space<hbm>>, %arg5: memref<86016xi32, #tpu.memory_space<hbm>>, %arg6: memref<86016x128xi32, #tpu.memory_space<hbm>>, %arg7: memref<86016x128xi32, #tpu.memory_space<hbm>>, %arg8: memref<5376xi32, #tpu.memory_space<vmem>>, %arg9: memref<128x128xi32, #tpu.memory_space<vmem>>, %arg10: memref<128x128xi32, #tpu.memory_space<vmem>>, %arg11: memref<!tpu.dma_semaphore, #tpu.memory_space<semaphore_mem>>, %arg12: memref<!tpu.dma_semaphore, #tpu.memory_space<semaphore_mem>>, %arg13: memref<!tpu.dma_semaphore, #tpu.memory_space<semaphore_mem>>, %arg14: memref<!tpu.dma_semaphore, #tpu.memory_space<semaphore_mem>>, %arg15: memref<10112x128xi32, #tpu.memory_space<vmem_shared>>) attributes {dimension_semantics = [#tpu.dimension_semantics<core_parallel>, #tpu.dimension_semantics<subcore_parallel>], iteration_bounds = array<i64: 2, 16>, scalar_prefetch = 0 : i64, scratch_operands = 8 : i64, tpu.core_type = #tpu.core_type<sc_vector_subcore>, window_params = [{transform_indices = #map}, {transform_indices = #map}, {transform_indices = #map1}, {transform_indices = #map1}, {transform_indices = #map}, {transform_indices = #map}]} {
    %mul3A = arith.constant 5376 : i32
    %mul3A_0 = arith.muli %arg1, %mul3A : i32
    %eq3A = arith.constant 0 : i32
    %eq3A_1 = arith.cmpi eq, %arg0, %eq3A : i32
    %convert_element_type3A = arith.extui %eq3A_1 : i1 to i32
    %cond3A = arith.constant 0 : i32
    %cond3A_2 = arith.cmpi ne, %convert_element_type3A, %cond3A : i32
    scf.if %cond3A_2 {
      %mul3A_8 = arith.constant 632 : i32
      %mul3A_9 = arith.muli %arg1, %mul3A_8 : i32
      %mul3A_10 = arith.constant 632 : i32
      %mul3A_11 = arith.muli %arg1, %mul3A_10 : i32
      "tpu.region"() ({
        %run_scoped3A = tpu.sem_alloc : memref<!tpu.dma_semaphore, #tpu.memory_space<semaphore_mem>>
        %dma_start3A = arith.constant 0 : i32
        %dma_start3A_28 = tpu.memref_slice %arg15[%mul3A_11, %dma_start3A] : memref<10112x128xi32, #tpu.memory_space<vmem_shared>> -> memref<632x128xi32, #tpu.memory_space<vmem_shared>>
        %dma_start3A_29 = arith.constant 0 : i32
        %dma_start3A_30 = tpu.memref_slice %arg2[%mul3A_9, %dma_start3A_29] : memref<10112x128xi32, #tpu.memory_space<hbm>> -> memref<632x128xi32, #tpu.memory_space<hbm>>
        tpu.enqueue_dma source(%dma_start3A_30 : memref<632x128xi32, #tpu.memory_space<hbm>>) target(%dma_start3A_28 : memref<632x128xi32, #tpu.memory_space<vmem_shared>>) target_semaphore(%run_scoped3A : memref<!tpu.dma_semaphore, #tpu.memory_space<semaphore_mem>>)
        %dma_wait3A_31 = arith.constant 0 : i32
        %dma_wait3A_32 = tpu.memref_slice %arg15[%mul3A_11, %dma_wait3A_31] : memref<10112x128xi32, #tpu.memory_space<vmem_shared>> -> memref<632x128xi32, #tpu.memory_space<vmem_shared>>
        %dma_wait3A_33 = arith.constant 0 : i32
        %dma_wait3A_34 = tpu.memref_slice %arg2[%mul3A_9, %dma_wait3A_33] : memref<10112x128xi32, #tpu.memory_space<hbm>> -> memref<632x128xi32, #tpu.memory_space<hbm>>
        tpu.wait_dma2 semaphore(%run_scoped3A : memref<!tpu.dma_semaphore, #tpu.memory_space<semaphore_mem>>) src(%dma_wait3A_34 : memref<632x128xi32, #tpu.memory_space<hbm>>) dst(%dma_wait3A_32 : memref<632x128xi32, #tpu.memory_space<vmem_shared>>)
        tpu.yield
      }) : () -> ()
      "tpu.region"() ({
        %run_scoped3A = tpu.sem_alloc : memref<!tpu.dma_semaphore, #tpu.memory_space<semaphore_mem>>
        %dma_start3A = tpu.memref_slice %arg4[%mul3A_0] : memref<86016xi32, #tpu.memory_space<hbm>> -> memref<5376xi32, #tpu.memory_space<hbm>>
        %dma_start3A_28 = tpu.memref_slice %arg4[%mul3A_0] : memref<86016xi32, #tpu.memory_space<hbm>> -> memref<5376xi32, #tpu.memory_space<hbm>>
        tpu.enqueue_dma source(%dma_start3A_28 : memref<5376xi32, #tpu.memory_space<hbm>>) target(%arg8 : memref<5376xi32, #tpu.memory_space<vmem>>) target_semaphore(%run_scoped3A : memref<!tpu.dma_semaphore, #tpu.memory_space<semaphore_mem>>)
        %dma_wait3A_29 = tpu.memref_slice %arg4[%mul3A_0] : memref<86016xi32, #tpu.memory_space<hbm>> -> memref<5376xi32, #tpu.memory_space<hbm>>
        %dma_wait3A_30 = tpu.memref_slice %arg4[%mul3A_0] : memref<86016xi32, #tpu.memory_space<hbm>> -> memref<5376xi32, #tpu.memory_space<hbm>>
        tpu.wait_dma2 semaphore(%run_scoped3A : memref<!tpu.dma_semaphore, #tpu.memory_space<semaphore_mem>>) src(%dma_wait3A_30 : memref<5376xi32, #tpu.memory_space<hbm>>) dst(%arg8 : memref<5376xi32, #tpu.memory_space<vmem>>)
        tpu.yield
      }) : () -> ()
      %barrier3A = arith.constant 0 : index
      tpu.barrier barrier_id(%barrier3A)
      %scan3A = arith.constant 0 : i32
      %scan3A_12 = arith.constant 0 : i32
      %scan3A_13 = arith.constant 21 : i32
      %scan3A_14 = arith.addi %scan3A_12, %scan3A_13 : i32
      %scan3A_15 = arith.constant 1 : i32
      scf.for %scan3A_28 = %scan3A_12 to %scan3A_14 step %scan3A_15  : i32 {
        %mul3A_29 = arith.constant 2 : i32
        %mul3A_30 = arith.muli %scan3A_28, %mul3A_29 : i32
        %add3A = arith.constant 0 : i32
        %add3A_31 = arith.addi %mul3A_30, %add3A : i32
        %gt3A = arith.constant 0 : i32
        %gt3A_32 = arith.cmpi sgt, %scan3A_28, %gt3A : i32
        %convert_element_type3A_33 = arith.extui %gt3A_32 : i1 to i32
        %cond3A_34 = arith.constant 0 : i32
        %cond3A_35 = arith.cmpi ne, %convert_element_type3A_33, %cond3A_34 : i32
        scf.if %cond3A_35 {
          %dma_wait3A_90 = arith.constant 0 : i32
          %dma_wait3A_91 = arith.constant 0 : i32
          %dma_wait3A_92 = tpu.memref_slice %arg6[%dma_wait3A_90, %dma_wait3A_91] : memref<86016x128xi32, #tpu.memory_space<hbm>> -> memref<128x128xi32, #tpu.memory_space<hbm>>
          %dma_wait3A_93 = arith.constant 0 : i32
          %dma_wait3A_94 = arith.constant 0 : i32
          %dma_wait3A_95 = tpu.memref_slice %arg6[%dma_wait3A_93, %dma_wait3A_94] : memref<86016x128xi32, #tpu.memory_space<hbm>> -> memref<128x128xi32, #tpu.memory_space<hbm>>
          tpu.wait_dma2 semaphore(%arg13 : memref<!tpu.dma_semaphore, #tpu.memory_space<semaphore_mem>>) src(%dma_wait3A_95 : memref<128x128xi32, #tpu.memory_space<hbm>>) dst(%arg9 : memref<128x128xi32, #tpu.memory_space<vmem>>)
        } else {
        }
        %mul3A_36 = arith.constant 128 : i32
        %mul3A_37 = arith.muli %add3A_31, %mul3A_36 : i32
        %dma_start3A = tpu.memref_slice %arg8[%mul3A_37] : memref<5376xi32, #tpu.memory_space<vmem>> -> memref<128xi32, #tpu.memory_space<vmem>>
        %dma_start3A_38 = arith.constant 0 : i32
        %dma_start3A_39 = arith.constant 0 : i32
        %dma_start3A_40 = tpu.memref_slice %arg15[%dma_start3A_38, %dma_start3A_39] : memref<10112x128xi32, #tpu.memory_space<vmem_shared>> -> memref<10112x128xi32, #tpu.memory_space<vmem_shared>>
        tpu.enqueue_indirect_dma source(%dma_start3A_40 : memref<10112x128xi32, #tpu.memory_space<vmem_shared>>) target(%arg9 : memref<128x128xi32, #tpu.memory_space<vmem>>) offsets(%dma_start3A : memref<128xi32, #tpu.memory_space<vmem>>) semaphore(%arg11 : memref<!tpu.dma_semaphore, #tpu.memory_space<semaphore_mem>>)
        %mul3A_41 = arith.constant 2 : i32
        %mul3A_42 = arith.muli %scan3A_28, %mul3A_41 : i32
        %add3A_43 = arith.constant 1 : i32
        %add3A_44 = arith.addi %mul3A_42, %add3A_43 : i32
        %gt3A_45 = arith.constant 0 : i32
        %gt3A_46 = arith.cmpi sgt, %scan3A_28, %gt3A_45 : i32
        %convert_element_type3A_47 = arith.extui %gt3A_46 : i1 to i32
        %cond3A_48 = arith.constant 0 : i32
        %cond3A_49 = arith.cmpi ne, %convert_element_type3A_47, %cond3A_48 : i32
        scf.if %cond3A_49 {
          %dma_wait3A_90 = arith.constant 0 : i32
          %dma_wait3A_91 = arith.constant 0 : i32
          %dma_wait3A_92 = tpu.memref_slice %arg6[%dma_wait3A_90, %dma_wait3A_91] : memref<86016x128xi32, #tpu.memory_space<hbm>> -> memref<128x128xi32, #tpu.memory_space<hbm>>
          %dma_wait3A_93 = arith.constant 0 : i32
          %dma_wait3A_94 = arith.constant 0 : i32
          %dma_wait3A_95 = tpu.memref_slice %arg6[%dma_wait3A_93, %dma_wait3A_94] : memref<86016x128xi32, #tpu.memory_space<hbm>> -> memref<128x128xi32, #tpu.memory_space<hbm>>
          tpu.wait_dma2 semaphore(%arg14 : memref<!tpu.dma_semaphore, #tpu.memory_space<semaphore_mem>>) src(%dma_wait3A_95 : memref<128x128xi32, #tpu.memory_space<hbm>>) dst(%arg10 : memref<128x128xi32, #tpu.memory_space<vmem>>)
        } else {
        }
        %mul3A_50 = arith.constant 128 : i32
        %mul3A_51 = arith.muli %add3A_44, %mul3A_50 : i32
        %dma_start3A_52 = tpu.memref_slice %arg8[%mul3A_51] : memref<5376xi32, #tpu.memory_space<vmem>> -> memref<128xi32, #tpu.memory_space<vmem>>
        %dma_start3A_53 = arith.constant 0 : i32
        %dma_start3A_54 = arith.constant 0 : i32
        %dma_start3A_55 = tpu.memref_slice %arg15[%dma_start3A_53, %dma_start3A_54] : memref<10112x128xi32, #tpu.memory_space<vmem_shared>> -> memref<10112x128xi32, #tpu.memory_space<vmem_shared>>
        tpu.enqueue_indirect_dma source(%dma_start3A_55 : memref<10112x128xi32, #tpu.memory_space<vmem_shared>>) target(%arg10 : memref<128x128xi32, #tpu.memory_space<vmem>>) offsets(%dma_start3A_52 : memref<128xi32, #tpu.memory_space<vmem>>) semaphore(%arg12 : memref<!tpu.dma_semaphore, #tpu.memory_space<semaphore_mem>>)
        %mul3A_56 = arith.constant 2 : i32
        %mul3A_57 = arith.muli %scan3A_28, %mul3A_56 : i32
        %add3A_58 = arith.constant 0 : i32
        %add3A_59 = arith.addi %mul3A_57, %add3A_58 : i32
        %dma_wait3A_60 = arith.constant 0 : i32
        %dma_wait3A_61 = arith.constant 0 : i32
        %dma_wait3A_62 = tpu.memref_slice %arg6[%dma_wait3A_60, %dma_wait3A_61] : memref<86016x128xi32, #tpu.memory_space<hbm>> -> memref<128x128xi32, #tpu.memory_space<hbm>>
        %dma_wait3A_63 = arith.constant 0 : i32
        %dma_wait3A_64 = arith.constant 0 : i32
        %dma_wait3A_65 = tpu.memref_slice %arg6[%dma_wait3A_63, %dma_wait3A_64] : memref<86016x128xi32, #tpu.memory_space<hbm>> -> memref<128x128xi32, #tpu.memory_space<hbm>>
        tpu.wait_dma2 semaphore(%arg11 : memref<!tpu.dma_semaphore, #tpu.memory_space<semaphore_mem>>) src(%dma_wait3A_65 : memref<128x128xi32, #tpu.memory_space<hbm>>) dst(%arg9 : memref<128x128xi32, #tpu.memory_space<vmem>>)
        %mul3A_66 = arith.constant 128 : i32
        %mul3A_67 = arith.muli %add3A_59, %mul3A_66 : i32
        %add3A_68 = arith.addi %mul3A_0, %mul3A_67 : i32
        %dma_start3A_69 = arith.constant 0 : i32
        %dma_start3A_70 = tpu.memref_slice %arg6[%add3A_68, %dma_start3A_69] : memref<86016x128xi32, #tpu.memory_space<hbm>> -> memref<128x128xi32, #tpu.memory_space<hbm>>
        %dma_start3A_71 = arith.constant 0 : i32
        %dma_start3A_72 = tpu.memref_slice %arg6[%add3A_68, %dma_start3A_71] : memref<86016x128xi32, #tpu.memory_space<hbm>> -> memref<128x128xi32, #tpu.memory_space<hbm>>
        tpu.enqueue_dma source(%arg9 : memref<128x128xi32, #tpu.memory_space<vmem>>) target(%dma_start3A_72 : memref<128x128xi32, #tpu.memory_space<hbm>>) target_semaphore(%arg13 : memref<!tpu.dma_semaphore, #tpu.memory_space<semaphore_mem>>)
        %mul3A_73 = arith.constant 2 : i32
        %mul3A_74 = arith.muli %scan3A_28, %mul3A_73 : i32
        %add3A_75 = arith.constant 1 : i32
        %add3A_76 = arith.addi %mul3A_74, %add3A_75 : i32
        %dma_wait3A_77 = arith.constant 0 : i32
        %dma_wait3A_78 = arith.constant 0 : i32
        %dma_wait3A_79 = tpu.memref_slice %arg6[%dma_wait3A_77, %dma_wait3A_78] : memref<86016x128xi32, #tpu.memory_space<hbm>> -> memref<128x128xi32, #tpu.memory_space<hbm>>
        %dma_wait3A_80 = arith.constant 0 : i32
        %dma_wait3A_81 = arith.constant 0 : i32
        %dma_wait3A_82 = tpu.memref_slice %arg6[%dma_wait3A_80, %dma_wait3A_81] : memref<86016x128xi32, #tpu.memory_space<hbm>> -> memref<128x128xi32, #tpu.memory_space<hbm>>
        tpu.wait_dma2 semaphore(%arg12 : memref<!tpu.dma_semaphore, #tpu.memory_space<semaphore_mem>>) src(%dma_wait3A_82 : memref<128x128xi32, #tpu.memory_space<hbm>>) dst(%arg10 : memref<128x128xi32, #tpu.memory_space<vmem>>)
        %mul3A_83 = arith.constant 128 : i32
        %mul3A_84 = arith.muli %add3A_76, %mul3A_83 : i32
        %add3A_85 = arith.addi %mul3A_0, %mul3A_84 : i32
        %dma_start3A_86 = arith.constant 0 : i32
        %dma_start3A_87 = tpu.memref_slice %arg6[%add3A_85, %dma_start3A_86] : memref<86016x128xi32, #tpu.memory_space<hbm>> -> memref<128x128xi32, #tpu.memory_space<hbm>>
        %dma_start3A_88 = arith.constant 0 : i32
        %dma_start3A_89 = tpu.memref_slice %arg6[%add3A_85, %dma_start3A_88] : memref<86016x128xi32, #tpu.memory_space<hbm>> -> memref<128x128xi32, #tpu.memory_space<hbm>>
        tpu.enqueue_dma source(%arg10 : memref<128x128xi32, #tpu.memory_space<vmem>>) target(%dma_start3A_89 : memref<128x128xi32, #tpu.memory_space<hbm>>) target_semaphore(%arg14 : memref<!tpu.dma_semaphore, #tpu.memory_space<semaphore_mem>>)
      }
      %scan3A_16 = arith.constant 21 : i32
      %dma_wait3A = arith.constant 0 : i32
      %dma_wait3A_17 = arith.constant 0 : i32
      %dma_wait3A_18 = tpu.memref_slice %arg6[%dma_wait3A, %dma_wait3A_17] : memref<86016x128xi32, #tpu.memory_space<hbm>> -> memref<128x128xi32, #tpu.memory_space<hbm>>
      %dma_wait3A_19 = arith.constant 0 : i32
      %dma_wait3A_20 = arith.constant 0 : i32
      %dma_wait3A_21 = tpu.memref_slice %arg6[%dma_wait3A_19, %dma_wait3A_20] : memref<86016x128xi32, #tpu.memory_space<hbm>> -> memref<128x128xi32, #tpu.memory_space<hbm>>
      tpu.wait_dma2 semaphore(%arg13 : memref<!tpu.dma_semaphore, #tpu.memory_space<semaphore_mem>>) src(%dma_wait3A_21 : memref<128x128xi32, #tpu.memory_space<hbm>>) dst(%arg9 : memref<128x128xi32, #tpu.memory_space<vmem>>)
      %dma_wait3A_22 = arith.constant 0 : i32
      %dma_wait3A_23 = arith.constant 0 : i32
      %dma_wait3A_24 = tpu.memref_slice %arg6[%dma_wait3A_22, %dma_wait3A_23] : memref<86016x128xi32, #tpu.memory_space<hbm>> -> memref<128x128xi32, #tpu.memory_space<hbm>>
      %dma_wait3A_25 = arith.constant 0 : i32
      %dma_wait3A_26 = arith.constant 0 : i32
      %dma_wait3A_27 = tpu.memref_slice %arg6[%dma_wait3A_25, %dma_wait3A_26] : memref<86016x128xi32, #tpu.memory_space<hbm>> -> memref<128x128xi32, #tpu.memory_space<hbm>>
      tpu.wait_dma2 semaphore(%arg14 : memref<!tpu.dma_semaphore, #tpu.memory_space<semaphore_mem>>) src(%dma_wait3A_27 : memref<128x128xi32, #tpu.memory_space<hbm>>) dst(%arg10 : memref<128x128xi32, #tpu.memory_space<vmem>>)
    } else {
    }
    %eq3A_3 = arith.constant 1 : i32
    %eq3A_4 = arith.cmpi eq, %arg0, %eq3A_3 : i32
    %convert_element_type3A_5 = arith.extui %eq3A_4 : i1 to i32
    %cond3A_6 = arith.constant 0 : i32
    %cond3A_7 = arith.cmpi ne, %convert_element_type3A_5, %cond3A_6 : i32
    scf.if %cond3A_7 {
      %mul3A_8 = arith.constant 632 : i32
      %mul3A_9 = arith.muli %arg1, %mul3A_8 : i32
      %mul3A_10 = arith.constant 632 : i32
      %mul3A_11 = arith.muli %arg1, %mul3A_10 : i32
      "tpu.region"() ({
        %run_scoped3A = tpu.sem_alloc : memref<!tpu.dma_semaphore, #tpu.memory_space<semaphore_mem>>
        %dma_start3A = arith.constant 0 : i32
        %dma_start3A_28 = tpu.memref_slice %arg15[%mul3A_11, %dma_start3A] : memref<10112x128xi32, #tpu.memory_space<vmem_shared>> -> memref<632x128xi32, #tpu.memory_space<vmem_shared>>
        %dma_start3A_29 = arith.constant 0 : i32
        %dma_start3A_30 = tpu.memref_slice %arg3[%mul3A_9, %dma_start3A_29] : memref<10112x128xi32, #tpu.memory_space<hbm>> -> memref<632x128xi32, #tpu.memory_space<hbm>>
        tpu.enqueue_dma source(%dma_start3A_30 : memref<632x128xi32, #tpu.memory_space<hbm>>) target(%dma_start3A_28 : memref<632x128xi32, #tpu.memory_space<vmem_shared>>) target_semaphore(%run_scoped3A : memref<!tpu.dma_semaphore, #tpu.memory_space<semaphore_mem>>)
        %dma_wait3A_31 = arith.constant 0 : i32
        %dma_wait3A_32 = tpu.memref_slice %arg15[%mul3A_11, %dma_wait3A_31] : memref<10112x128xi32, #tpu.memory_space<vmem_shared>> -> memref<632x128xi32, #tpu.memory_space<vmem_shared>>
        %dma_wait3A_33 = arith.constant 0 : i32
        %dma_wait3A_34 = tpu.memref_slice %arg3[%mul3A_9, %dma_wait3A_33] : memref<10112x128xi32, #tpu.memory_space<hbm>> -> memref<632x128xi32, #tpu.memory_space<hbm>>
        tpu.wait_dma2 semaphore(%run_scoped3A : memref<!tpu.dma_semaphore, #tpu.memory_space<semaphore_mem>>) src(%dma_wait3A_34 : memref<632x128xi32, #tpu.memory_space<hbm>>) dst(%dma_wait3A_32 : memref<632x128xi32, #tpu.memory_space<vmem_shared>>)
        tpu.yield
      }) : () -> ()
      "tpu.region"() ({
        %run_scoped3A = tpu.sem_alloc : memref<!tpu.dma_semaphore, #tpu.memory_space<semaphore_mem>>
        %dma_start3A = tpu.memref_slice %arg5[%mul3A_0] : memref<86016xi32, #tpu.memory_space<hbm>> -> memref<5376xi32, #tpu.memory_space<hbm>>
        %dma_start3A_28 = tpu.memref_slice %arg5[%mul3A_0] : memref<86016xi32, #tpu.memory_space<hbm>> -> memref<5376xi32, #tpu.memory_space<hbm>>
        tpu.enqueue_dma source(%dma_start3A_28 : memref<5376xi32, #tpu.memory_space<hbm>>) target(%arg8 : memref<5376xi32, #tpu.memory_space<vmem>>) target_semaphore(%run_scoped3A : memref<!tpu.dma_semaphore, #tpu.memory_space<semaphore_mem>>)
        %dma_wait3A_29 = tpu.memref_slice %arg5[%mul3A_0] : memref<86016xi32, #tpu.memory_space<hbm>> -> memref<5376xi32, #tpu.memory_space<hbm>>
        %dma_wait3A_30 = tpu.memref_slice %arg5[%mul3A_0] : memref<86016xi32, #tpu.memory_space<hbm>> -> memref<5376xi32, #tpu.memory_space<hbm>>
        tpu.wait_dma2 semaphore(%run_scoped3A : memref<!tpu.dma_semaphore, #tpu.memory_space<semaphore_mem>>) src(%dma_wait3A_30 : memref<5376xi32, #tpu.memory_space<hbm>>) dst(%arg8 : memref<5376xi32, #tpu.memory_space<vmem>>)
        tpu.yield
      }) : () -> ()
      %barrier3A = arith.constant 0 : index
      tpu.barrier barrier_id(%barrier3A)
      %scan3A = arith.constant 0 : i32
      %scan3A_12 = arith.constant 0 : i32
      %scan3A_13 = arith.constant 21 : i32
      %scan3A_14 = arith.addi %scan3A_12, %scan3A_13 : i32
      %scan3A_15 = arith.constant 1 : i32
      scf.for %scan3A_28 = %scan3A_12 to %scan3A_14 step %scan3A_15  : i32 {
        %mul3A_29 = arith.constant 2 : i32
        %mul3A_30 = arith.muli %scan3A_28, %mul3A_29 : i32
        %add3A = arith.constant 0 : i32
        %add3A_31 = arith.addi %mul3A_30, %add3A : i32
        %gt3A = arith.constant 0 : i32
        %gt3A_32 = arith.cmpi sgt, %scan3A_28, %gt3A : i32
        %convert_element_type3A_33 = arith.extui %gt3A_32 : i1 to i32
        %cond3A_34 = arith.constant 0 : i32
        %cond3A_35 = arith.cmpi ne, %convert_element_type3A_33, %cond3A_34 : i32
        scf.if %cond3A_35 {
          %dma_wait3A_90 = arith.constant 0 : i32
          %dma_wait3A_91 = arith.constant 0 : i32
          %dma_wait3A_92 = tpu.memref_slice %arg7[%dma_wait3A_90, %dma_wait3A_91] : memref<86016x128xi32, #tpu.memory_space<hbm>> -> memref<128x128xi32, #tpu.memory_space<hbm>>
          %dma_wait3A_93 = arith.constant 0 : i32
          %dma_wait3A_94 = arith.constant 0 : i32
          %dma_wait3A_95 = tpu.memref_slice %arg7[%dma_wait3A_93, %dma_wait3A_94] : memref<86016x128xi32, #tpu.memory_space<hbm>> -> memref<128x128xi32, #tpu.memory_space<hbm>>
          tpu.wait_dma2 semaphore(%arg13 : memref<!tpu.dma_semaphore, #tpu.memory_space<semaphore_mem>>) src(%dma_wait3A_95 : memref<128x128xi32, #tpu.memory_space<hbm>>) dst(%arg9 : memref<128x128xi32, #tpu.memory_space<vmem>>)
        } else {
        }
        %mul3A_36 = arith.constant 128 : i32
        %mul3A_37 = arith.muli %add3A_31, %mul3A_36 : i32
        %dma_start3A = tpu.memref_slice %arg8[%mul3A_37] : memref<5376xi32, #tpu.memory_space<vmem>> -> memref<128xi32, #tpu.memory_space<vmem>>
        %dma_start3A_38 = arith.constant 0 : i32
        %dma_start3A_39 = arith.constant 0 : i32
        %dma_start3A_40 = tpu.memref_slice %arg15[%dma_start3A_38, %dma_start3A_39] : memref<10112x128xi32, #tpu.memory_space<vmem_shared>> -> memref<10112x128xi32, #tpu.memory_space<vmem_shared>>
        tpu.enqueue_indirect_dma source(%dma_start3A_40 : memref<10112x128xi32, #tpu.memory_space<vmem_shared>>) target(%arg9 : memref<128x128xi32, #tpu.memory_space<vmem>>) offsets(%dma_start3A : memref<128xi32, #tpu.memory_space<vmem>>) semaphore(%arg11 : memref<!tpu.dma_semaphore, #tpu.memory_space<semaphore_mem>>)
        %mul3A_41 = arith.constant 2 : i32
        %mul3A_42 = arith.muli %scan3A_28, %mul3A_41 : i32
        %add3A_43 = arith.constant 1 : i32
        %add3A_44 = arith.addi %mul3A_42, %add3A_43 : i32
        %gt3A_45 = arith.constant 0 : i32
        %gt3A_46 = arith.cmpi sgt, %scan3A_28, %gt3A_45 : i32
        %convert_element_type3A_47 = arith.extui %gt3A_46 : i1 to i32
        %cond3A_48 = arith.constant 0 : i32
        %cond3A_49 = arith.cmpi ne, %convert_element_type3A_47, %cond3A_48 : i32
        scf.if %cond3A_49 {
          %dma_wait3A_90 = arith.constant 0 : i32
          %dma_wait3A_91 = arith.constant 0 : i32
          %dma_wait3A_92 = tpu.memref_slice %arg7[%dma_wait3A_90, %dma_wait3A_91] : memref<86016x128xi32, #tpu.memory_space<hbm>> -> memref<128x128xi32, #tpu.memory_space<hbm>>
          %dma_wait3A_93 = arith.constant 0 : i32
          %dma_wait3A_94 = arith.constant 0 : i32
          %dma_wait3A_95 = tpu.memref_slice %arg7[%dma_wait3A_93, %dma_wait3A_94] : memref<86016x128xi32, #tpu.memory_space<hbm>> -> memref<128x128xi32, #tpu.memory_space<hbm>>
          tpu.wait_dma2 semaphore(%arg14 : memref<!tpu.dma_semaphore, #tpu.memory_space<semaphore_mem>>) src(%dma_wait3A_95 : memref<128x128xi32, #tpu.memory_space<hbm>>) dst(%arg10 : memref<128x128xi32, #tpu.memory_space<vmem>>)
        } else {
        }
        %mul3A_50 = arith.constant 128 : i32
        %mul3A_51 = arith.muli %add3A_44, %mul3A_50 : i32
        %dma_start3A_52 = tpu.memref_slice %arg8[%mul3A_51] : memref<5376xi32, #tpu.memory_space<vmem>> -> memref<128xi32, #tpu.memory_space<vmem>>
        %dma_start3A_53 = arith.constant 0 : i32
        %dma_start3A_54 = arith.constant 0 : i32
        %dma_start3A_55 = tpu.memref_slice %arg15[%dma_start3A_53, %dma_start3A_54] : memref<10112x128xi32, #tpu.memory_space<vmem_shared>> -> memref<10112x128xi32, #tpu.memory_space<vmem_shared>>
        tpu.enqueue_indirect_dma source(%dma_start3A_55 : memref<10112x128xi32, #tpu.memory_space<vmem_shared>>) target(%arg10 : memref<128x128xi32, #tpu.memory_space<vmem>>) offsets(%dma_start3A_52 : memref<128xi32, #tpu.memory_space<vmem>>) semaphore(%arg12 : memref<!tpu.dma_semaphore, #tpu.memory_space<semaphore_mem>>)
        %mul3A_56 = arith.constant 2 : i32
        %mul3A_57 = arith.muli %scan3A_28, %mul3A_56 : i32
        %add3A_58 = arith.constant 0 : i32
        %add3A_59 = arith.addi %mul3A_57, %add3A_58 : i32
        %dma_wait3A_60 = arith.constant 0 : i32
        %dma_wait3A_61 = arith.constant 0 : i32
        %dma_wait3A_62 = tpu.memref_slice %arg7[%dma_wait3A_60, %dma_wait3A_61] : memref<86016x128xi32, #tpu.memory_space<hbm>> -> memref<128x128xi32, #tpu.memory_space<hbm>>
        %dma_wait3A_63 = arith.constant 0 : i32
        %dma_wait3A_64 = arith.constant 0 : i32
        %dma_wait3A_65 = tpu.memref_slice %arg7[%dma_wait3A_63, %dma_wait3A_64] : memref<86016x128xi32, #tpu.memory_space<hbm>> -> memref<128x128xi32, #tpu.memory_space<hbm>>
        tpu.wait_dma2 semaphore(%arg11 : memref<!tpu.dma_semaphore, #tpu.memory_space<semaphore_mem>>) src(%dma_wait3A_65 : memref<128x128xi32, #tpu.memory_space<hbm>>) dst(%arg9 : memref<128x128xi32, #tpu.memory_space<vmem>>)
        %mul3A_66 = arith.constant 128 : i32
        %mul3A_67 = arith.muli %add3A_59, %mul3A_66 : i32
        %add3A_68 = arith.addi %mul3A_0, %mul3A_67 : i32
        %dma_start3A_69 = arith.constant 0 : i32
        %dma_start3A_70 = tpu.memref_slice %arg7[%add3A_68, %dma_start3A_69] : memref<86016x128xi32, #tpu.memory_space<hbm>> -> memref<128x128xi32, #tpu.memory_space<hbm>>
        %dma_start3A_71 = arith.constant 0 : i32
        %dma_start3A_72 = tpu.memref_slice %arg7[%add3A_68, %dma_start3A_71] : memref<86016x128xi32, #tpu.memory_space<hbm>> -> memref<128x128xi32, #tpu.memory_space<hbm>>
        tpu.enqueue_dma source(%arg9 : memref<128x128xi32, #tpu.memory_space<vmem>>) target(%dma_start3A_72 : memref<128x128xi32, #tpu.memory_space<hbm>>) target_semaphore(%arg13 : memref<!tpu.dma_semaphore, #tpu.memory_space<semaphore_mem>>)
        %mul3A_73 = arith.constant 2 : i32
        %mul3A_74 = arith.muli %scan3A_28, %mul3A_73 : i32
        %add3A_75 = arith.constant 1 : i32
        %add3A_76 = arith.addi %mul3A_74, %add3A_75 : i32
        %dma_wait3A_77 = arith.constant 0 : i32
        %dma_wait3A_78 = arith.constant 0 : i32
        %dma_wait3A_79 = tpu.memref_slice %arg7[%dma_wait3A_77, %dma_wait3A_78] : memref<86016x128xi32, #tpu.memory_space<hbm>> -> memref<128x128xi32, #tpu.memory_space<hbm>>
        %dma_wait3A_80 = arith.constant 0 : i32
        %dma_wait3A_81 = arith.constant 0 : i32
        %dma_wait3A_82 = tpu.memref_slice %arg7[%dma_wait3A_80, %dma_wait3A_81] : memref<86016x128xi32, #tpu.memory_space<hbm>> -> memref<128x128xi32, #tpu.memory_space<hbm>>
        tpu.wait_dma2 semaphore(%arg12 : memref<!tpu.dma_semaphore, #tpu.memory_space<semaphore_mem>>) src(%dma_wait3A_82 : memref<128x128xi32, #tpu.memory_space<hbm>>) dst(%arg10 : memref<128x128xi32, #tpu.memory_space<vmem>>)
        %mul3A_83 = arith.constant 128 : i32
        %mul3A_84 = arith.muli %add3A_76, %mul3A_83 : i32
        %add3A_85 = arith.addi %mul3A_0, %mul3A_84 : i32
        %dma_start3A_86 = arith.constant 0 : i32
        %dma_start3A_87 = tpu.memref_slice %arg7[%add3A_85, %dma_start3A_86] : memref<86016x128xi32, #tpu.memory_space<hbm>> -> memref<128x128xi32, #tpu.memory_space<hbm>>
        %dma_start3A_88 = arith.constant 0 : i32
        %dma_start3A_89 = tpu.memref_slice %arg7[%add3A_85, %dma_start3A_88] : memref<86016x128xi32, #tpu.memory_space<hbm>> -> memref<128x128xi32, #tpu.memory_space<hbm>>
        tpu.enqueue_dma source(%arg10 : memref<128x128xi32, #tpu.memory_space<vmem>>) target(%dma_start3A_89 : memref<128x128xi32, #tpu.memory_space<hbm>>) target_semaphore(%arg14 : memref<!tpu.dma_semaphore, #tpu.memory_space<semaphore_mem>>)
      }
      %scan3A_16 = arith.constant 21 : i32
      %dma_wait3A = arith.constant 0 : i32
      %dma_wait3A_17 = arith.constant 0 : i32
      %dma_wait3A_18 = tpu.memref_slice %arg7[%dma_wait3A, %dma_wait3A_17] : memref<86016x128xi32, #tpu.memory_space<hbm>> -> memref<128x128xi32, #tpu.memory_space<hbm>>
      %dma_wait3A_19 = arith.constant 0 : i32
      %dma_wait3A_20 = arith.constant 0 : i32
      %dma_wait3A_21 = tpu.memref_slice %arg7[%dma_wait3A_19, %dma_wait3A_20] : memref<86016x128xi32, #tpu.memory_space<hbm>> -> memref<128x128xi32, #tpu.memory_space<hbm>>
      tpu.wait_dma2 semaphore(%arg13 : memref<!tpu.dma_semaphore, #tpu.memory_space<semaphore_mem>>) src(%dma_wait3A_21 : memref<128x128xi32, #tpu.memory_space<hbm>>) dst(%arg9 : memref<128x128xi32, #tpu.memory_space<vmem>>)
      %dma_wait3A_22 = arith.constant 0 : i32
      %dma_wait3A_23 = arith.constant 0 : i32
      %dma_wait3A_24 = tpu.memref_slice %arg7[%dma_wait3A_22, %dma_wait3A_23] : memref<86016x128xi32, #tpu.memory_space<hbm>> -> memref<128x128xi32, #tpu.memory_space<hbm>>
      %dma_wait3A_25 = arith.constant 0 : i32
      %dma_wait3A_26 = arith.constant 0 : i32
      %dma_wait3A_27 = tpu.memref_slice %arg7[%dma_wait3A_25, %dma_wait3A_26] : memref<86016x128xi32, #tpu.memory_space<hbm>> -> memref<128x128xi32, #tpu.memory_space<hbm>>
      tpu.wait_dma2 semaphore(%arg14 : memref<!tpu.dma_semaphore, #tpu.memory_space<semaphore_mem>>) src(%dma_wait3A_27 : memref<128x128xi32, #tpu.memory_space<hbm>>) dst(%arg10 : memref<128x128xi32, #tpu.memory_space<vmem>>)
    } else {
    }
    return
  }
}

#map = affine_map<(d0, d1) -> (0, 0)>
#map1 = affine_map<(d0, d1) -> (0, 0, 0)>
module attributes {stable_mosaic.version = 14 : i64} {
  func.func @scatter_kernel(%arg0: i32, %arg1: i32, %arg2: memref<86016x128xf32, #tpu.memory_space<hbm>>, %arg3: memref<32x28x96xi32, #tpu.memory_space<hbm>>, %arg4: memref<10112x128xf32, #tpu.memory_space<hbm>>, %arg5: memref<2x10112x128xf32, #tpu.memory_space<hbm>>, %arg6: memref<28x96xi32, #tpu.memory_space<vmem>>, %arg7: memref<96x128xf32, #tpu.memory_space<vmem>>, %arg8: memref<96x128xf32, #tpu.memory_space<vmem>>, %arg9: memref<!tpu.dma_semaphore, #tpu.memory_space<semaphore_mem>>, %arg10: memref<!tpu.dma_semaphore, #tpu.memory_space<semaphore_mem>>, %arg11: memref<!tpu.dma_semaphore, #tpu.memory_space<semaphore_mem>>, %arg12: memref<!tpu.dma_semaphore, #tpu.memory_space<semaphore_mem>>, %arg13: memref<10112x128xf32, #tpu.memory_space<vmem_shared>>) attributes {dimension_semantics = [#tpu.dimension_semantics<core_parallel>, #tpu.dimension_semantics<subcore_parallel>], iteration_bounds = array<i64: 2, 16>, scalar_prefetch = 0 : i64, scratch_operands = 8 : i64, tpu.core_type = #tpu.core_type<sc_vector_subcore>, window_params = [{transform_indices = #map}, {transform_indices = #map1}, {transform_indices = #map}, {transform_indices = #map1}]} {
    %mul3A = arith.constant 2 : i32
    %mul3A_0 = arith.muli %arg1, %mul3A : i32
    %add3A = arith.addi %mul3A_0, %arg0 : i32
    %mul3A_1 = arith.constant 632 : i32
    %mul3A_2 = arith.muli %arg1, %mul3A_1 : i32
    %mul3A_3 = arith.constant 632 : i32
    %mul3A_4 = arith.muli %arg1, %mul3A_3 : i32
    "tpu.region"() ({
      %run_scoped3A = tpu.sem_alloc : memref<!tpu.dma_semaphore, #tpu.memory_space<semaphore_mem>>
      %dma_start3A = arith.constant 0 : i32
      %dma_start3A_26 = tpu.memref_slice %arg13[%mul3A_4, %dma_start3A] : memref<10112x128xf32, #tpu.memory_space<vmem_shared>> -> memref<632x128xf32, #tpu.memory_space<vmem_shared>>
      %dma_start3A_27 = arith.constant 0 : i32
      %dma_start3A_28 = tpu.memref_slice %arg4[%mul3A_2, %dma_start3A_27] : memref<10112x128xf32, #tpu.memory_space<hbm>> -> memref<632x128xf32, #tpu.memory_space<hbm>>
      tpu.enqueue_dma source(%dma_start3A_28 : memref<632x128xf32, #tpu.memory_space<hbm>>) target(%dma_start3A_26 : memref<632x128xf32, #tpu.memory_space<vmem_shared>>) target_semaphore(%run_scoped3A : memref<!tpu.dma_semaphore, #tpu.memory_space<semaphore_mem>>)
      %dma_wait3A_29 = arith.constant 0 : i32
      %dma_wait3A_30 = tpu.memref_slice %arg13[%mul3A_4, %dma_wait3A_29] : memref<10112x128xf32, #tpu.memory_space<vmem_shared>> -> memref<632x128xf32, #tpu.memory_space<vmem_shared>>
      %dma_wait3A_31 = arith.constant 0 : i32
      %dma_wait3A_32 = tpu.memref_slice %arg4[%mul3A_2, %dma_wait3A_31] : memref<10112x128xf32, #tpu.memory_space<hbm>> -> memref<632x128xf32, #tpu.memory_space<hbm>>
      tpu.wait_dma2 semaphore(%run_scoped3A : memref<!tpu.dma_semaphore, #tpu.memory_space<semaphore_mem>>) src(%dma_wait3A_32 : memref<632x128xf32, #tpu.memory_space<hbm>>) dst(%dma_wait3A_30 : memref<632x128xf32, #tpu.memory_space<vmem_shared>>)
      tpu.yield
    }) : () -> ()
    "tpu.region"() ({
      %run_scoped3A = tpu.sem_alloc : memref<!tpu.dma_semaphore, #tpu.memory_space<semaphore_mem>>
      %dma_start3A = arith.constant 0 : i32
      %dma_start3A_26 = arith.constant 0 : i32
      %dma_start3A_27 = tpu.memref_slice %arg3[%add3A, %dma_start3A, %dma_start3A_26] : memref<32x28x96xi32, #tpu.memory_space<hbm>> -> memref<1x28x96xi32, #tpu.memory_space<hbm>>
      %dma_start3A_28 = tpu.memref_squeeze %dma_start3A_27 : memref<1x28x96xi32, #tpu.memory_space<hbm>> -> memref<28x96xi32, #tpu.memory_space<hbm>>
      %dma_start3A_29 = arith.constant 0 : i32
      %dma_start3A_30 = arith.constant 0 : i32
      %dma_start3A_31 = tpu.memref_slice %arg3[%add3A, %dma_start3A_29, %dma_start3A_30] : memref<32x28x96xi32, #tpu.memory_space<hbm>> -> memref<1x28x96xi32, #tpu.memory_space<hbm>>
      %dma_start3A_32 = tpu.memref_squeeze %dma_start3A_31 : memref<1x28x96xi32, #tpu.memory_space<hbm>> -> memref<28x96xi32, #tpu.memory_space<hbm>>
      tpu.enqueue_dma source(%dma_start3A_32 : memref<28x96xi32, #tpu.memory_space<hbm>>) target(%arg6 : memref<28x96xi32, #tpu.memory_space<vmem>>) target_semaphore(%run_scoped3A : memref<!tpu.dma_semaphore, #tpu.memory_space<semaphore_mem>>)
      %dma_wait3A_33 = arith.constant 0 : i32
      %dma_wait3A_34 = arith.constant 0 : i32
      %dma_wait3A_35 = tpu.memref_slice %arg3[%add3A, %dma_wait3A_33, %dma_wait3A_34] : memref<32x28x96xi32, #tpu.memory_space<hbm>> -> memref<1x28x96xi32, #tpu.memory_space<hbm>>
      %dma_wait3A_36 = tpu.memref_squeeze %dma_wait3A_35 : memref<1x28x96xi32, #tpu.memory_space<hbm>> -> memref<28x96xi32, #tpu.memory_space<hbm>>
      %dma_wait3A_37 = arith.constant 0 : i32
      %dma_wait3A_38 = arith.constant 0 : i32
      %dma_wait3A_39 = tpu.memref_slice %arg3[%add3A, %dma_wait3A_37, %dma_wait3A_38] : memref<32x28x96xi32, #tpu.memory_space<hbm>> -> memref<1x28x96xi32, #tpu.memory_space<hbm>>
      %dma_wait3A_40 = tpu.memref_squeeze %dma_wait3A_39 : memref<1x28x96xi32, #tpu.memory_space<hbm>> -> memref<28x96xi32, #tpu.memory_space<hbm>>
      tpu.wait_dma2 semaphore(%run_scoped3A : memref<!tpu.dma_semaphore, #tpu.memory_space<semaphore_mem>>) src(%dma_wait3A_40 : memref<28x96xi32, #tpu.memory_space<hbm>>) dst(%arg6 : memref<28x96xi32, #tpu.memory_space<vmem>>)
      tpu.yield
    }) : () -> ()
    %barrier3A = arith.constant 0 : index
    tpu.barrier barrier_id(%barrier3A)
    %scan3A = arith.constant 0 : i32
    %scan3A_5 = arith.constant 0 : i32
    %scan3A_6 = arith.constant 14 : i32
    %scan3A_7 = arith.addi %scan3A_5, %scan3A_6 : i32
    %scan3A_8 = arith.constant 1 : i32
    scf.for %scan3A_26 = %scan3A_5 to %scan3A_7 step %scan3A_8  : i32 {
      %mul3A_27 = arith.constant 2 : i32
      %mul3A_28 = arith.muli %scan3A_26, %mul3A_27 : i32
      %add3A_29 = arith.constant 0 : i32
      %add3A_30 = arith.addi %mul3A_28, %add3A_29 : i32
      %gt3A = arith.constant 0 : i32
      %gt3A_31 = arith.cmpi sgt, %scan3A_26, %gt3A : i32
      %convert_element_type3A = arith.extui %gt3A_31 : i1 to i32
      %cond3A = arith.constant 0 : i32
      %cond3A_32 = arith.cmpi ne, %convert_element_type3A, %cond3A : i32
      scf.if %cond3A_32 {
        %dma_wait3A_91 = arith.constant 0 : i32
        %dma_wait3A_92 = arith.constant 0 : i32
        %dma_wait3A_93 = tpu.memref_slice %arg2[%dma_wait3A_91, %dma_wait3A_92] : memref<86016x128xf32, #tpu.memory_space<hbm>> -> memref<96x128xf32, #tpu.memory_space<hbm>>
        %dma_wait3A_94 = arith.constant 0 : i32
        %dma_wait3A_95 = arith.constant 0 : i32
        %dma_wait3A_96 = tpu.memref_slice %arg2[%dma_wait3A_94, %dma_wait3A_95] : memref<86016x128xf32, #tpu.memory_space<hbm>> -> memref<96x128xf32, #tpu.memory_space<hbm>>
        tpu.wait_dma2 semaphore(%arg11 : memref<!tpu.dma_semaphore, #tpu.memory_space<semaphore_mem>>) src(%dma_wait3A_96 : memref<96x128xf32, #tpu.memory_space<hbm>>) dst(%arg7 : memref<96x128xf32, #tpu.memory_space<vmem>>)
      } else {
      }
      %mul3A_33 = arith.constant 2688 : i32
      %mul3A_34 = arith.muli %add3A, %mul3A_33 : i32
      %mul3A_35 = arith.constant 96 : i32
      %mul3A_36 = arith.muli %add3A_30, %mul3A_35 : i32
      %add3A_37 = arith.addi %mul3A_34, %mul3A_36 : i32
      %dma_start3A = arith.constant 0 : i32
      %dma_start3A_38 = tpu.memref_slice %arg2[%add3A_37, %dma_start3A] : memref<86016x128xf32, #tpu.memory_space<hbm>> -> memref<96x128xf32, #tpu.memory_space<hbm>>
      %dma_start3A_39 = arith.constant 0 : i32
      %dma_start3A_40 = tpu.memref_slice %arg2[%add3A_37, %dma_start3A_39] : memref<86016x128xf32, #tpu.memory_space<hbm>> -> memref<96x128xf32, #tpu.memory_space<hbm>>
      tpu.enqueue_dma source(%dma_start3A_40 : memref<96x128xf32, #tpu.memory_space<hbm>>) target(%arg7 : memref<96x128xf32, #tpu.memory_space<vmem>>) target_semaphore(%arg9 : memref<!tpu.dma_semaphore, #tpu.memory_space<semaphore_mem>>)
      %mul3A_41 = arith.constant 2 : i32
      %mul3A_42 = arith.muli %scan3A_26, %mul3A_41 : i32
      %add3A_43 = arith.constant 1 : i32
      %add3A_44 = arith.addi %mul3A_42, %add3A_43 : i32
      %gt3A_45 = arith.constant 0 : i32
      %gt3A_46 = arith.cmpi sgt, %scan3A_26, %gt3A_45 : i32
      %convert_element_type3A_47 = arith.extui %gt3A_46 : i1 to i32
      %cond3A_48 = arith.constant 0 : i32
      %cond3A_49 = arith.cmpi ne, %convert_element_type3A_47, %cond3A_48 : i32
      scf.if %cond3A_49 {
        %dma_wait3A_91 = arith.constant 0 : i32
        %dma_wait3A_92 = arith.constant 0 : i32
        %dma_wait3A_93 = tpu.memref_slice %arg2[%dma_wait3A_91, %dma_wait3A_92] : memref<86016x128xf32, #tpu.memory_space<hbm>> -> memref<96x128xf32, #tpu.memory_space<hbm>>
        %dma_wait3A_94 = arith.constant 0 : i32
        %dma_wait3A_95 = arith.constant 0 : i32
        %dma_wait3A_96 = tpu.memref_slice %arg2[%dma_wait3A_94, %dma_wait3A_95] : memref<86016x128xf32, #tpu.memory_space<hbm>> -> memref<96x128xf32, #tpu.memory_space<hbm>>
        tpu.wait_dma2 semaphore(%arg12 : memref<!tpu.dma_semaphore, #tpu.memory_space<semaphore_mem>>) src(%dma_wait3A_96 : memref<96x128xf32, #tpu.memory_space<hbm>>) dst(%arg8 : memref<96x128xf32, #tpu.memory_space<vmem>>)
      } else {
      }
      %mul3A_50 = arith.constant 2688 : i32
      %mul3A_51 = arith.muli %add3A, %mul3A_50 : i32
      %mul3A_52 = arith.constant 96 : i32
      %mul3A_53 = arith.muli %add3A_44, %mul3A_52 : i32
      %add3A_54 = arith.addi %mul3A_51, %mul3A_53 : i32
      %dma_start3A_55 = arith.constant 0 : i32
      %dma_start3A_56 = tpu.memref_slice %arg2[%add3A_54, %dma_start3A_55] : memref<86016x128xf32, #tpu.memory_space<hbm>> -> memref<96x128xf32, #tpu.memory_space<hbm>>
      %dma_start3A_57 = arith.constant 0 : i32
      %dma_start3A_58 = tpu.memref_slice %arg2[%add3A_54, %dma_start3A_57] : memref<86016x128xf32, #tpu.memory_space<hbm>> -> memref<96x128xf32, #tpu.memory_space<hbm>>
      tpu.enqueue_dma source(%dma_start3A_58 : memref<96x128xf32, #tpu.memory_space<hbm>>) target(%arg8 : memref<96x128xf32, #tpu.memory_space<vmem>>) target_semaphore(%arg10 : memref<!tpu.dma_semaphore, #tpu.memory_space<semaphore_mem>>)
      %mul3A_59 = arith.constant 2 : i32
      %mul3A_60 = arith.muli %scan3A_26, %mul3A_59 : i32
      %add3A_61 = arith.constant 0 : i32
      %add3A_62 = arith.addi %mul3A_60, %add3A_61 : i32
      %dma_wait3A_63 = arith.constant 0 : i32
      %dma_wait3A_64 = arith.constant 0 : i32
      %dma_wait3A_65 = tpu.memref_slice %arg2[%dma_wait3A_63, %dma_wait3A_64] : memref<86016x128xf32, #tpu.memory_space<hbm>> -> memref<96x128xf32, #tpu.memory_space<hbm>>
      %dma_wait3A_66 = arith.constant 0 : i32
      %dma_wait3A_67 = arith.constant 0 : i32
      %dma_wait3A_68 = tpu.memref_slice %arg2[%dma_wait3A_66, %dma_wait3A_67] : memref<86016x128xf32, #tpu.memory_space<hbm>> -> memref<96x128xf32, #tpu.memory_space<hbm>>
      tpu.wait_dma2 semaphore(%arg9 : memref<!tpu.dma_semaphore, #tpu.memory_space<semaphore_mem>>) src(%dma_wait3A_68 : memref<96x128xf32, #tpu.memory_space<hbm>>) dst(%arg7 : memref<96x128xf32, #tpu.memory_space<vmem>>)
      %dma_start3A_69 = arith.constant 0 : i32
      %dma_start3A_70 = tpu.memref_slice %arg6[%add3A_62, %dma_start3A_69] : memref<28x96xi32, #tpu.memory_space<vmem>> -> memref<1x96xi32, #tpu.memory_space<vmem>>
      %dma_start3A_71 = tpu.memref_squeeze %dma_start3A_70 : memref<1x96xi32, #tpu.memory_space<vmem>> -> memref<96xi32, #tpu.memory_space<vmem>>
      %dma_start3A_72 = arith.constant 0 : i32
      %dma_start3A_73 = arith.constant 0 : i32
      %dma_start3A_74 = tpu.memref_slice %arg13[%dma_start3A_72, %dma_start3A_73] : memref<10112x128xf32, #tpu.memory_space<vmem_shared>> -> memref<10112x128xf32, #tpu.memory_space<vmem_shared>>
      tpu.enqueue_indirect_dma source(%arg7 : memref<96x128xf32, #tpu.memory_space<vmem>>) target(%dma_start3A_74 : memref<10112x128xf32, #tpu.memory_space<vmem_shared>>) offsets(%dma_start3A_71 : memref<96xi32, #tpu.memory_space<vmem>>) semaphore(%arg11 : memref<!tpu.dma_semaphore, #tpu.memory_space<semaphore_mem>>) {add = true}
      %mul3A_75 = arith.constant 2 : i32
      %mul3A_76 = arith.muli %scan3A_26, %mul3A_75 : i32
      %add3A_77 = arith.constant 1 : i32
      %add3A_78 = arith.addi %mul3A_76, %add3A_77 : i32
      %dma_wait3A_79 = arith.constant 0 : i32
      %dma_wait3A_80 = arith.constant 0 : i32
      %dma_wait3A_81 = tpu.memref_slice %arg2[%dma_wait3A_79, %dma_wait3A_80] : memref<86016x128xf32, #tpu.memory_space<hbm>> -> memref<96x128xf32, #tpu.memory_space<hbm>>
      %dma_wait3A_82 = arith.constant 0 : i32
      %dma_wait3A_83 = arith.constant 0 : i32
      %dma_wait3A_84 = tpu.memref_slice %arg2[%dma_wait3A_82, %dma_wait3A_83] : memref<86016x128xf32, #tpu.memory_space<hbm>> -> memref<96x128xf32, #tpu.memory_space<hbm>>
      tpu.wait_dma2 semaphore(%arg10 : memref<!tpu.dma_semaphore, #tpu.memory_space<semaphore_mem>>) src(%dma_wait3A_84 : memref<96x128xf32, #tpu.memory_space<hbm>>) dst(%arg8 : memref<96x128xf32, #tpu.memory_space<vmem>>)
      %dma_start3A_85 = arith.constant 0 : i32
      %dma_start3A_86 = tpu.memref_slice %arg6[%add3A_78, %dma_start3A_85] : memref<28x96xi32, #tpu.memory_space<vmem>> -> memref<1x96xi32, #tpu.memory_space<vmem>>
      %dma_start3A_87 = tpu.memref_squeeze %dma_start3A_86 : memref<1x96xi32, #tpu.memory_space<vmem>> -> memref<96xi32, #tpu.memory_space<vmem>>
      %dma_start3A_88 = arith.constant 0 : i32
      %dma_start3A_89 = arith.constant 0 : i32
      %dma_start3A_90 = tpu.memref_slice %arg13[%dma_start3A_88, %dma_start3A_89] : memref<10112x128xf32, #tpu.memory_space<vmem_shared>> -> memref<10112x128xf32, #tpu.memory_space<vmem_shared>>
      tpu.enqueue_indirect_dma source(%arg8 : memref<96x128xf32, #tpu.memory_space<vmem>>) target(%dma_start3A_90 : memref<10112x128xf32, #tpu.memory_space<vmem_shared>>) offsets(%dma_start3A_87 : memref<96xi32, #tpu.memory_space<vmem>>) semaphore(%arg12 : memref<!tpu.dma_semaphore, #tpu.memory_space<semaphore_mem>>) {add = true}
    }
    %scan3A_9 = arith.constant 14 : i32
    %dma_wait3A = arith.constant 0 : i32
    %dma_wait3A_10 = arith.constant 0 : i32
    %dma_wait3A_11 = tpu.memref_slice %arg2[%dma_wait3A, %dma_wait3A_10] : memref<86016x128xf32, #tpu.memory_space<hbm>> -> memref<96x128xf32, #tpu.memory_space<hbm>>
    %dma_wait3A_12 = arith.constant 0 : i32
    %dma_wait3A_13 = arith.constant 0 : i32
    %dma_wait3A_14 = tpu.memref_slice %arg2[%dma_wait3A_12, %dma_wait3A_13] : memref<86016x128xf32, #tpu.memory_space<hbm>> -> memref<96x128xf32, #tpu.memory_space<hbm>>
    tpu.wait_dma2 semaphore(%arg11 : memref<!tpu.dma_semaphore, #tpu.memory_space<semaphore_mem>>) src(%dma_wait3A_14 : memref<96x128xf32, #tpu.memory_space<hbm>>) dst(%arg7 : memref<96x128xf32, #tpu.memory_space<vmem>>)
    %dma_wait3A_15 = arith.constant 0 : i32
    %dma_wait3A_16 = arith.constant 0 : i32
    %dma_wait3A_17 = tpu.memref_slice %arg2[%dma_wait3A_15, %dma_wait3A_16] : memref<86016x128xf32, #tpu.memory_space<hbm>> -> memref<96x128xf32, #tpu.memory_space<hbm>>
    %dma_wait3A_18 = arith.constant 0 : i32
    %dma_wait3A_19 = arith.constant 0 : i32
    %dma_wait3A_20 = tpu.memref_slice %arg2[%dma_wait3A_18, %dma_wait3A_19] : memref<86016x128xf32, #tpu.memory_space<hbm>> -> memref<96x128xf32, #tpu.memory_space<hbm>>
    tpu.wait_dma2 semaphore(%arg12 : memref<!tpu.dma_semaphore, #tpu.memory_space<semaphore_mem>>) src(%dma_wait3A_20 : memref<96x128xf32, #tpu.memory_space<hbm>>) dst(%arg8 : memref<96x128xf32, #tpu.memory_space<vmem>>)
    %barrier3A_21 = arith.constant 0 : index
    tpu.barrier barrier_id(%barrier3A_21)
    %mul3A_22 = arith.constant 632 : i32
    %mul3A_23 = arith.muli %arg1, %mul3A_22 : i32
    %mul3A_24 = arith.constant 632 : i32
    %mul3A_25 = arith.muli %arg1, %mul3A_24 : i32
    "tpu.region"() ({
      %run_scoped3A = tpu.sem_alloc : memref<!tpu.dma_semaphore, #tpu.memory_space<semaphore_mem>>
      %dma_start3A = arith.constant 0 : i32
      %dma_start3A_26 = tpu.memref_slice %arg5[%arg0, %mul3A_25, %dma_start3A] : memref<2x10112x128xf32, #tpu.memory_space<hbm>> -> memref<1x632x128xf32, #tpu.memory_space<hbm>>
      %dma_start3A_27 = tpu.memref_squeeze %dma_start3A_26 : memref<1x632x128xf32, #tpu.memory_space<hbm>> -> memref<632x128xf32, #tpu.memory_space<hbm>>
      %dma_start3A_28 = arith.constant 0 : i32
      %dma_start3A_29 = tpu.memref_slice %arg13[%mul3A_23, %dma_start3A_28] : memref<10112x128xf32, #tpu.memory_space<vmem_shared>> -> memref<632x128xf32, #tpu.memory_space<vmem_shared>>
      tpu.enqueue_dma source(%dma_start3A_29 : memref<632x128xf32, #tpu.memory_space<vmem_shared>>) target(%dma_start3A_27 : memref<632x128xf32, #tpu.memory_space<hbm>>) target_semaphore(%run_scoped3A : memref<!tpu.dma_semaphore, #tpu.memory_space<semaphore_mem>>)
      %dma_wait3A_30 = arith.constant 0 : i32
      %dma_wait3A_31 = tpu.memref_slice %arg5[%arg0, %mul3A_25, %dma_wait3A_30] : memref<2x10112x128xf32, #tpu.memory_space<hbm>> -> memref<1x632x128xf32, #tpu.memory_space<hbm>>
      %dma_wait3A_32 = tpu.memref_squeeze %dma_wait3A_31 : memref<1x632x128xf32, #tpu.memory_space<hbm>> -> memref<632x128xf32, #tpu.memory_space<hbm>>
      %dma_wait3A_33 = arith.constant 0 : i32
      %dma_wait3A_34 = tpu.memref_slice %arg13[%mul3A_23, %dma_wait3A_33] : memref<10112x128xf32, #tpu.memory_space<vmem_shared>> -> memref<632x128xf32, #tpu.memory_space<vmem_shared>>
      tpu.wait_dma2 semaphore(%run_scoped3A : memref<!tpu.dma_semaphore, #tpu.memory_space<semaphore_mem>>) src(%dma_wait3A_34 : memref<632x128xf32, #tpu.memory_space<vmem_shared>>) dst(%dma_wait3A_32 : memref<632x128xf32, #tpu.memory_space<hbm>>)
      tpu.yield
    }) : () -> ()
    return
  }
}

#map = affine_map<(d0, d1) -> (0, 0)>
#map1 = affine_map<(d0, d1) -> (0, 0, 0)>
module attributes {stable_mosaic.version = 14 : i64} {
  func.func @scatter_kernel(%arg0: i32, %arg1: i32, %arg2: memref<86016x128xf32, #tpu.memory_space<hbm>>, %arg3: memref<32x28x96xi32, #tpu.memory_space<hbm>>, %arg4: memref<10112x128xf32, #tpu.memory_space<hbm>>, %arg5: memref<2x10112x128xf32, #tpu.memory_space<hbm>>, %arg6: memref<28x96xi32, #tpu.memory_space<vmem>>, %arg7: memref<96x128xf32, #tpu.memory_space<vmem>>, %arg8: memref<96x128xf32, #tpu.memory_space<vmem>>, %arg9: memref<!tpu.dma_semaphore, #tpu.memory_space<semaphore_mem>>, %arg10: memref<!tpu.dma_semaphore, #tpu.memory_space<semaphore_mem>>, %arg11: memref<!tpu.dma_semaphore, #tpu.memory_space<semaphore_mem>>, %arg12: memref<!tpu.dma_semaphore, #tpu.memory_space<semaphore_mem>>, %arg13: memref<10112x128xf32, #tpu.memory_space<vmem_shared>>) attributes {dimension_semantics = [#tpu.dimension_semantics<core_parallel>, #tpu.dimension_semantics<subcore_parallel>], iteration_bounds = array<i64: 2, 16>, scalar_prefetch = 0 : i64, scratch_operands = 8 : i64, tpu.core_type = #tpu.core_type<sc_vector_subcore>, window_params = [{transform_indices = #map}, {transform_indices = #map1}, {transform_indices = #map}, {transform_indices = #map1}]} {
    %mul3A = arith.constant 2 : i32
    %mul3A_0 = arith.muli %arg1, %mul3A : i32
    %add3A = arith.addi %mul3A_0, %arg0 : i32
    %mul3A_1 = arith.constant 632 : i32
    %mul3A_2 = arith.muli %arg1, %mul3A_1 : i32
    %mul3A_3 = arith.constant 632 : i32
    %mul3A_4 = arith.muli %arg1, %mul3A_3 : i32
    "tpu.region"() ({
      %run_scoped3A = tpu.sem_alloc : memref<!tpu.dma_semaphore, #tpu.memory_space<semaphore_mem>>
      %dma_start3A = arith.constant 0 : i32
      %dma_start3A_26 = tpu.memref_slice %arg13[%mul3A_4, %dma_start3A] : memref<10112x128xf32, #tpu.memory_space<vmem_shared>> -> memref<632x128xf32, #tpu.memory_space<vmem_shared>>
      %dma_start3A_27 = arith.constant 0 : i32
      %dma_start3A_28 = tpu.memref_slice %arg4[%mul3A_2, %dma_start3A_27] : memref<10112x128xf32, #tpu.memory_space<hbm>> -> memref<632x128xf32, #tpu.memory_space<hbm>>
      tpu.enqueue_dma source(%dma_start3A_28 : memref<632x128xf32, #tpu.memory_space<hbm>>) target(%dma_start3A_26 : memref<632x128xf32, #tpu.memory_space<vmem_shared>>) target_semaphore(%run_scoped3A : memref<!tpu.dma_semaphore, #tpu.memory_space<semaphore_mem>>)
      %dma_wait3A_29 = arith.constant 0 : i32
      %dma_wait3A_30 = tpu.memref_slice %arg13[%mul3A_4, %dma_wait3A_29] : memref<10112x128xf32, #tpu.memory_space<vmem_shared>> -> memref<632x128xf32, #tpu.memory_space<vmem_shared>>
      %dma_wait3A_31 = arith.constant 0 : i32
      %dma_wait3A_32 = tpu.memref_slice %arg4[%mul3A_2, %dma_wait3A_31] : memref<10112x128xf32, #tpu.memory_space<hbm>> -> memref<632x128xf32, #tpu.memory_space<hbm>>
      tpu.wait_dma2 semaphore(%run_scoped3A : memref<!tpu.dma_semaphore, #tpu.memory_space<semaphore_mem>>) src(%dma_wait3A_32 : memref<632x128xf32, #tpu.memory_space<hbm>>) dst(%dma_wait3A_30 : memref<632x128xf32, #tpu.memory_space<vmem_shared>>)
      tpu.yield
    }) : () -> ()
    "tpu.region"() ({
      %run_scoped3A = tpu.sem_alloc : memref<!tpu.dma_semaphore, #tpu.memory_space<semaphore_mem>>
      %dma_start3A = arith.constant 0 : i32
      %dma_start3A_26 = arith.constant 0 : i32
      %dma_start3A_27 = tpu.memref_slice %arg3[%add3A, %dma_start3A, %dma_start3A_26] : memref<32x28x96xi32, #tpu.memory_space<hbm>> -> memref<1x28x96xi32, #tpu.memory_space<hbm>>
      %dma_start3A_28 = tpu.memref_squeeze %dma_start3A_27 : memref<1x28x96xi32, #tpu.memory_space<hbm>> -> memref<28x96xi32, #tpu.memory_space<hbm>>
      %dma_start3A_29 = arith.constant 0 : i32
      %dma_start3A_30 = arith.constant 0 : i32
      %dma_start3A_31 = tpu.memref_slice %arg3[%add3A, %dma_start3A_29, %dma_start3A_30] : memref<32x28x96xi32, #tpu.memory_space<hbm>> -> memref<1x28x96xi32, #tpu.memory_space<hbm>>
      %dma_start3A_32 = tpu.memref_squeeze %dma_start3A_31 : memref<1x28x96xi32, #tpu.memory_space<hbm>> -> memref<28x96xi32, #tpu.memory_space<hbm>>
      tpu.enqueue_dma source(%dma_start3A_32 : memref<28x96xi32, #tpu.memory_space<hbm>>) target(%arg6 : memref<28x96xi32, #tpu.memory_space<vmem>>) target_semaphore(%run_scoped3A : memref<!tpu.dma_semaphore, #tpu.memory_space<semaphore_mem>>)
      %dma_wait3A_33 = arith.constant 0 : i32
      %dma_wait3A_34 = arith.constant 0 : i32
      %dma_wait3A_35 = tpu.memref_slice %arg3[%add3A, %dma_wait3A_33, %dma_wait3A_34] : memref<32x28x96xi32, #tpu.memory_space<hbm>> -> memref<1x28x96xi32, #tpu.memory_space<hbm>>
      %dma_wait3A_36 = tpu.memref_squeeze %dma_wait3A_35 : memref<1x28x96xi32, #tpu.memory_space<hbm>> -> memref<28x96xi32, #tpu.memory_space<hbm>>
      %dma_wait3A_37 = arith.constant 0 : i32
      %dma_wait3A_38 = arith.constant 0 : i32
      %dma_wait3A_39 = tpu.memref_slice %arg3[%add3A, %dma_wait3A_37, %dma_wait3A_38] : memref<32x28x96xi32, #tpu.memory_space<hbm>> -> memref<1x28x96xi32, #tpu.memory_space<hbm>>
      %dma_wait3A_40 = tpu.memref_squeeze %dma_wait3A_39 : memref<1x28x96xi32, #tpu.memory_space<hbm>> -> memref<28x96xi32, #tpu.memory_space<hbm>>
      tpu.wait_dma2 semaphore(%run_scoped3A : memref<!tpu.dma_semaphore, #tpu.memory_space<semaphore_mem>>) src(%dma_wait3A_40 : memref<28x96xi32, #tpu.memory_space<hbm>>) dst(%arg6 : memref<28x96xi32, #tpu.memory_space<vmem>>)
      tpu.yield
    }) : () -> ()
    %barrier3A = arith.constant 0 : index
    tpu.barrier barrier_id(%barrier3A)
    %scan3A = arith.constant 0 : i32
    %scan3A_5 = arith.constant 0 : i32
    %scan3A_6 = arith.constant 14 : i32
    %scan3A_7 = arith.addi %scan3A_5, %scan3A_6 : i32
    %scan3A_8 = arith.constant 1 : i32
    scf.for %scan3A_26 = %scan3A_5 to %scan3A_7 step %scan3A_8  : i32 {
      %mul3A_27 = arith.constant 2 : i32
      %mul3A_28 = arith.muli %scan3A_26, %mul3A_27 : i32
      %add3A_29 = arith.constant 0 : i32
      %add3A_30 = arith.addi %mul3A_28, %add3A_29 : i32
      %gt3A = arith.constant 0 : i32
      %gt3A_31 = arith.cmpi sgt, %scan3A_26, %gt3A : i32
      %convert_element_type3A = arith.extui %gt3A_31 : i1 to i32
      %cond3A = arith.constant 0 : i32
      %cond3A_32 = arith.cmpi ne, %convert_element_type3A, %cond3A : i32
      scf.if %cond3A_32 {
        %dma_wait3A_91 = arith.constant 0 : i32
        %dma_wait3A_92 = arith.constant 0 : i32
        %dma_wait3A_93 = tpu.memref_slice %arg2[%dma_wait3A_91, %dma_wait3A_92] : memref<86016x128xf32, #tpu.memory_space<hbm>> -> memref<96x128xf32, #tpu.memory_space<hbm>>
        %dma_wait3A_94 = arith.constant 0 : i32
        %dma_wait3A_95 = arith.constant 0 : i32
        %dma_wait3A_96 = tpu.memref_slice %arg2[%dma_wait3A_94, %dma_wait3A_95] : memref<86016x128xf32, #tpu.memory_space<hbm>> -> memref<96x128xf32, #tpu.memory_space<hbm>>
        tpu.wait_dma2 semaphore(%arg11 : memref<!tpu.dma_semaphore, #tpu.memory_space<semaphore_mem>>) src(%dma_wait3A_96 : memref<96x128xf32, #tpu.memory_space<hbm>>) dst(%arg7 : memref<96x128xf32, #tpu.memory_space<vmem>>)
      } else {
      }
      %mul3A_33 = arith.constant 2688 : i32
      %mul3A_34 = arith.muli %add3A, %mul3A_33 : i32
      %mul3A_35 = arith.constant 96 : i32
      %mul3A_36 = arith.muli %add3A_30, %mul3A_35 : i32
      %add3A_37 = arith.addi %mul3A_34, %mul3A_36 : i32
      %dma_start3A = arith.constant 0 : i32
      %dma_start3A_38 = tpu.memref_slice %arg2[%add3A_37, %dma_start3A] : memref<86016x128xf32, #tpu.memory_space<hbm>> -> memref<96x128xf32, #tpu.memory_space<hbm>>
      %dma_start3A_39 = arith.constant 0 : i32
      %dma_start3A_40 = tpu.memref_slice %arg2[%add3A_37, %dma_start3A_39] : memref<86016x128xf32, #tpu.memory_space<hbm>> -> memref<96x128xf32, #tpu.memory_space<hbm>>
      tpu.enqueue_dma source(%dma_start3A_40 : memref<96x128xf32, #tpu.memory_space<hbm>>) target(%arg7 : memref<96x128xf32, #tpu.memory_space<vmem>>) target_semaphore(%arg9 : memref<!tpu.dma_semaphore, #tpu.memory_space<semaphore_mem>>)
      %mul3A_41 = arith.constant 2 : i32
      %mul3A_42 = arith.muli %scan3A_26, %mul3A_41 : i32
      %add3A_43 = arith.constant 1 : i32
      %add3A_44 = arith.addi %mul3A_42, %add3A_43 : i32
      %gt3A_45 = arith.constant 0 : i32
      %gt3A_46 = arith.cmpi sgt, %scan3A_26, %gt3A_45 : i32
      %convert_element_type3A_47 = arith.extui %gt3A_46 : i1 to i32
      %cond3A_48 = arith.constant 0 : i32
      %cond3A_49 = arith.cmpi ne, %convert_element_type3A_47, %cond3A_48 : i32
      scf.if %cond3A_49 {
        %dma_wait3A_91 = arith.constant 0 : i32
        %dma_wait3A_92 = arith.constant 0 : i32
        %dma_wait3A_93 = tpu.memref_slice %arg2[%dma_wait3A_91, %dma_wait3A_92] : memref<86016x128xf32, #tpu.memory_space<hbm>> -> memref<96x128xf32, #tpu.memory_space<hbm>>
        %dma_wait3A_94 = arith.constant 0 : i32
        %dma_wait3A_95 = arith.constant 0 : i32
        %dma_wait3A_96 = tpu.memref_slice %arg2[%dma_wait3A_94, %dma_wait3A_95] : memref<86016x128xf32, #tpu.memory_space<hbm>> -> memref<96x128xf32, #tpu.memory_space<hbm>>
        tpu.wait_dma2 semaphore(%arg12 : memref<!tpu.dma_semaphore, #tpu.memory_space<semaphore_mem>>) src(%dma_wait3A_96 : memref<96x128xf32, #tpu.memory_space<hbm>>) dst(%arg8 : memref<96x128xf32, #tpu.memory_space<vmem>>)
      } else {
      }
      %mul3A_50 = arith.constant 2688 : i32
      %mul3A_51 = arith.muli %add3A, %mul3A_50 : i32
      %mul3A_52 = arith.constant 96 : i32
      %mul3A_53 = arith.muli %add3A_44, %mul3A_52 : i32
      %add3A_54 = arith.addi %mul3A_51, %mul3A_53 : i32
      %dma_start3A_55 = arith.constant 0 : i32
      %dma_start3A_56 = tpu.memref_slice %arg2[%add3A_54, %dma_start3A_55] : memref<86016x128xf32, #tpu.memory_space<hbm>> -> memref<96x128xf32, #tpu.memory_space<hbm>>
      %dma_start3A_57 = arith.constant 0 : i32
      %dma_start3A_58 = tpu.memref_slice %arg2[%add3A_54, %dma_start3A_57] : memref<86016x128xf32, #tpu.memory_space<hbm>> -> memref<96x128xf32, #tpu.memory_space<hbm>>
      tpu.enqueue_dma source(%dma_start3A_58 : memref<96x128xf32, #tpu.memory_space<hbm>>) target(%arg8 : memref<96x128xf32, #tpu.memory_space<vmem>>) target_semaphore(%arg10 : memref<!tpu.dma_semaphore, #tpu.memory_space<semaphore_mem>>)
      %mul3A_59 = arith.constant 2 : i32
      %mul3A_60 = arith.muli %scan3A_26, %mul3A_59 : i32
      %add3A_61 = arith.constant 0 : i32
      %add3A_62 = arith.addi %mul3A_60, %add3A_61 : i32
      %dma_wait3A_63 = arith.constant 0 : i32
      %dma_wait3A_64 = arith.constant 0 : i32
      %dma_wait3A_65 = tpu.memref_slice %arg2[%dma_wait3A_63, %dma_wait3A_64] : memref<86016x128xf32, #tpu.memory_space<hbm>> -> memref<96x128xf32, #tpu.memory_space<hbm>>
      %dma_wait3A_66 = arith.constant 0 : i32
      %dma_wait3A_67 = arith.constant 0 : i32
      %dma_wait3A_68 = tpu.memref_slice %arg2[%dma_wait3A_66, %dma_wait3A_67] : memref<86016x128xf32, #tpu.memory_space<hbm>> -> memref<96x128xf32, #tpu.memory_space<hbm>>
      tpu.wait_dma2 semaphore(%arg9 : memref<!tpu.dma_semaphore, #tpu.memory_space<semaphore_mem>>) src(%dma_wait3A_68 : memref<96x128xf32, #tpu.memory_space<hbm>>) dst(%arg7 : memref<96x128xf32, #tpu.memory_space<vmem>>)
      %dma_start3A_69 = arith.constant 0 : i32
      %dma_start3A_70 = tpu.memref_slice %arg6[%add3A_62, %dma_start3A_69] : memref<28x96xi32, #tpu.memory_space<vmem>> -> memref<1x96xi32, #tpu.memory_space<vmem>>
      %dma_start3A_71 = tpu.memref_squeeze %dma_start3A_70 : memref<1x96xi32, #tpu.memory_space<vmem>> -> memref<96xi32, #tpu.memory_space<vmem>>
      %dma_start3A_72 = arith.constant 0 : i32
      %dma_start3A_73 = arith.constant 0 : i32
      %dma_start3A_74 = tpu.memref_slice %arg13[%dma_start3A_72, %dma_start3A_73] : memref<10112x128xf32, #tpu.memory_space<vmem_shared>> -> memref<10112x128xf32, #tpu.memory_space<vmem_shared>>
      tpu.enqueue_indirect_dma source(%arg7 : memref<96x128xf32, #tpu.memory_space<vmem>>) target(%dma_start3A_74 : memref<10112x128xf32, #tpu.memory_space<vmem_shared>>) offsets(%dma_start3A_71 : memref<96xi32, #tpu.memory_space<vmem>>) semaphore(%arg11 : memref<!tpu.dma_semaphore, #tpu.memory_space<semaphore_mem>>) {add = true}
      %mul3A_75 = arith.constant 2 : i32
      %mul3A_76 = arith.muli %scan3A_26, %mul3A_75 : i32
      %add3A_77 = arith.constant 1 : i32
      %add3A_78 = arith.addi %mul3A_76, %add3A_77 : i32
      %dma_wait3A_79 = arith.constant 0 : i32
      %dma_wait3A_80 = arith.constant 0 : i32
      %dma_wait3A_81 = tpu.memref_slice %arg2[%dma_wait3A_79, %dma_wait3A_80] : memref<86016x128xf32, #tpu.memory_space<hbm>> -> memref<96x128xf32, #tpu.memory_space<hbm>>
      %dma_wait3A_82 = arith.constant 0 : i32
      %dma_wait3A_83 = arith.constant 0 : i32
      %dma_wait3A_84 = tpu.memref_slice %arg2[%dma_wait3A_82, %dma_wait3A_83] : memref<86016x128xf32, #tpu.memory_space<hbm>> -> memref<96x128xf32, #tpu.memory_space<hbm>>
      tpu.wait_dma2 semaphore(%arg10 : memref<!tpu.dma_semaphore, #tpu.memory_space<semaphore_mem>>) src(%dma_wait3A_84 : memref<96x128xf32, #tpu.memory_space<hbm>>) dst(%arg8 : memref<96x128xf32, #tpu.memory_space<vmem>>)
      %dma_start3A_85 = arith.constant 0 : i32
      %dma_start3A_86 = tpu.memref_slice %arg6[%add3A_78, %dma_start3A_85] : memref<28x96xi32, #tpu.memory_space<vmem>> -> memref<1x96xi32, #tpu.memory_space<vmem>>
      %dma_start3A_87 = tpu.memref_squeeze %dma_start3A_86 : memref<1x96xi32, #tpu.memory_space<vmem>> -> memref<96xi32, #tpu.memory_space<vmem>>
      %dma_start3A_88 = arith.constant 0 : i32
      %dma_start3A_89 = arith.constant 0 : i32
      %dma_start3A_90 = tpu.memref_slice %arg13[%dma_start3A_88, %dma_start3A_89] : memref<10112x128xf32, #tpu.memory_space<vmem_shared>> -> memref<10112x128xf32, #tpu.memory_space<vmem_shared>>
      tpu.enqueue_indirect_dma source(%arg8 : memref<96x128xf32, #tpu.memory_space<vmem>>) target(%dma_start3A_90 : memref<10112x128xf32, #tpu.memory_space<vmem_shared>>) offsets(%dma_start3A_87 : memref<96xi32, #tpu.memory_space<vmem>>) semaphore(%arg12 : memref<!tpu.dma_semaphore, #tpu.memory_space<semaphore_mem>>) {add = true}
    }
    %scan3A_9 = arith.constant 14 : i32
    %dma_wait3A = arith.constant 0 : i32
    %dma_wait3A_10 = arith.constant 0 : i32
    %dma_wait3A_11 = tpu.memref_slice %arg2[%dma_wait3A, %dma_wait3A_10] : memref<86016x128xf32, #tpu.memory_space<hbm>> -> memref<96x128xf32, #tpu.memory_space<hbm>>
    %dma_wait3A_12 = arith.constant 0 : i32
    %dma_wait3A_13 = arith.constant 0 : i32
    %dma_wait3A_14 = tpu.memref_slice %arg2[%dma_wait3A_12, %dma_wait3A_13] : memref<86016x128xf32, #tpu.memory_space<hbm>> -> memref<96x128xf32, #tpu.memory_space<hbm>>
    tpu.wait_dma2 semaphore(%arg11 : memref<!tpu.dma_semaphore, #tpu.memory_space<semaphore_mem>>) src(%dma_wait3A_14 : memref<96x128xf32, #tpu.memory_space<hbm>>) dst(%arg7 : memref<96x128xf32, #tpu.memory_space<vmem>>)
    %dma_wait3A_15 = arith.constant 0 : i32
    %dma_wait3A_16 = arith.constant 0 : i32
    %dma_wait3A_17 = tpu.memref_slice %arg2[%dma_wait3A_15, %dma_wait3A_16] : memref<86016x128xf32, #tpu.memory_space<hbm>> -> memref<96x128xf32, #tpu.memory_space<hbm>>
    %dma_wait3A_18 = arith.constant 0 : i32
    %dma_wait3A_19 = arith.constant 0 : i32
    %dma_wait3A_20 = tpu.memref_slice %arg2[%dma_wait3A_18, %dma_wait3A_19] : memref<86016x128xf32, #tpu.memory_space<hbm>> -> memref<96x128xf32, #tpu.memory_space<hbm>>
    tpu.wait_dma2 semaphore(%arg12 : memref<!tpu.dma_semaphore, #tpu.memory_space<semaphore_mem>>) src(%dma_wait3A_20 : memref<96x128xf32, #tpu.memory_space<hbm>>) dst(%arg8 : memref<96x128xf32, #tpu.memory_space<vmem>>)
    %barrier3A_21 = arith.constant 0 : index
    tpu.barrier barrier_id(%barrier3A_21)
    %mul3A_22 = arith.constant 632 : i32
    %mul3A_23 = arith.muli %arg1, %mul3A_22 : i32
    %mul3A_24 = arith.constant 632 : i32
    %mul3A_25 = arith.muli %arg1, %mul3A_24 : i32
    "tpu.region"() ({
      %run_scoped3A = tpu.sem_alloc : memref<!tpu.dma_semaphore, #tpu.memory_space<semaphore_mem>>
      %dma_start3A = arith.constant 0 : i32
      %dma_start3A_26 = tpu.memref_slice %arg5[%arg0, %mul3A_25, %dma_start3A] : memref<2x10112x128xf32, #tpu.memory_space<hbm>> -> memref<1x632x128xf32, #tpu.memory_space<hbm>>
      %dma_start3A_27 = tpu.memref_squeeze %dma_start3A_26 : memref<1x632x128xf32, #tpu.memory_space<hbm>> -> memref<632x128xf32, #tpu.memory_space<hbm>>
      %dma_start3A_28 = arith.constant 0 : i32
      %dma_start3A_29 = tpu.memref_slice %arg13[%mul3A_23, %dma_start3A_28] : memref<10112x128xf32, #tpu.memory_space<vmem_shared>> -> memref<632x128xf32, #tpu.memory_space<vmem_shared>>
      tpu.enqueue_dma source(%dma_start3A_29 : memref<632x128xf32, #tpu.memory_space<vmem_shared>>) target(%dma_start3A_27 : memref<632x128xf32, #tpu.memory_space<hbm>>) target_semaphore(%run_scoped3A : memref<!tpu.dma_semaphore, #tpu.memory_space<semaphore_mem>>)
      %dma_wait3A_30 = arith.constant 0 : i32
      %dma_wait3A_31 = tpu.memref_slice %arg5[%arg0, %mul3A_25, %dma_wait3A_30] : memref<2x10112x128xf32, #tpu.memory_space<hbm>> -> memref<1x632x128xf32, #tpu.memory_space<hbm>>
      %dma_wait3A_32 = tpu.memref_squeeze %dma_wait3A_31 : memref<1x632x128xf32, #tpu.memory_space<hbm>> -> memref<632x128xf32, #tpu.memory_space<hbm>>
      %dma_wait3A_33 = arith.constant 0 : i32
      %dma_wait3A_34 = tpu.memref_slice %arg13[%mul3A_23, %dma_wait3A_33] : memref<10112x128xf32, #tpu.memory_space<vmem_shared>> -> memref<632x128xf32, #tpu.memory_space<vmem_shared>>
      tpu.wait_dma2 semaphore(%run_scoped3A : memref<!tpu.dma_semaphore, #tpu.memory_space<semaphore_mem>>) src(%dma_wait3A_34 : memref<632x128xf32, #tpu.memory_space<vmem_shared>>) dst(%dma_wait3A_32 : memref<632x128xf32, #tpu.memory_space<hbm>>)
      tpu.yield
    }) : () -> ()
    return
  }
}

module attributes {stable_mosaic.version = 14 : i64} {
  func.func @_proj_body(%arg0: i32, %arg1: memref<1000x128xf32, #tpu.memory_space<vmem>>, %arg2: memref<128x256xf32, #tpu.memory_space<vmem>>, %arg3: memref<128x256xf32, #tpu.memory_space<vmem>>, %arg4: memref<1000x128xi32, #tpu.memory_space<vmem>>, %arg5: memref<1000x128xi32, #tpu.memory_space<vmem>>) attributes {dimension_semantics = [#tpu.dimension_semantics<arbitrary>], iteration_bounds = array<i64: 10>, scalar_prefetch = 0 : i64, scratch_operands = 0 : i64, tpu.core_type = #tpu.core_type<tc>, window_params = [{transform_indices = @transform_0, window_bounds = array<i64: 1000, 128>}, {pipeline_mode = #tpu.pipeline_mode<synchronous>, transform_indices = @transform_1, window_bounds = array<i64: 128, 256>}, {pipeline_mode = #tpu.pipeline_mode<synchronous>, transform_indices = @transform_2, window_bounds = array<i64: 128, 256>}, {transform_indices = @transform_3, window_bounds = array<i64: 1000, 128>}, {transform_indices = @transform_4, window_bounds = array<i64: 1000, 128>}]} {
    %get3A = arith.constant 0 : index
    %get3A_0 = arith.constant 0 : index
    %get3A_1 = vector.load %arg1[%get3A, %get3A_0] : memref<1000x128xf32, #tpu.memory_space<vmem>>, vector<1000x128xf32>
    %get3A_2 = arith.constant 0 : index
    %get3A_3 = arith.constant 0 : index
    %get3A_4 = vector.load %arg2[%get3A_2, %get3A_3] : memref<128x256xf32, #tpu.memory_space<vmem>>, vector<128x256xf32>
    %dot_general3A = arith.constant dense<0.000000e+00> : vector<1000x256xf32>
    %dot_general3A_5 = tpu.matmul %get3A_1, %get3A_4, %dot_general3A {dimension_numbers = #tpu.dot_dimension_numbers<[1], [0], [0], [1], [0, 0, 1, 1], [], []>, transpose_lhs_hint = false} : vector<1000x128xf32>, vector<128x256xf32>, vector<1000x256xf32> -> vector<1000x256xf32>
    %slice3A = vector.extract_strided_slice %dot_general3A_5 {offsets = [0, 0], sizes = [1000, 128], strides = [1, 1]} : vector<1000x256xf32> to vector<1000x128xf32>
    %bitcast_convert_type3A = tpu.bitcast %slice3A : vector<1000x128xf32> -> vector<1000x128xi32>
    %slice3A_6 = vector.extract_strided_slice %dot_general3A_5 {offsets = [0, 128], sizes = [1000, 128], strides = [1, 1]} : vector<1000x256xf32> to vector<1000x128xf32>
    %bitcast_convert_type3A_7 = tpu.bitcast %slice3A_6 : vector<1000x128xf32> -> vector<1000x128xi32>
    %add3A = arith.constant 32768 : i32
    %add3A_8 = vector.broadcast %add3A : i32 to vector<1000x128xi32>
    %add3A_9 = arith.addi %bitcast_convert_type3A, %add3A_8 : vector<1000x128xi32>
    %and3A = arith.constant -65536 : i32
    %and3A_10 = vector.broadcast %and3A : i32 to vector<1000x128xi32>
    %and3A_11 = arith.andi %add3A_9, %and3A_10 : vector<1000x128xi32>
    %add3A_12 = arith.constant 32768 : i32
    %add3A_13 = vector.broadcast %add3A_12 : i32 to vector<1000x128xi32>
    %add3A_14 = arith.addi %bitcast_convert_type3A_7, %add3A_13 : vector<1000x128xi32>
    %shift_right_logical3A = arith.constant 16 : i32
    %shift_right_logical3A_15 = vector.broadcast %shift_right_logical3A : i32 to vector<1000x128xi32>
    %shift_right_logical3A_16 = arith.shrui %add3A_14, %shift_right_logical3A_15 : vector<1000x128xi32>
    %or3A = arith.ori %and3A_11, %shift_right_logical3A_16 : vector<1000x128xi32>
    %swap3A = arith.constant 0 : index
    %swap3A_17 = arith.constant 0 : index
    %swap3A_18 = vector.load %arg4[%swap3A, %swap3A_17] : memref<1000x128xi32, #tpu.memory_space<vmem>>, vector<1000x128xi32>
    tpu.vector_store %arg4[%swap3A, %swap3A_17], %or3A {strides = array<i32>} : memref<1000x128xi32, #tpu.memory_space<vmem>>, vector<1000x128xi32>,
    %get3A_19 = arith.constant 0 : index
    %get3A_20 = arith.constant 0 : index
    %get3A_21 = vector.load %arg3[%get3A_19, %get3A_20] : memref<128x256xf32, #tpu.memory_space<vmem>>, vector<128x256xf32>
    %dot_general3A_22 = arith.constant dense<0.000000e+00> : vector<1000x256xf32>
    %dot_general3A_23 = tpu.matmul %get3A_1, %get3A_21, %dot_general3A_22 {dimension_numbers = #tpu.dot_dimension_numbers<[1], [0], [0], [1], [0, 0, 1, 1], [], []>, transpose_lhs_hint = false} : vector<1000x128xf32>, vector<128x256xf32>, vector<1000x256xf32> -> vector<1000x256xf32>
    %slice3A_24 = vector.extract_strided_slice %dot_general3A_23 {offsets = [0, 0], sizes = [1000, 128], strides = [1, 1]} : vector<1000x256xf32> to vector<1000x128xf32>
    %bitcast_convert_type3A_25 = tpu.bitcast %slice3A_24 : vector<1000x128xf32> -> vector<1000x128xi32>
    %slice3A_26 = vector.extract_strided_slice %dot_general3A_23 {offsets = [0, 128], sizes = [1000, 128], strides = [1, 1]} : vector<1000x256xf32> to vector<1000x128xf32>
    %bitcast_convert_type3A_27 = tpu.bitcast %slice3A_26 : vector<1000x128xf32> -> vector<1000x128xi32>
    %add3A_28 = arith.constant 32768 : i32
    %add3A_29 = vector.broadcast %add3A_28 : i32 to vector<1000x128xi32>
    %add3A_30 = arith.addi %bitcast_convert_type3A_25, %add3A_29 : vector<1000x128xi32>
    %and3A_31 = arith.constant -65536 : i32
    %and3A_32 = vector.broadcast %and3A_31 : i32 to vector<1000x128xi32>
    %and3A_33 = arith.andi %add3A_30, %and3A_32 : vector<1000x128xi32>
    %add3A_34 = arith.constant 32768 : i32
    %add3A_35 = vector.broadcast %add3A_34 : i32 to vector<1000x128xi32>
    %add3A_36 = arith.addi %bitcast_convert_type3A_27, %add3A_35 : vector<1000x128xi32>
    %shift_right_logical3A_37 = arith.constant 16 : i32
    %shift_right_logical3A_38 = vector.broadcast %shift_right_logical3A_37 : i32 to vector<1000x128xi32>
    %shift_right_logical3A_39 = arith.shrui %add3A_36, %shift_right_logical3A_38 : vector<1000x128xi32>
    %or3A_40 = arith.ori %and3A_33, %shift_right_logical3A_39 : vector<1000x128xi32>
    %swap3A_41 = arith.constant 0 : index
    %swap3A_42 = arith.constant 0 : index
    %swap3A_43 = vector.load %arg5[%swap3A_41, %swap3A_42] : memref<1000x128xi32, #tpu.memory_space<vmem>>, vector<1000x128xi32>
    tpu.vector_store %arg5[%swap3A_41, %swap3A_42], %or3A_40 {strides = array<i32>} : memref<1000x128xi32, #tpu.memory_space<vmem>>, vector<1000x128xi32>,
    return
  }
  func.func @transform_0(%arg0: i32) -> (i32, i32) {
    %c0_i32 = arith.constant 0 : i32
    %c0_i32_0 = arith.constant 0 : i32
    return %arg0, %c0_i32 : i32, i32
  }
  func.func @transform_1(%arg0: i32) -> (i32, i32) {
    %c0_i32 = arith.constant 0 : i32
    %c0_i32_0 = arith.constant 0 : i32
    %c0_i32_1 = arith.constant 0 : i32
    return %c0_i32, %c0_i32_0 : i32, i32
  }
  func.func @transform_2(%arg0: i32) -> (i32, i32) {
    %c0_i32 = arith.constant 0 : i32
    %c0_i32_0 = arith.constant 0 : i32
    %c0_i32_1 = arith.constant 0 : i32
    return %c0_i32, %c0_i32_0 : i32, i32
  }
  func.func @transform_3(%arg0: i32) -> (i32, i32) {
    %c0_i32 = arith.constant 0 : i32
    %c0_i32_0 = arith.constant 0 : i32
    return %arg0, %c0_i32 : i32, i32
  }
  func.func @transform_4(%arg0: i32) -> (i32, i32) {
    %c0_i32 = arith.constant 0 : i32
    %c0_i32_0 = arith.constant 0 : i32
    return %arg0, %c0_i32 : i32, i32
  }
}

module attributes {stable_mosaic.version = 14 : i64} {
  func.func @_edge_body(%arg0: i32, %arg1: memref<4096x128xi32, #tpu.memory_space<vmem>>, %arg2: memref<4096x128xi32, #tpu.memory_space<vmem>>, %arg3: memref<4096x16xf32, #tpu.memory_space<vmem>>, %arg4: memref<16x128xf32, #tpu.memory_space<vmem>>, %arg5: memref<1x128xf32, #tpu.memory_space<vmem>>, %arg6: memref<128x128xf32, #tpu.memory_space<vmem>>, %arg7: memref<1x128xf32, #tpu.memory_space<vmem>>, %arg8: memref<128x128xf32, #tpu.memory_space<vmem>>, %arg9: memref<1x128xf32, #tpu.memory_space<vmem>>, %arg10: memref<128x128xf32, #tpu.memory_space<vmem>>, %arg11: memref<1x128xf32, #tpu.memory_space<vmem>>, %arg12: memref<4096x128xbf16, #tpu.memory_space<vmem>>, %arg13: memref<4096x128xf32, #tpu.memory_space<vmem>>) attributes {dimension_semantics = [#tpu.dimension_semantics<arbitrary>], iteration_bounds = array<i64: 21>, scalar_prefetch = 0 : i64, scratch_operands = 0 : i64, tpu.core_type = #tpu.core_type<tc>, window_params = [{transform_indices = @transform_0, window_bounds = array<i64: 4096, 128>}, {transform_indices = @transform_1, window_bounds = array<i64: 4096, 128>}, {transform_indices = @transform_2, window_bounds = array<i64: 4096, 16>}, {pipeline_mode = #tpu.pipeline_mode<synchronous>, transform_indices = @transform_3, window_bounds = array<i64: 16, 128>}, {pipeline_mode = #tpu.pipeline_mode<synchronous>, transform_indices = @transform_4, window_bounds = array<i64: 1, 128>}, {pipeline_mode = #tpu.pipeline_mode<synchronous>, transform_indices = @transform_5, window_bounds = array<i64: 128, 128>}, {pipeline_mode = #tpu.pipeline_mode<synchronous>, transform_indices = @transform_6, window_bounds = array<i64: 1, 128>}, {pipeline_mode = #tpu.pipeline_mode<synchronous>, transform_indices = @transform_7, window_bounds = array<i64: 128, 128>}, {pipeline_mode = #tpu.pipeline_mode<synchronous>, transform_indices = @transform_8, window_bounds = array<i64: 1, 128>}, {pipeline_mode = #tpu.pipeline_mode<synchronous>, transform_indices = @transform_9, window_bounds = array<i64: 128, 128>}, {pipeline_mode = #tpu.pipeline_mode<synchronous>, transform_indices = @transform_10, window_bounds = array<i64: 1, 128>}, {transform_indices = @transform_11, window_bounds = array<i64: 4096, 128>}, {transform_indices = @transform_12, window_bounds = array<i64: 4096, 128>}]} {
    %get3A = arith.constant 0 : index
    %get3A_0 = arith.constant 0 : index
    %get3A_1 = vector.load %arg1[%get3A, %get3A_0] : memref<4096x128xi32, #tpu.memory_space<vmem>>, vector<4096x128xi32>
    %get3A_2 = arith.constant 0 : index
    %get3A_3 = arith.constant 0 : index
    %get3A_4 = vector.load %arg2[%get3A_2, %get3A_3] : memref<4096x128xi32, #tpu.memory_space<vmem>>, vector<4096x128xi32>
    %and3A = arith.constant -65536 : i32
    %and3A_5 = vector.broadcast %and3A : i32 to vector<4096x128xi32>
    %and3A_6 = arith.andi %get3A_1, %and3A_5 : vector<4096x128xi32>
    %bitcast_convert_type3A = tpu.bitcast %and3A_6 : vector<4096x128xi32> -> vector<4096x128xf32>
    %and3A_7 = arith.constant -65536 : i32
    %and3A_8 = vector.broadcast %and3A_7 : i32 to vector<4096x128xi32>
    %and3A_9 = arith.andi %get3A_4, %and3A_8 : vector<4096x128xi32>
    %bitcast_convert_type3A_10 = tpu.bitcast %and3A_9 : vector<4096x128xi32> -> vector<4096x128xf32>
    %add3A = arith.addf %bitcast_convert_type3A, %bitcast_convert_type3A_10 : vector<4096x128xf32>
    %get3A_11 = arith.constant 0 : index
    %get3A_12 = arith.constant 0 : index
    %get3A_13 = vector.load %arg3[%get3A_11, %get3A_12] : memref<4096x16xf32, #tpu.memory_space<vmem>>, vector<4096x16xf32>
    %get3A_14 = arith.constant 0 : index
    %get3A_15 = arith.constant 0 : index
    %get3A_16 = vector.load %arg4[%get3A_14, %get3A_15] : memref<16x128xf32, #tpu.memory_space<vmem>>, vector<16x128xf32>
    %convert_element_type3A = arith.truncf %get3A_13 : vector<4096x16xf32> to vector<4096x16xbf16>
    %convert_element_type3A_17 = arith.truncf %get3A_16 : vector<16x128xf32> to vector<16x128xbf16>
    %dot_general3A = arith.constant dense<0.000000e+00> : vector<4096x128xf32>
    %dot_general3A_18 = tpu.matmul %convert_element_type3A, %convert_element_type3A_17, %dot_general3A {dimension_numbers = #tpu.dot_dimension_numbers<[1], [0], [0], [1], [0, 0, 1, 1], [], []>, transpose_lhs_hint = false} : vector<4096x16xbf16>, vector<16x128xbf16>, vector<4096x128xf32> -> vector<4096x128xf32>
    %add3A_19 = arith.addf %add3A, %dot_general3A_18 : vector<4096x128xf32>
    %get3A_20 = arith.constant 0 : index
    %get3A_21 = arith.constant 0 : index
    %get3A_22 = vector.load %arg5[%get3A_20, %get3A_21] : memref<1x128xf32, #tpu.memory_space<vmem>>, vector<1x128xf32>
    %add3A_23 = vector.broadcast %get3A_22 : vector<1x128xf32> to vector<4096x128xf32>
    %add3A_24 = arith.addf %add3A_19, %add3A_23 : vector<4096x128xf32>
    %max3A = arith.constant 0.000000e+00 : f32
    %max3A_25 = vector.broadcast %max3A : f32 to vector<4096x128xf32>
    %max3A_26 = arith.maximumf %add3A_24, %max3A_25 : vector<4096x128xf32>
    %get3A_27 = arith.constant 0 : index
    %get3A_28 = arith.constant 0 : index
    %get3A_29 = vector.load %arg6[%get3A_27, %get3A_28] : memref<128x128xf32, #tpu.memory_space<vmem>>, vector<128x128xf32>
    %convert_element_type3A_30 = arith.truncf %max3A_26 : vector<4096x128xf32> to vector<4096x128xbf16>
    %convert_element_type3A_31 = arith.truncf %get3A_29 : vector<128x128xf32> to vector<128x128xbf16>
    %dot_general3A_32 = arith.constant dense<0.000000e+00> : vector<4096x128xf32>
    %dot_general3A_33 = tpu.matmul %convert_element_type3A_30, %convert_element_type3A_31, %dot_general3A_32 {dimension_numbers = #tpu.dot_dimension_numbers<[1], [0], [0], [1], [0, 0, 1, 1], [], []>, transpose_lhs_hint = false} : vector<4096x128xbf16>, vector<128x128xbf16>, vector<4096x128xf32> -> vector<4096x128xf32>
    %get3A_34 = arith.constant 0 : index
    %get3A_35 = arith.constant 0 : index
    %get3A_36 = vector.load %arg7[%get3A_34, %get3A_35] : memref<1x128xf32, #tpu.memory_space<vmem>>, vector<1x128xf32>
    %add3A_37 = vector.broadcast %get3A_36 : vector<1x128xf32> to vector<4096x128xf32>
    %add3A_38 = arith.addf %dot_general3A_33, %add3A_37 : vector<4096x128xf32>
    %shift_left3A = arith.constant 16 : i32
    %shift_left3A_39 = vector.broadcast %shift_left3A : i32 to vector<4096x128xi32>
    %shift_left3A_40 = arith.shli %get3A_1, %shift_left3A_39 : vector<4096x128xi32>
    %bitcast_convert_type3A_41 = tpu.bitcast %shift_left3A_40 : vector<4096x128xi32> -> vector<4096x128xf32>
    %shift_left3A_42 = arith.constant 16 : i32
    %shift_left3A_43 = vector.broadcast %shift_left3A_42 : i32 to vector<4096x128xi32>
    %shift_left3A_44 = arith.shli %get3A_4, %shift_left3A_43 : vector<4096x128xi32>
    %bitcast_convert_type3A_45 = tpu.bitcast %shift_left3A_44 : vector<4096x128xi32> -> vector<4096x128xf32>
    %add3A_46 = arith.addf %bitcast_convert_type3A_41, %bitcast_convert_type3A_45 : vector<4096x128xf32>
    %get3A_47 = arith.constant 0 : index
    %get3A_48 = arith.constant 0 : index
    %get3A_49 = vector.load %arg8[%get3A_47, %get3A_48] : memref<128x128xf32, #tpu.memory_space<vmem>>, vector<128x128xf32>
    %convert_element_type3A_50 = arith.truncf %add3A_38 : vector<4096x128xf32> to vector<4096x128xbf16>
    %convert_element_type3A_51 = arith.truncf %get3A_49 : vector<128x128xf32> to vector<128x128xbf16>
    %dot_general3A_52 = arith.constant dense<0.000000e+00> : vector<4096x128xf32>
    %dot_general3A_53 = tpu.matmul %convert_element_type3A_50, %convert_element_type3A_51, %dot_general3A_52 {dimension_numbers = #tpu.dot_dimension_numbers<[1], [0], [0], [1], [0, 0, 1, 1], [], []>, transpose_lhs_hint = false} : vector<4096x128xbf16>, vector<128x128xbf16>, vector<4096x128xf32> -> vector<4096x128xf32>
    %add3A_54 = arith.addf %add3A_46, %dot_general3A_53 : vector<4096x128xf32>
    %get3A_55 = arith.constant 0 : index
    %get3A_56 = arith.constant 0 : index
    %get3A_57 = vector.load %arg9[%get3A_55, %get3A_56] : memref<1x128xf32, #tpu.memory_space<vmem>>, vector<1x128xf32>
    %add3A_58 = vector.broadcast %get3A_57 : vector<1x128xf32> to vector<4096x128xf32>
    %add3A_59 = arith.addf %add3A_54, %add3A_58 : vector<4096x128xf32>
    %max3A_60 = arith.constant 0.000000e+00 : f32
    %max3A_61 = vector.broadcast %max3A_60 : f32 to vector<4096x128xf32>
    %max3A_62 = arith.maximumf %add3A_59, %max3A_61 : vector<4096x128xf32>
    %get3A_63 = arith.constant 0 : index
    %get3A_64 = arith.constant 0 : index
    %get3A_65 = vector.load %arg10[%get3A_63, %get3A_64] : memref<128x128xf32, #tpu.memory_space<vmem>>, vector<128x128xf32>
    %convert_element_type3A_66 = arith.truncf %max3A_62 : vector<4096x128xf32> to vector<4096x128xbf16>
    %convert_element_type3A_67 = arith.truncf %get3A_65 : vector<128x128xf32> to vector<128x128xbf16>
    %dot_general3A_68 = arith.constant dense<0.000000e+00> : vector<4096x128xf32>
    %dot_general3A_69 = tpu.matmul %convert_element_type3A_66, %convert_element_type3A_67, %dot_general3A_68 {dimension_numbers = #tpu.dot_dimension_numbers<[1], [0], [0], [1], [0, 0, 1, 1], [], []>, transpose_lhs_hint = false} : vector<4096x128xbf16>, vector<128x128xbf16>, vector<4096x128xf32> -> vector<4096x128xf32>
    %get3A_70 = arith.constant 0 : index
    %get3A_71 = arith.constant 0 : index
    %get3A_72 = vector.load %arg11[%get3A_70, %get3A_71] : memref<1x128xf32, #tpu.memory_space<vmem>>, vector<1x128xf32>
    %add3A_73 = vector.broadcast %get3A_72 : vector<1x128xf32> to vector<4096x128xf32>
    %add3A_74 = arith.addf %dot_general3A_69, %add3A_73 : vector<4096x128xf32>
    %swap3A = arith.constant 0 : index
    %swap3A_75 = arith.constant 0 : index
    %swap3A_76 = vector.load %arg13[%swap3A, %swap3A_75] : memref<4096x128xf32, #tpu.memory_space<vmem>>, vector<4096x128xf32>
    tpu.vector_store %arg13[%swap3A, %swap3A_75], %add3A_74 {strides = array<i32>} : memref<4096x128xf32, #tpu.memory_space<vmem>>, vector<4096x128xf32>,
    %convert_element_type3A_77 = arith.truncf %add3A_38 : vector<4096x128xf32> to vector<4096x128xbf16>
    %swap3A_78 = arith.constant 0 : index
    %swap3A_79 = arith.constant 0 : index
    %swap3A_80 = vector.load %arg12[%swap3A_78, %swap3A_79] : memref<4096x128xbf16, #tpu.memory_space<vmem>>, vector<4096x128xbf16>
    tpu.vector_store %arg12[%swap3A_78, %swap3A_79], %convert_element_type3A_77 {strides = array<i32>} : memref<4096x128xbf16, #tpu.memory_space<vmem>>, vector<4096x128xbf16>,
    return
  }
  func.func @transform_0(%arg0: i32) -> (i32, i32) {
    %c0_i32 = arith.constant 0 : i32
    %c0_i32_0 = arith.constant 0 : i32
    return %arg0, %c0_i32 : i32, i32
  }
  func.func @transform_1(%arg0: i32) -> (i32, i32) {
    %c0_i32 = arith.constant 0 : i32
    %c0_i32_0 = arith.constant 0 : i32
    return %arg0, %c0_i32 : i32, i32
  }
  func.func @transform_2(%arg0: i32) -> (i32, i32) {
    %c0_i32 = arith.constant 0 : i32
    %c0_i32_0 = arith.constant 0 : i32
    return %arg0, %c0_i32 : i32, i32
  }
  func.func @transform_3(%arg0: i32) -> (i32, i32) {
    %c0_i32 = arith.constant 0 : i32
    %c0_i32_0 = arith.constant 0 : i32
    %c0_i32_1 = arith.constant 0 : i32
    return %c0_i32, %c0_i32_0 : i32, i32
  }
  func.func @transform_4(%arg0: i32) -> (i32, i32) {
    %c0_i32 = arith.constant 0 : i32
    %c0_i32_0 = arith.constant 0 : i32
    %c0_i32_1 = arith.constant 0 : i32
    return %c0_i32, %c0_i32_0 : i32, i32
  }
  func.func @transform_5(%arg0: i32) -> (i32, i32) {
    %c0_i32 = arith.constant 0 : i32
    %c0_i32_0 = arith.constant 0 : i32
    %c0_i32_1 = arith.constant 0 : i32
    return %c0_i32, %c0_i32_0 : i32, i32
  }
  func.func @transform_6(%arg0: i32) -> (i32, i32) {
    %c0_i32 = arith.constant 0 : i32
    %c0_i32_0 = arith.constant 0 : i32
    %c0_i32_1 = arith.constant 0 : i32
    return %c0_i32, %c0_i32_0 : i32, i32
  }
  func.func @transform_7(%arg0: i32) -> (i32, i32) {
    %c0_i32 = arith.constant 0 : i32
    %c0_i32_0 = arith.constant 0 : i32
    %c0_i32_1 = arith.constant 0 : i32
    return %c0_i32, %c0_i32_0 : i32, i32
  }
  func.func @transform_8(%arg0: i32) -> (i32, i32) {
    %c0_i32 = arith.constant 0 : i32
    %c0_i32_0 = arith.constant 0 : i32
    %c0_i32_1 = arith.constant 0 : i32
    return %c0_i32, %c0_i32_0 : i32, i32
  }
  func.func @transform_9(%arg0: i32) -> (i32, i32) {
    %c0_i32 = arith.constant 0 : i32
    %c0_i32_0 = arith.constant 0 : i32
    %c0_i32_1 = arith.constant 0 : i32
    return %c0_i32, %c0_i32_0 : i32, i32
  }
  func.func @transform_10(%arg0: i32) -> (i32, i32) {
    %c0_i32 = arith.constant 0 : i32
    %c0_i32_0 = arith.constant 0 : i32
    %c0_i32_1 = arith.constant 0 : i32
    return %c0_i32, %c0_i32_0 : i32, i32
  }
  func.func @transform_11(%arg0: i32) -> (i32, i32) {
    %c0_i32 = arith.constant 0 : i32
    %c0_i32_0 = arith.constant 0 : i32
    return %arg0, %c0_i32 : i32, i32
  }
  func.func @transform_12(%arg0: i32) -> (i32, i32) {
    %c0_i32 = arith.constant 0 : i32
    %c0_i32_0 = arith.constant 0 : i32
    return %arg0, %c0_i32 : i32, i32
  }
}

module attributes {stable_mosaic.version = 14 : i64} {
  func.func @_node_body(%arg0: i32, %arg1: memref<1000x128xf32, #tpu.memory_space<vmem>>, %arg2: memref<1x1000x128xf32, #tpu.memory_space<vmem>>, %arg3: memref<1x1000x128xf32, #tpu.memory_space<vmem>>, %arg4: memref<1x1000x128xf32, #tpu.memory_space<vmem>>, %arg5: memref<1x1000x128xf32, #tpu.memory_space<vmem>>, %arg6: memref<128x128xf32, #tpu.memory_space<vmem>>, %arg7: memref<128x128xf32, #tpu.memory_space<vmem>>, %arg8: memref<1x128xf32, #tpu.memory_space<vmem>>, %arg9: memref<128x128xf32, #tpu.memory_space<vmem>>, %arg10: memref<1x128xf32, #tpu.memory_space<vmem>>, %arg11: memref<1000x128xf32, #tpu.memory_space<vmem>>) attributes {dimension_semantics = [#tpu.dimension_semantics<arbitrary>], iteration_bounds = array<i64: 10>, scalar_prefetch = 0 : i64, scratch_operands = 0 : i64, tpu.core_type = #tpu.core_type<tc>, window_params = [{transform_indices = @transform_0, window_bounds = array<i64: 1000, 128>}, {transform_indices = @transform_1, window_bounds = array<i64: 1, 1000, 128>}, {transform_indices = @transform_2, window_bounds = array<i64: 1, 1000, 128>}, {transform_indices = @transform_3, window_bounds = array<i64: 1, 1000, 128>}, {transform_indices = @transform_4, window_bounds = array<i64: 1, 1000, 128>}, {pipeline_mode = #tpu.pipeline_mode<synchronous>, transform_indices = @transform_5, window_bounds = array<i64: 128, 128>}, {pipeline_mode = #tpu.pipeline_mode<synchronous>, transform_indices = @transform_6, window_bounds = array<i64: 128, 128>}, {pipeline_mode = #tpu.pipeline_mode<synchronous>, transform_indices = @transform_7, window_bounds = array<i64: 1, 128>}, {pipeline_mode = #tpu.pipeline_mode<synchronous>, transform_indices = @transform_8, window_bounds = array<i64: 128, 128>}, {pipeline_mode = #tpu.pipeline_mode<synchronous>, transform_indices = @transform_9, window_bounds = array<i64: 1, 128>}, {transform_indices = @transform_10, window_bounds = array<i64: 1000, 128>}]} {
    %get3A = arith.constant 0 : index
    %get3A_0 = arith.constant 0 : index
    %get3A_1 = arith.constant 0 : index
    %get3A_2 = vector.load %arg2[%get3A, %get3A_0, %get3A_1] : memref<1x1000x128xf32, #tpu.memory_space<vmem>>, vector<1x1000x128xf32>
    %get3A_3 = vector.shape_cast %get3A_2 : vector<1x1000x128xf32> to vector<1000x128xf32>
    %get3A_4 = arith.constant 0 : index
    %get3A_5 = arith.constant 0 : index
    %get3A_6 = arith.constant 0 : index
    %get3A_7 = vector.load %arg3[%get3A_4, %get3A_5, %get3A_6] : memref<1x1000x128xf32, #tpu.memory_space<vmem>>, vector<1x1000x128xf32>
    %get3A_8 = vector.shape_cast %get3A_7 : vector<1x1000x128xf32> to vector<1000x128xf32>
    %add3A = arith.addf %get3A_3, %get3A_8 : vector<1000x128xf32>
    %get3A_9 = arith.constant 0 : index
    %get3A_10 = arith.constant 0 : index
    %get3A_11 = arith.constant 0 : index
    %get3A_12 = vector.load %arg4[%get3A_9, %get3A_10, %get3A_11] : memref<1x1000x128xf32, #tpu.memory_space<vmem>>, vector<1x1000x128xf32>
    %get3A_13 = vector.shape_cast %get3A_12 : vector<1x1000x128xf32> to vector<1000x128xf32>
    %add3A_14 = arith.addf %add3A, %get3A_13 : vector<1000x128xf32>
    %get3A_15 = arith.constant 0 : index
    %get3A_16 = arith.constant 0 : index
    %get3A_17 = arith.constant 0 : index
    %get3A_18 = vector.load %arg5[%get3A_15, %get3A_16, %get3A_17] : memref<1x1000x128xf32, #tpu.memory_space<vmem>>, vector<1x1000x128xf32>
    %get3A_19 = vector.shape_cast %get3A_18 : vector<1x1000x128xf32> to vector<1000x128xf32>
    %add3A_20 = arith.addf %add3A_14, %get3A_19 : vector<1000x128xf32>
    %get3A_21 = arith.constant 0 : index
    %get3A_22 = arith.constant 0 : index
    %get3A_23 = vector.load %arg1[%get3A_21, %get3A_22] : memref<1000x128xf32, #tpu.memory_space<vmem>>, vector<1000x128xf32>
    %get3A_24 = arith.constant 0 : index
    %get3A_25 = arith.constant 0 : index
    %get3A_26 = vector.load %arg6[%get3A_24, %get3A_25] : memref<128x128xf32, #tpu.memory_space<vmem>>, vector<128x128xf32>
    %dot_general3A = arith.constant dense<0.000000e+00> : vector<1000x128xf32>
    %dot_general3A_27 = tpu.matmul %get3A_23, %get3A_26, %dot_general3A {dimension_numbers = #tpu.dot_dimension_numbers<[1], [0], [0], [1], [0, 0, 1, 1], [], []>, transpose_lhs_hint = false} : vector<1000x128xf32>, vector<128x128xf32>, vector<1000x128xf32> -> vector<1000x128xf32>
    %get3A_28 = arith.constant 0 : index
    %get3A_29 = arith.constant 0 : index
    %get3A_30 = vector.load %arg7[%get3A_28, %get3A_29] : memref<128x128xf32, #tpu.memory_space<vmem>>, vector<128x128xf32>
    %dot_general3A_31 = arith.constant dense<0.000000e+00> : vector<1000x128xf32>
    %dot_general3A_32 = tpu.matmul %add3A_20, %get3A_30, %dot_general3A_31 {dimension_numbers = #tpu.dot_dimension_numbers<[1], [0], [0], [1], [0, 0, 1, 1], [], []>, transpose_lhs_hint = false} : vector<1000x128xf32>, vector<128x128xf32>, vector<1000x128xf32> -> vector<1000x128xf32>
    %add3A_33 = arith.addf %dot_general3A_27, %dot_general3A_32 : vector<1000x128xf32>
    %get3A_34 = arith.constant 0 : index
    %get3A_35 = arith.constant 0 : index
    %get3A_36 = vector.load %arg8[%get3A_34, %get3A_35] : memref<1x128xf32, #tpu.memory_space<vmem>>, vector<1x128xf32>
    %add3A_37 = vector.broadcast %get3A_36 : vector<1x128xf32> to vector<1000x128xf32>
    %add3A_38 = arith.addf %add3A_33, %add3A_37 : vector<1000x128xf32>
    %max3A = arith.constant 0.000000e+00 : f32
    %max3A_39 = vector.broadcast %max3A : f32 to vector<1000x128xf32>
    %max3A_40 = arith.maximumf %add3A_38, %max3A_39 : vector<1000x128xf32>
    %get3A_41 = arith.constant 0 : index
    %get3A_42 = arith.constant 0 : index
    %get3A_43 = vector.load %arg9[%get3A_41, %get3A_42] : memref<128x128xf32, #tpu.memory_space<vmem>>, vector<128x128xf32>
    %dot_general3A_44 = arith.constant dense<0.000000e+00> : vector<1000x128xf32>
    %dot_general3A_45 = tpu.matmul %max3A_40, %get3A_43, %dot_general3A_44 {dimension_numbers = #tpu.dot_dimension_numbers<[1], [0], [0], [1], [0, 0, 1, 1], [], []>, transpose_lhs_hint = false} : vector<1000x128xf32>, vector<128x128xf32>, vector<1000x128xf32> -> vector<1000x128xf32>
    %get3A_46 = arith.constant 0 : index
    %get3A_47 = arith.constant 0 : index
    %get3A_48 = vector.load %arg10[%get3A_46, %get3A_47] : memref<1x128xf32, #tpu.memory_space<vmem>>, vector<1x128xf32>
    %add3A_49 = vector.broadcast %get3A_48 : vector<1x128xf32> to vector<1000x128xf32>
    %add3A_50 = arith.addf %dot_general3A_45, %add3A_49 : vector<1000x128xf32>
    %swap3A = arith.constant 0 : index
    %swap3A_51 = arith.constant 0 : index
    %swap3A_52 = vector.load %arg11[%swap3A, %swap3A_51] : memref<1000x128xf32, #tpu.memory_space<vmem>>, vector<1000x128xf32>
    tpu.vector_store %arg11[%swap3A, %swap3A_51], %add3A_50 {strides = array<i32>} : memref<1000x128xf32, #tpu.memory_space<vmem>>, vector<1000x128xf32>,
    return
  }
  func.func @transform_0(%arg0: i32) -> (i32, i32) {
    %c0_i32 = arith.constant 0 : i32
    %c0_i32_0 = arith.constant 0 : i32
    return %arg0, %c0_i32 : i32, i32
  }
  func.func @transform_1(%arg0: i32) -> (i32, i32, i32) {
    %c0_i32 = arith.constant 0 : i32
    %c0_i32_0 = arith.constant 0 : i32
    %c0_i32_1 = arith.constant 0 : i32
    return %c0_i32, %arg0, %c0_i32_0 : i32, i32, i32
  }
  func.func @transform_2(%arg0: i32) -> (i32, i32, i32) {
    %c1_i32 = arith.constant 1 : i32
    %c0_i32 = arith.constant 0 : i32
    %c0_i32_0 = arith.constant 0 : i32
    return %c1_i32, %arg0, %c0_i32 : i32, i32, i32
  }
  func.func @transform_3(%arg0: i32) -> (i32, i32, i32) {
    %c0_i32 = arith.constant 0 : i32
    %c0_i32_0 = arith.constant 0 : i32
    %c0_i32_1 = arith.constant 0 : i32
    return %c0_i32, %arg0, %c0_i32_0 : i32, i32, i32
  }
  func.func @transform_4(%arg0: i32) -> (i32, i32, i32) {
    %c1_i32 = arith.constant 1 : i32
    %c0_i32 = arith.constant 0 : i32
    %c0_i32_0 = arith.constant 0 : i32
    return %c1_i32, %arg0, %c0_i32 : i32, i32, i32
  }
  func.func @transform_5(%arg0: i32) -> (i32, i32) {
    %c0_i32 = arith.constant 0 : i32
    %c0_i32_0 = arith.constant 0 : i32
    %c0_i32_1 = arith.constant 0 : i32
    return %c0_i32, %c0_i32_0 : i32, i32
  }
  func.func @transform_6(%arg0: i32) -> (i32, i32) {
    %c0_i32 = arith.constant 0 : i32
    %c0_i32_0 = arith.constant 0 : i32
    %c0_i32_1 = arith.constant 0 : i32
    return %c0_i32, %c0_i32_0 : i32, i32
  }
  func.func @transform_7(%arg0: i32) -> (i32, i32) {
    %c0_i32 = arith.constant 0 : i32
    %c0_i32_0 = arith.constant 0 : i32
    %c0_i32_1 = arith.constant 0 : i32
    return %c0_i32, %c0_i32_0 : i32, i32
  }
  func.func @transform_8(%arg0: i32) -> (i32, i32) {
    %c0_i32 = arith.constant 0 : i32
    %c0_i32_0 = arith.constant 0 : i32
    %c0_i32_1 = arith.constant 0 : i32
    return %c0_i32, %c0_i32_0 : i32, i32
  }
  func.func @transform_9(%arg0: i32) -> (i32, i32) {
    %c0_i32 = arith.constant 0 : i32
    %c0_i32_0 = arith.constant 0 : i32
    %c0_i32_1 = arith.constant 0 : i32
    return %c0_i32, %c0_i32_0 : i32, i32
  }
  func.func @transform_10(%arg0: i32) -> (i32, i32) {
    %c0_i32 = arith.constant 0 : i32
    %c0_i32_0 = arith.constant 0 : i32
    return %arg0, %c0_i32 : i32, i32
  }
}

module attributes {stable_mosaic.version = 14 : i64} {
  func.func @_edge_body(%arg0: i32, %arg1: memref<4096x128xi32, #tpu.memory_space<vmem>>, %arg2: memref<4096x128xi32, #tpu.memory_space<vmem>>, %arg3: memref<4096x128xbf16, #tpu.memory_space<vmem>>, %arg4: memref<128x128xf32, #tpu.memory_space<vmem>>, %arg5: memref<1x128xf32, #tpu.memory_space<vmem>>, %arg6: memref<128x128xf32, #tpu.memory_space<vmem>>, %arg7: memref<1x128xf32, #tpu.memory_space<vmem>>, %arg8: memref<128x128xf32, #tpu.memory_space<vmem>>, %arg9: memref<1x128xf32, #tpu.memory_space<vmem>>, %arg10: memref<128x128xf32, #tpu.memory_space<vmem>>, %arg11: memref<1x128xf32, #tpu.memory_space<vmem>>, %arg12: memref<4096x128xf32, #tpu.memory_space<vmem>>, %arg13: memref<4096x128xf32, #tpu.memory_space<vmem>>) attributes {dimension_semantics = [#tpu.dimension_semantics<arbitrary>], iteration_bounds = array<i64: 21>, scalar_prefetch = 0 : i64, scratch_operands = 0 : i64, tpu.core_type = #tpu.core_type<tc>, window_params = [{transform_indices = @transform_0, window_bounds = array<i64: 4096, 128>}, {transform_indices = @transform_1, window_bounds = array<i64: 4096, 128>}, {transform_indices = @transform_2, window_bounds = array<i64: 4096, 128>}, {pipeline_mode = #tpu.pipeline_mode<synchronous>, transform_indices = @transform_3, window_bounds = array<i64: 128, 128>}, {pipeline_mode = #tpu.pipeline_mode<synchronous>, transform_indices = @transform_4, window_bounds = array<i64: 1, 128>}, {pipeline_mode = #tpu.pipeline_mode<synchronous>, transform_indices = @transform_5, window_bounds = array<i64: 128, 128>}, {pipeline_mode = #tpu.pipeline_mode<synchronous>, transform_indices = @transform_6, window_bounds = array<i64: 1, 128>}, {pipeline_mode = #tpu.pipeline_mode<synchronous>, transform_indices = @transform_7, window_bounds = array<i64: 128, 128>}, {pipeline_mode = #tpu.pipeline_mode<synchronous>, transform_indices = @transform_8, window_bounds = array<i64: 1, 128>}, {pipeline_mode = #tpu.pipeline_mode<synchronous>, transform_indices = @transform_9, window_bounds = array<i64: 128, 128>}, {pipeline_mode = #tpu.pipeline_mode<synchronous>, transform_indices = @transform_10, window_bounds = array<i64: 1, 128>}, {transform_indices = @transform_11, window_bounds = array<i64: 4096, 128>}, {transform_indices = @transform_12, window_bounds = array<i64: 4096, 128>}]} {
    %get3A = arith.constant 0 : index
    %get3A_0 = arith.constant 0 : index
    %get3A_1 = vector.load %arg1[%get3A, %get3A_0] : memref<4096x128xi32, #tpu.memory_space<vmem>>, vector<4096x128xi32>
    %get3A_2 = arith.constant 0 : index
    %get3A_3 = arith.constant 0 : index
    %get3A_4 = vector.load %arg2[%get3A_2, %get3A_3] : memref<4096x128xi32, #tpu.memory_space<vmem>>, vector<4096x128xi32>
    %and3A = arith.constant -65536 : i32
    %and3A_5 = vector.broadcast %and3A : i32 to vector<4096x128xi32>
    %and3A_6 = arith.andi %get3A_1, %and3A_5 : vector<4096x128xi32>
    %bitcast_convert_type3A = tpu.bitcast %and3A_6 : vector<4096x128xi32> -> vector<4096x128xf32>
    %and3A_7 = arith.constant -65536 : i32
    %and3A_8 = vector.broadcast %and3A_7 : i32 to vector<4096x128xi32>
    %and3A_9 = arith.andi %get3A_4, %and3A_8 : vector<4096x128xi32>
    %bitcast_convert_type3A_10 = tpu.bitcast %and3A_9 : vector<4096x128xi32> -> vector<4096x128xf32>
    %add3A = arith.addf %bitcast_convert_type3A, %bitcast_convert_type3A_10 : vector<4096x128xf32>
    %get3A_11 = arith.constant 0 : index
    %get3A_12 = arith.constant 0 : index
    %get3A_13 = vector.load %arg3[%get3A_11, %get3A_12] : memref<4096x128xbf16, #tpu.memory_space<vmem>>, vector<4096x128xbf16>
    %get3A_14 = arith.constant 0 : index
    %get3A_15 = arith.constant 0 : index
    %get3A_16 = vector.load %arg4[%get3A_14, %get3A_15] : memref<128x128xf32, #tpu.memory_space<vmem>>, vector<128x128xf32>
    %convert_element_type3A = arith.truncf %get3A_16 : vector<128x128xf32> to vector<128x128xbf16>
    %dot_general3A = arith.constant dense<0.000000e+00> : vector<4096x128xf32>
    %dot_general3A_17 = tpu.matmul %get3A_13, %convert_element_type3A, %dot_general3A {dimension_numbers = #tpu.dot_dimension_numbers<[1], [0], [0], [1], [0, 0, 1, 1], [], []>, transpose_lhs_hint = false} : vector<4096x128xbf16>, vector<128x128xbf16>, vector<4096x128xf32> -> vector<4096x128xf32>
    %add3A_18 = arith.addf %add3A, %dot_general3A_17 : vector<4096x128xf32>
    %get3A_19 = arith.constant 0 : index
    %get3A_20 = arith.constant 0 : index
    %get3A_21 = vector.load %arg5[%get3A_19, %get3A_20] : memref<1x128xf32, #tpu.memory_space<vmem>>, vector<1x128xf32>
    %add3A_22 = vector.broadcast %get3A_21 : vector<1x128xf32> to vector<4096x128xf32>
    %add3A_23 = arith.addf %add3A_18, %add3A_22 : vector<4096x128xf32>
    %max3A = arith.constant 0.000000e+00 : f32
    %max3A_24 = vector.broadcast %max3A : f32 to vector<4096x128xf32>
    %max3A_25 = arith.maximumf %add3A_23, %max3A_24 : vector<4096x128xf32>
    %get3A_26 = arith.constant 0 : index
    %get3A_27 = arith.constant 0 : index
    %get3A_28 = vector.load %arg6[%get3A_26, %get3A_27] : memref<128x128xf32, #tpu.memory_space<vmem>>, vector<128x128xf32>
    %convert_element_type3A_29 = arith.truncf %max3A_25 : vector<4096x128xf32> to vector<4096x128xbf16>
    %convert_element_type3A_30 = arith.truncf %get3A_28 : vector<128x128xf32> to vector<128x128xbf16>
    %dot_general3A_31 = arith.constant dense<0.000000e+00> : vector<4096x128xf32>
    %dot_general3A_32 = tpu.matmul %convert_element_type3A_29, %convert_element_type3A_30, %dot_general3A_31 {dimension_numbers = #tpu.dot_dimension_numbers<[1], [0], [0], [1], [0, 0, 1, 1], [], []>, transpose_lhs_hint = false} : vector<4096x128xbf16>, vector<128x128xbf16>, vector<4096x128xf32> -> vector<4096x128xf32>
    %get3A_33 = arith.constant 0 : index
    %get3A_34 = arith.constant 0 : index
    %get3A_35 = vector.load %arg7[%get3A_33, %get3A_34] : memref<1x128xf32, #tpu.memory_space<vmem>>, vector<1x128xf32>
    %add3A_36 = vector.broadcast %get3A_35 : vector<1x128xf32> to vector<4096x128xf32>
    %add3A_37 = arith.addf %dot_general3A_32, %add3A_36 : vector<4096x128xf32>
    %shift_left3A = arith.constant 16 : i32
    %shift_left3A_38 = vector.broadcast %shift_left3A : i32 to vector<4096x128xi32>
    %shift_left3A_39 = arith.shli %get3A_1, %shift_left3A_38 : vector<4096x128xi32>
    %bitcast_convert_type3A_40 = tpu.bitcast %shift_left3A_39 : vector<4096x128xi32> -> vector<4096x128xf32>
    %shift_left3A_41 = arith.constant 16 : i32
    %shift_left3A_42 = vector.broadcast %shift_left3A_41 : i32 to vector<4096x128xi32>
    %shift_left3A_43 = arith.shli %get3A_4, %shift_left3A_42 : vector<4096x128xi32>
    %bitcast_convert_type3A_44 = tpu.bitcast %shift_left3A_43 : vector<4096x128xi32> -> vector<4096x128xf32>
    %add3A_45 = arith.addf %bitcast_convert_type3A_40, %bitcast_convert_type3A_44 : vector<4096x128xf32>
    %get3A_46 = arith.constant 0 : index
    %get3A_47 = arith.constant 0 : index
    %get3A_48 = vector.load %arg8[%get3A_46, %get3A_47] : memref<128x128xf32, #tpu.memory_space<vmem>>, vector<128x128xf32>
    %convert_element_type3A_49 = arith.truncf %add3A_37 : vector<4096x128xf32> to vector<4096x128xbf16>
    %convert_element_type3A_50 = arith.truncf %get3A_48 : vector<128x128xf32> to vector<128x128xbf16>
    %dot_general3A_51 = arith.constant dense<0.000000e+00> : vector<4096x128xf32>
    %dot_general3A_52 = tpu.matmul %convert_element_type3A_49, %convert_element_type3A_50, %dot_general3A_51 {dimension_numbers = #tpu.dot_dimension_numbers<[1], [0], [0], [1], [0, 0, 1, 1], [], []>, transpose_lhs_hint = false} : vector<4096x128xbf16>, vector<128x128xbf16>, vector<4096x128xf32> -> vector<4096x128xf32>
    %add3A_53 = arith.addf %add3A_45, %dot_general3A_52 : vector<4096x128xf32>
    %get3A_54 = arith.constant 0 : index
    %get3A_55 = arith.constant 0 : index
    %get3A_56 = vector.load %arg9[%get3A_54, %get3A_55] : memref<1x128xf32, #tpu.memory_space<vmem>>, vector<1x128xf32>
    %add3A_57 = vector.broadcast %get3A_56 : vector<1x128xf32> to vector<4096x128xf32>
    %add3A_58 = arith.addf %add3A_53, %add3A_57 : vector<4096x128xf32>
    %max3A_59 = arith.constant 0.000000e+00 : f32
    %max3A_60 = vector.broadcast %max3A_59 : f32 to vector<4096x128xf32>
    %max3A_61 = arith.maximumf %add3A_58, %max3A_60 : vector<4096x128xf32>
    %get3A_62 = arith.constant 0 : index
    %get3A_63 = arith.constant 0 : index
    %get3A_64 = vector.load %arg10[%get3A_62, %get3A_63] : memref<128x128xf32, #tpu.memory_space<vmem>>, vector<128x128xf32>
    %convert_element_type3A_65 = arith.truncf %max3A_61 : vector<4096x128xf32> to vector<4096x128xbf16>
    %convert_element_type3A_66 = arith.truncf %get3A_64 : vector<128x128xf32> to vector<128x128xbf16>
    %dot_general3A_67 = arith.constant dense<0.000000e+00> : vector<4096x128xf32>
    %dot_general3A_68 = tpu.matmul %convert_element_type3A_65, %convert_element_type3A_66, %dot_general3A_67 {dimension_numbers = #tpu.dot_dimension_numbers<[1], [0], [0], [1], [0, 0, 1, 1], [], []>, transpose_lhs_hint = false} : vector<4096x128xbf16>, vector<128x128xbf16>, vector<4096x128xf32> -> vector<4096x128xf32>
    %get3A_69 = arith.constant 0 : index
    %get3A_70 = arith.constant 0 : index
    %get3A_71 = vector.load %arg11[%get3A_69, %get3A_70] : memref<1x128xf32, #tpu.memory_space<vmem>>, vector<1x128xf32>
    %add3A_72 = vector.broadcast %get3A_71 : vector<1x128xf32> to vector<4096x128xf32>
    %add3A_73 = arith.addf %dot_general3A_68, %add3A_72 : vector<4096x128xf32>
    %swap3A = arith.constant 0 : index
    %swap3A_74 = arith.constant 0 : index
    %swap3A_75 = vector.load %arg13[%swap3A, %swap3A_74] : memref<4096x128xf32, #tpu.memory_space<vmem>>, vector<4096x128xf32>
    tpu.vector_store %arg13[%swap3A, %swap3A_74], %add3A_73 {strides = array<i32>} : memref<4096x128xf32, #tpu.memory_space<vmem>>, vector<4096x128xf32>,
    %swap3A_76 = arith.constant 0 : index
    %swap3A_77 = arith.constant 0 : index
    %swap3A_78 = vector.load %arg12[%swap3A_76, %swap3A_77] : memref<4096x128xf32, #tpu.memory_space<vmem>>, vector<4096x128xf32>
    tpu.vector_store %arg12[%swap3A_76, %swap3A_77], %add3A_37 {strides = array<i32>} : memref<4096x128xf32, #tpu.memory_space<vmem>>, vector<4096x128xf32>,
    return
  }
  func.func @transform_0(%arg0: i32) -> (i32, i32) {
    %c0_i32 = arith.constant 0 : i32
    %c0_i32_0 = arith.constant 0 : i32
    return %arg0, %c0_i32 : i32, i32
  }
  func.func @transform_1(%arg0: i32) -> (i32, i32) {
    %c0_i32 = arith.constant 0 : i32
    %c0_i32_0 = arith.constant 0 : i32
    return %arg0, %c0_i32 : i32, i32
  }
  func.func @transform_2(%arg0: i32) -> (i32, i32) {
    %c0_i32 = arith.constant 0 : i32
    %c0_i32_0 = arith.constant 0 : i32
    return %arg0, %c0_i32 : i32, i32
  }
  func.func @transform_3(%arg0: i32) -> (i32, i32) {
    %c0_i32 = arith.constant 0 : i32
    %c0_i32_0 = arith.constant 0 : i32
    %c0_i32_1 = arith.constant 0 : i32
    return %c0_i32, %c0_i32_0 : i32, i32
  }
  func.func @transform_4(%arg0: i32) -> (i32, i32) {
    %c0_i32 = arith.constant 0 : i32
    %c0_i32_0 = arith.constant 0 : i32
    %c0_i32_1 = arith.constant 0 : i32
    return %c0_i32, %c0_i32_0 : i32, i32
  }
  func.func @transform_5(%arg0: i32) -> (i32, i32) {
    %c0_i32 = arith.constant 0 : i32
    %c0_i32_0 = arith.constant 0 : i32
    %c0_i32_1 = arith.constant 0 : i32
    return %c0_i32, %c0_i32_0 : i32, i32
  }
  func.func @transform_6(%arg0: i32) -> (i32, i32) {
    %c0_i32 = arith.constant 0 : i32
    %c0_i32_0 = arith.constant 0 : i32
    %c0_i32_1 = arith.constant 0 : i32
    return %c0_i32, %c0_i32_0 : i32, i32
  }
  func.func @transform_7(%arg0: i32) -> (i32, i32) {
    %c0_i32 = arith.constant 0 : i32
    %c0_i32_0 = arith.constant 0 : i32
    %c0_i32_1 = arith.constant 0 : i32
    return %c0_i32, %c0_i32_0 : i32, i32
  }
  func.func @transform_8(%arg0: i32) -> (i32, i32) {
    %c0_i32 = arith.constant 0 : i32
    %c0_i32_0 = arith.constant 0 : i32
    %c0_i32_1 = arith.constant 0 : i32
    return %c0_i32, %c0_i32_0 : i32, i32
  }
  func.func @transform_9(%arg0: i32) -> (i32, i32) {
    %c0_i32 = arith.constant 0 : i32
    %c0_i32_0 = arith.constant 0 : i32
    %c0_i32_1 = arith.constant 0 : i32
    return %c0_i32, %c0_i32_0 : i32, i32
  }
  func.func @transform_10(%arg0: i32) -> (i32, i32) {
    %c0_i32 = arith.constant 0 : i32
    %c0_i32_0 = arith.constant 0 : i32
    %c0_i32_1 = arith.constant 0 : i32
    return %c0_i32, %c0_i32_0 : i32, i32
  }
  func.func @transform_11(%arg0: i32) -> (i32, i32) {
    %c0_i32 = arith.constant 0 : i32
    %c0_i32_0 = arith.constant 0 : i32
    return %arg0, %c0_i32 : i32, i32
  }
  func.func @transform_12(%arg0: i32) -> (i32, i32) {
    %c0_i32 = arith.constant 0 : i32
    %c0_i32_0 = arith.constant 0 : i32
    return %arg0, %c0_i32 : i32, i32
  }
}

module attributes {stable_mosaic.version = 14 : i64} {
  func.func @_node_body(%arg0: i32, %arg1: memref<1000x128xf32, #tpu.memory_space<vmem>>, %arg2: memref<1x1000x128xf32, #tpu.memory_space<vmem>>, %arg3: memref<1x1000x128xf32, #tpu.memory_space<vmem>>, %arg4: memref<1x1000x128xf32, #tpu.memory_space<vmem>>, %arg5: memref<1x1000x128xf32, #tpu.memory_space<vmem>>, %arg6: memref<128x128xf32, #tpu.memory_space<vmem>>, %arg7: memref<128x128xf32, #tpu.memory_space<vmem>>, %arg8: memref<1x128xf32, #tpu.memory_space<vmem>>, %arg9: memref<128x128xf32, #tpu.memory_space<vmem>>, %arg10: memref<1x128xf32, #tpu.memory_space<vmem>>, %arg11: memref<1000x128xf32, #tpu.memory_space<vmem>>) attributes {dimension_semantics = [#tpu.dimension_semantics<arbitrary>], iteration_bounds = array<i64: 10>, scalar_prefetch = 0 : i64, scratch_operands = 0 : i64, tpu.core_type = #tpu.core_type<tc>, window_params = [{transform_indices = @transform_0, window_bounds = array<i64: 1000, 128>}, {transform_indices = @transform_1, window_bounds = array<i64: 1, 1000, 128>}, {transform_indices = @transform_2, window_bounds = array<i64: 1, 1000, 128>}, {transform_indices = @transform_3, window_bounds = array<i64: 1, 1000, 128>}, {transform_indices = @transform_4, window_bounds = array<i64: 1, 1000, 128>}, {pipeline_mode = #tpu.pipeline_mode<synchronous>, transform_indices = @transform_5, window_bounds = array<i64: 128, 128>}, {pipeline_mode = #tpu.pipeline_mode<synchronous>, transform_indices = @transform_6, window_bounds = array<i64: 128, 128>}, {pipeline_mode = #tpu.pipeline_mode<synchronous>, transform_indices = @transform_7, window_bounds = array<i64: 1, 128>}, {pipeline_mode = #tpu.pipeline_mode<synchronous>, transform_indices = @transform_8, window_bounds = array<i64: 128, 128>}, {pipeline_mode = #tpu.pipeline_mode<synchronous>, transform_indices = @transform_9, window_bounds = array<i64: 1, 128>}, {transform_indices = @transform_10, window_bounds = array<i64: 1000, 128>}]} {
    %get3A = arith.constant 0 : index
    %get3A_0 = arith.constant 0 : index
    %get3A_1 = arith.constant 0 : index
    %get3A_2 = vector.load %arg2[%get3A, %get3A_0, %get3A_1] : memref<1x1000x128xf32, #tpu.memory_space<vmem>>, vector<1x1000x128xf32>
    %get3A_3 = vector.shape_cast %get3A_2 : vector<1x1000x128xf32> to vector<1000x128xf32>
    %get3A_4 = arith.constant 0 : index
    %get3A_5 = arith.constant 0 : index
    %get3A_6 = arith.constant 0 : index
    %get3A_7 = vector.load %arg3[%get3A_4, %get3A_5, %get3A_6] : memref<1x1000x128xf32, #tpu.memory_space<vmem>>, vector<1x1000x128xf32>
    %get3A_8 = vector.shape_cast %get3A_7 : vector<1x1000x128xf32> to vector<1000x128xf32>
    %add3A = arith.addf %get3A_3, %get3A_8 : vector<1000x128xf32>
    %get3A_9 = arith.constant 0 : index
    %get3A_10 = arith.constant 0 : index
    %get3A_11 = arith.constant 0 : index
    %get3A_12 = vector.load %arg4[%get3A_9, %get3A_10, %get3A_11] : memref<1x1000x128xf32, #tpu.memory_space<vmem>>, vector<1x1000x128xf32>
    %get3A_13 = vector.shape_cast %get3A_12 : vector<1x1000x128xf32> to vector<1000x128xf32>
    %add3A_14 = arith.addf %add3A, %get3A_13 : vector<1000x128xf32>
    %get3A_15 = arith.constant 0 : index
    %get3A_16 = arith.constant 0 : index
    %get3A_17 = arith.constant 0 : index
    %get3A_18 = vector.load %arg5[%get3A_15, %get3A_16, %get3A_17] : memref<1x1000x128xf32, #tpu.memory_space<vmem>>, vector<1x1000x128xf32>
    %get3A_19 = vector.shape_cast %get3A_18 : vector<1x1000x128xf32> to vector<1000x128xf32>
    %add3A_20 = arith.addf %add3A_14, %get3A_19 : vector<1000x128xf32>
    %get3A_21 = arith.constant 0 : index
    %get3A_22 = arith.constant 0 : index
    %get3A_23 = vector.load %arg1[%get3A_21, %get3A_22] : memref<1000x128xf32, #tpu.memory_space<vmem>>, vector<1000x128xf32>
    %get3A_24 = arith.constant 0 : index
    %get3A_25 = arith.constant 0 : index
    %get3A_26 = vector.load %arg6[%get3A_24, %get3A_25] : memref<128x128xf32, #tpu.memory_space<vmem>>, vector<128x128xf32>
    %dot_general3A = arith.constant dense<0.000000e+00> : vector<1000x128xf32>
    %dot_general3A_27 = tpu.matmul %get3A_23, %get3A_26, %dot_general3A {dimension_numbers = #tpu.dot_dimension_numbers<[1], [0], [0], [1], [0, 0, 1, 1], [], []>, transpose_lhs_hint = false} : vector<1000x128xf32>, vector<128x128xf32>, vector<1000x128xf32> -> vector<1000x128xf32>
    %get3A_28 = arith.constant 0 : index
    %get3A_29 = arith.constant 0 : index
    %get3A_30 = vector.load %arg7[%get3A_28, %get3A_29] : memref<128x128xf32, #tpu.memory_space<vmem>>, vector<128x128xf32>
    %dot_general3A_31 = arith.constant dense<0.000000e+00> : vector<1000x128xf32>
    %dot_general3A_32 = tpu.matmul %add3A_20, %get3A_30, %dot_general3A_31 {dimension_numbers = #tpu.dot_dimension_numbers<[1], [0], [0], [1], [0, 0, 1, 1], [], []>, transpose_lhs_hint = false} : vector<1000x128xf32>, vector<128x128xf32>, vector<1000x128xf32> -> vector<1000x128xf32>
    %add3A_33 = arith.addf %dot_general3A_27, %dot_general3A_32 : vector<1000x128xf32>
    %get3A_34 = arith.constant 0 : index
    %get3A_35 = arith.constant 0 : index
    %get3A_36 = vector.load %arg8[%get3A_34, %get3A_35] : memref<1x128xf32, #tpu.memory_space<vmem>>, vector<1x128xf32>
    %add3A_37 = vector.broadcast %get3A_36 : vector<1x128xf32> to vector<1000x128xf32>
    %add3A_38 = arith.addf %add3A_33, %add3A_37 : vector<1000x128xf32>
    %max3A = arith.constant 0.000000e+00 : f32
    %max3A_39 = vector.broadcast %max3A : f32 to vector<1000x128xf32>
    %max3A_40 = arith.maximumf %add3A_38, %max3A_39 : vector<1000x128xf32>
    %get3A_41 = arith.constant 0 : index
    %get3A_42 = arith.constant 0 : index
    %get3A_43 = vector.load %arg9[%get3A_41, %get3A_42] : memref<128x128xf32, #tpu.memory_space<vmem>>, vector<128x128xf32>
    %dot_general3A_44 = arith.constant dense<0.000000e+00> : vector<1000x128xf32>
    %dot_general3A_45 = tpu.matmul %max3A_40, %get3A_43, %dot_general3A_44 {dimension_numbers = #tpu.dot_dimension_numbers<[1], [0], [0], [1], [0, 0, 1, 1], [], []>, transpose_lhs_hint = false} : vector<1000x128xf32>, vector<128x128xf32>, vector<1000x128xf32> -> vector<1000x128xf32>
    %get3A_46 = arith.constant 0 : index
    %get3A_47 = arith.constant 0 : index
    %get3A_48 = vector.load %arg10[%get3A_46, %get3A_47] : memref<1x128xf32, #tpu.memory_space<vmem>>, vector<1x128xf32>
    %add3A_49 = vector.broadcast %get3A_48 : vector<1x128xf32> to vector<1000x128xf32>
    %add3A_50 = arith.addf %dot_general3A_45, %add3A_49 : vector<1000x128xf32>
    %swap3A = arith.constant 0 : index
    %swap3A_51 = arith.constant 0 : index
    %swap3A_52 = vector.load %arg11[%swap3A, %swap3A_51] : memref<1000x128xf32, #tpu.memory_space<vmem>>, vector<1000x128xf32>
    tpu.vector_store %arg11[%swap3A, %swap3A_51], %add3A_50 {strides = array<i32>} : memref<1000x128xf32, #tpu.memory_space<vmem>>, vector<1000x128xf32>,
    return
  }
  func.func @transform_0(%arg0: i32) -> (i32, i32) {
    %c0_i32 = arith.constant 0 : i32
    %c0_i32_0 = arith.constant 0 : i32
    return %arg0, %c0_i32 : i32, i32
  }
  func.func @transform_1(%arg0: i32) -> (i32, i32, i32) {
    %c0_i32 = arith.constant 0 : i32
    %c0_i32_0 = arith.constant 0 : i32
    %c0_i32_1 = arith.constant 0 : i32
    return %c0_i32, %arg0, %c0_i32_0 : i32, i32, i32
  }
  func.func @transform_2(%arg0: i32) -> (i32, i32, i32) {
    %c1_i32 = arith.constant 1 : i32
    %c0_i32 = arith.constant 0 : i32
    %c0_i32_0 = arith.constant 0 : i32
    return %c1_i32, %arg0, %c0_i32 : i32, i32, i32
  }
  func.func @transform_3(%arg0: i32) -> (i32, i32, i32) {
    %c0_i32 = arith.constant 0 : i32
    %c0_i32_0 = arith.constant 0 : i32
    %c0_i32_1 = arith.constant 0 : i32
    return %c0_i32, %arg0, %c0_i32_0 : i32, i32, i32
  }
  func.func @transform_4(%arg0: i32) -> (i32, i32, i32) {
    %c1_i32 = arith.constant 1 : i32
    %c0_i32 = arith.constant 0 : i32
    %c0_i32_0 = arith.constant 0 : i32
    return %c1_i32, %arg0, %c0_i32 : i32, i32, i32
  }
  func.func @transform_5(%arg0: i32) -> (i32, i32) {
    %c0_i32 = arith.constant 0 : i32
    %c0_i32_0 = arith.constant 0 : i32
    %c0_i32_1 = arith.constant 0 : i32
    return %c0_i32, %c0_i32_0 : i32, i32
  }
  func.func @transform_6(%arg0: i32) -> (i32, i32) {
    %c0_i32 = arith.constant 0 : i32
    %c0_i32_0 = arith.constant 0 : i32
    %c0_i32_1 = arith.constant 0 : i32
    return %c0_i32, %c0_i32_0 : i32, i32
  }
  func.func @transform_7(%arg0: i32) -> (i32, i32) {
    %c0_i32 = arith.constant 0 : i32
    %c0_i32_0 = arith.constant 0 : i32
    %c0_i32_1 = arith.constant 0 : i32
    return %c0_i32, %c0_i32_0 : i32, i32
  }
  func.func @transform_8(%arg0: i32) -> (i32, i32) {
    %c0_i32 = arith.constant 0 : i32
    %c0_i32_0 = arith.constant 0 : i32
    %c0_i32_1 = arith.constant 0 : i32
    return %c0_i32, %c0_i32_0 : i32, i32
  }
  func.func @transform_9(%arg0: i32) -> (i32, i32) {
    %c0_i32 = arith.constant 0 : i32
    %c0_i32_0 = arith.constant 0 : i32
    %c0_i32_1 = arith.constant 0 : i32
    return %c0_i32, %c0_i32_0 : i32, i32
  }
  func.func @transform_10(%arg0: i32) -> (i32, i32) {
    %c0_i32 = arith.constant 0 : i32
    %c0_i32_0 = arith.constant 0 : i32
    return %arg0, %c0_i32 : i32, i32
  }
}

</mosaic_0001>

<sc_bundles>
// kernel: kernel.18.cloned.1.call-start
scs
__scs_entry_jumppad:
0x0: {  	(pc) =	sbr.rel $0x88, $3  }
0x1: {  	(tag) =	ssettag $0x0;
	lr =	simm.s32 $0x1  }
0x2: {  	[smem:$0x3F86] =	sst lr;
	_ =	strace $0xD0000000  }
0x3: {  	_ = 	snop  }
0x4: {  	_ = 	snop  }
0x5: {  	_ = 	snop  }
0x6: {  	_ = 	snop  }
0x7: {  	_ = 	snop  }
__scs_overlays_trampoline_lowered:
0x8: {  	[smem:$0x3F95] =	sst s0  }
0x9: {  	[smem:$0x3F96] =	sst s1  }
0xa: {  	[smem:$0x3F97] =	sst s2  }
0xb: {  	[smem:$0x3F98] =	sst s3  }
0xc: {  	[smem:$0x3F99] =	sst s4  }
0xd: {  	[smem:$0x3F9A] =	sst s5  }
0xe: {  	[smem:$0x3F9B] =	sst s6  }
0xf: {  	[smem:$0x3F9C] =	sst s7  }
0x10: {  	[smem:$0x3F9D] =	sst s8  }
0x11: {  	[smem:$0x3F9E] =	sst s9;
	s0 =	simm.s32 @!p0 $0x0  }
0x12: {  	s1 =	sld [smem:$0x3F84];
	s0 =	simm.s32 @p0 $0x1  }
0x13: {  	[smem:$0x3F9F] =	sst s0;
	s0 =	simm.s32 @!p1 $0x0  }
0x14: {  	s2 =	sld [smem:$0x3F83];
	s0 =	simm.s32 @p1 $0x1  }
0x15: {  	[smem:$0x3FA0] =	sst s0;
	s0 =	simm.s32 @!p2 $0x0  }
0x16: {  	s3 =	sld [smem:$0x3FDB];
	s0 =	simm.s32 @p2 $0x1  }
0x17: {  	s4 =	simm.s32 $0x1BF5;
	[smem:$0x3FA2] =	sst s0  }
0x18: {  	s0 =	sld [smem:$0x3F85];
	_ =	swait.ge [sflag:s4], $0x0  }
0x19: {  	s7 =	sld [smem:$0x3F86]  }
0x1a: {  	s8 =	sadd.s32 $0xFFFFE003, lr  }
0x1b: {  	s9 =	sadd.s32 $0xFFFFFEF7, lr;
	s5 =	simm.s32 $0xFFFFFFFF;
	p2 =	slt.u32 s8, $0xFFFFF086  }
0x1c: {  	p1 =	slt.u32 s9, $0xF7A;
	s5 =	simm.s32 @!p2 $0x0  }
0x1d: {  	s5 =	simm.s32 @p1 $0x1;
	p0 =	seq.s32 s7, s2  }
0x1e: {  	s7 =	smul.u32 @!p0 $0xF7A, s2;
	p2 =	seq.s32 @!p0 s5, $0x0  }
0x1f: {  	s9 =	smul.u32 $0xF7A, s1;
	s8 =	simm.s32 @!p0 $0x1BF5;
	p2 =	por !p2, p0  }
0x20: {  	[sflag:s8] =	ssyncset.s32 @!p0 $0xFFFFF086;
	s6 =	sadd.s32 @!p0 s3, s7;
	s7 =	simm.s32 @!p0 $0x108  }
0x21: {  	s3 =	sadd.s32 s3, s9;
	s6 =	sadd.s32 @!p0 $0x88, s6;
	s7 =	simm.s32 @p2 $0x1082  }
0x22: {  	[simem:s7], [sflag:s8] =	dma.local @!p0 [hbm:s6], $0xF7A  }
0x23: {  	s9 =	sor.u32 $0xD0000000, s2;
	s6 =	simm.s32 $0x108;
	_ =	swait.ge @!p0 [sflag:s8], $0x0  }
0x24: {  	s3 =	sadd.s32 $0x88, s3;
	s6 =	simm.s32 @!p1 $0x1082;
	[sflag:s4] =	ssyncset.s32 $0xFFFFF086  }
0x25: {  	[simem:s6], [sflag:s4] =	dma.local [hbm:s3], $0xF7A  }
0x26: {  	[smem:$0x3F86] =	sst s1;
	(tag) =	ssettag s2;
	_ =	strace s9  }
0x27: {  	s1 =	sld [smem:$0x3F96]  }
0x28: {  	s2 =	sld [smem:$0x3F97]  }
0x29: {  	s4 =	sld [smem:$0x3F99]  }
0x2a: {  	p0 =	seq.s32 s5, $0x0;
	s5 =	sld [smem:$0x3F9A]  }
0x2b: {  	s6 =	sld [smem:$0x3F9B]  }
0x2c: {  	s7 =	sld [smem:$0x3F9C]  }
0x2d: {  	s3 =	simm.s32 $0x108;
	s8 =	sld [smem:$0x3F9D]  }
0x2e: {  	s3 =	simm.s32 @!p0 $0x1082;
	s9 =	sld [smem:$0x3F9E]  }
0x2f: {  	lr =	sadd.s32 s0, s3;
	s0 =	sld [smem:$0x3F95]  }
0x30: {  	s3 =	sld [smem:$0x3F98]  }
0x31: {  	[smem:$0x3FA1] =	sst s10  }
0x32: {  	s10 =	sld [smem:$0x3F9F];
	_ =	sdelay $0x3  }
0x33: {  	p0 =	seq.s32 s10, $0x1;
	s10 =	sld [smem:$0x3FA1];
	_ =	sdelay $0x3  }
0x34: {  	[smem:$0x3FA1] =	sst s10  }
0x35: {  	s10 =	sld [smem:$0x3FA0];
	_ =	sdelay $0x3  }
0x36: {  	p1 =	seq.s32 s10, $0x1;
	s10 =	sld [smem:$0x3FA1];
	_ =	sdelay $0x3  }
0x37: {  	[smem:$0x3FA1] =	sst s10  }
0x38: {  	s10 =	sld [smem:$0x3FA2]  }
0x39: {  	_ = 	snop;
	(pc) =	sbr.ind lr, $3  }
0x3a: {  	_ = 	snop  }
0x3b: {  	_ = 	snop  }
0x3c: {  	p2 =	seq.s32 s10, $0x1;
	s10 =	sld [smem:$0x3FA1]  }
0x3d: {  	_ =	shalt  }
0x3e: {  	_ =	shalt  }
0x3f: {  	_ =	shalt  }
0x40: {  	_ =	shalt  }
0x41: {  	_ =	shalt  }
0x42: {  	_ =	shalt  }
0x43: {  	_ =	shalt  }
0x44: {  	_ =	shalt  }
0x45: {  	_ =	shalt  }
0x46: {  	_ =	shalt  }
0x47: {  	_ =	shalt  }
0x48: {  	_ =	shalt  }
0x49: {  	_ =	shalt  }
0x4a: {  	_ =	shalt  }
0x4b: {  	_ =	shalt  }
0x4c: {  	_ =	shalt  }
0x4d: {  	_ =	shalt  }
0x4e: {  	_ =	shalt  }
0x4f: {  	_ =	shalt  }
0x50: {  	_ =	shalt  }
0x51: {  	_ =	shalt  }
0x52: {  	_ =	shalt  }
0x53: {  	_ =	shalt  }
0x54: {  	_ =	shalt  }
0x55: {  	_ =	shalt  }
0x56: {  	_ =	shalt  }
0x57: {  	_ =	shalt  }
0x58: {  	_ =	shalt  }
0x59: {  	_ =	shalt  }
0x5a: {  	_ =	shalt  }
0x5b: {  	_ =	shalt  }
0x5c: {  	_ =	shalt  }
0x5d: {  	_ =	shalt  }
0x5e: {  	_ =	shalt  }
0x5f: {  	_ =	shalt  }
0x60: {  	_ =	shalt  }
0x61: {  	_ =	shalt  }
0x62: {  	_ =	shalt  }
0x63: {  	_ =	shalt  }
0x64: {  	_ =	shalt  }
0x65: {  	_ =	shalt  }
0x66: {  	_ =	shalt  }
0x67: {  	_ =	shalt  }
0x68: {  	_ =	shalt  }
0x69: {  	_ =	shalt  }
0x6a: {  	_ =	shalt  }
0x6b: {  	_ =	shalt  }
0x6c: {  	_ =	shalt  }
0x6d: {  	_ =	shalt  }
0x6e: {  	_ =	shalt  }
0x6f: {  	_ =	shalt  }
0x70: {  	_ =	shalt  }
0x71: {  	_ =	shalt  }
0x72: {  	_ =	shalt  }
0x73: {  	_ =	shalt  }
0x74: {  	_ =	shalt  }
0x75: {  	_ =	shalt  }
0x76: {  	_ =	shalt  }
0x77: {  	_ =	shalt  }
0x78: {  	_ =	shalt  }
0x79: {  	_ =	shalt  }
0x7a: {  	_ =	shalt  }
0x7b: {  	_ =	shalt  }
0x7c: {  	_ =	shalt  }
0x7d: {  	_ =	shalt  }
0x7e: {  	_ =	shalt  }
0x7f: {  	_ =	shalt  }
0x80: {  	_ =	shalt  }
0x81: {  	_ =	shalt  }
0x82: {  	_ =	shalt  }
0x83: {  	_ =	shalt  }
0x84: {  	_ =	shalt  }
0x85: {  	_ =	shalt  }
0x86: {  	_ =	shalt  }
0x87: {  	_ =	shalt  }
.Lfunc_end0:
.L_simem_size_0:
called_computation_lowered:
.L_overlay_start_0:
0x88: {  	s2 =	sld [smem:$0x3FD9]  }
0x89: {  	s3 =	sld [smem:$0x3FFE];
	_ =	sdelay $0x1  }
0x8a: {  	s1 =	srdreg.scid  }
0x8b: {  	s0 =	sand.u32 $0x1, s1  }
0x8c: {  	s17 =	sshll.u32 s0, $0xA;
	s2 =	sadd.s32 s3, s2  }
0x8d: {  	s2 =	sadd.s32 s2, s17  }
0x8e: {  	[smem:$0x3FAD] =	sst s2  }
0x8f: {  	_ = 	snop  }
0x90: {  	(tm) =	ssettm $0x1  }
0x91: {  	s18 =	sld [smem:$0x3FFB];
	_ =	sdelay $0x3  }
0x92: {  	_ =	strace s18  }
0x93: {  	s2 =	sld [smem:$0x3FFC];
	_ =	sdelay $0x3  }
0x94: {  	_ =	strace s2  }
0x95: {  	s2 =	sld [smem:$0x3FFD];
	_ =	sdelay $0x3  }
0x96: {  	_ =	strace s2  }
0x97: {  	_ =	strace $0x8FFFFFFF  }
0x98: {  	s19 =	sld [smem:$0x3FDB];
	_ =	sdelay $0x1  }
0x99: {  	s20 =	simm.s32 $_scs_section_size  }
0x9a: {  	s4 =	simm.s32 $_size__tile_overlayer_lowered;
	s5 =	simm.s32 $_tile_overlayer_lowered  }
0x9b: {  	s6 =	simm.s32 $0x1BFF;
	s21 =	sshll.u32 s5, $0x1;
	s3 =	sadd.s32 s20, s19  }
0x9c: {  	s22 =	simm.s32 $0x0;
	s4 =	sshll.u32 s4, $0x1;
	s5 =	sadd.s32 s21, s3  }
0x9d: {  	[timem:s22], [sflag:s6] =	dma.local [hbm:s5], s4  }
0x9e: {  	_ =	swait.ge [sflag:s6], s4  }
0x9f: {  	s4 =	ssub.s32 $0x0, s4;
	[sflag:s6] =	ssyncset.done $0x0  }
0xa0: {  	[sflag:s6] =	ssyncadd.s32 s4;
	_ =	sdelay $0x1  }
0xa1: {  	s23 =	simm.s32 $0x1B8B  }
0xa2: {  	_ =	swait.ge [sflag:s23], $0x1  }
0xa3: {  	[sflag:s23] =	ssyncset.done $0x0  }
0xa4: {  	[sflag:s23] =	ssyncadd.s32 $0xFFFFFFFF  }
0xa5: {  	s4 =	sld [smem:$0x0]  }
0xa6: {  	s5 =	sand.u32 $0xFFFFFFFE, s1  }
0xa7: {  	p0 =	sne.s32 s1, s5  }
0xa8: {  	s5 =	sshll.u32 @p0 s5, $0xE  }
0xa9: {  	s5 =	sadd.s32 @p0 $0x11B8D, s5;
	s6 =	sshll.u32 @p0 s4, $0x11  }
0xaa: {  	s5 =	sor.u32 @p0 s6, s5  }
0xab: {  	[sflag:s5] =	ssyncadd.remote.s32 @p0 $0x1;
	_ =	sdelay $0x1  }
0xac: {  	s5 =	simm.s32 @p0 $0x1B8D  }
0xad: {  	_ =	swait.eq @p0 [sflag:s5], $0x1  }
0xae: {  	[sflag:s5] =	ssyncadd.s32 @p0 $0xFFFFFFFF  }
0xaf: {  	s6 =	sshll.u32 @!p0 s1, $0xE  }
0xb0: {  	s6 =	sor.u32 @!p0 $0x4000, s6;
	s5 =	simm.s32 @!p0 $0x1B8D  }
0xb1: {  	s4 =	sshll.u32 @!p0 s4, $0x11;
	s6 =	sadd.s32 @!p0 $0x11B8D, s6;
	_ =	swait.eq @!p0 [sflag:s5], $0x1  }
0xb2: {  	s4 =	sor.u32 @!p0 s4, s6;
	[sflag:s5] =	ssyncadd.s32 @!p0 $0xFFFFFFFF  }
0xb3: {  	s25 =	simm.s32 $0x1B8E;
	s24 =	sld [smem:$0x3FFE];
	[sflag:s4] =	ssyncadd.remote.s32 @!p0 $0x1  }
0xb4: {  	s26 =	simm.s32 $execute0_lowered;
	[smem:$0x3FD2] =	sst s25  }
0xb5: {  	s5 =	sshll.u32 s26, $0x1;
	_ =	strace $0x80000049;
	[dreg:$0x1] =	wrdreg $0xFFFFFFFF  }
0xb6: {  	s28 =	simm.s32 $_size_execute0_lowered;
	s3 =	sadd.s32 s3, s5;
	[dreg:$0x0] =	wrdreg $0x0  }
0xb7: {  	s5 =	sshll.u32 s28, $0x1;
	[dreg:$0x2] =	wrdreg s3  }
0xb8: {  	[dreg:$0x3] =	wrdreg s5  }
0xb9: {  	[dreg:$0x4] =	wrdreg $0xC0  }
0xba: {  	_ =	task [dreg:s22], $0x5FFFF  }
0xbb: {  	[dreg:$0x1] =	wrdreg $0xFFFFFFFF  }
0xbc: {  	[dreg:$0x0] =	wrdreg $0x60  }
0xbd: {  	[dreg:$0x2] =	wrdreg s24  }
0xbe: {  	[dreg:$0x3] =	wrdreg $0x95000  }
0xbf: {  	[dreg:$0x4] =	wrdreg $0x9  }
0xc0: {  	_ =	task.clear_ibuf [dreg:s22], $0x5FFFF;
	_ =	strace $0x90000049  }
0xc1: {  	s29 =	simm.s32 $0x9;
	_ =	strace $0x8000004B  }
0xc2: {  	_ =	swait.ge [sflag:s29], $0x1  }
0xc3: {  	[sflag:s29] =	ssyncadd.s32 $0xFFFFFFFF  }
0xc4: {  	_ =	strace $0x9000004B  }
0xc5: {  	_ =	sfence  }
0xc6: {  	s30 =	sld [smem:$0x0];
	_ =	sdelay $0x2  }
0xc7: {  	s31 =	sshll.u32 s1, $0xD;
	s1 =	sshrl.u32 s1, $0x2  }
0xc8: {  	s4 =	sand.u32 $0x4000, s31;
	s1 =	sadd.s32 s1, s30  }
0xc9: {  	s0 =	sor.u32 s4, s0;
	s1 =	sshll.u32 s1, $0x11  }
0xca: {  	s0 =	sor.u32 s1, s0  }
0xcb: {  	s0 =	sadd.s32 $0x8F2B, s0  }
0xcc: {  	[sflag:s0] =	ssyncadd.remote.s32 $0x1  }
0xcd: {  	_ =	sfence.sel $0xFFFF  }
0xce: {  	[dreg:$0x0] =	wrdreg $0xFFFFFFFF;
	(pc) =	sbr.abs _section_cstart, $3  }
0xcf: {  	[dreg:$0x1] =	wrdreg $0xFFFFFFFF  }
0xd0: {  	_ =	task.clear_ibuf [dreg:s22], $0x2FFFF;
	_ =	strace $0x9FFFFFFF  }
0xd1: {  	(tm) =	ssettm $0x7FFFFFFF  }
tec
execute0_lowered:
.L_overlay_start_1:
0x0: {  	(tag) =	ssettag $0x1  }
0x1: {  	s4 =	rddreg [dreg:$0x0]  }
0x2: {  	s2 =	rddreg [dreg:$0x1]  }
0x3: {  	s1 =	stileid.u32;
	s0 =	rddreg [dreg:$0x2];
	s3 =	simm.s32 $0x0  }
0x4: {  	s7 =	srdreg.scid;
	s16 =	simm.s32 $0x80;
	s17 =	simm.s32 $0x1500  }
0x5: {  	s18 =	simm.s32 $0x5500;
	s19 =	simm.s32 $0x1;
	s20 =	simm.s32 $0x2  }
0x6: {  	s21 =	simm.s32 $0x3;
	s22 =	simm.s32 $0x4;
	s5 =	smul.u32 $0x2780, s1  }
0x7: {  	s23 =	simm.s32 $0x0;
	[smem:$0x7FF] =	sst s3;
	s6 =	smul.u32 $0x1500, s1  }
0x8: {  	s25 =	sand.u32 $0x1, s7;
	s9 =	smul.u32 $0x4F000, s1;
	s10 =	sadd.s32 $0x305400, s4  }
0x9: {  	s12 =	sadd.s32 $0x455400, s4;
	s13 =	smul.u32 $0x15000, s1;
	s31 =	sshll.u32 s1, $0x6  }
0xa: {  	_ =	strace $0x8000004A;
	s28 =	ssub.s32 $0x2, s25;
	p0 =	seq.s32 s25, $0x1  }
0xb: {  	s8 =	sadd.s32 s5, s4;
	s24 =	sshrl.u32 s6, $0x3;
	s29 =	sshrl.u32 s28, $0x1  }
0xc: {  	s30 =	sshrl.u32 s9, $0x2;
	s9 =	sadd.s32 s10, s13;
	s15 =	sor.u32 $0x800, s13  }
.Ltmp0:
0xd: {  	s26 =	sadd.s32 s24, s4;
	s11 =	ssub.s32 s28, s29;
	(pc) =	sbr.rel .LBB2_1-.Ltmp0, $4  }
0xe: {  	s14 =	sadd.s32 s30, s2;
	s4 =	sadd.s32 $0x11000, s8;
	s6 =	sadd.s32 $0x38800, s8  }
0xf: {  	s10 =	sadd.s32 s10, s15;
	s5 =	sadd.s32 $0x302A00, s26;
	s7 =	sadd.s32 $0x300000, s26  }
0x10: {  	s8 =	smax.u32 s11, $0x1;
	s11 =	sadd.s32 s12, s13;
	s12 =	sadd.s32 s12, s15  }
0x11: {  	s13 =	sor.u32 $0x1C05, s31;
	s14 =	sshrl.u32 s14, $0x3;
	s15 =	simm.s32 $0x5  }
.LBB2_7:
0x12: {  	[hbm4b:s26+s3] =	stream.linear.scatter [tilespmem:s18], [sflag:$0x4], $0x4000, $0x38;
	[tilespmem:$0x1D100] =	vst v63  }
.LBB2_8:
0x13: {  	s23 =	sadd.s32 $0x1, s23  }
0x14: {  	_ =	swait.ge [sflag:s21], $0x4000;
	p1 =	sne.s32 s23, s8  }
.Ltmp1:
0x15: {  	[sflag:s21] =	ssyncset.done $0x0;
	(pc) =	sbr.rel @!p1 .LBB2_9-.Ltmp1, $4  }
0x16: {  	[sflag:s21] =	ssyncadd.s32 $0xFFFFC000  }
0x17: {  	_ =	swait.ge [sflag:s22], $0x4000  }
0x18: {  	[sflag:s22] =	ssyncset.done $0x0  }
0x19: {  	[sflag:s22] =	ssyncadd.s32 $0xFFFFC000  }
.LBB2_1:
.Ltmp2:
0x1a: {  	(pc) =	sbr.rel @!p0 .LBB2_2-.Ltmp2, $1  }
0x1b: {  	_ =	sdelay $0x3  }
0x1c: {  	[spmem:s14], [sflag:s13] =	dma.local [hbm:s6], $0x2780  }
0x1d: {  	_ =	swait.ge [sflag:s15], $0x2780  }
0x1e: {  	[sflag:s15] =	ssyncset.done $0x0  }
0x1f: {  	[sflag:s15] =	ssyncadd.s32 $0xFFFFD880  }
0x20: {  	[tilespmem:s3], [sflag:$0x5] =	stream.linear.gather [hbm4b:s7+s3], $0x1500, $0x38;
	[tilespmem:$0x1D100] =	vst v63  }
0x21: {  	_ =	swait.ge [sflag:s15], $0x1500  }
0x22: {  	[sflag:s15] =	ssyncset.done $0x0  }
0x23: {  	[sflag:s15] =	ssyncadd.s32 $0xFFFFEB00  }
0x24: {  	[bflag:$0x0] =	sbarrier.arrive $0xFFFF  }
0x25: {  	[tilespmem:s17], [sflag:$0x1] =	stream.indirect.gather [spmem:s2], $0x80, s3, s16, $0xb8;
	[tilespmem:$0x1D100] =	vst v63  }
0x26: {  	_ = 	snop  }
0x27: {  	[tilespmem:s18], [sflag:$0x2] =	stream.indirect.gather [spmem:s2], $0x80, s16, s16, $0xb8;
	[tilespmem:$0x1D100] =	vst v63  }
0x28: {  	_ =	swait.ge [sflag:s19], $0x4000  }
0x29: {  	[sflag:s19] =	ssyncset.done $0x0  }
0x2a: {  	[sflag:s19] =	ssyncadd.s32 $0xFFFFC000  }
0x2b: {  	[hbm4b:s11+s3] =	stream.linear.scatter [tilespmem:s17], [sflag:$0x3], $0x4000, $0x38;
	[tilespmem:$0x1D100] =	vst v63  }
0x2c: {  	_ =	swait.ge [sflag:s20], $0x4000  }
0x2d: {  	[sflag:s20] =	ssyncset.done $0x0  }
0x2e: {  	[sflag:s20] =	ssyncadd.s32 $0xFFFFC000  }
0x2f: {  	[hbm4b:s12+s3] =	stream.linear.scatter [tilespmem:s18], [sflag:$0x4], $0x4000, $0x38;
	[tilespmem:$0x1D100] =	vst v63  }
0x30: {  	_ =	swait.ge [sflag:s21], $0x4000  }
0x31: {  	[sflag:s21] =	ssyncset.done $0x0  }
0x32: {  	s24 =	simm.s32 $0x100;
	[sflag:s21] =	ssyncadd.s32 $0xFFFFC000  }
0x33: {  	[tilespmem:s17], [sflag:$0x1] =	stream.indirect.gather [spmem:s2], $0x80, s24, s16, $0xb8;
	[tilespmem:$0x1D100] =	vst v63  }
0x34: {  	_ =	swait.ge [sflag:s22], $0x4000  }
0x35: {  	[sflag:s22] =	ssyncset.done $0x0  }
0x36: {  	s30 =	simm.s32 $0x180;
	[sflag:s22] =	ssyncadd.s32 $0xFFFFC000  }
0x37: {  	[tilespmem:s18], [sflag:$0x2] =	stream.indirect.gather [spmem:s2], $0x80, s30, s16, $0xb8;
	[tilespmem:$0x1D100] =	vst v63  }
0x38: {  	_ =	swait.ge [sflag:s19], $0x4000  }
0x39: {  	s25 =	sadd.s32 $0xFFFEC000, s11;
	[sflag:s19] =	ssyncset.done $0x0  }
0x3a: {  	s31 =	sadd.s32 $0x15000, s25;
	[sflag:s19] =	ssyncadd.s32 $0xFFFFC000  }
0x3b: {  	[hbm4b:s31+s3] =	stream.linear.scatter [tilespmem:s17], [sflag:$0x3], $0x4000, $0x38;
	[tilespmem:$0x1D100] =	vst v63  }
0x3c: {  	_ =	swait.ge [sflag:s20], $0x4000  }
0x3d: {  	s26 =	sadd.s32 $0x15800, s25;
	[sflag:s20] =	ssyncset.done $0x0  }
0x3e: {  	s25 =	simm.s32 $0x280;
	s24 =	simm.s32 $0xFFFED000;
	[sflag:s20] =	ssyncadd.s32 $0xFFFFC000  }
.LBB2_6:
0x3f: {  	[hbm4b:s26+s3] =	stream.linear.scatter [tilespmem:s18], [sflag:$0x4], $0x4000, $0x38;
	[tilespmem:$0x1D100] =	vst v63  }
0x40: {  	s26 =	smov.u32 s24  }
0x41: {  	p1 =	sne.s32 s24, $0xFFFFF000;
	s24 =	sadd.s32 $0x1000, s24;
	_ =	swait.ge [sflag:s21], $0x4000  }
0x42: {  	[sflag:s21] =	ssyncset.done $0x0  }
0x43: {  	s28 =	sadd.s32 $0xFFFFFF80, s25;
	[sflag:s21] =	ssyncadd.s32 $0xFFFFC000  }
0x44: {  	[tilespmem:s17], [sflag:$0x1] =	stream.indirect.gather [spmem:s2], $0x80, s28, s16, $0xb8;
	[tilespmem:$0x1D100] =	vst v63  }
0x45: {  	_ =	swait.ge [sflag:s22], $0x4000  }
0x46: {  	[sflag:s22] =	ssyncset.done $0x0  }
0x47: {  	[sflag:s22] =	ssyncadd.s32 $0xFFFFC000  }
0x48: {  	[tilespmem:s18], [sflag:$0x2] =	stream.indirect.gather [spmem:s2], $0x80, s25, s16, $0xb8;
	[tilespmem:$0x1D100] =	vst v63  }
0x49: {  	_ =	swait.ge [sflag:s19], $0x4000  }
0x4a: {  	s26 =	sadd.s32 s26, s11;
	[sflag:s19] =	ssyncset.done $0x0  }
.Ltmp3:
0x4b: {  	s28 =	sadd.s32 $0x15000, s26;
	[sflag:s19] =	ssyncadd.s32 $0xFFFFC000;
	(pc) =	sbr.rel @p1 .LBB2_6-.Ltmp3, $4  }
0x4c: {  	[hbm4b:s28+s3] =	stream.linear.scatter [tilespmem:s17], [sflag:$0x3], $0x4000, $0x38;
	[tilespmem:$0x1D100] =	vst v63  }
0x4d: {  	_ =	swait.ge [sflag:s20], $0x4000  }
0x4e: {  	[sflag:s20] =	ssyncset.done $0x0  }
0x4f: {  	s26 =	sadd.s32 $0x15800, s26;
	s25 =	sadd.s32 $0x100, s25;
	[sflag:s20] =	ssyncadd.s32 $0xFFFFC000  }
.Ltmp4:
0x50: {  	_ = 	snop;
	(pc) =	sbr.rel .LBB2_7-.Ltmp4, $1  }
0x51: {  	_ =	sdelay $0x3  }
.LBB2_2:
0x52: {  	[spmem:s14], [sflag:s13] =	dma.local [hbm:s4], $0x2780  }
0x53: {  	_ =	swait.ge [sflag:s15], $0x2780  }
0x54: {  	[sflag:s15] =	ssyncset.done $0x0  }
0x55: {  	[sflag:s15] =	ssyncadd.s32 $0xFFFFD880  }
0x56: {  	[tilespmem:s3], [sflag:$0x5] =	stream.linear.gather [hbm4b:s5+s3], $0x1500, $0x38;
	[tilespmem:$0x1D100] =	vst v63  }
0x57: {  	_ =	swait.ge [sflag:s15], $0x1500  }
0x58: {  	[sflag:s15] =	ssyncset.done $0x0  }
0x59: {  	[sflag:s15] =	ssyncadd.s32 $0xFFFFEB00  }
0x5a: {  	[bflag:$0x0] =	sbarrier.arrive $0xFFFF  }
0x5b: {  	[tilespmem:s17], [sflag:$0x1] =	stream.indirect.gather [spmem:s2], $0x80, s3, s16, $0xb8;
	[tilespmem:$0x1D100] =	vst v63  }
0x5c: {  	_ = 	snop  }
0x5d: {  	[tilespmem:s18], [sflag:$0x2] =	stream.indirect.gather [spmem:s2], $0x80, s16, s16, $0xb8;
	[tilespmem:$0x1D100] =	vst v63  }
0x5e: {  	_ =	swait.ge [sflag:s19], $0x4000  }
0x5f: {  	[sflag:s19] =	ssyncset.done $0x0  }
0x60: {  	[sflag:s19] =	ssyncadd.s32 $0xFFFFC000  }
0x61: {  	[hbm4b:s9+s3] =	stream.linear.scatter [tilespmem:s17], [sflag:$0x3], $0x4000, $0x38;
	[tilespmem:$0x1D100] =	vst v63  }
0x62: {  	_ =	swait.ge [sflag:s20], $0x4000  }
0x63: {  	[sflag:s20] =	ssyncset.done $0x0  }
0x64: {  	[sflag:s20] =	ssyncadd.s32 $0xFFFFC000  }
0x65: {  	[hbm4b:s10+s3] =	stream.linear.scatter [tilespmem:s18], [sflag:$0x4], $0x4000, $0x38;
	[tilespmem:$0x1D100] =	vst v63  }
0x66: {  	_ =	swait.ge [sflag:s21], $0x4000  }
0x67: {  	[sflag:s21] =	ssyncset.done $0x0  }
0x68: {  	s24 =	simm.s32 $0x100;
	[sflag:s21] =	ssyncadd.s32 $0xFFFFC000  }
0x69: {  	[tilespmem:s17], [sflag:$0x1] =	stream.indirect.gather [spmem:s2], $0x80, s24, s16, $0xb8;
	[tilespmem:$0x1D100] =	vst v63  }
0x6a: {  	_ =	swait.ge [sflag:s22], $0x4000  }
0x6b: {  	[sflag:s22] =	ssyncset.done $0x0  }
0x6c: {  	s30 =	simm.s32 $0x180;
	[sflag:s22] =	ssyncadd.s32 $0xFFFFC000  }
0x6d: {  	[tilespmem:s18], [sflag:$0x2] =	stream.indirect.gather [spmem:s2], $0x80, s30, s16, $0xb8;
	[tilespmem:$0x1D100] =	vst v63  }
0x6e: {  	_ =	swait.ge [sflag:s19], $0x4000  }
0x6f: {  	s25 =	sadd.s32 $0xFFFEC000, s9;
	[sflag:s19] =	ssyncset.done $0x0  }
0x70: {  	s31 =	sadd.s32 $0x15000, s25;
	[sflag:s19] =	ssyncadd.s32 $0xFFFFC000  }
0x71: {  	[hbm4b:s31+s3] =	stream.linear.scatter [tilespmem:s17], [sflag:$0x3], $0x4000, $0x38;
	[tilespmem:$0x1D100] =	vst v63  }
0x72: {  	_ =	swait.ge [sflag:s20], $0x4000  }
0x73: {  	s26 =	sadd.s32 $0x15800, s25;
	[sflag:s20] =	ssyncset.done $0x0  }
0x74: {  	s25 =	simm.s32 $0x280;
	s24 =	simm.s32 $0xFFFED000;
	[sflag:s20] =	ssyncadd.s32 $0xFFFFC000  }
.LBB2_3:
0x75: {  	[hbm4b:s26+s3] =	stream.linear.scatter [tilespmem:s18], [sflag:$0x4], $0x4000, $0x38;
	[tilespmem:$0x1D100] =	vst v63  }
0x76: {  	s26 =	smov.u32 s24  }
0x77: {  	p1 =	seq.s32 s24, $0xFFFFF000;
	s24 =	sadd.s32 $0x1000, s24;
	_ =	swait.ge [sflag:s21], $0x4000  }
0x78: {  	[sflag:s21] =	ssyncset.done $0x0  }
0x79: {  	s28 =	sadd.s32 $0xFFFFFF80, s25;
	[sflag:s21] =	ssyncadd.s32 $0xFFFFC000  }
0x7a: {  	[tilespmem:s17], [sflag:$0x1] =	stream.indirect.gather [spmem:s2], $0x80, s28, s16, $0xb8;
	[tilespmem:$0x1D100] =	vst v63  }
0x7b: {  	_ =	swait.ge [sflag:s22], $0x4000  }
0x7c: {  	[sflag:s22] =	ssyncset.done $0x0  }
0x7d: {  	[sflag:s22] =	ssyncadd.s32 $0xFFFFC000  }
0x7e: {  	[tilespmem:s18], [sflag:$0x2] =	stream.indirect.gather [spmem:s2], $0x80, s25, s16, $0xb8;
	[tilespmem:$0x1D100] =	vst v63  }
0x7f: {  	_ =	swait.ge [sflag:s19], $0x4000  }
0x80: {  	s26 =	sadd.s32 s26, s9;
	[sflag:s19] =	ssyncset.done $0x0  }
.Ltmp5:
0x81: {  	s28 =	sadd.s32 $0x15000, s26;
	[sflag:s19] =	ssyncadd.s32 $0xFFFFC000;
	(pc) =	sbr.rel @!p1 .LBB2_3-.Ltmp5, $4  }
0x82: {  	[hbm4b:s28+s3] =	stream.linear.scatter [tilespmem:s17], [sflag:$0x3], $0x4000, $0x38;
	[tilespmem:$0x1D100] =	vst v63  }
0x83: {  	_ =	swait.ge [sflag:s20], $0x4000  }
0x84: {  	[sflag:s20] =	ssyncset.done $0x0  }
0x85: {  	s26 =	sadd.s32 $0x15800, s26;
	s25 =	sadd.s32 $0x100, s25;
	[sflag:s20] =	ssyncadd.s32 $0xFFFFC000  }
.Ltmp6:
0x86: {  	(pc) =	sbr.rel .LBB2_8-.Ltmp6, $2  }
0x87: {  	_ =	sdelay $0x2  }
0x88: {  	[hbm4b:s26+s3] =	stream.linear.scatter [tilespmem:s18], [sflag:$0x4], $0x4000, $0x38;
	[tilespmem:$0x1D100] =	vst v63  }
.LBB2_9:
0x89: {  	_ =	sfence.sel $0x180000  }
0x8a: {  	[bflag:$0x0] =	sbarrier.arrive $0xFFFF  }
0x8b: {  	p0 =	sne.s32 s1, $0x0;
	_ =	strace $0x9000004A  }
0x8c: {  	s0 =	sadd.s32 @!p0 $0x100000, s0;
	[bflag:$0x2] =	sbarrier.arrive $0xFFFF  }
0x8d: {  	[sflag:s0] =	ssyncadd.tile.s32 @!p0 $0x1;
	_ =	shalt  }
.Lfunc_end2:
_tile_overlayer_lowered:
.L_overlay_start_2:
0x8e: {  	(tag) =	ssettag $0x2  }
0x8f: {  	s0 =	rddreg [dreg:$0x0];
	s2 =	stileid.u32  }
0x90: {  	s1 =	rddreg [dreg:$0x1];
	p0 =	sne.s32 s2, $0x0  }
0x91: {  	s3 =	rddreg [dreg:$0x2];
	[bflag:$0x3] =	sbarrier.arrive $0xFFFF;
	s2 =	simm.s32 @!p0 $0x1C05  }
0x92: {  	[timem:s3], [sflag:s2] =	dma.local @!p0 [hbm:s0], s1  }
0x93: {  	s0 =	simm.s32 @!p0 $0x5  }
0x94: {  	_ =	swait.ge @!p0 [sflag:s0], s1  }
0x95: {  	s1 =	ssub.s32 @!p0 $0x0, s1;
	[sflag:s0] =	ssyncset.done @!p0 $0x0  }
0x96: {  	[sflag:s0] =	ssyncadd.s32 @!p0 s1  }
0x97: {  	[bflag:$0x3] =	sbarrier.arrive $0xFFFF  }
0x98: {  	_ =	shalt  }

// kernel: kernel.21.cloned.1.call-start
scs
__scs_entry_jumppad:
0x0: {  	(pc) =	sbr.rel $0x88, $3  }
0x1: {  	(tag) =	ssettag $0x0;
	lr =	simm.s32 $0x1  }
0x2: {  	[smem:$0x3F86] =	sst lr;
	_ =	strace $0xD0000000  }
0x3: {  	_ = 	snop  }
0x4: {  	_ = 	snop  }
0x5: {  	_ = 	snop  }
0x6: {  	_ = 	snop  }
0x7: {  	_ = 	snop  }
__scs_overlays_trampoline_lowered:
0x8: {  	[smem:$0x3F95] =	sst s0  }
0x9: {  	[smem:$0x3F96] =	sst s1  }
0xa: {  	[smem:$0x3F97] =	sst s2  }
0xb: {  	[smem:$0x3F98] =	sst s3  }
0xc: {  	[smem:$0x3F99] =	sst s4  }
0xd: {  	[smem:$0x3F9A] =	sst s5  }
0xe: {  	[smem:$0x3F9B] =	sst s6  }
0xf: {  	[smem:$0x3F9C] =	sst s7  }
0x10: {  	[smem:$0x3F9D] =	sst s8  }
0x11: {  	[smem:$0x3F9E] =	sst s9;
	s0 =	simm.s32 @!p0 $0x0  }
0x12: {  	s1 =	sld [smem:$0x3F84];
	s0 =	simm.s32 @p0 $0x1  }
0x13: {  	[smem:$0x3F9F] =	sst s0;
	s0 =	simm.s32 @!p1 $0x0  }
0x14: {  	s2 =	sld [smem:$0x3F83];
	s0 =	simm.s32 @p1 $0x1  }
0x15: {  	[smem:$0x3FA0] =	sst s0;
	s0 =	simm.s32 @!p2 $0x0  }
0x16: {  	s3 =	sld [smem:$0x3FDB];
	s0 =	simm.s32 @p2 $0x1  }
0x17: {  	s4 =	simm.s32 $0x1BF5;
	[smem:$0x3FA2] =	sst s0  }
0x18: {  	s0 =	sld [smem:$0x3F85];
	_ =	swait.ge [sflag:s4], $0x0  }
0x19: {  	s7 =	sld [smem:$0x3F86]  }
0x1a: {  	s8 =	sadd.s32 $0xFFFFE003, lr  }
0x1b: {  	s9 =	sadd.s32 $0xFFFFFEF7, lr;
	s5 =	simm.s32 $0xFFFFFFFF;
	p2 =	slt.u32 s8, $0xFFFFF086  }
0x1c: {  	p1 =	slt.u32 s9, $0xF7A;
	s5 =	simm.s32 @!p2 $0x0  }
0x1d: {  	s5 =	simm.s32 @p1 $0x1;
	p0 =	seq.s32 s7, s2  }
0x1e: {  	s7 =	smul.u32 @!p0 $0xF7A, s2;
	p2 =	seq.s32 @!p0 s5, $0x0  }
0x1f: {  	s9 =	smul.u32 $0xF7A, s1;
	s8 =	simm.s32 @!p0 $0x1BF5;
	p2 =	por !p2, p0  }
0x20: {  	[sflag:s8] =	ssyncset.s32 @!p0 $0xFFFFF086;
	s6 =	sadd.s32 @!p0 s3, s7;
	s7 =	simm.s32 @!p0 $0x108  }
0x21: {  	s3 =	sadd.s32 s3, s9;
	s6 =	sadd.s32 @!p0 $0x88, s6;
	s7 =	simm.s32 @p2 $0x1082  }
0x22: {  	[simem:s7], [sflag:s8] =	dma.local @!p0 [hbm:s6], $0xF7A  }
0x23: {  	s9 =	sor.u32 $0xD0000000, s2;
	s6 =	simm.s32 $0x108;
	_ =	swait.ge @!p0 [sflag:s8], $0x0  }
0x24: {  	s3 =	sadd.s32 $0x88, s3;
	s6 =	simm.s32 @!p1 $0x1082;
	[sflag:s4] =	ssyncset.s32 $0xFFFFF086  }
0x25: {  	[simem:s6], [sflag:s4] =	dma.local [hbm:s3], $0xF7A  }
0x26: {  	[smem:$0x3F86] =	sst s1;
	(tag) =	ssettag s2;
	_ =	strace s9  }
0x27: {  	s1 =	sld [smem:$0x3F96]  }
0x28: {  	s2 =	sld [smem:$0x3F97]  }
0x29: {  	s4 =	sld [smem:$0x3F99]  }
0x2a: {  	p0 =	seq.s32 s5, $0x0;
	s5 =	sld [smem:$0x3F9A]  }
0x2b: {  	s6 =	sld [smem:$0x3F9B]  }
0x2c: {  	s7 =	sld [smem:$0x3F9C]  }
0x2d: {  	s3 =	simm.s32 $0x108;
	s8 =	sld [smem:$0x3F9D]  }
0x2e: {  	s3 =	simm.s32 @!p0 $0x1082;
	s9 =	sld [smem:$0x3F9E]  }
0x2f: {  	lr =	sadd.s32 s0, s3;
	s0 =	sld [smem:$0x3F95]  }
0x30: {  	s3 =	sld [smem:$0x3F98]  }
0x31: {  	[smem:$0x3FA1] =	sst s10  }
0x32: {  	s10 =	sld [smem:$0x3F9F];
	_ =	sdelay $0x3  }
0x33: {  	p0 =	seq.s32 s10, $0x1;
	s10 =	sld [smem:$0x3FA1];
	_ =	sdelay $0x3  }
0x34: {  	[smem:$0x3FA1] =	sst s10  }
0x35: {  	s10 =	sld [smem:$0x3FA0];
	_ =	sdelay $0x3  }
0x36: {  	p1 =	seq.s32 s10, $0x1;
	s10 =	sld [smem:$0x3FA1];
	_ =	sdelay $0x3  }
0x37: {  	[smem:$0x3FA1] =	sst s10  }
0x38: {  	s10 =	sld [smem:$0x3FA2]  }
0x39: {  	_ = 	snop;
	(pc) =	sbr.ind lr, $3  }
0x3a: {  	_ = 	snop  }
0x3b: {  	_ = 	snop  }
0x3c: {  	p2 =	seq.s32 s10, $0x1;
	s10 =	sld [smem:$0x3FA1]  }
0x3d: {  	_ =	shalt  }
0x3e: {  	_ =	shalt  }
0x3f: {  	_ =	shalt  }
0x40: {  	_ =	shalt  }
0x41: {  	_ =	shalt  }
0x42: {  	_ =	shalt  }
0x43: {  	_ =	shalt  }
0x44: {  	_ =	shalt  }
0x45: {  	_ =	shalt  }
0x46: {  	_ =	shalt  }
0x47: {  	_ =	shalt  }
0x48: {  	_ =	shalt  }
0x49: {  	_ =	shalt  }
0x4a: {  	_ =	shalt  }
0x4b: {  	_ =	shalt  }
0x4c: {  	_ =	shalt  }
0x4d: {  	_ =	shalt  }
0x4e: {  	_ =	shalt  }
0x4f: {  	_ =	shalt  }
0x50: {  	_ =	shalt  }
0x51: {  	_ =	shalt  }
0x52: {  	_ =	shalt  }
0x53: {  	_ =	shalt  }
0x54: {  	_ =	shalt  }
0x55: {  	_ =	shalt  }
0x56: {  	_ =	shalt  }
0x57: {  	_ =	shalt  }
0x58: {  	_ =	shalt  }
0x59: {  	_ =	shalt  }
0x5a: {  	_ =	shalt  }
0x5b: {  	_ =	shalt  }
0x5c: {  	_ =	shalt  }
0x5d: {  	_ =	shalt  }
0x5e: {  	_ =	shalt  }
0x5f: {  	_ =	shalt  }
0x60: {  	_ =	shalt  }
0x61: {  	_ =	shalt  }
0x62: {  	_ =	shalt  }
0x63: {  	_ =	shalt  }
0x64: {  	_ =	shalt  }
0x65: {  	_ =	shalt  }
0x66: {  	_ =	shalt  }
0x67: {  	_ =	shalt  }
0x68: {  	_ =	shalt  }
0x69: {  	_ =	shalt  }
0x6a: {  	_ =	shalt  }
0x6b: {  	_ =	shalt  }
0x6c: {  	_ =	shalt  }
0x6d: {  	_ =	shalt  }
0x6e: {  	_ =	shalt  }
0x6f: {  	_ =	shalt  }
0x70: {  	_ =	shalt  }
0x71: {  	_ =	shalt  }
0x72: {  	_ =	shalt  }
0x73: {  	_ =	shalt  }
0x74: {  	_ =	shalt  }
0x75: {  	_ =	shalt  }
0x76: {  	_ =	shalt  }
0x77: {  	_ =	shalt  }
0x78: {  	_ =	shalt  }
0x79: {  	_ =	shalt  }
0x7a: {  	_ =	shalt  }
0x7b: {  	_ =	shalt  }
0x7c: {  	_ =	shalt  }
0x7d: {  	_ =	shalt  }
0x7e: {  	_ =	shalt  }
0x7f: {  	_ =	shalt  }
0x80: {  	_ =	shalt  }
0x81: {  	_ =	shalt  }
0x82: {  	_ =	shalt  }
0x83: {  	_ =	shalt  }
0x84: {  	_ =	shalt  }
0x85: {  	_ =	shalt  }
0x86: {  	_ =	shalt  }
0x87: {  	_ =	shalt  }
.Lfunc_end0:
.L_simem_size_0:
called_computation.1_lowered:
.L_overlay_start_0:
0x88: {  	s2 =	sld [smem:$0x3FD9]  }
0x89: {  	s3 =	sld [smem:$0x3FFE];
	_ =	sdelay $0x1  }
0x8a: {  	s1 =	srdreg.scid  }
0x8b: {  	s0 =	sand.u32 $0x1, s1  }
0x8c: {  	s15 =	sshll.u32 s0, $0xA;
	s2 =	sadd.s32 s3, s2  }
0x8d: {  	s2 =	sadd.s32 s2, s15  }
0x8e: {  	[smem:$0x3FAD] =	sst s2  }
0x8f: {  	_ = 	snop  }
0x90: {  	s2 =	sld [smem:$0x3FD0];
	_ =	sdelay $0x2  }
0x91: {  	s16 =	simm.s32 $0xB;
	s4 =	simm.s32 $0x10  }
0x92: {  	[smem:s4], [sflag:s16] =	dma.local [hbm:s2], $0x1  }
0x93: {  	_ =	swait.eq [sflag:s16], $0x1  }
0x94: {  	[sflag:s16] =	ssyncset.done $0x0  }
0x95: {  	[sflag:s16] =	ssyncadd.s32 $0xFFFFFFFF  }
0x96: {  	s17 =	sld [smem:$0x11];
	(tm) =	ssettm $0x1  }
0x97: {  	s18 =	sld [smem:$0x3FFB];
	_ =	sdelay $0x3  }
0x98: {  	_ =	strace s18  }
0x99: {  	s2 =	sld [smem:$0x3FFC];
	_ =	sdelay $0x3  }
0x9a: {  	_ =	strace s2  }
0x9b: {  	s2 =	sld [smem:$0x3FFD];
	_ =	sdelay $0x3  }
0x9c: {  	_ =	strace s2  }
0x9d: {  	_ =	strace $0x8FFFFFFF  }
0x9e: {  	s19 =	sld [smem:$0x3FDB];
	_ =	sdelay $0x1  }
0x9f: {  	s20 =	simm.s32 $_scs_section_size  }
0xa0: {  	s5 =	simm.s32 $_size__tile_overlayer_lowered;
	s6 =	simm.s32 $_tile_overlayer_lowered  }
0xa1: {  	s7 =	simm.s32 $0x1BFF;
	s21 =	sshll.u32 s6, $0x1;
	s4 =	sadd.s32 s20, s19  }
0xa2: {  	s22 =	simm.s32 $0x0;
	s5 =	sshll.u32 s5, $0x1;
	s6 =	sadd.s32 s21, s4  }
0xa3: {  	[timem:s22], [sflag:s7] =	dma.local [hbm:s6], s5  }
0xa4: {  	_ =	swait.ge [sflag:s7], s5  }
0xa5: {  	s5 =	ssub.s32 $0x0, s5;
	[sflag:s7] =	ssyncset.done $0x0  }
0xa6: {  	[sflag:s7] =	ssyncadd.s32 s5;
	_ =	sdelay $0x1  }
0xa7: {  	s23 =	simm.s32 $0x1B8B  }
0xa8: {  	_ =	swait.ge [sflag:s23], $0x1  }
0xa9: {  	[sflag:s23] =	ssyncset.done $0x0  }
0xaa: {  	[sflag:s23] =	ssyncadd.s32 $0xFFFFFFFF  }
0xab: {  	s5 =	sld [smem:$0x0]  }
0xac: {  	s6 =	sand.u32 $0xFFFFFFFE, s1  }
0xad: {  	p0 =	sne.s32 s1, s6  }
0xae: {  	s6 =	sshll.u32 @p0 s6, $0xE  }
0xaf: {  	s6 =	sadd.s32 @p0 $0x11B8D, s6;
	s7 =	sshll.u32 @p0 s5, $0x11  }
0xb0: {  	s6 =	sor.u32 @p0 s7, s6  }
0xb1: {  	[sflag:s6] =	ssyncadd.remote.s32 @p0 $0x1;
	_ =	sdelay $0x1  }
0xb2: {  	s6 =	simm.s32 @p0 $0x1B8D  }
0xb3: {  	_ =	swait.eq @p0 [sflag:s6], $0x1  }
0xb4: {  	[sflag:s6] =	ssyncadd.s32 @p0 $0xFFFFFFFF  }
0xb5: {  	s7 =	sshll.u32 @!p0 s1, $0xE  }
0xb6: {  	s7 =	sor.u32 @!p0 $0x4000, s7;
	s6 =	simm.s32 @!p0 $0x1B8D  }
0xb7: {  	s5 =	sshll.u32 @!p0 s5, $0x11;
	s7 =	sadd.s32 @!p0 $0x11B8D, s7;
	_ =	swait.eq @!p0 [sflag:s6], $0x1  }
0xb8: {  	s5 =	sor.u32 @!p0 s5, s7;
	[sflag:s6] =	ssyncadd.s32 @!p0 $0xFFFFFFFF  }
0xb9: {  	s25 =	simm.s32 $0x1B8E;
	s24 =	sld [smem:$0x3FFE];
	[sflag:s5] =	ssyncadd.remote.s32 @!p0 $0x1  }
0xba: {  	s26 =	simm.s32 $execute0_lowered;
	[smem:$0x3FD2] =	sst s25  }
0xbb: {  	s6 =	sshll.u32 s26, $0x1;
	_ =	strace $0x8000004F;
	[dreg:$0x1] =	wrdreg $0xFFFFFFFF  }
0xbc: {  	s28 =	simm.s32 $_size_execute0_lowered;
	s4 =	sadd.s32 s4, s6;
	[dreg:$0x0] =	wrdreg $0x0  }
0xbd: {  	s6 =	sshll.u32 s28, $0x1;
	[dreg:$0x2] =	wrdreg s4  }
0xbe: {  	[dreg:$0x3] =	wrdreg s6  }
0xbf: {  	[dreg:$0x4] =	wrdreg $0xC0  }
0xc0: {  	_ =	task [dreg:s22], $0x5FFFF  }
0xc1: {  	[dreg:$0x1] =	wrdreg $0xFFFFFFFF  }
0xc2: {  	[dreg:$0x0] =	wrdreg $0x60  }
0xc3: {  	[dreg:$0x2] =	wrdreg s17  }
0xc4: {  	[dreg:$0x3] =	wrdreg s24  }
0xc5: {  	[dreg:$0x4] =	wrdreg $0x70000  }
0xc6: {  	[dreg:$0x5] =	wrdreg $0x9  }
0xc7: {  	_ =	task.clear_ibuf [dreg:s22], $0x6FFFF;
	_ =	strace $0x9000004F  }
0xc8: {  	s29 =	simm.s32 $0x9;
	_ =	strace $0x80000051  }
0xc9: {  	_ =	swait.ge [sflag:s29], $0x1  }
0xca: {  	[sflag:s29] =	ssyncadd.s32 $0xFFFFFFFF  }
0xcb: {  	_ =	strace $0x90000051  }
0xcc: {  	_ =	sfence  }
0xcd: {  	s30 =	sld [smem:$0x0];
	_ =	sdelay $0x2  }
0xce: {  	s31 =	sshll.u32 s1, $0xD;
	s1 =	sshrl.u32 s1, $0x2  }
0xcf: {  	s4 =	sand.u32 $0x4000, s31;
	s1 =	sadd.s32 s1, s30  }
0xd0: {  	s0 =	sor.u32 s4, s0;
	s1 =	sshll.u32 s1, $0x11  }
0xd1: {  	s0 =	sor.u32 s1, s0  }
0xd2: {  	s0 =	sadd.s32 $0x8F2B, s0  }
0xd3: {  	[sflag:s0] =	ssyncadd.remote.s32 $0x1  }
0xd4: {  	_ =	sfence.sel $0xFFFF  }
0xd5: {  	[dreg:$0x0] =	wrdreg $0xFFFFFFFF;
	(pc) =	sbr.abs _section_cstart, $3  }
0xd6: {  	[dreg:$0x1] =	wrdreg $0xFFFFFFFF  }
0xd7: {  	_ =	task.clear_ibuf [dreg:s22], $0x2FFFF;
	_ =	strace $0x9FFFFFFF  }
0xd8: {  	(tm) =	ssettm $0x7FFFFFFF  }
0xd9: {  	_ =	shalt  }
tec
execute0_lowered:
.L_overlay_start_1:
0x0: {  	(tag) =	ssettag $0x1  }
0x1: {  	s9 =	rddreg [dreg:$0x0]  }
0x2: {  	s4 =	rddreg [dreg:$0x1]  }
0x3: {  	s2 =	rddreg [dreg:$0x2];
	s3 =	srdreg.scid  }
0x4: {  	s1 =	stileid.u32;
	s0 =	rddreg [dreg:$0x3];
	s16 =	simm.s32 $0x1  }
0x5: {  	s17 =	simm.s32 $0x60;
	s18 =	simm.s32 $0x2;
	s19 =	simm.s32 $0x80  }
0x6: {  	s20 =	simm.s32 $0x3;
	s21 =	simm.s32 $0x4;
	s6 =	smul.u32 $0x13C00, s1  }
0x7: {  	s22 =	simm.s32 $0x0;
	s7 =	sand.u32 $0x1, s3;
	s24 =	smul.u32 $0x4F000, s1  }
0x8: {  	s5 =	sshll.u32 s1, $0x1;
	s3 =	simm.s32 $0x0;
	s31 =	smul.u32 $0x15000, s1  }
0x9: {  	s30 =	sshll.u32 s1, $0x6;
	s5 =	sor.u32 s7, s5;
	s10 =	smul.u32 $0x13C000, s7  }
0xa: {  	[smem:$0x7FF] =	sst s3;
	s12 =	ssub.s32 $0x2, s7;
	s15 =	smul.u32 $0xA800, s7  }
0xb: {  	s8 =	sshll.u32 s5, $0x9;
	_ =	strace $0x80000050;
	s11 =	sshrl.u32 s6, $0x3  }
0xc: {  	s25 =	sshrl.u32 s12, $0x1;
	s26 =	sshrl.u32 s24, $0x2;
	s14 =	smul.u32 $0xA800, s5  }
0xd: {  	s5 =	sor.u32 $0x1C05, s30;
	s8 =	sadd.s32 s8, s4;
	s6 =	sadd.s32 s6, s10  }
0xe: {  	s11 =	sadd.s32 s11, s4;
	s29 =	sadd.s32 s26, s2;
	s6 =	sshrl.u32 s6, $0x3  }
0xf: {  	s28 =	ssub.s32 s12, s25;
	s12 =	sshrl.u32 s29, $0x3;
	s13 =	sadd.s32 s6, s4  }
0x10: {  	s4 =	sadd.s32 $0x651400, s11;
	s6 =	sadd.s32 $0x6C7C00, s8;
	s8 =	sadd.s32 s9, s14  }
0x11: {  	s11 =	sadd.s32 s31, s9;
	s9 =	smax.u32 s28, $0x1;
	s14 =	simm.s32 $0x1000  }
0x12: {  	s7 =	sadd.s32 $0x773C00, s13;
	s10 =	sadd.s32 $0x600, s8;
	s11 =	sadd.s32 s15, s11  }
0x13: {  	s13 =	simm.s32 $0x5;
	s15 =	simm.s32 $0x4000;
	s11 =	sadd.s32 $0x1200, s11  }
.LBB2_1:
0x14: {  	[spmem:s12], [sflag:s5] =	dma.local [hbm:s4], $0x2780  }
0x15: {  	_ =	swait.ge [sflag:s13], $0x2780  }
0x16: {  	[sflag:s13] =	ssyncset.done $0x0  }
0x17: {  	[sflag:s13] =	ssyncadd.s32 $0xFFFFD880  }
0x18: {  	[tilespmem:s3], [sflag:$0x5] =	stream.linear.gather [hbm4b:s6+s3], $0xE00, $0x38;
	[tilespmem:$0x1AC00] =	vst v63  }
0x19: {  	_ =	swait.ge [sflag:s13], $0xE00  }
0x1a: {  	[sflag:s13] =	ssyncset.done $0x0  }
0x1b: {  	[sflag:s13] =	ssyncadd.s32 $0xFFFFF200  }
0x1c: {  	[bflag:$0x0] =	sbarrier.arrive $0xFFFF  }
0x1d: {  	[tilespmem:s14], [sflag:$0x1] =	stream.linear.gather [hbm4b:s8+s3], $0x3000, $0x38;
	[tilespmem:$0x1AC00] =	vst v63  }
0x1e: {  	_ = 	snop  }
0x1f: {  	[tilespmem:s15], [sflag:$0x2] =	stream.linear.gather [hbm4b:s10+s3], $0x3000, $0x38;
	[tilespmem:$0x1AC00] =	vst v63  }
0x20: {  	_ =	swait.ge [sflag:s16], $0x3000  }
0x21: {  	[sflag:s16] =	ssyncset.done $0x0  }
0x22: {  	[sflag:s16] =	ssyncadd.s32 $0xFFFFD000  }
0x23: {  	[spmem:s2] =	stream.indirect.scatter.add.f32 [tilespmem:s14], [sflag:$0x3], $0x80, s3, s17, $0xb8;
	[tilespmem:$0x1AC00] =	vst v63  }
0x24: {  	_ =	swait.ge [sflag:s18], $0x3000  }
0x25: {  	[sflag:s18] =	ssyncset.done $0x0  }
0x26: {  	[sflag:s18] =	ssyncadd.s32 $0xFFFFD000  }
0x27: {  	[spmem:s2] =	stream.indirect.scatter.add.f32 [tilespmem:s15], [sflag:$0x4], $0x80, s19, s17, $0xb8;
	[tilespmem:$0x1AC00] =	vst v63  }
0x28: {  	_ =	swait.ge [sflag:s20], $0x3000  }
0x29: {  	[sflag:s20] =	ssyncset.done $0x0  }
0x2a: {  	s23 =	sadd.s32 $0xFFFFFA00, s11;
	[sflag:s20] =	ssyncadd.s32 $0xFFFFD000  }
0x2b: {  	[tilespmem:s14], [sflag:$0x1] =	stream.linear.gather [hbm4b:s23+s3], $0x3000, $0x38;
	[tilespmem:$0x1AC00] =	vst v63  }
0x2c: {  	_ =	swait.ge [sflag:s21], $0x3000  }
0x2d: {  	[sflag:s21] =	ssyncset.done $0x0  }
0x2e: {  	[sflag:s21] =	ssyncadd.s32 $0xFFFFD000  }
0x2f: {  	[tilespmem:s15], [sflag:$0x2] =	stream.linear.gather [hbm4b:s11+s3], $0x3000, $0x38;
	[tilespmem:$0x1AC00] =	vst v63  }
0x30: {  	_ =	swait.ge [sflag:s16], $0x3000  }
0x31: {  	[sflag:s16] =	ssyncset.done $0x0  }
0x32: {  	s31 =	simm.s32 $0x100;
	[sflag:s16] =	ssyncadd.s32 $0xFFFFD000  }
0x33: {  	[spmem:s2] =	stream.indirect.scatter.add.f32 [tilespmem:s14], [sflag:$0x3], $0x80, s31, s17, $0xb8;
	[tilespmem:$0x1AC00] =	vst v63  }
0x34: {  	_ =	swait.ge [sflag:s18], $0x3000  }
0x35: {  	s25 =	simm.s32 $0x180;
	[sflag:s18] =	ssyncset.done $0x0  }
0x36: {  	s24 =	sadd.s32 $0xC00, s11;
	s23 =	simm.s32 $0x400;
	[sflag:s18] =	ssyncadd.s32 $0xFFFFD000  }
.LBB2_2:
0x37: {  	[spmem:s2] =	stream.indirect.scatter.add.f32 [tilespmem:s15], [sflag:$0x4], $0x80, s25, s17, $0xb8;
	[tilespmem:$0x1AC00] =	vst v63  }
0x38: {  	s25 =	smov.u32 s23  }
0x39: {  	p0 =	sne.s32 s23, $0x3000;
	s23 =	sadd.s32 $0x400, s23;
	_ =	swait.ge [sflag:s20], $0x3000  }
0x3a: {  	[sflag:s20] =	ssyncset.done $0x0  }
0x3b: {  	s26 =	sadd.s32 $0xFFFFFA00, s24;
	[sflag:s20] =	ssyncadd.s32 $0xFFFFD000  }
0x3c: {  	[tilespmem:s14], [sflag:$0x1] =	stream.linear.gather [hbm4b:s26+s3], $0x3000, $0x38;
	[tilespmem:$0x1AC00] =	vst v63  }
0x3d: {  	_ =	swait.ge [sflag:s21], $0x3000  }
0x3e: {  	[sflag:s21] =	ssyncset.done $0x0  }
0x3f: {  	[sflag:s21] =	ssyncadd.s32 $0xFFFFD000  }
0x40: {  	[tilespmem:s15], [sflag:$0x2] =	stream.linear.gather [hbm4b:s24+s3], $0x3000, $0x38;
	[tilespmem:$0x1AC00] =	vst v63  }
0x41: {  	_ =	swait.ge [sflag:s16], $0x3000  }
0x42: {  	s25 =	sshra.s32 s25, $0x2;
	[sflag:s16] =	ssyncset.done $0x0  }
.Ltmp0:
0x43: {  	s26 =	sadd.s32 $0x100, s25;
	[sflag:s16] =	ssyncadd.s32 $0xFFFFD000;
	(pc) =	sbr.rel @p0 .LBB2_2-.Ltmp0, $4  }
0x44: {  	[spmem:s2] =	stream.indirect.scatter.add.f32 [tilespmem:s14], [sflag:$0x3], $0x80, s26, s17, $0xb8;
	[tilespmem:$0x1AC00] =	vst v63  }
0x45: {  	_ =	swait.ge [sflag:s18], $0x3000  }
0x46: {  	[sflag:s18] =	ssyncset.done $0x0  }
0x47: {  	s25 =	sadd.s32 $0x180, s25;
	s24 =	sadd.s32 $0xC00, s24;
	[sflag:s18] =	ssyncadd.s32 $0xFFFFD000  }
0x48: {  	[spmem:s2] =	stream.indirect.scatter.add.f32 [tilespmem:s15], [sflag:$0x4], $0x80, s25, s17, $0xb8;
	[tilespmem:$0x1AC00] =	vst v63  }
0x49: {  	_ =	swait.ge [sflag:s20], $0x3000  }
0x4a: {  	[sflag:s20] =	ssyncset.done $0x0  }
0x4b: {  	[sflag:s20] =	ssyncadd.s32 $0xFFFFD000  }
0x4c: {  	_ =	swait.ge [sflag:s21], $0x3000  }
0x4d: {  	s22 =	sadd.s32 $0x1, s22;
	[sflag:s21] =	ssyncset.done $0x0  }
0x4e: {  	p0 =	sne.s32 s22, s9;
	[sflag:s21] =	ssyncadd.s32 $0xFFFFD000  }
.Ltmp1:
0x4f: {  	[bflag:$0x0] =	sbarrier.arrive $0xFFFF;
	(pc) =	sbr.rel @p0 .LBB2_1-.Ltmp1, $4  }
0x50: {  	[hbm:s7], [sflag:s5] =	dma.local [spmem:s12], $0x2780  }
0x51: {  	_ =	swait.ge [sflag:s13], $0x2780  }
0x52: {  	[sflag:s13] =	ssyncset.done $0x0  }
0x53: {  	[sflag:s13] =	ssyncadd.s32 $0xFFFFD880  }
0x54: {  	_ =	sfence.sel $0x180000  }
0x55: {  	[bflag:$0x0] =	sbarrier.arrive $0xFFFF  }
0x56: {  	p0 =	sne.s32 s1, $0x0;
	_ =	strace $0x90000050  }
0x57: {  	s0 =	sadd.s32 @!p0 $0x100000, s0;
	[bflag:$0x2] =	sbarrier.arrive $0xFFFF  }
0x58: {  	[sflag:s0] =	ssyncadd.tile.s32 @!p0 $0x1;
	_ =	shalt  }
.Lfunc_end2:
_tile_overlayer_lowered:
.L_overlay_start_2:
0x59: {  	(tag) =	ssettag $0x2  }
0x5a: {  	s0 =	rddreg [dreg:$0x0];
	s2 =	stileid.u32  }
0x5b: {  	s1 =	rddreg [dreg:$0x1];
	p0 =	sne.s32 s2, $0x0  }
0x5c: {  	s3 =	rddreg [dreg:$0x2];
	[bflag:$0x3] =	sbarrier.arrive $0xFFFF;
	s2 =	simm.s32 @!p0 $0x1C05  }
0x5d: {  	[timem:s3], [sflag:s2] =	dma.local @!p0 [hbm:s0], s1  }
0x5e: {  	s0 =	simm.s32 @!p0 $0x5  }
0x5f: {  	_ =	swait.ge @!p0 [sflag:s0], s1  }
0x60: {  	s1 =	ssub.s32 @!p0 $0x0, s1;
	[sflag:s0] =	ssyncset.done @!p0 $0x0  }
0x61: {  	[sflag:s0] =	ssyncadd.s32 @!p0 s1  }
0x62: {  	[bflag:$0x3] =	sbarrier.arrive $0xFFFF  }
0x63: {  	_ =	shalt  }

// kernel: kernel.24.cloned.1.call-start
scs
__scs_entry_jumppad:
0x0: {  	(pc) =	sbr.rel $0x88, $3  }
0x1: {  	(tag) =	ssettag $0x0;
	lr =	simm.s32 $0x1  }
0x2: {  	[smem:$0x3F86] =	sst lr;
	_ =	strace $0xD0000000  }
0x3: {  	_ = 	snop  }
0x4: {  	_ = 	snop  }
0x5: {  	_ = 	snop  }
0x6: {  	_ = 	snop  }
0x7: {  	_ = 	snop  }
__scs_overlays_trampoline_lowered:
0x8: {  	[smem:$0x3F95] =	sst s0  }
0x9: {  	[smem:$0x3F96] =	sst s1  }
0xa: {  	[smem:$0x3F97] =	sst s2  }
0xb: {  	[smem:$0x3F98] =	sst s3  }
0xc: {  	[smem:$0x3F99] =	sst s4  }
0xd: {  	[smem:$0x3F9A] =	sst s5  }
0xe: {  	[smem:$0x3F9B] =	sst s6  }
0xf: {  	[smem:$0x3F9C] =	sst s7  }
0x10: {  	[smem:$0x3F9D] =	sst s8  }
0x11: {  	[smem:$0x3F9E] =	sst s9;
	s0 =	simm.s32 @!p0 $0x0  }
0x12: {  	s1 =	sld [smem:$0x3F84];
	s0 =	simm.s32 @p0 $0x1  }
0x13: {  	[smem:$0x3F9F] =	sst s0;
	s0 =	simm.s32 @!p1 $0x0  }
0x14: {  	s2 =	sld [smem:$0x3F83];
	s0 =	simm.s32 @p1 $0x1  }
0x15: {  	[smem:$0x3FA0] =	sst s0;
	s0 =	simm.s32 @!p2 $0x0  }
0x16: {  	s3 =	sld [smem:$0x3FDB];
	s0 =	simm.s32 @p2 $0x1  }
0x17: {  	s4 =	simm.s32 $0x1BF5;
	[smem:$0x3FA2] =	sst s0  }
0x18: {  	s0 =	sld [smem:$0x3F85];
	_ =	swait.ge [sflag:s4], $0x0  }
0x19: {  	s7 =	sld [smem:$0x3F86]  }
0x1a: {  	s8 =	sadd.s32 $0xFFFFE003, lr  }
0x1b: {  	s9 =	sadd.s32 $0xFFFFFEF7, lr;
	s5 =	simm.s32 $0xFFFFFFFF;
	p2 =	slt.u32 s8, $0xFFFFF086  }
0x1c: {  	p1 =	slt.u32 s9, $0xF7A;
	s5 =	simm.s32 @!p2 $0x0  }
0x1d: {  	s5 =	simm.s32 @p1 $0x1;
	p0 =	seq.s32 s7, s2  }
0x1e: {  	s7 =	smul.u32 @!p0 $0xF7A, s2;
	p2 =	seq.s32 @!p0 s5, $0x0  }
0x1f: {  	s9 =	smul.u32 $0xF7A, s1;
	s8 =	simm.s32 @!p0 $0x1BF5;
	p2 =	por !p2, p0  }
0x20: {  	[sflag:s8] =	ssyncset.s32 @!p0 $0xFFFFF086;
	s6 =	sadd.s32 @!p0 s3, s7;
	s7 =	simm.s32 @!p0 $0x108  }
0x21: {  	s3 =	sadd.s32 s3, s9;
	s6 =	sadd.s32 @!p0 $0x88, s6;
	s7 =	simm.s32 @p2 $0x1082  }
0x22: {  	[simem:s7], [sflag:s8] =	dma.local @!p0 [hbm:s6], $0xF7A  }
0x23: {  	s9 =	sor.u32 $0xD0000000, s2;
	s6 =	simm.s32 $0x108;
	_ =	swait.ge @!p0 [sflag:s8], $0x0  }
0x24: {  	s3 =	sadd.s32 $0x88, s3;
	s6 =	simm.s32 @!p1 $0x1082;
	[sflag:s4] =	ssyncset.s32 $0xFFFFF086  }
0x25: {  	[simem:s6], [sflag:s4] =	dma.local [hbm:s3], $0xF7A  }
0x26: {  	[smem:$0x3F86] =	sst s1;
	(tag) =	ssettag s2;
	_ =	strace s9  }
0x27: {  	s1 =	sld [smem:$0x3F96]  }
0x28: {  	s2 =	sld [smem:$0x3F97]  }
0x29: {  	s4 =	sld [smem:$0x3F99]  }
0x2a: {  	p0 =	seq.s32 s5, $0x0;
	s5 =	sld [smem:$0x3F9A]  }
0x2b: {  	s6 =	sld [smem:$0x3F9B]  }
0x2c: {  	s7 =	sld [smem:$0x3F9C]  }
0x2d: {  	s3 =	simm.s32 $0x108;
	s8 =	sld [smem:$0x3F9D]  }
0x2e: {  	s3 =	simm.s32 @!p0 $0x1082;
	s9 =	sld [smem:$0x3F9E]  }
0x2f: {  	lr =	sadd.s32 s0, s3;
	s0 =	sld [smem:$0x3F95]  }
0x30: {  	s3 =	sld [smem:$0x3F98]  }
0x31: {  	[smem:$0x3FA1] =	sst s10  }
0x32: {  	s10 =	sld [smem:$0x3F9F];
	_ =	sdelay $0x3  }
0x33: {  	p0 =	seq.s32 s10, $0x1;
	s10 =	sld [smem:$0x3FA1];
	_ =	sdelay $0x3  }
0x34: {  	[smem:$0x3FA1] =	sst s10  }
0x35: {  	s10 =	sld [smem:$0x3FA0];
	_ =	sdelay $0x3  }
0x36: {  	p1 =	seq.s32 s10, $0x1;
	s10 =	sld [smem:$0x3FA1];
	_ =	sdelay $0x3  }
0x37: {  	[smem:$0x3FA1] =	sst s10  }
0x38: {  	s10 =	sld [smem:$0x3FA2]  }
0x39: {  	_ = 	snop;
	(pc) =	sbr.ind lr, $3  }
0x3a: {  	_ = 	snop  }
0x3b: {  	_ = 	snop  }
0x3c: {  	p2 =	seq.s32 s10, $0x1;
	s10 =	sld [smem:$0x3FA1]  }
0x3d: {  	_ =	shalt  }
0x3e: {  	_ =	shalt  }
0x3f: {  	_ =	shalt  }
0x40: {  	_ =	shalt  }
0x41: {  	_ =	shalt  }
0x42: {  	_ =	shalt  }
0x43: {  	_ =	shalt  }
0x44: {  	_ =	shalt  }
0x45: {  	_ =	shalt  }
0x46: {  	_ =	shalt  }
0x47: {  	_ =	shalt  }
0x48: {  	_ =	shalt  }
0x49: {  	_ =	shalt  }
0x4a: {  	_ =	shalt  }
0x4b: {  	_ =	shalt  }
0x4c: {  	_ =	shalt  }
0x4d: {  	_ =	shalt  }
0x4e: {  	_ =	shalt  }
0x4f: {  	_ =	shalt  }
0x50: {  	_ =	shalt  }
0x51: {  	_ =	shalt  }
0x52: {  	_ =	shalt  }
0x53: {  	_ =	shalt  }
0x54: {  	_ =	shalt  }
0x55: {  	_ =	shalt  }
0x56: {  	_ =	shalt  }
0x57: {  	_ =	shalt  }
0x58: {  	_ =	shalt  }
0x59: {  	_ =	shalt  }
0x5a: {  	_ =	shalt  }
0x5b: {  	_ =	shalt  }
0x5c: {  	_ =	shalt  }
0x5d: {  	_ =	shalt  }
0x5e: {  	_ =	shalt  }
0x5f: {  	_ =	shalt  }
0x60: {  	_ =	shalt  }
0x61: {  	_ =	shalt  }
0x62: {  	_ =	shalt  }
0x63: {  	_ =	shalt  }
0x64: {  	_ =	shalt  }
0x65: {  	_ =	shalt  }
0x66: {  	_ =	shalt  }
0x67: {  	_ =	shalt  }
0x68: {  	_ =	shalt  }
0x69: {  	_ =	shalt  }
0x6a: {  	_ =	shalt  }
0x6b: {  	_ =	shalt  }
0x6c: {  	_ =	shalt  }
0x6d: {  	_ =	shalt  }
0x6e: {  	_ =	shalt  }
0x6f: {  	_ =	shalt  }
0x70: {  	_ =	shalt  }
0x71: {  	_ =	shalt  }
0x72: {  	_ =	shalt  }
0x73: {  	_ =	shalt  }
0x74: {  	_ =	shalt  }
0x75: {  	_ =	shalt  }
0x76: {  	_ =	shalt  }
0x77: {  	_ =	shalt  }
0x78: {  	_ =	shalt  }
0x79: {  	_ =	shalt  }
0x7a: {  	_ =	shalt  }
0x7b: {  	_ =	shalt  }
0x7c: {  	_ =	shalt  }
0x7d: {  	_ =	shalt  }
0x7e: {  	_ =	shalt  }
0x7f: {  	_ =	shalt  }
0x80: {  	_ =	shalt  }
0x81: {  	_ =	shalt  }
0x82: {  	_ =	shalt  }
0x83: {  	_ =	shalt  }
0x84: {  	_ =	shalt  }
0x85: {  	_ =	shalt  }
0x86: {  	_ =	shalt  }
0x87: {  	_ =	shalt  }
.Lfunc_end0:
.L_simem_size_0:
called_computation.2_lowered:
.L_overlay_start_0:
0x88: {  	s2 =	sld [smem:$0x3FD9]  }
0x89: {  	s3 =	sld [smem:$0x3FFE];
	_ =	sdelay $0x1  }
0x8a: {  	s1 =	srdreg.scid  }
0x8b: {  	s0 =	sand.u32 $0x1, s1  }
0x8c: {  	s16 =	sshll.u32 s0, $0xA;
	s2 =	sadd.s32 s3, s2  }
0x8d: {  	s2 =	sadd.s32 s2, s16  }
0x8e: {  	[smem:$0x3FAD] =	sst s2  }
0x8f: {  	_ = 	snop  }
0x90: {  	(tm) =	ssettm $0x1  }
0x91: {  	s17 =	sld [smem:$0x3FFB];
	_ =	sdelay $0x3  }
0x92: {  	_ =	strace s17  }
0x93: {  	s2 =	sld [smem:$0x3FFC];
	_ =	sdelay $0x3  }
0x94: {  	_ =	strace s2  }
0x95: {  	s2 =	sld [smem:$0x3FFD];
	_ =	sdelay $0x3  }
0x96: {  	_ =	strace s2  }
0x97: {  	_ =	strace $0x8FFFFFFF  }
0x98: {  	s18 =	sld [smem:$0x3FDB];
	_ =	sdelay $0x1  }
0x99: {  	s19 =	simm.s32 $_scs_section_size  }
0x9a: {  	s4 =	simm.s32 $_size__tile_overlayer_lowered;
	s5 =	simm.s32 $_tile_overlayer_lowered  }
0x9b: {  	s22 =	simm.s32 $0x1BFF;
	s21 =	sshll.u32 s5, $0x1;
	s2 =	sadd.s32 s19, s18  }
0x9c: {  	s6 =	simm.s32 $0x0;
	s20 =	sshll.u32 s4, $0x1;
	s4 =	sadd.s32 s21, s2  }
0x9d: {  	[timem:s6], [sflag:s22] =	dma.local [hbm:s4], s20  }
0x9e: {  	_ =	swait.ge [sflag:s22], s20  }
0x9f: {  	s3 =	ssub.s32 $0x0, s20;
	[sflag:s22] =	ssyncset.done $0x0  }
0xa0: {  	[sflag:s22] =	ssyncadd.s32 s3;
	_ =	sdelay $0x1  }
0xa1: {  	s23 =	simm.s32 $0x1B8B  }
0xa2: {  	_ =	swait.ge [sflag:s23], $0x1  }
0xa3: {  	[sflag:s23] =	ssyncset.done $0x0  }
0xa4: {  	s25 =	simm.s32 $0x1B8E;
	s24 =	sld [smem:$0x3FFE];
	[sflag:s23] =	ssyncadd.s32 $0xFFFFFFFF  }
0xa5: {  	s26 =	simm.s32 $execute0_lowered;
	[smem:$0x3FD2] =	sst s25  }
0xa6: {  	s4 =	sshll.u32 s26, $0x1;
	_ =	strace $0x80000046;
	[dreg:$0x1] =	wrdreg $0xFFFFFFFF  }
0xa7: {  	s28 =	simm.s32 $_size_execute0_lowered;
	s2 =	sadd.s32 s2, s4;
	[dreg:$0x0] =	wrdreg $0x0  }
0xa8: {  	s4 =	sshll.u32 s28, $0x1;
	[dreg:$0x2] =	wrdreg s2  }
0xa9: {  	[dreg:$0x3] =	wrdreg s4  }
0xaa: {  	[dreg:$0x4] =	wrdreg $0xC0  }
0xab: {  	_ =	task [dreg:s6], $0x5FFFF  }
0xac: {  	[dreg:$0x1] =	wrdreg $0xFFFFFFFF  }
0xad: {  	[dreg:$0x0] =	wrdreg $0x60  }
0xae: {  	[dreg:$0x2] =	wrdreg s24  }
0xaf: {  	[dreg:$0x3] =	wrdreg $0x95000  }
0xb0: {  	[dreg:$0x4] =	wrdreg $0xA  }
0xb1: {  	_ =	task.clear_ibuf [dreg:s6], $0x5FFFF;
	_ =	strace $0x90000046  }
0xb2: {  	s29 =	simm.s32 $0xA;
	_ =	strace $0x80000048  }
0xb3: {  	_ =	swait.ge [sflag:s29], $0x1  }
0xb4: {  	[sflag:s29] =	ssyncadd.s32 $0xFFFFFFFF  }
0xb5: {  	_ =	strace $0x90000048  }
0xb6: {  	_ =	sfence  }
0xb7: {  	s30 =	sld [smem:$0x0];
	_ =	sdelay $0x2  }
0xb8: {  	s31 =	sshll.u32 s1, $0xD;
	s1 =	sshrl.u32 s1, $0x2  }
0xb9: {  	s3 =	sand.u32 $0x4000, s31;
	s1 =	sadd.s32 s1, s30  }
0xba: {  	s0 =	sor.u32 s3, s0;
	s1 =	sshll.u32 s1, $0x11  }
0xbb: {  	s0 =	sor.u32 s1, s0  }
0xbc: {  	s0 =	sadd.s32 $0x8F2B, s0  }
0xbd: {  	[sflag:s0] =	ssyncadd.remote.s32 $0x1  }
0xbe: {  	_ =	sfence.sel $0xFFFF  }
0xbf: {  	[dreg:$0x0] =	wrdreg $0xFFFFFFFF;
	(pc) =	sbr.abs _section_cstart, $3  }
0xc0: {  	[dreg:$0x1] =	wrdreg $0xFFFFFFFF  }
0xc1: {  	_ =	task.clear_ibuf [dreg:s6], $0x2FFFF;
	_ =	strace $0x9FFFFFFF  }
0xc2: {  	(tm) =	ssettm $0x7FFFFFFF  }
0xc3: {  	_ =	shalt  }
tec
execute0_lowered:
.L_overlay_start_1:
0x0: {  	(tag) =	ssettag $0x1  }
0x1: {  	s4 =	rddreg [dreg:$0x0]  }
0x2: {  	s2 =	rddreg [dreg:$0x1]  }
0x3: {  	s1 =	stileid.u32;
	s0 =	rddreg [dreg:$0x2];
	s3 =	simm.s32 $0x0  }
0x4: {  	s7 =	srdreg.scid;
	s16 =	simm.s32 $0x80;
	s17 =	simm.s32 $0x1500  }
0x5: {  	s18 =	simm.s32 $0x5500;
	s19 =	simm.s32 $0x1;
	s20 =	simm.s32 $0x2  }
0x6: {  	s21 =	simm.s32 $0x3;
	s22 =	simm.s32 $0x4;
	s5 =	smul.u32 $0x2780, s1  }
0x7: {  	s23 =	simm.s32 $0x0;
	[smem:$0x7FF] =	sst s3;
	s6 =	smul.u32 $0x1500, s1  }
0x8: {  	s25 =	sand.u32 $0x1, s7;
	s9 =	smul.u32 $0x4F000, s1;
	s10 =	sadd.s32 $0x60000, s4  }
0x9: {  	s12 =	sadd.s32 $0x1B0000, s4;
	s13 =	smul.u32 $0x15000, s1;
	s31 =	sshll.u32 s1, $0x6  }
0xa: {  	_ =	strace $0x80000047;
	s28 =	ssub.s32 $0x2, s25;
	p0 =	seq.s32 s25, $0x1  }
0xb: {  	s8 =	sadd.s32 s5, s4;
	s24 =	sshrl.u32 s6, $0x3;
	s29 =	sshrl.u32 s28, $0x1  }
0xc: {  	s30 =	sshrl.u32 s9, $0x2;
	s9 =	sadd.s32 s10, s13;
	s15 =	sor.u32 $0x800, s13  }
.Ltmp0:
0xd: {  	s26 =	sadd.s32 s24, s4;
	s11 =	ssub.s32 s28, s29;
	(pc) =	sbr.rel .LBB2_1-.Ltmp0, $4  }
0xe: {  	s14 =	sadd.s32 s30, s2;
	s4 =	sadd.s32 $0x11000, s8;
	s6 =	sadd.s32 $0x38800, s8  }
0xf: {  	s10 =	sadd.s32 s10, s15;
	s5 =	sadd.s32 $0xE600, s26;
	s7 =	sadd.s32 $0xBC00, s26  }
0x10: {  	s8 =	smax.u32 s11, $0x1;
	s11 =	sadd.s32 s12, s13;
	s12 =	sadd.s32 s12, s15  }
0x11: {  	s13 =	sor.u32 $0x1C05, s31;
	s14 =	sshrl.u32 s14, $0x3;
	s15 =	simm.s32 $0x5  }
.LBB2_7:
0x12: {  	[hbm4b:s26+s3] =	stream.linear.scatter [tilespmem:s18], [sflag:$0x4], $0x4000, $0x38;
	[tilespmem:$0x1D100] =	vst v63  }
.LBB2_8:
0x13: {  	s23 =	sadd.s32 $0x1, s23  }
0x14: {  	_ =	swait.ge [sflag:s21], $0x4000;
	p1 =	sne.s32 s23, s8  }
.Ltmp1:
0x15: {  	[sflag:s21] =	ssyncset.done $0x0;
	(pc) =	sbr.rel @!p1 .LBB2_9-.Ltmp1, $4  }
0x16: {  	[sflag:s21] =	ssyncadd.s32 $0xFFFFC000  }
0x17: {  	_ =	swait.ge [sflag:s22], $0x4000  }
0x18: {  	[sflag:s22] =	ssyncset.done $0x0  }
0x19: {  	[sflag:s22] =	ssyncadd.s32 $0xFFFFC000  }
.LBB2_1:
.Ltmp2:
0x1a: {  	(pc) =	sbr.rel @!p0 .LBB2_2-.Ltmp2, $1  }
0x1b: {  	_ =	sdelay $0x3  }
0x1c: {  	[spmem:s14], [sflag:s13] =	dma.local [hbm:s6], $0x2780  }
0x1d: {  	_ =	swait.ge [sflag:s15], $0x2780  }
0x1e: {  	[sflag:s15] =	ssyncset.done $0x0  }
0x1f: {  	[sflag:s15] =	ssyncadd.s32 $0xFFFFD880  }
0x20: {  	[tilespmem:s3], [sflag:$0x5] =	stream.linear.gather [hbm4b:s7+s3], $0x1500, $0x38;
	[tilespmem:$0x1D100] =	vst v63  }
0x21: {  	_ =	swait.ge [sflag:s15], $0x1500  }
0x22: {  	[sflag:s15] =	ssyncset.done $0x0  }
0x23: {  	[sflag:s15] =	ssyncadd.s32 $0xFFFFEB00  }
0x24: {  	[bflag:$0x0] =	sbarrier.arrive $0xFFFF  }
0x25: {  	[tilespmem:s17], [sflag:$0x1] =	stream.indirect.gather [spmem:s2], $0x80, s3, s16, $0xb8;
	[tilespmem:$0x1D100] =	vst v63  }
0x26: {  	_ = 	snop  }
0x27: {  	[tilespmem:s18], [sflag:$0x2] =	stream.indirect.gather [spmem:s2], $0x80, s16, s16, $0xb8;
	[tilespmem:$0x1D100] =	vst v63  }
0x28: {  	_ =	swait.ge [sflag:s19], $0x4000  }
0x29: {  	[sflag:s19] =	ssyncset.done $0x0  }
0x2a: {  	[sflag:s19] =	ssyncadd.s32 $0xFFFFC000  }
0x2b: {  	[hbm4b:s11+s3] =	stream.linear.scatter [tilespmem:s17], [sflag:$0x3], $0x4000, $0x38;
	[tilespmem:$0x1D100] =	vst v63  }
0x2c: {  	_ =	swait.ge [sflag:s20], $0x4000  }
0x2d: {  	[sflag:s20] =	ssyncset.done $0x0  }
0x2e: {  	[sflag:s20] =	ssyncadd.s32 $0xFFFFC000  }
0x2f: {  	[hbm4b:s12+s3] =	stream.linear.scatter [tilespmem:s18], [sflag:$0x4], $0x4000, $0x38;
	[tilespmem:$0x1D100] =	vst v63  }
0x30: {  	_ =	swait.ge [sflag:s21], $0x4000  }
0x31: {  	[sflag:s21] =	ssyncset.done $0x0  }
0x32: {  	s24 =	simm.s32 $0x100;
	[sflag:s21] =	ssyncadd.s32 $0xFFFFC000  }
0x33: {  	[tilespmem:s17], [sflag:$0x1] =	stream.indirect.gather [spmem:s2], $0x80, s24, s16, $0xb8;
	[tilespmem:$0x1D100] =	vst v63  }
0x34: {  	_ =	swait.ge [sflag:s22], $0x4000  }
0x35: {  	[sflag:s22] =	ssyncset.done $0x0  }
0x36: {  	s30 =	simm.s32 $0x180;
	[sflag:s22] =	ssyncadd.s32 $0xFFFFC000  }
0x37: {  	[tilespmem:s18], [sflag:$0x2] =	stream.indirect.gather [spmem:s2], $0x80, s30, s16, $0xb8;
	[tilespmem:$0x1D100] =	vst v63  }
0x38: {  	_ =	swait.ge [sflag:s19], $0x4000  }
0x39: {  	s25 =	sadd.s32 $0xFFFEC000, s11;
	[sflag:s19] =	ssyncset.done $0x0  }
0x3a: {  	s31 =	sadd.s32 $0x15000, s25;
	[sflag:s19] =	ssyncadd.s32 $0xFFFFC000  }
0x3b: {  	[hbm4b:s31+s3] =	stream.linear.scatter [tilespmem:s17], [sflag:$0x3], $0x4000, $0x38;
	[tilespmem:$0x1D100] =	vst v63  }
0x3c: {  	_ =	swait.ge [sflag:s20], $0x4000  }
0x3d: {  	s26 =	sadd.s32 $0x15800, s25;
	[sflag:s20] =	ssyncset.done $0x0  }
0x3e: {  	s25 =	simm.s32 $0x280;
	s24 =	simm.s32 $0xFFFED000;
	[sflag:s20] =	ssyncadd.s32 $0xFFFFC000  }
.LBB2_6:
0x3f: {  	[hbm4b:s26+s3] =	stream.linear.scatter [tilespmem:s18], [sflag:$0x4], $0x4000, $0x38;
	[tilespmem:$0x1D100] =	vst v63  }
0x40: {  	s26 =	smov.u32 s24  }
0x41: {  	p1 =	sne.s32 s24, $0xFFFFF000;
	s24 =	sadd.s32 $0x1000, s24;
	_ =	swait.ge [sflag:s21], $0x4000  }
0x42: {  	[sflag:s21] =	ssyncset.done $0x0  }
0x43: {  	s28 =	sadd.s32 $0xFFFFFF80, s25;
	[sflag:s21] =	ssyncadd.s32 $0xFFFFC000  }
0x44: {  	[tilespmem:s17], [sflag:$0x1] =	stream.indirect.gather [spmem:s2], $0x80, s28, s16, $0xb8;
	[tilespmem:$0x1D100] =	vst v63  }
0x45: {  	_ =	swait.ge [sflag:s22], $0x4000  }
0x46: {  	[sflag:s22] =	ssyncset.done $0x0  }
0x47: {  	[sflag:s22] =	ssyncadd.s32 $0xFFFFC000  }
0x48: {  	[tilespmem:s18], [sflag:$0x2] =	stream.indirect.gather [spmem:s2], $0x80, s25, s16, $0xb8;
	[tilespmem:$0x1D100] =	vst v63  }
0x49: {  	_ =	swait.ge [sflag:s19], $0x4000  }
0x4a: {  	s26 =	sadd.s32 s26, s11;
	[sflag:s19] =	ssyncset.done $0x0  }
.Ltmp3:
0x4b: {  	s28 =	sadd.s32 $0x15000, s26;
	[sflag:s19] =	ssyncadd.s32 $0xFFFFC000;
	(pc) =	sbr.rel @p1 .LBB2_6-.Ltmp3, $4  }
0x4c: {  	[hbm4b:s28+s3] =	stream.linear.scatter [tilespmem:s17], [sflag:$0x3], $0x4000, $0x38;
	[tilespmem:$0x1D100] =	vst v63  }
0x4d: {  	_ =	swait.ge [sflag:s20], $0x4000  }
0x4e: {  	[sflag:s20] =	ssyncset.done $0x0  }
0x4f: {  	s26 =	sadd.s32 $0x15800, s26;
	s25 =	sadd.s32 $0x100, s25;
	[sflag:s20] =	ssyncadd.s32 $0xFFFFC000  }
.Ltmp4:
0x50: {  	_ = 	snop;
	(pc) =	sbr.rel .LBB2_7-.Ltmp4, $1  }
0x51: {  	_ =	sdelay $0x3  }
.LBB2_2:
0x52: {  	[spmem:s14], [sflag:s13] =	dma.local [hbm:s4], $0x2780  }
0x53: {  	_ =	swait.ge [sflag:s15], $0x2780  }
0x54: {  	[sflag:s15] =	ssyncset.done $0x0  }
0x55: {  	[sflag:s15] =	ssyncadd.s32 $0xFFFFD880  }
0x56: {  	[tilespmem:s3], [sflag:$0x5] =	stream.linear.gather [hbm4b:s5+s3], $0x1500, $0x38;
	[tilespmem:$0x1D100] =	vst v63  }
0x57: {  	_ =	swait.ge [sflag:s15], $0x1500  }
0x58: {  	[sflag:s15] =	ssyncset.done $0x0  }
0x59: {  	[sflag:s15] =	ssyncadd.s32 $0xFFFFEB00  }
0x5a: {  	[bflag:$0x0] =	sbarrier.arrive $0xFFFF  }
0x5b: {  	[tilespmem:s17], [sflag:$0x1] =	stream.indirect.gather [spmem:s2], $0x80, s3, s16, $0xb8;
	[tilespmem:$0x1D100] =	vst v63  }
0x5c: {  	_ = 	snop  }
0x5d: {  	[tilespmem:s18], [sflag:$0x2] =	stream.indirect.gather [spmem:s2], $0x80, s16, s16, $0xb8;
	[tilespmem:$0x1D100] =	vst v63  }
0x5e: {  	_ =	swait.ge [sflag:s19], $0x4000  }
0x5f: {  	[sflag:s19] =	ssyncset.done $0x0  }
0x60: {  	[sflag:s19] =	ssyncadd.s32 $0xFFFFC000  }
0x61: {  	[hbm4b:s9+s3] =	stream.linear.scatter [tilespmem:s17], [sflag:$0x3], $0x4000, $0x38;
	[tilespmem:$0x1D100] =	vst v63  }
0x62: {  	_ =	swait.ge [sflag:s20], $0x4000  }
0x63: {  	[sflag:s20] =	ssyncset.done $0x0  }
0x64: {  	[sflag:s20] =	ssyncadd.s32 $0xFFFFC000  }
0x65: {  	[hbm4b:s10+s3] =	stream.linear.scatter [tilespmem:s18], [sflag:$0x4], $0x4000, $0x38;
	[tilespmem:$0x1D100] =	vst v63  }
0x66: {  	_ =	swait.ge [sflag:s21], $0x4000  }
0x67: {  	[sflag:s21] =	ssyncset.done $0x0  }
0x68: {  	s24 =	simm.s32 $0x100;
	[sflag:s21] =	ssyncadd.s32 $0xFFFFC000  }
0x69: {  	[tilespmem:s17], [sflag:$0x1] =	stream.indirect.gather [spmem:s2], $0x80, s24, s16, $0xb8;
	[tilespmem:$0x1D100] =	vst v63  }
0x6a: {  	_ =	swait.ge [sflag:s22], $0x4000  }
0x6b: {  	[sflag:s22] =	ssyncset.done $0x0  }
0x6c: {  	s30 =	simm.s32 $0x180;
	[sflag:s22] =	ssyncadd.s32 $0xFFFFC000  }
0x6d: {  	[tilespmem:s18], [sflag:$0x2] =	stream.indirect.gather [spmem:s2], $0x80, s30, s16, $0xb8;
	[tilespmem:$0x1D100] =	vst v63  }
0x6e: {  	_ =	swait.ge [sflag:s19], $0x4000  }
0x6f: {  	s25 =	sadd.s32 $0xFFFEC000, s9;
	[sflag:s19] =	ssyncset.done $0x0  }
0x70: {  	s31 =	sadd.s32 $0x15000, s25;
	[sflag:s19] =	ssyncadd.s32 $0xFFFFC000  }
0x71: {  	[hbm4b:s31+s3] =	stream.linear.scatter [tilespmem:s17], [sflag:$0x3], $0x4000, $0x38;
	[tilespmem:$0x1D100] =	vst v63  }
0x72: {  	_ =	swait.ge [sflag:s20], $0x4000  }
0x73: {  	s26 =	sadd.s32 $0x15800, s25;
	[sflag:s20] =	ssyncset.done $0x0  }
0x74: {  	s25 =	simm.s32 $0x280;
	s24 =	simm.s32 $0xFFFED000;
	[sflag:s20] =	ssyncadd.s32 $0xFFFFC000  }
.LBB2_3:
0x75: {  	[hbm4b:s26+s3] =	stream.linear.scatter [tilespmem:s18], [sflag:$0x4], $0x4000, $0x38;
	[tilespmem:$0x1D100] =	vst v63  }
0x76: {  	s26 =	smov.u32 s24  }
0x77: {  	p1 =	seq.s32 s24, $0xFFFFF000;
	s24 =	sadd.s32 $0x1000, s24;
	_ =	swait.ge [sflag:s21], $0x4000  }
0x78: {  	[sflag:s21] =	ssyncset.done $0x0  }
0x79: {  	s28 =	sadd.s32 $0xFFFFFF80, s25;
	[sflag:s21] =	ssyncadd.s32 $0xFFFFC000  }
0x7a: {  	[tilespmem:s17], [sflag:$0x1] =	stream.indirect.gather [spmem:s2], $0x80, s28, s16, $0xb8;
	[tilespmem:$0x1D100] =	vst v63  }
0x7b: {  	_ =	swait.ge [sflag:s22], $0x4000  }
0x7c: {  	[sflag:s22] =	ssyncset.done $0x0  }
0x7d: {  	[sflag:s22] =	ssyncadd.s32 $0xFFFFC000  }
0x7e: {  	[tilespmem:s18], [sflag:$0x2] =	stream.indirect.gather [spmem:s2], $0x80, s25, s16, $0xb8;
	[tilespmem:$0x1D100] =	vst v63  }
0x7f: {  	_ =	swait.ge [sflag:s19], $0x4000  }
0x80: {  	s26 =	sadd.s32 s26, s9;
	[sflag:s19] =	ssyncset.done $0x0  }
.Ltmp5:
0x81: {  	s28 =	sadd.s32 $0x15000, s26;
	[sflag:s19] =	ssyncadd.s32 $0xFFFFC000;
	(pc) =	sbr.rel @!p1 .LBB2_3-.Ltmp5, $4  }
0x82: {  	[hbm4b:s28+s3] =	stream.linear.scatter [tilespmem:s17], [sflag:$0x3], $0x4000, $0x38;
	[tilespmem:$0x1D100] =	vst v63  }
0x83: {  	_ =	swait.ge [sflag:s20], $0x4000  }
0x84: {  	[sflag:s20] =	ssyncset.done $0x0  }
0x85: {  	s26 =	sadd.s32 $0x15800, s26;
	s25 =	sadd.s32 $0x100, s25;
	[sflag:s20] =	ssyncadd.s32 $0xFFFFC000  }
.Ltmp6:
0x86: {  	(pc) =	sbr.rel .LBB2_8-.Ltmp6, $2  }
0x87: {  	_ =	sdelay $0x2  }
0x88: {  	[hbm4b:s26+s3] =	stream.linear.scatter [tilespmem:s18], [sflag:$0x4], $0x4000, $0x38;
	[tilespmem:$0x1D100] =	vst v63  }
.LBB2_9:
0x89: {  	_ =	sfence.sel $0x180000  }
0x8a: {  	[bflag:$0x0] =	sbarrier.arrive $0xFFFF  }
0x8b: {  	p0 =	sne.s32 s1, $0x0;
	_ =	strace $0x90000047  }
0x8c: {  	s0 =	sadd.s32 @!p0 $0x100000, s0;
	[bflag:$0x2] =	sbarrier.arrive $0xFFFF  }
0x8d: {  	[sflag:s0] =	ssyncadd.tile.s32 @!p0 $0x1;
	_ =	shalt  }
.Lfunc_end2:
_tile_overlayer_lowered:
.L_overlay_start_2:
0x8e: {  	(tag) =	ssettag $0x2  }
0x8f: {  	s0 =	rddreg [dreg:$0x0];
	s2 =	stileid.u32  }
0x90: {  	s1 =	rddreg [dreg:$0x1];
	p0 =	sne.s32 s2, $0x0  }
0x91: {  	s3 =	rddreg [dreg:$0x2];
	[bflag:$0x3] =	sbarrier.arrive $0xFFFF;
	s2 =	simm.s32 @!p0 $0x1C05  }
0x92: {  	[timem:s3], [sflag:s2] =	dma.local @!p0 [hbm:s0], s1  }
0x93: {  	s0 =	simm.s32 @!p0 $0x5  }
0x94: {  	_ =	swait.ge @!p0 [sflag:s0], s1  }
0x95: {  	s1 =	ssub.s32 @!p0 $0x0, s1;
	[sflag:s0] =	ssyncset.done @!p0 $0x0  }
0x96: {  	[sflag:s0] =	ssyncadd.s32 @!p0 s1  }
0x97: {  	[bflag:$0x3] =	sbarrier.arrive $0xFFFF  }
0x98: {  	_ =	shalt  }

// kernel: kernel.27.cloned.1.call-start
scs
__scs_entry_jumppad:
0x0: {  	(pc) =	sbr.rel $0x88, $3  }
0x1: {  	(tag) =	ssettag $0x0;
	lr =	simm.s32 $0x1  }
0x2: {  	[smem:$0x3F86] =	sst lr;
	_ =	strace $0xD0000000  }
0x3: {  	_ = 	snop  }
0x4: {  	_ = 	snop  }
0x5: {  	_ = 	snop  }
0x6: {  	_ = 	snop  }
0x7: {  	_ = 	snop  }
__scs_overlays_trampoline_lowered:
0x8: {  	[smem:$0x3F95] =	sst s0  }
0x9: {  	[smem:$0x3F96] =	sst s1  }
0xa: {  	[smem:$0x3F97] =	sst s2  }
0xb: {  	[smem:$0x3F98] =	sst s3  }
0xc: {  	[smem:$0x3F99] =	sst s4  }
0xd: {  	[smem:$0x3F9A] =	sst s5  }
0xe: {  	[smem:$0x3F9B] =	sst s6  }
0xf: {  	[smem:$0x3F9C] =	sst s7  }
0x10: {  	[smem:$0x3F9D] =	sst s8  }
0x11: {  	[smem:$0x3F9E] =	sst s9;
	s0 =	simm.s32 @!p0 $0x0  }
0x12: {  	s1 =	sld [smem:$0x3F84];
	s0 =	simm.s32 @p0 $0x1  }
0x13: {  	[smem:$0x3F9F] =	sst s0;
	s0 =	simm.s32 @!p1 $0x0  }
0x14: {  	s2 =	sld [smem:$0x3F83];
	s0 =	simm.s32 @p1 $0x1  }
0x15: {  	[smem:$0x3FA0] =	sst s0;
	s0 =	simm.s32 @!p2 $0x0  }
0x16: {  	s3 =	sld [smem:$0x3FDB];
	s0 =	simm.s32 @p2 $0x1  }
0x17: {  	s4 =	simm.s32 $0x1BF5;
	[smem:$0x3FA2] =	sst s0  }
0x18: {  	s0 =	sld [smem:$0x3F85];
	_ =	swait.ge [sflag:s4], $0x0  }
0x19: {  	s7 =	sld [smem:$0x3F86]  }
0x1a: {  	s8 =	sadd.s32 $0xFFFFE003, lr  }
0x1b: {  	s9 =	sadd.s32 $0xFFFFFEF7, lr;
	s5 =	simm.s32 $0xFFFFFFFF;
	p2 =	slt.u32 s8, $0xFFFFF086  }
0x1c: {  	p1 =	slt.u32 s9, $0xF7A;
	s5 =	simm.s32 @!p2 $0x0  }
0x1d: {  	s5 =	simm.s32 @p1 $0x1;
	p0 =	seq.s32 s7, s2  }
0x1e: {  	s7 =	smul.u32 @!p0 $0xF7A, s2;
	p2 =	seq.s32 @!p0 s5, $0x0  }
0x1f: {  	s9 =	smul.u32 $0xF7A, s1;
	s8 =	simm.s32 @!p0 $0x1BF5;
	p2 =	por !p2, p0  }
0x20: {  	[sflag:s8] =	ssyncset.s32 @!p0 $0xFFFFF086;
	s6 =	sadd.s32 @!p0 s3, s7;
	s7 =	simm.s32 @!p0 $0x108  }
0x21: {  	s3 =	sadd.s32 s3, s9;
	s6 =	sadd.s32 @!p0 $0x88, s6;
	s7 =	simm.s32 @p2 $0x1082  }
0x22: {  	[simem:s7], [sflag:s8] =	dma.local @!p0 [hbm:s6], $0xF7A  }
0x23: {  	s9 =	sor.u32 $0xD0000000, s2;
	s6 =	simm.s32 $0x108;
	_ =	swait.ge @!p0 [sflag:s8], $0x0  }
0x24: {  	s3 =	sadd.s32 $0x88, s3;
	s6 =	simm.s32 @!p1 $0x1082;
	[sflag:s4] =	ssyncset.s32 $0xFFFFF086  }
0x25: {  	[simem:s6], [sflag:s4] =	dma.local [hbm:s3], $0xF7A  }
0x26: {  	[smem:$0x3F86] =	sst s1;
	(tag) =	ssettag s2;
	_ =	strace s9  }
0x27: {  	s1 =	sld [smem:$0x3F96]  }
0x28: {  	s2 =	sld [smem:$0x3F97]  }
0x29: {  	s4 =	sld [smem:$0x3F99]  }
0x2a: {  	p0 =	seq.s32 s5, $0x0;
	s5 =	sld [smem:$0x3F9A]  }
0x2b: {  	s6 =	sld [smem:$0x3F9B]  }
0x2c: {  	s7 =	sld [smem:$0x3F9C]  }
0x2d: {  	s3 =	simm.s32 $0x108;
	s8 =	sld [smem:$0x3F9D]  }
0x2e: {  	s3 =	simm.s32 @!p0 $0x1082;
	s9 =	sld [smem:$0x3F9E]  }
0x2f: {  	lr =	sadd.s32 s0, s3;
	s0 =	sld [smem:$0x3F95]  }
0x30: {  	s3 =	sld [smem:$0x3F98]  }
0x31: {  	[smem:$0x3FA1] =	sst s10  }
0x32: {  	s10 =	sld [smem:$0x3F9F];
	_ =	sdelay $0x3  }
0x33: {  	p0 =	seq.s32 s10, $0x1;
	s10 =	sld [smem:$0x3FA1];
	_ =	sdelay $0x3  }
0x34: {  	[smem:$0x3FA1] =	sst s10  }
0x35: {  	s10 =	sld [smem:$0x3FA0];
	_ =	sdelay $0x3  }
0x36: {  	p1 =	seq.s32 s10, $0x1;
	s10 =	sld [smem:$0x3FA1];
	_ =	sdelay $0x3  }
0x37: {  	[smem:$0x3FA1] =	sst s10  }
0x38: {  	s10 =	sld [smem:$0x3FA2]  }
0x39: {  	_ = 	snop;
	(pc) =	sbr.ind lr, $3  }
0x3a: {  	_ = 	snop  }
0x3b: {  	_ = 	snop  }
0x3c: {  	p2 =	seq.s32 s10, $0x1;
	s10 =	sld [smem:$0x3FA1]  }
0x3d: {  	_ =	shalt  }
0x3e: {  	_ =	shalt  }
0x3f: {  	_ =	shalt  }
0x40: {  	_ =	shalt  }
0x41: {  	_ =	shalt  }
0x42: {  	_ =	shalt  }
0x43: {  	_ =	shalt  }
0x44: {  	_ =	shalt  }
0x45: {  	_ =	shalt  }
0x46: {  	_ =	shalt  }
0x47: {  	_ =	shalt  }
0x48: {  	_ =	shalt  }
0x49: {  	_ =	shalt  }
0x4a: {  	_ =	shalt  }
0x4b: {  	_ =	shalt  }
0x4c: {  	_ =	shalt  }
0x4d: {  	_ =	shalt  }
0x4e: {  	_ =	shalt  }
0x4f: {  	_ =	shalt  }
0x50: {  	_ =	shalt  }
0x51: {  	_ =	shalt  }
0x52: {  	_ =	shalt  }
0x53: {  	_ =	shalt  }
0x54: {  	_ =	shalt  }
0x55: {  	_ =	shalt  }
0x56: {  	_ =	shalt  }
0x57: {  	_ =	shalt  }
0x58: {  	_ =	shalt  }
0x59: {  	_ =	shalt  }
0x5a: {  	_ =	shalt  }
0x5b: {  	_ =	shalt  }
0x5c: {  	_ =	shalt  }
0x5d: {  	_ =	shalt  }
0x5e: {  	_ =	shalt  }
0x5f: {  	_ =	shalt  }
0x60: {  	_ =	shalt  }
0x61: {  	_ =	shalt  }
0x62: {  	_ =	shalt  }
0x63: {  	_ =	shalt  }
0x64: {  	_ =	shalt  }
0x65: {  	_ =	shalt  }
0x66: {  	_ =	shalt  }
0x67: {  	_ =	shalt  }
0x68: {  	_ =	shalt  }
0x69: {  	_ =	shalt  }
0x6a: {  	_ =	shalt  }
0x6b: {  	_ =	shalt  }
0x6c: {  	_ =	shalt  }
0x6d: {  	_ =	shalt  }
0x6e: {  	_ =	shalt  }
0x6f: {  	_ =	shalt  }
0x70: {  	_ =	shalt  }
0x71: {  	_ =	shalt  }
0x72: {  	_ =	shalt  }
0x73: {  	_ =	shalt  }
0x74: {  	_ =	shalt  }
0x75: {  	_ =	shalt  }
0x76: {  	_ =	shalt  }
0x77: {  	_ =	shalt  }
0x78: {  	_ =	shalt  }
0x79: {  	_ =	shalt  }
0x7a: {  	_ =	shalt  }
0x7b: {  	_ =	shalt  }
0x7c: {  	_ =	shalt  }
0x7d: {  	_ =	shalt  }
0x7e: {  	_ =	shalt  }
0x7f: {  	_ =	shalt  }
0x80: {  	_ =	shalt  }
0x81: {  	_ =	shalt  }
0x82: {  	_ =	shalt  }
0x83: {  	_ =	shalt  }
0x84: {  	_ =	shalt  }
0x85: {  	_ =	shalt  }
0x86: {  	_ =	shalt  }
0x87: {  	_ =	shalt  }
.Lfunc_end0:
.L_simem_size_0:
called_computation.3_lowered:
.L_overlay_start_0:
0x88: {  	s2 =	sld [smem:$0x3FD9]  }
0x89: {  	s3 =	sld [smem:$0x3FFE];
	_ =	sdelay $0x1  }
0x8a: {  	s1 =	srdreg.scid  }
0x8b: {  	s0 =	sand.u32 $0x1, s1  }
0x8c: {  	s17 =	sshll.u32 s0, $0xA;
	s2 =	sadd.s32 s3, s2  }
0x8d: {  	s2 =	sadd.s32 s2, s17  }
0x8e: {  	[smem:$0x3FAD] =	sst s2  }
0x8f: {  	_ = 	snop  }
0x90: {  	(tm) =	ssettm $0x1  }
0x91: {  	s18 =	sld [smem:$0x3FFB];
	_ =	sdelay $0x3  }
0x92: {  	_ =	strace s18  }
0x93: {  	s2 =	sld [smem:$0x3FFC];
	_ =	sdelay $0x3  }
0x94: {  	_ =	strace s2  }
0x95: {  	s2 =	sld [smem:$0x3FFD];
	_ =	sdelay $0x3  }
0x96: {  	_ =	strace s2  }
0x97: {  	_ =	strace $0x8FFFFFFF  }
0x98: {  	s19 =	sld [smem:$0x3FDB];
	_ =	sdelay $0x1  }
0x99: {  	s20 =	simm.s32 $_scs_section_size  }
0x9a: {  	s4 =	simm.s32 $_size__tile_overlayer_lowered;
	s5 =	simm.s32 $_tile_overlayer_lowered  }
0x9b: {  	s6 =	simm.s32 $0x1BFF;
	s21 =	sshll.u32 s5, $0x1;
	s3 =	sadd.s32 s20, s19  }
0x9c: {  	s22 =	simm.s32 $0x0;
	s4 =	sshll.u32 s4, $0x1;
	s5 =	sadd.s32 s21, s3  }
0x9d: {  	[timem:s22], [sflag:s6] =	dma.local [hbm:s5], s4  }
0x9e: {  	_ =	swait.ge [sflag:s6], s4  }
0x9f: {  	s4 =	ssub.s32 $0x0, s4;
	[sflag:s6] =	ssyncset.done $0x0  }
0xa0: {  	[sflag:s6] =	ssyncadd.s32 s4;
	_ =	sdelay $0x1  }
0xa1: {  	s23 =	simm.s32 $0x1B8B  }
0xa2: {  	_ =	swait.ge [sflag:s23], $0x1  }
0xa3: {  	[sflag:s23] =	ssyncset.done $0x0  }
0xa4: {  	[sflag:s23] =	ssyncadd.s32 $0xFFFFFFFF  }
0xa5: {  	s4 =	sld [smem:$0x0]  }
0xa6: {  	s5 =	sand.u32 $0xFFFFFFFE, s1  }
0xa7: {  	p0 =	sne.s32 s1, s5  }
0xa8: {  	s5 =	sshll.u32 @p0 s5, $0xE  }
0xa9: {  	s5 =	sadd.s32 @p0 $0x11B8D, s5;
	s6 =	sshll.u32 @p0 s4, $0x11  }
0xaa: {  	s5 =	sor.u32 @p0 s6, s5  }
0xab: {  	[sflag:s5] =	ssyncadd.remote.s32 @p0 $0x1;
	_ =	sdelay $0x1  }
0xac: {  	s5 =	simm.s32 @p0 $0x1B8D  }
0xad: {  	_ =	swait.eq @p0 [sflag:s5], $0x1  }
0xae: {  	[sflag:s5] =	ssyncadd.s32 @p0 $0xFFFFFFFF  }
0xaf: {  	s6 =	sshll.u32 @!p0 s1, $0xE  }
0xb0: {  	s6 =	sor.u32 @!p0 $0x4000, s6;
	s5 =	simm.s32 @!p0 $0x1B8D  }
0xb1: {  	s4 =	sshll.u32 @!p0 s4, $0x11;
	s6 =	sadd.s32 @!p0 $0x11B8D, s6;
	_ =	swait.eq @!p0 [sflag:s5], $0x1  }
0xb2: {  	s4 =	sor.u32 @!p0 s4, s6;
	[sflag:s5] =	ssyncadd.s32 @!p0 $0xFFFFFFFF  }
0xb3: {  	s25 =	simm.s32 $0x1B8E;
	s24 =	sld [smem:$0x3FFE];
	[sflag:s4] =	ssyncadd.remote.s32 @!p0 $0x1  }
0xb4: {  	s26 =	simm.s32 $execute0_lowered;
	[smem:$0x3FD2] =	sst s25  }
0xb5: {  	s5 =	sshll.u32 s26, $0x1;
	_ =	strace $0x8000004C;
	[dreg:$0x1] =	wrdreg $0xFFFFFFFF  }
0xb6: {  	s28 =	simm.s32 $_size_execute0_lowered;
	s3 =	sadd.s32 s3, s5;
	[dreg:$0x0] =	wrdreg $0x0  }
0xb7: {  	s5 =	sshll.u32 s28, $0x1;
	[dreg:$0x2] =	wrdreg s3  }
0xb8: {  	[dreg:$0x3] =	wrdreg s5  }
0xb9: {  	[dreg:$0x4] =	wrdreg $0xC0  }
0xba: {  	_ =	task [dreg:s22], $0x5FFFF  }
0xbb: {  	[dreg:$0x1] =	wrdreg $0xFFFFFFFF  }
0xbc: {  	[dreg:$0x0] =	wrdreg $0x60  }
0xbd: {  	[dreg:$0x2] =	wrdreg s24  }
0xbe: {  	[dreg:$0x3] =	wrdreg $0x70000  }
0xbf: {  	[dreg:$0x4] =	wrdreg $0xA  }
0xc0: {  	_ =	task.clear_ibuf [dreg:s22], $0x5FFFF;
	_ =	strace $0x9000004C  }
0xc1: {  	s29 =	simm.s32 $0xA;
	_ =	strace $0x8000004E  }
0xc2: {  	_ =	swait.ge [sflag:s29], $0x1  }
0xc3: {  	[sflag:s29] =	ssyncadd.s32 $0xFFFFFFFF  }
0xc4: {  	_ =	strace $0x9000004E  }
0xc5: {  	_ =	sfence  }
0xc6: {  	s30 =	sld [smem:$0x0];
	_ =	sdelay $0x2  }
0xc7: {  	s31 =	sshll.u32 s1, $0xD;
	s1 =	sshrl.u32 s1, $0x2  }
0xc8: {  	s4 =	sand.u32 $0x4000, s31;
	s1 =	sadd.s32 s1, s30  }
0xc9: {  	s0 =	sor.u32 s4, s0;
	s1 =	sshll.u32 s1, $0x11  }
0xca: {  	s0 =	sor.u32 s1, s0  }
0xcb: {  	s0 =	sadd.s32 $0x8F2B, s0  }
0xcc: {  	[sflag:s0] =	ssyncadd.remote.s32 $0x1  }
0xcd: {  	_ =	sfence.sel $0xFFFF  }
0xce: {  	[dreg:$0x0] =	wrdreg $0xFFFFFFFF;
	(pc) =	sbr.abs _section_cstart, $3  }
0xcf: {  	[dreg:$0x1] =	wrdreg $0xFFFFFFFF  }
0xd0: {  	_ =	task.clear_ibuf [dreg:s22], $0x2FFFF;
	_ =	strace $0x9FFFFFFF  }
0xd1: {  	(tm) =	ssettm $0x7FFFFFFF  }
tec
execute0_lowered:
.L_overlay_start_1:
0x0: {  	(tag) =	ssettag $0x1  }
0x1: {  	s4 =	rddreg [dreg:$0x0]  }
0x2: {  	s2 =	rddreg [dreg:$0x1]  }
0x3: {  	s3 =	srdreg.scid;
	s1 =	stileid.u32  }
0x4: {  	s0 =	rddreg [dreg:$0x2];
	s16 =	simm.s32 $0x1;
	s17 =	simm.s32 $0x60  }
0x5: {  	s18 =	simm.s32 $0x2;
	s19 =	simm.s32 $0x80;
	s20 =	simm.s32 $0x3  }
0x6: {  	s21 =	simm.s32 $0x4;
	s22 =	simm.s32 $0x0;
	s6 =	smul.u32 $0x13C00, s1  }
0x7: {  	s7 =	sand.u32 $0x1, s3;
	s5 =	sshll.u32 s1, $0x1;
	s24 =	smul.u32 $0x4F000, s1  }
0x8: {  	s3 =	simm.s32 $0x0;
	s10 =	sadd.s32 $0x849400, s4;
	s31 =	smul.u32 $0x15000, s1  }
0x9: {  	s30 =	sshll.u32 s1, $0x6;
	s5 =	sor.u32 s7, s5;
	s9 =	smul.u32 $0x13C000, s7  }
0xa: {  	[smem:$0x7FF] =	sst s3;
	s12 =	ssub.s32 $0x2, s7;
	s15 =	smul.u32 $0xA800, s7  }
0xb: {  	s8 =	sshll.u32 s5, $0x9;
	_ =	strace $0x8000004D;
	s11 =	sshrl.u32 s6, $0x3  }
0xc: {  	s25 =	sshrl.u32 s12, $0x1;
	s26 =	sshrl.u32 s24, $0x2;
	s14 =	smul.u32 $0xA800, s5  }
0xd: {  	s5 =	sor.u32 $0x1C05, s30;
	s8 =	sadd.s32 s8, s4;
	s6 =	sadd.s32 s6, s9  }
0xe: {  	s11 =	sadd.s32 s11, s4;
	s28 =	ssub.s32 s12, s25;
	s29 =	sadd.s32 s26, s2  }
0xf: {  	s6 =	sshrl.u32 s6, $0x3;
	s9 =	smax.u32 s28, $0x1;
	s12 =	sshrl.u32 s29, $0x3  }
0x10: {  	s13 =	sadd.s32 s6, s4;
	s4 =	sadd.s32 $0x651400, s11;
	s6 =	sadd.s32 $0x5A5400, s8  }
0x11: {  	s8 =	sadd.s32 s10, s14;
	s11 =	sadd.s32 s31, s10;
	s14 =	simm.s32 $0x1000  }
0x12: {  	s7 =	sadd.s32 $0x678C00, s13;
	s10 =	sadd.s32 $0x600, s8;
	s11 =	sadd.s32 s15, s11  }
0x13: {  	s13 =	simm.s32 $0x5;
	s15 =	simm.s32 $0x4000;
	s11 =	sadd.s32 $0x1200, s11  }
.LBB2_1:
0x14: {  	[spmem:s12], [sflag:s5] =	dma.local [hbm:s4], $0x2780  }
0x15: {  	_ =	swait.ge [sflag:s13], $0x2780  }
0x16: {  	[sflag:s13] =	ssyncset.done $0x0  }
0x17: {  	[sflag:s13] =	ssyncadd.s32 $0xFFFFD880  }
0x18: {  	[tilespmem:s3], [sflag:$0x5] =	stream.linear.gather [hbm4b:s6+s3], $0xE00, $0x38;
	[tilespmem:$0x1AC00] =	vst v63  }
0x19: {  	_ =	swait.ge [sflag:s13], $0xE00  }
0x1a: {  	[sflag:s13] =	ssyncset.done $0x0  }
0x1b: {  	[sflag:s13] =	ssyncadd.s32 $0xFFFFF200  }
0x1c: {  	[bflag:$0x0] =	sbarrier.arrive $0xFFFF  }
0x1d: {  	[tilespmem:s14], [sflag:$0x1] =	stream.linear.gather [hbm4b:s8+s3], $0x3000, $0x38;
	[tilespmem:$0x1AC00] =	vst v63  }
0x1e: {  	_ = 	snop  }
0x1f: {  	[tilespmem:s15], [sflag:$0x2] =	stream.linear.gather [hbm4b:s10+s3], $0x3000, $0x38;
	[tilespmem:$0x1AC00] =	vst v63  }
0x20: {  	_ =	swait.ge [sflag:s16], $0x3000  }
0x21: {  	[sflag:s16] =	ssyncset.done $0x0  }
0x22: {  	[sflag:s16] =	ssyncadd.s32 $0xFFFFD000  }
0x23: {  	[spmem:s2] =	stream.indirect.scatter.add.f32 [tilespmem:s14], [sflag:$0x3], $0x80, s3, s17, $0xb8;
	[tilespmem:$0x1AC00] =	vst v63  }
0x24: {  	_ =	swait.ge [sflag:s18], $0x3000  }
0x25: {  	[sflag:s18] =	ssyncset.done $0x0  }
0x26: {  	[sflag:s18] =	ssyncadd.s32 $0xFFFFD000  }
0x27: {  	[spmem:s2] =	stream.indirect.scatter.add.f32 [tilespmem:s15], [sflag:$0x4], $0x80, s19, s17, $0xb8;
	[tilespmem:$0x1AC00] =	vst v63  }
0x28: {  	_ =	swait.ge [sflag:s20], $0x3000  }
0x29: {  	[sflag:s20] =	ssyncset.done $0x0  }
0x2a: {  	s23 =	sadd.s32 $0xFFFFFA00, s11;
	[sflag:s20] =	ssyncadd.s32 $0xFFFFD000  }
0x2b: {  	[tilespmem:s14], [sflag:$0x1] =	stream.linear.gather [hbm4b:s23+s3], $0x3000, $0x38;
	[tilespmem:$0x1AC00] =	vst v63  }
0x2c: {  	_ =	swait.ge [sflag:s21], $0x3000  }
0x2d: {  	[sflag:s21] =	ssyncset.done $0x0  }
0x2e: {  	[sflag:s21] =	ssyncadd.s32 $0xFFFFD000  }
0x2f: {  	[tilespmem:s15], [sflag:$0x2] =	stream.linear.gather [hbm4b:s11+s3], $0x3000, $0x38;
	[tilespmem:$0x1AC00] =	vst v63  }
0x30: {  	_ =	swait.ge [sflag:s16], $0x3000  }
0x31: {  	[sflag:s16] =	ssyncset.done $0x0  }
0x32: {  	s31 =	simm.s32 $0x100;
	[sflag:s16] =	ssyncadd.s32 $0xFFFFD000  }
0x33: {  	[spmem:s2] =	stream.indirect.scatter.add.f32 [tilespmem:s14], [sflag:$0x3], $0x80, s31, s17, $0xb8;
	[tilespmem:$0x1AC00] =	vst v63  }
0x34: {  	_ =	swait.ge [sflag:s18], $0x3000  }
0x35: {  	s25 =	simm.s32 $0x180;
	[sflag:s18] =	ssyncset.done $0x0  }
0x36: {  	s24 =	sadd.s32 $0xC00, s11;
	s23 =	simm.s32 $0x400;
	[sflag:s18] =	ssyncadd.s32 $0xFFFFD000  }
.LBB2_2:
0x37: {  	[spmem:s2] =	stream.indirect.scatter.add.f32 [tilespmem:s15], [sflag:$0x4], $0x80, s25, s17, $0xb8;
	[tilespmem:$0x1AC00] =	vst v63  }
0x38: {  	s25 =	smov.u32 s23  }
0x39: {  	p0 =	sne.s32 s23, $0x3000;
	s23 =	sadd.s32 $0x400, s23;
	_ =	swait.ge [sflag:s20], $0x3000  }
0x3a: {  	[sflag:s20] =	ssyncset.done $0x0  }
0x3b: {  	s26 =	sadd.s32 $0xFFFFFA00, s24;
	[sflag:s20] =	ssyncadd.s32 $0xFFFFD000  }
0x3c: {  	[tilespmem:s14], [sflag:$0x1] =	stream.linear.gather [hbm4b:s26+s3], $0x3000, $0x38;
	[tilespmem:$0x1AC00] =	vst v63  }
0x3d: {  	_ =	swait.ge [sflag:s21], $0x3000  }
0x3e: {  	[sflag:s21] =	ssyncset.done $0x0  }
0x3f: {  	[sflag:s21] =	ssyncadd.s32 $0xFFFFD000  }
0x40: {  	[tilespmem:s15], [sflag:$0x2] =	stream.linear.gather [hbm4b:s24+s3], $0x3000, $0x38;
	[tilespmem:$0x1AC00] =	vst v63  }
0x41: {  	_ =	swait.ge [sflag:s16], $0x3000  }
0x42: {  	s25 =	sshra.s32 s25, $0x2;
	[sflag:s16] =	ssyncset.done $0x0  }
.Ltmp0:
0x43: {  	s26 =	sadd.s32 $0x100, s25;
	[sflag:s16] =	ssyncadd.s32 $0xFFFFD000;
	(pc) =	sbr.rel @p0 .LBB2_2-.Ltmp0, $4  }
0x44: {  	[spmem:s2] =	stream.indirect.scatter.add.f32 [tilespmem:s14], [sflag:$0x3], $0x80, s26, s17, $0xb8;
	[tilespmem:$0x1AC00] =	vst v63  }
0x45: {  	_ =	swait.ge [sflag:s18], $0x3000  }
0x46: {  	[sflag:s18] =	ssyncset.done $0x0  }
0x47: {  	s25 =	sadd.s32 $0x180, s25;
	s24 =	sadd.s32 $0xC00, s24;
	[sflag:s18] =	ssyncadd.s32 $0xFFFFD000  }
0x48: {  	[spmem:s2] =	stream.indirect.scatter.add.f32 [tilespmem:s15], [sflag:$0x4], $0x80, s25, s17, $0xb8;
	[tilespmem:$0x1AC00] =	vst v63  }
0x49: {  	_ =	swait.ge [sflag:s20], $0x3000  }
0x4a: {  	[sflag:s20] =	ssyncset.done $0x0  }
0x4b: {  	[sflag:s20] =	ssyncadd.s32 $0xFFFFD000  }
0x4c: {  	_ =	swait.ge [sflag:s21], $0x3000  }
0x4d: {  	s22 =	sadd.s32 $0x1, s22;
	[sflag:s21] =	ssyncset.done $0x0  }
0x4e: {  	p0 =	sne.s32 s22, s9;
	[sflag:s21] =	ssyncadd.s32 $0xFFFFD000  }
.Ltmp1:
0x4f: {  	[bflag:$0x0] =	sbarrier.arrive $0xFFFF;
	(pc) =	sbr.rel @p0 .LBB2_1-.Ltmp1, $4  }
0x50: {  	[hbm:s7], [sflag:s5] =	dma.local [spmem:s12], $0x2780  }
0x51: {  	_ =	swait.ge [sflag:s13], $0x2780  }
0x52: {  	[sflag:s13] =	ssyncset.done $0x0  }
0x53: {  	[sflag:s13] =	ssyncadd.s32 $0xFFFFD880  }
0x54: {  	_ =	sfence.sel $0x180000  }
0x55: {  	[bflag:$0x0] =	sbarrier.arrive $0xFFFF  }
0x56: {  	p0 =	sne.s32 s1, $0x0;
	_ =	strace $0x9000004D  }
0x57: {  	s0 =	sadd.s32 @!p0 $0x100000, s0;
	[bflag:$0x2] =	sbarrier.arrive $0xFFFF  }
0x58: {  	[sflag:s0] =	ssyncadd.tile.s32 @!p0 $0x1;
	_ =	shalt  }
.Lfunc_end2:
_tile_overlayer_lowered:
.L_overlay_start_2:
0x59: {  	(tag) =	ssettag $0x2  }
0x5a: {  	s0 =	rddreg [dreg:$0x0];
	s2 =	stileid.u32  }
0x5b: {  	s1 =	rddreg [dreg:$0x1];
	p0 =	sne.s32 s2, $0x0  }
0x5c: {  	s3 =	rddreg [dreg:$0x2];
	[bflag:$0x3] =	sbarrier.arrive $0xFFFF;
	s2 =	simm.s32 @!p0 $0x1C05  }
0x5d: {  	[timem:s3], [sflag:s2] =	dma.local @!p0 [hbm:s0], s1  }
0x5e: {  	s0 =	simm.s32 @!p0 $0x5  }
0x5f: {  	_ =	swait.ge @!p0 [sflag:s0], s1  }
0x60: {  	s1 =	ssub.s32 @!p0 $0x0, s1;
	[sflag:s0] =	ssyncset.done @!p0 $0x0  }
0x61: {  	[sflag:s0] =	ssyncadd.s32 @!p0 s1  }
0x62: {  	[bflag:$0x3] =	sbarrier.arrive $0xFFFF  }
0x63: {  	_ =	shalt  }

// kernel: kernel.30.cloned.1.call-start
scs
__scs_entry_jumppad:
0x0: {  	(pc) =	sbr.rel $0x88, $3  }
0x1: {  	(tag) =	ssettag $0x0;
	lr =	simm.s32 $0x1  }
0x2: {  	[smem:$0x3F86] =	sst lr;
	_ =	strace $0xD0000000  }
0x3: {  	_ = 	snop  }
0x4: {  	_ = 	snop  }
0x5: {  	_ = 	snop  }
0x6: {  	_ = 	snop  }
0x7: {  	_ = 	snop  }
__scs_overlays_trampoline_lowered:
0x8: {  	[smem:$0x3F95] =	sst s0  }
0x9: {  	[smem:$0x3F96] =	sst s1  }
0xa: {  	[smem:$0x3F97] =	sst s2  }
0xb: {  	[smem:$0x3F98] =	sst s3  }
0xc: {  	[smem:$0x3F99] =	sst s4  }
0xd: {  	[smem:$0x3F9A] =	sst s5  }
0xe: {  	[smem:$0x3F9B] =	sst s6  }
0xf: {  	[smem:$0x3F9C] =	sst s7  }
0x10: {  	[smem:$0x3F9D] =	sst s8  }
0x11: {  	[smem:$0x3F9E] =	sst s9;
	s0 =	simm.s32 @!p0 $0x0  }
0x12: {  	s1 =	sld [smem:$0x3F84];
	s0 =	simm.s32 @p0 $0x1  }
0x13: {  	[smem:$0x3F9F] =	sst s0;
	s0 =	simm.s32 @!p1 $0x0  }
0x14: {  	s2 =	sld [smem:$0x3F83];
	s0 =	simm.s32 @p1 $0x1  }
0x15: {  	[smem:$0x3FA0] =	sst s0;
	s0 =	simm.s32 @!p2 $0x0  }
0x16: {  	s3 =	sld [smem:$0x3FDB];
	s0 =	simm.s32 @p2 $0x1  }
0x17: {  	s4 =	simm.s32 $0x1BF5;
	[smem:$0x3FA2] =	sst s0  }
0x18: {  	s0 =	sld [smem:$0x3F85];
	_ =	swait.ge [sflag:s4], $0x0  }
0x19: {  	s7 =	sld [smem:$0x3F86]  }
0x1a: {  	s8 =	sadd.s32 $0xFFFFE003, lr  }
0x1b: {  	s9 =	sadd.s32 $0xFFFFFEF7, lr;
	s5 =	simm.s32 $0xFFFFFFFF;
	p2 =	slt.u32 s8, $0xFFFFF086  }
0x1c: {  	p1 =	slt.u32 s9, $0xF7A;
	s5 =	simm.s32 @!p2 $0x0  }
0x1d: {  	s5 =	simm.s32 @p1 $0x1;
	p0 =	seq.s32 s7, s2  }
0x1e: {  	s7 =	smul.u32 @!p0 $0xF7A, s2;
	p2 =	seq.s32 @!p0 s5, $0x0  }
0x1f: {  	s9 =	smul.u32 $0xF7A, s1;
	s8 =	simm.s32 @!p0 $0x1BF5;
	p2 =	por !p2, p0  }
0x20: {  	[sflag:s8] =	ssyncset.s32 @!p0 $0xFFFFF086;
	s6 =	sadd.s32 @!p0 s3, s7;
	s7 =	simm.s32 @!p0 $0x108  }
0x21: {  	s3 =	sadd.s32 s3, s9;
	s6 =	sadd.s32 @!p0 $0x88, s6;
	s7 =	simm.s32 @p2 $0x1082  }
0x22: {  	[simem:s7], [sflag:s8] =	dma.local @!p0 [hbm:s6], $0xF7A  }
0x23: {  	s9 =	sor.u32 $0xD0000000, s2;
	s6 =	simm.s32 $0x108;
	_ =	swait.ge @!p0 [sflag:s8], $0x0  }
0x24: {  	s3 =	sadd.s32 $0x88, s3;
	s6 =	simm.s32 @!p1 $0x1082;
	[sflag:s4] =	ssyncset.s32 $0xFFFFF086  }
0x25: {  	[simem:s6], [sflag:s4] =	dma.local [hbm:s3], $0xF7A  }
0x26: {  	[smem:$0x3F86] =	sst s1;
	(tag) =	ssettag s2;
	_ =	strace s9  }
0x27: {  	s1 =	sld [smem:$0x3F96]  }
0x28: {  	s2 =	sld [smem:$0x3F97]  }
0x29: {  	s4 =	sld [smem:$0x3F99]  }
0x2a: {  	p0 =	seq.s32 s5, $0x0;
	s5 =	sld [smem:$0x3F9A]  }
0x2b: {  	s6 =	sld [smem:$0x3F9B]  }
0x2c: {  	s7 =	sld [smem:$0x3F9C]  }
0x2d: {  	s3 =	simm.s32 $0x108;
	s8 =	sld [smem:$0x3F9D]  }
0x2e: {  	s3 =	simm.s32 @!p0 $0x1082;
	s9 =	sld [smem:$0x3F9E]  }
0x2f: {  	lr =	sadd.s32 s0, s3;
	s0 =	sld [smem:$0x3F95]  }
0x30: {  	s3 =	sld [smem:$0x3F98]  }
0x31: {  	[smem:$0x3FA1] =	sst s10  }
0x32: {  	s10 =	sld [smem:$0x3F9F];
	_ =	sdelay $0x3  }
0x33: {  	p0 =	seq.s32 s10, $0x1;
	s10 =	sld [smem:$0x3FA1];
	_ =	sdelay $0x3  }
0x34: {  	[smem:$0x3FA1] =	sst s10  }
0x35: {  	s10 =	sld [smem:$0x3FA0];
	_ =	sdelay $0x3  }
0x36: {  	p1 =	seq.s32 s10, $0x1;
	s10 =	sld [smem:$0x3FA1];
	_ =	sdelay $0x3  }
0x37: {  	[smem:$0x3FA1] =	sst s10  }
0x38: {  	s10 =	sld [smem:$0x3FA2]  }
0x39: {  	_ = 	snop;
	(pc) =	sbr.ind lr, $3  }
0x3a: {  	_ = 	snop  }
0x3b: {  	_ = 	snop  }
0x3c: {  	p2 =	seq.s32 s10, $0x1;
	s10 =	sld [smem:$0x3FA1]  }
0x3d: {  	_ =	shalt  }
0x3e: {  	_ =	shalt  }
0x3f: {  	_ =	shalt  }
0x40: {  	_ =	shalt  }
0x41: {  	_ =	shalt  }
0x42: {  	_ =	shalt  }
0x43: {  	_ =	shalt  }
0x44: {  	_ =	shalt  }
0x45: {  	_ =	shalt  }
0x46: {  	_ =	shalt  }
0x47: {  	_ =	shalt  }
0x48: {  	_ =	shalt  }
0x49: {  	_ =	shalt  }
0x4a: {  	_ =	shalt  }
0x4b: {  	_ =	shalt  }
0x4c: {  	_ =	shalt  }
0x4d: {  	_ =	shalt  }
0x4e: {  	_ =	shalt  }
0x4f: {  	_ =	shalt  }
0x50: {  	_ =	shalt  }
0x51: {  	_ =	shalt  }
0x52: {  	_ =	shalt  }
0x53: {  	_ =	shalt  }
0x54: {  	_ =	shalt  }
0x55: {  	_ =	shalt  }
0x56: {  	_ =	shalt  }
0x57: {  	_ =	shalt  }
0x58: {  	_ =	shalt  }
0x59: {  	_ =	shalt  }
0x5a: {  	_ =	shalt  }
0x5b: {  	_ =	shalt  }
0x5c: {  	_ =	shalt  }
0x5d: {  	_ =	shalt  }
0x5e: {  	_ =	shalt  }
0x5f: {  	_ =	shalt  }
0x60: {  	_ =	shalt  }
0x61: {  	_ =	shalt  }
0x62: {  	_ =	shalt  }
0x63: {  	_ =	shalt  }
0x64: {  	_ =	shalt  }
0x65: {  	_ =	shalt  }
0x66: {  	_ =	shalt  }
0x67: {  	_ =	shalt  }
0x68: {  	_ =	shalt  }
0x69: {  	_ =	shalt  }
0x6a: {  	_ =	shalt  }
0x6b: {  	_ =	shalt  }
0x6c: {  	_ =	shalt  }
0x6d: {  	_ =	shalt  }
0x6e: {  	_ =	shalt  }
0x6f: {  	_ =	shalt  }
0x70: {  	_ =	shalt  }
0x71: {  	_ =	shalt  }
0x72: {  	_ =	shalt  }
0x73: {  	_ =	shalt  }
0x74: {  	_ =	shalt  }
0x75: {  	_ =	shalt  }
0x76: {  	_ =	shalt  }
0x77: {  	_ =	shalt  }
0x78: {  	_ =	shalt  }
0x79: {  	_ =	shalt  }
0x7a: {  	_ =	shalt  }
0x7b: {  	_ =	shalt  }
0x7c: {  	_ =	shalt  }
0x7d: {  	_ =	shalt  }
0x7e: {  	_ =	shalt  }
0x7f: {  	_ =	shalt  }
0x80: {  	_ =	shalt  }
0x81: {  	_ =	shalt  }
0x82: {  	_ =	shalt  }
0x83: {  	_ =	shalt  }
0x84: {  	_ =	shalt  }
0x85: {  	_ =	shalt  }
0x86: {  	_ =	shalt  }
0x87: {  	_ =	shalt  }
.Lfunc_end0:
.L_simem_size_0:
called_computation.4_lowered:
.L_overlay_start_0:
0x88: {  	s2 =	sld [smem:$0x3FD9]  }
0x89: {  	s3 =	sld [smem:$0x3FFE];
	_ =	sdelay $0x1  }
0x8a: {  	s1 =	srdreg.scid  }
0x8b: {  	s0 =	sand.u32 $0x1, s1  }
0x8c: {  	s15 =	sshll.u32 s0, $0xA;
	s2 =	sadd.s32 s3, s2  }
0x8d: {  	s2 =	sadd.s32 s2, s15  }
0x8e: {  	[smem:$0x3FAD] =	sst s2  }
0x8f: {  	_ = 	snop  }
0x90: {  	s2 =	sld [smem:$0x3FD0];
	_ =	sdelay $0x2  }
0x91: {  	s16 =	simm.s32 $0xB;
	s4 =	simm.s32 $0x10  }
0x92: {  	[smem:s4], [sflag:s16] =	dma.local [hbm:s2], $0x1  }
0x93: {  	_ =	swait.eq [sflag:s16], $0x1  }
0x94: {  	[sflag:s16] =	ssyncset.done $0x0  }
0x95: {  	[sflag:s16] =	ssyncadd.s32 $0xFFFFFFFF  }
0x96: {  	s17 =	sld [smem:$0x11];
	(tm) =	ssettm $0x1  }
0x97: {  	s18 =	sld [smem:$0x3FFB];
	_ =	sdelay $0x3  }
0x98: {  	_ =	strace s18  }
0x99: {  	s2 =	sld [smem:$0x3FFC];
	_ =	sdelay $0x3  }
0x9a: {  	_ =	strace s2  }
0x9b: {  	s2 =	sld [smem:$0x3FFD];
	_ =	sdelay $0x3  }
0x9c: {  	_ =	strace s2  }
0x9d: {  	_ =	strace $0x8FFFFFFF  }
0x9e: {  	s19 =	sld [smem:$0x3FDB];
	_ =	sdelay $0x1  }
0x9f: {  	s20 =	simm.s32 $_scs_section_size  }
0xa0: {  	s5 =	simm.s32 $_size__tile_overlayer_lowered;
	s6 =	simm.s32 $_tile_overlayer_lowered  }
0xa1: {  	s7 =	simm.s32 $0x1BFF;
	s21 =	sshll.u32 s6, $0x1;
	s4 =	sadd.s32 s20, s19  }
0xa2: {  	s22 =	simm.s32 $0x0;
	s5 =	sshll.u32 s5, $0x1;
	s6 =	sadd.s32 s21, s4  }
0xa3: {  	[timem:s22], [sflag:s7] =	dma.local [hbm:s6], s5  }
0xa4: {  	_ =	swait.ge [sflag:s7], s5  }
0xa5: {  	s5 =	ssub.s32 $0x0, s5;
	[sflag:s7] =	ssyncset.done $0x0  }
0xa6: {  	[sflag:s7] =	ssyncadd.s32 s5;
	_ =	sdelay $0x1  }
0xa7: {  	s23 =	simm.s32 $0x1B8B  }
0xa8: {  	_ =	swait.ge [sflag:s23], $0x1  }
0xa9: {  	[sflag:s23] =	ssyncset.done $0x0  }
0xaa: {  	[sflag:s23] =	ssyncadd.s32 $0xFFFFFFFF  }
0xab: {  	s5 =	sld [smem:$0x0]  }
0xac: {  	s6 =	sand.u32 $0xFFFFFFFE, s1  }
0xad: {  	p0 =	sne.s32 s1, s6  }
0xae: {  	s6 =	sshll.u32 @p0 s6, $0xE  }
0xaf: {  	s6 =	sadd.s32 @p0 $0x11B8D, s6;
	s7 =	sshll.u32 @p0 s5, $0x11  }
0xb0: {  	s6 =	sor.u32 @p0 s7, s6  }
0xb1: {  	[sflag:s6] =	ssyncadd.remote.s32 @p0 $0x1;
	_ =	sdelay $0x1  }
0xb2: {  	s6 =	simm.s32 @p0 $0x1B8D  }
0xb3: {  	_ =	swait.eq @p0 [sflag:s6], $0x1  }
0xb4: {  	[sflag:s6] =	ssyncadd.s32 @p0 $0xFFFFFFFF  }
0xb5: {  	s7 =	sshll.u32 @!p0 s1, $0xE  }
0xb6: {  	s7 =	sor.u32 @!p0 $0x4000, s7;
	s6 =	simm.s32 @!p0 $0x1B8D  }
0xb7: {  	s5 =	sshll.u32 @!p0 s5, $0x11;
	s7 =	sadd.s32 @!p0 $0x11B8D, s7;
	_ =	swait.eq @!p0 [sflag:s6], $0x1  }
0xb8: {  	s5 =	sor.u32 @!p0 s5, s7;
	[sflag:s6] =	ssyncadd.s32 @!p0 $0xFFFFFFFF  }
0xb9: {  	s25 =	simm.s32 $0x1B8E;
	s24 =	sld [smem:$0x3FFE];
	[sflag:s5] =	ssyncadd.remote.s32 @!p0 $0x1  }
0xba: {  	s26 =	simm.s32 $execute0_lowered;
	[smem:$0x3FD2] =	sst s25  }
0xbb: {  	s6 =	sshll.u32 s26, $0x1;
	_ =	strace $0x80000055;
	[dreg:$0x1] =	wrdreg $0xFFFFFFFF  }
0xbc: {  	s28 =	simm.s32 $_size_execute0_lowered;
	s4 =	sadd.s32 s4, s6;
	[dreg:$0x0] =	wrdreg $0x0  }
0xbd: {  	s6 =	sshll.u32 s28, $0x1;
	[dreg:$0x2] =	wrdreg s4  }
0xbe: {  	[dreg:$0x3] =	wrdreg s6  }
0xbf: {  	[dreg:$0x4] =	wrdreg $0xC0  }
0xc0: {  	_ =	task [dreg:s22], $0x5FFFF  }
0xc1: {  	[dreg:$0x1] =	wrdreg $0xFFFFFFFF  }
0xc2: {  	[dreg:$0x0] =	wrdreg $0x60  }
0xc3: {  	[dreg:$0x2] =	wrdreg s24  }
0xc4: {  	[dreg:$0x3] =	wrdreg s17  }
0xc5: {  	[dreg:$0x4] =	wrdreg $0x95000  }
0xc6: {  	[dreg:$0x5] =	wrdreg $0x9  }
0xc7: {  	_ =	task.clear_ibuf [dreg:s22], $0x6FFFF;
	_ =	strace $0x90000055  }
0xc8: {  	s29 =	simm.s32 $0x9;
	_ =	strace $0x80000057  }
0xc9: {  	_ =	swait.ge [sflag:s29], $0x1  }
0xca: {  	[sflag:s29] =	ssyncadd.s32 $0xFFFFFFFF  }
0xcb: {  	_ =	strace $0x90000057  }
0xcc: {  	_ =	sfence  }
0xcd: {  	s30 =	sld [smem:$0x0];
	_ =	sdelay $0x2  }
0xce: {  	s31 =	sshll.u32 s1, $0xD;
	s1 =	sshrl.u32 s1, $0x2  }
0xcf: {  	s4 =	sand.u32 $0x4000, s31;
	s1 =	sadd.s32 s1, s30  }
0xd0: {  	s0 =	sor.u32 s4, s0;
	s1 =	sshll.u32 s1, $0x11  }
0xd1: {  	s0 =	sor.u32 s1, s0  }
0xd2: {  	s0 =	sadd.s32 $0x8F2B, s0  }
0xd3: {  	[sflag:s0] =	ssyncadd.remote.s32 $0x1  }
0xd4: {  	_ =	sfence.sel $0xFFFF  }
0xd5: {  	[dreg:$0x0] =	wrdreg $0xFFFFFFFF;
	(pc) =	sbr.abs _section_cstart, $3  }
0xd6: {  	[dreg:$0x1] =	wrdreg $0xFFFFFFFF  }
0xd7: {  	_ =	task.clear_ibuf [dreg:s22], $0x2FFFF;
	_ =	strace $0x9FFFFFFF  }
0xd8: {  	(tm) =	ssettm $0x7FFFFFFF  }
0xd9: {  	_ =	shalt  }
tec
execute0_lowered:
.L_overlay_start_1:
0x0: {  	(tag) =	ssettag $0x1  }
0x1: {  	s4 =	rddreg [dreg:$0x0]  }
0x2: {  	s10 =	rddreg [dreg:$0x1]  }
0x3: {  	s2 =	rddreg [dreg:$0x2]  }
0x4: {  	s0 =	rddreg [dreg:$0x3];
	s3 =	simm.s32 $0x0  }
0x5: {  	s1 =	stileid.u32;
	s7 =	srdreg.scid;
	s16 =	simm.s32 $0x80  }
0x6: {  	s17 =	simm.s32 $0x1500;
	s18 =	simm.s32 $0x5500;
	s19 =	simm.s32 $0x1  }
0x7: {  	s20 =	simm.s32 $0x2;
	s21 =	simm.s32 $0x3;
	s5 =	smul.u32 $0x1500, s1  }
0x8: {  	s22 =	simm.s32 $0x4;
	s23 =	simm.s32 $0x0;
	s6 =	smul.u32 $0x2780, s1  }
0x9: {  	[smem:$0x7FF] =	sst s3;
	s7 =	sand.u32 $0x1, s7;
	s9 =	smul.u32 $0x4F000, s1  }
0xa: {  	s12 =	sadd.s32 $0x11000, s4;
	s13 =	smul.u32 $0x15000, s1;
	s31 =	sshll.u32 s1, $0x6  }
0xb: {  	_ =	strace $0x80000056;
	s28 =	ssub.s32 $0x2, s7;
	p0 =	seq.s32 s7, $0x1  }
0xc: {  	s5 =	sshrl.u32 s5, $0x3;
	s6 =	sadd.s32 s6, s4;
	s29 =	sshrl.u32 s28, $0x1  }
0xd: {  	s30 =	sshrl.u32 s9, $0x2;
	s9 =	sadd.s32 s10, s13;
	s15 =	sor.u32 $0x800, s13  }
.Ltmp0:
0xe: {  	s8 =	sadd.s32 s5, s4;
	s11 =	ssub.s32 s28, s29;
	(pc) =	sbr.rel .LBB2_1-.Ltmp0, $4  }
0xf: {  	s4 =	sadd.s32 $0x678C00, s6;
	s14 =	sadd.s32 s30, s2;
	s6 =	sadd.s32 $0x6A0400, s6  }
0x10: {  	s10 =	sadd.s32 s10, s15;
	s5 =	sadd.s32 $0x302A00, s8;
	s7 =	sadd.s32 $0x300000, s8  }
0x11: {  	s8 =	smax.u32 s11, $0x1;
	s11 =	sadd.s32 s12, s13;
	s12 =	sadd.s32 s12, s15  }
0x12: {  	s13 =	sor.u32 $0x1C05, s31;
	s14 =	sshrl.u32 s14, $0x3;
	s15 =	simm.s32 $0x5  }
.LBB2_7:
0x13: {  	[hbm4b:s26+s3] =	stream.linear.scatter [tilespmem:s18], [sflag:$0x4], $0x4000, $0x38;
	[tilespmem:$0x1D100] =	vst v63  }
.LBB2_8:
0x14: {  	s23 =	sadd.s32 $0x1, s23  }
0x15: {  	_ =	swait.ge [sflag:s21], $0x4000;
	p1 =	sne.s32 s23, s8  }
.Ltmp1:
0x16: {  	[sflag:s21] =	ssyncset.done $0x0;
	(pc) =	sbr.rel @!p1 .LBB2_9-.Ltmp1, $4  }
0x17: {  	[sflag:s21] =	ssyncadd.s32 $0xFFFFC000  }
0x18: {  	_ =	swait.ge [sflag:s22], $0x4000  }
0x19: {  	[sflag:s22] =	ssyncset.done $0x0  }
0x1a: {  	[sflag:s22] =	ssyncadd.s32 $0xFFFFC000  }
.LBB2_1:
.Ltmp2:
0x1b: {  	(pc) =	sbr.rel @!p0 .LBB2_2-.Ltmp2, $1  }
0x1c: {  	_ =	sdelay $0x3  }
0x1d: {  	[spmem:s14], [sflag:s13] =	dma.local [hbm:s6], $0x2780  }
0x1e: {  	_ =	swait.ge [sflag:s15], $0x2780  }
0x1f: {  	[sflag:s15] =	ssyncset.done $0x0  }
0x20: {  	[sflag:s15] =	ssyncadd.s32 $0xFFFFD880  }
0x21: {  	[tilespmem:s3], [sflag:$0x5] =	stream.linear.gather [hbm4b:s7+s3], $0x1500, $0x38;
	[tilespmem:$0x1D100] =	vst v63  }
0x22: {  	_ =	swait.ge [sflag:s15], $0x1500  }
0x23: {  	[sflag:s15] =	ssyncset.done $0x0  }
0x24: {  	[sflag:s15] =	ssyncadd.s32 $0xFFFFEB00  }
0x25: {  	[bflag:$0x0] =	sbarrier.arrive $0xFFFF  }
0x26: {  	[tilespmem:s17], [sflag:$0x1] =	stream.indirect.gather [spmem:s2], $0x80, s3, s16, $0xb8;
	[tilespmem:$0x1D100] =	vst v63  }
0x27: {  	_ = 	snop  }
0x28: {  	[tilespmem:s18], [sflag:$0x2] =	stream.indirect.gather [spmem:s2], $0x80, s16, s16, $0xb8;
	[tilespmem:$0x1D100] =	vst v63  }
0x29: {  	_ =	swait.ge [sflag:s19], $0x4000  }
0x2a: {  	[sflag:s19] =	ssyncset.done $0x0  }
0x2b: {  	[sflag:s19] =	ssyncadd.s32 $0xFFFFC000  }
0x2c: {  	[hbm4b:s11+s3] =	stream.linear.scatter [tilespmem:s17], [sflag:$0x3], $0x4000, $0x38;
	[tilespmem:$0x1D100] =	vst v63  }
0x2d: {  	_ =	swait.ge [sflag:s20], $0x4000  }
0x2e: {  	[sflag:s20] =	ssyncset.done $0x0  }
0x2f: {  	[sflag:s20] =	ssyncadd.s32 $0xFFFFC000  }
0x30: {  	[hbm4b:s12+s3] =	stream.linear.scatter [tilespmem:s18], [sflag:$0x4], $0x4000, $0x38;
	[tilespmem:$0x1D100] =	vst v63  }
0x31: {  	_ =	swait.ge [sflag:s21], $0x4000  }
0x32: {  	[sflag:s21] =	ssyncset.done $0x0  }
0x33: {  	s24 =	simm.s32 $0x100;
	[sflag:s21] =	ssyncadd.s32 $0xFFFFC000  }
0x34: {  	[tilespmem:s17], [sflag:$0x1] =	stream.indirect.gather [spmem:s2], $0x80, s24, s16, $0xb8;
	[tilespmem:$0x1D100] =	vst v63  }
0x35: {  	_ =	swait.ge [sflag:s22], $0x4000  }
0x36: {  	[sflag:s22] =	ssyncset.done $0x0  }
0x37: {  	s30 =	simm.s32 $0x180;
	[sflag:s22] =	ssyncadd.s32 $0xFFFFC000  }
0x38: {  	[tilespmem:s18], [sflag:$0x2] =	stream.indirect.gather [spmem:s2], $0x80, s30, s16, $0xb8;
	[tilespmem:$0x1D100] =	vst v63  }
0x39: {  	_ =	swait.ge [sflag:s19], $0x4000  }
0x3a: {  	s25 =	sadd.s32 $0xFFFEC000, s11;
	[sflag:s19] =	ssyncset.done $0x0  }
0x3b: {  	s31 =	sadd.s32 $0x15000, s25;
	[sflag:s19] =	ssyncadd.s32 $0xFFFFC000  }
0x3c: {  	[hbm4b:s31+s3] =	stream.linear.scatter [tilespmem:s17], [sflag:$0x3], $0x4000, $0x38;
	[tilespmem:$0x1D100] =	vst v63  }
0x3d: {  	_ =	swait.ge [sflag:s20], $0x4000  }
0x3e: {  	s26 =	sadd.s32 $0x15800, s25;
	[sflag:s20] =	ssyncset.done $0x0  }
0x3f: {  	s25 =	simm.s32 $0x280;
	s24 =	simm.s32 $0xFFFED000;
	[sflag:s20] =	ssyncadd.s32 $0xFFFFC000  }
.LBB2_6:
0x40: {  	[hbm4b:s26+s3] =	stream.linear.scatter [tilespmem:s18], [sflag:$0x4], $0x4000, $0x38;
	[tilespmem:$0x1D100] =	vst v63  }
0x41: {  	s26 =	smov.u32 s24  }
0x42: {  	p1 =	sne.s32 s24, $0xFFFFF000;
	s24 =	sadd.s32 $0x1000, s24;
	_ =	swait.ge [sflag:s21], $0x4000  }
0x43: {  	[sflag:s21] =	ssyncset.done $0x0  }
0x44: {  	s28 =	sadd.s32 $0xFFFFFF80, s25;
	[sflag:s21] =	ssyncadd.s32 $0xFFFFC000  }
0x45: {  	[tilespmem:s17], [sflag:$0x1] =	stream.indirect.gather [spmem:s2], $0x80, s28, s16, $0xb8;
	[tilespmem:$0x1D100] =	vst v63  }
0x46: {  	_ =	swait.ge [sflag:s22], $0x4000  }
0x47: {  	[sflag:s22] =	ssyncset.done $0x0  }
0x48: {  	[sflag:s22] =	ssyncadd.s32 $0xFFFFC000  }
0x49: {  	[tilespmem:s18], [sflag:$0x2] =	stream.indirect.gather [spmem:s2], $0x80, s25, s16, $0xb8;
	[tilespmem:$0x1D100] =	vst v63  }
0x4a: {  	_ =	swait.ge [sflag:s19], $0x4000  }
0x4b: {  	s26 =	sadd.s32 s26, s11;
	[sflag:s19] =	ssyncset.done $0x0  }
.Ltmp3:
0x4c: {  	s28 =	sadd.s32 $0x15000, s26;
	[sflag:s19] =	ssyncadd.s32 $0xFFFFC000;
	(pc) =	sbr.rel @p1 .LBB2_6-.Ltmp3, $4  }
0x4d: {  	[hbm4b:s28+s3] =	stream.linear.scatter [tilespmem:s17], [sflag:$0x3], $0x4000, $0x38;
	[tilespmem:$0x1D100] =	vst v63  }
0x4e: {  	_ =	swait.ge [sflag:s20], $0x4000  }
0x4f: {  	[sflag:s20] =	ssyncset.done $0x0  }
0x50: {  	s26 =	sadd.s32 $0x15800, s26;
	s25 =	sadd.s32 $0x100, s25;
	[sflag:s20] =	ssyncadd.s32 $0xFFFFC000  }
.Ltmp4:
0x51: {  	_ = 	snop;
	(pc) =	sbr.rel .LBB2_7-.Ltmp4, $1  }
0x52: {  	_ =	sdelay $0x3  }
.LBB2_2:
0x53: {  	[spmem:s14], [sflag:s13] =	dma.local [hbm:s4], $0x2780  }
0x54: {  	_ =	swait.ge [sflag:s15], $0x2780  }
0x55: {  	[sflag:s15] =	ssyncset.done $0x0  }
0x56: {  	[sflag:s15] =	ssyncadd.s32 $0xFFFFD880  }
0x57: {  	[tilespmem:s3], [sflag:$0x5] =	stream.linear.gather [hbm4b:s5+s3], $0x1500, $0x38;
	[tilespmem:$0x1D100] =	vst v63  }
0x58: {  	_ =	swait.ge [sflag:s15], $0x1500  }
0x59: {  	[sflag:s15] =	ssyncset.done $0x0  }
0x5a: {  	[sflag:s15] =	ssyncadd.s32 $0xFFFFEB00  }
0x5b: {  	[bflag:$0x0] =	sbarrier.arrive $0xFFFF  }
0x5c: {  	[tilespmem:s17], [sflag:$0x1] =	stream.indirect.gather [spmem:s2], $0x80, s3, s16, $0xb8;
	[tilespmem:$0x1D100] =	vst v63  }
0x5d: {  	_ = 	snop  }
0x5e: {  	[tilespmem:s18], [sflag:$0x2] =	stream.indirect.gather [spmem:s2], $0x80, s16, s16, $0xb8;
	[tilespmem:$0x1D100] =	vst v63  }
0x5f: {  	_ =	swait.ge [sflag:s19], $0x4000  }
0x60: {  	[sflag:s19] =	ssyncset.done $0x0  }
0x61: {  	[sflag:s19] =	ssyncadd.s32 $0xFFFFC000  }
0x62: {  	[hbm4b:s9+s3] =	stream.linear.scatter [tilespmem:s17], [sflag:$0x3], $0x4000, $0x38;
	[tilespmem:$0x1D100] =	vst v63  }
0x63: {  	_ =	swait.ge [sflag:s20], $0x4000  }
0x64: {  	[sflag:s20] =	ssyncset.done $0x0  }
0x65: {  	[sflag:s20] =	ssyncadd.s32 $0xFFFFC000  }
0x66: {  	[hbm4b:s10+s3] =	stream.linear.scatter [tilespmem:s18], [sflag:$0x4], $0x4000, $0x38;
	[tilespmem:$0x1D100] =	vst v63  }
0x67: {  	_ =	swait.ge [sflag:s21], $0x4000  }
0x68: {  	[sflag:s21] =	ssyncset.done $0x0  }
0x69: {  	s24 =	simm.s32 $0x100;
	[sflag:s21] =	ssyncadd.s32 $0xFFFFC000  }
0x6a: {  	[tilespmem:s17], [sflag:$0x1] =	stream.indirect.gather [spmem:s2], $0x80, s24, s16, $0xb8;
	[tilespmem:$0x1D100] =	vst v63  }
0x6b: {  	_ =	swait.ge [sflag:s22], $0x4000  }
0x6c: {  	[sflag:s22] =	ssyncset.done $0x0  }
0x6d: {  	s30 =	simm.s32 $0x180;
	[sflag:s22] =	ssyncadd.s32 $0xFFFFC000  }
0x6e: {  	[tilespmem:s18], [sflag:$0x2] =	stream.indirect.gather [spmem:s2], $0x80, s30, s16, $0xb8;
	[tilespmem:$0x1D100] =	vst v63  }
0x6f: {  	_ =	swait.ge [sflag:s19], $0x4000  }
0x70: {  	s25 =	sadd.s32 $0xFFFEC000, s9;
	[sflag:s19] =	ssyncset.done $0x0  }
0x71: {  	s31 =	sadd.s32 $0x15000, s25;
	[sflag:s19] =	ssyncadd.s32 $0xFFFFC000  }
0x72: {  	[hbm4b:s31+s3] =	stream.linear.scatter [tilespmem:s17], [sflag:$0x3], $0x4000, $0x38;
	[tilespmem:$0x1D100] =	vst v63  }
0x73: {  	_ =	swait.ge [sflag:s20], $0x4000  }
0x74: {  	s26 =	sadd.s32 $0x15800, s25;
	[sflag:s20] =	ssyncset.done $0x0  }
0x75: {  	s25 =	simm.s32 $0x280;
	s24 =	simm.s32 $0xFFFED000;
	[sflag:s20] =	ssyncadd.s32 $0xFFFFC000  }
.LBB2_3:
0x76: {  	[hbm4b:s26+s3] =	stream.linear.scatter [tilespmem:s18], [sflag:$0x4], $0x4000, $0x38;
	[tilespmem:$0x1D100] =	vst v63  }
0x77: {  	s26 =	smov.u32 s24  }
0x78: {  	p1 =	seq.s32 s24, $0xFFFFF000;
	s24 =	sadd.s32 $0x1000, s24;
	_ =	swait.ge [sflag:s21], $0x4000  }
0x79: {  	[sflag:s21] =	ssyncset.done $0x0  }
0x7a: {  	s28 =	sadd.s32 $0xFFFFFF80, s25;
	[sflag:s21] =	ssyncadd.s32 $0xFFFFC000  }
0x7b: {  	[tilespmem:s17], [sflag:$0x1] =	stream.indirect.gather [spmem:s2], $0x80, s28, s16, $0xb8;
	[tilespmem:$0x1D100] =	vst v63  }
0x7c: {  	_ =	swait.ge [sflag:s22], $0x4000  }
0x7d: {  	[sflag:s22] =	ssyncset.done $0x0  }
0x7e: {  	[sflag:s22] =	ssyncadd.s32 $0xFFFFC000  }
0x7f: {  	[tilespmem:s18], [sflag:$0x2] =	stream.indirect.gather [spmem:s2], $0x80, s25, s16, $0xb8;
	[tilespmem:$0x1D100] =	vst v63  }
0x80: {  	_ =	swait.ge [sflag:s19], $0x4000  }
0x81: {  	s26 =	sadd.s32 s26, s9;
	[sflag:s19] =	ssyncset.done $0x0  }
.Ltmp5:
0x82: {  	s28 =	sadd.s32 $0x15000, s26;
	[sflag:s19] =	ssyncadd.s32 $0xFFFFC000;
	(pc) =	sbr.rel @!p1 .LBB2_3-.Ltmp5, $4  }
0x83: {  	[hbm4b:s28+s3] =	stream.linear.scatter [tilespmem:s17], [sflag:$0x3], $0x4000, $0x38;
	[tilespmem:$0x1D100] =	vst v63  }
0x84: {  	_ =	swait.ge [sflag:s20], $0x4000  }
0x85: {  	[sflag:s20] =	ssyncset.done $0x0  }
0x86: {  	s26 =	sadd.s32 $0x15800, s26;
	s25 =	sadd.s32 $0x100, s25;
	[sflag:s20] =	ssyncadd.s32 $0xFFFFC000  }
.Ltmp6:
0x87: {  	(pc) =	sbr.rel .LBB2_8-.Ltmp6, $2  }
0x88: {  	_ =	sdelay $0x2  }
0x89: {  	[hbm4b:s26+s3] =	stream.linear.scatter [tilespmem:s18], [sflag:$0x4], $0x4000, $0x38;
	[tilespmem:$0x1D100] =	vst v63  }
.LBB2_9:
0x8a: {  	_ =	sfence.sel $0x180000  }
0x8b: {  	[bflag:$0x0] =	sbarrier.arrive $0xFFFF  }
0x8c: {  	p0 =	sne.s32 s1, $0x0;
	_ =	strace $0x90000056  }
0x8d: {  	s0 =	sadd.s32 @!p0 $0x100000, s0;
	[bflag:$0x2] =	sbarrier.arrive $0xFFFF  }
0x8e: {  	[sflag:s0] =	ssyncadd.tile.s32 @!p0 $0x1;
	_ =	shalt  }
.Lfunc_end2:
_tile_overlayer_lowered:
.L_overlay_start_2:
0x8f: {  	(tag) =	ssettag $0x2  }
0x90: {  	s0 =	rddreg [dreg:$0x0];
	s2 =	stileid.u32  }
0x91: {  	s1 =	rddreg [dreg:$0x1];
	p0 =	sne.s32 s2, $0x0  }
0x92: {  	s3 =	rddreg [dreg:$0x2];
	[bflag:$0x3] =	sbarrier.arrive $0xFFFF;
	s2 =	simm.s32 @!p0 $0x1C05  }
0x93: {  	[timem:s3], [sflag:s2] =	dma.local @!p0 [hbm:s0], s1  }
0x94: {  	s0 =	simm.s32 @!p0 $0x5  }
0x95: {  	_ =	swait.ge @!p0 [sflag:s0], s1  }
0x96: {  	s1 =	ssub.s32 @!p0 $0x0, s1;
	[sflag:s0] =	ssyncset.done @!p0 $0x0  }
0x97: {  	[sflag:s0] =	ssyncadd.s32 @!p0 s1  }
0x98: {  	[bflag:$0x3] =	sbarrier.arrive $0xFFFF  }
0x99: {  	_ =	shalt  }

// kernel: kernel.33.cloned.1.call-start
scs
__scs_entry_jumppad:
0x0: {  	(pc) =	sbr.rel $0x88, $3  }
0x1: {  	(tag) =	ssettag $0x0;
	lr =	simm.s32 $0x1  }
0x2: {  	[smem:$0x3F86] =	sst lr;
	_ =	strace $0xD0000000  }
0x3: {  	_ = 	snop  }
0x4: {  	_ = 	snop  }
0x5: {  	_ = 	snop  }
0x6: {  	_ = 	snop  }
0x7: {  	_ = 	snop  }
__scs_overlays_trampoline_lowered:
0x8: {  	[smem:$0x3F95] =	sst s0  }
0x9: {  	[smem:$0x3F96] =	sst s1  }
0xa: {  	[smem:$0x3F97] =	sst s2  }
0xb: {  	[smem:$0x3F98] =	sst s3  }
0xc: {  	[smem:$0x3F99] =	sst s4  }
0xd: {  	[smem:$0x3F9A] =	sst s5  }
0xe: {  	[smem:$0x3F9B] =	sst s6  }
0xf: {  	[smem:$0x3F9C] =	sst s7  }
0x10: {  	[smem:$0x3F9D] =	sst s8  }
0x11: {  	[smem:$0x3F9E] =	sst s9;
	s0 =	simm.s32 @!p0 $0x0  }
0x12: {  	s1 =	sld [smem:$0x3F84];
	s0 =	simm.s32 @p0 $0x1  }
0x13: {  	[smem:$0x3F9F] =	sst s0;
	s0 =	simm.s32 @!p1 $0x0  }
0x14: {  	s2 =	sld [smem:$0x3F83];
	s0 =	simm.s32 @p1 $0x1  }
0x15: {  	[smem:$0x3FA0] =	sst s0;
	s0 =	simm.s32 @!p2 $0x0  }
0x16: {  	s3 =	sld [smem:$0x3FDB];
	s0 =	simm.s32 @p2 $0x1  }
0x17: {  	s4 =	simm.s32 $0x1BF5;
	[smem:$0x3FA2] =	sst s0  }
0x18: {  	s0 =	sld [smem:$0x3F85];
	_ =	swait.ge [sflag:s4], $0x0  }
0x19: {  	s7 =	sld [smem:$0x3F86]  }
0x1a: {  	s8 =	sadd.s32 $0xFFFFE003, lr  }
0x1b: {  	s9 =	sadd.s32 $0xFFFFFEF7, lr;
	s5 =	simm.s32 $0xFFFFFFFF;
	p2 =	slt.u32 s8, $0xFFFFF086  }
0x1c: {  	p1 =	slt.u32 s9, $0xF7A;
	s5 =	simm.s32 @!p2 $0x0  }
0x1d: {  	s5 =	simm.s32 @p1 $0x1;
	p0 =	seq.s32 s7, s2  }
0x1e: {  	s7 =	smul.u32 @!p0 $0xF7A, s2;
	p2 =	seq.s32 @!p0 s5, $0x0  }
0x1f: {  	s9 =	smul.u32 $0xF7A, s1;
	s8 =	simm.s32 @!p0 $0x1BF5;
	p2 =	por !p2, p0  }
0x20: {  	[sflag:s8] =	ssyncset.s32 @!p0 $0xFFFFF086;
	s6 =	sadd.s32 @!p0 s3, s7;
	s7 =	simm.s32 @!p0 $0x108  }
0x21: {  	s3 =	sadd.s32 s3, s9;
	s6 =	sadd.s32 @!p0 $0x88, s6;
	s7 =	simm.s32 @p2 $0x1082  }
0x22: {  	[simem:s7], [sflag:s8] =	dma.local @!p0 [hbm:s6], $0xF7A  }
0x23: {  	s9 =	sor.u32 $0xD0000000, s2;
	s6 =	simm.s32 $0x108;
	_ =	swait.ge @!p0 [sflag:s8], $0x0  }
0x24: {  	s3 =	sadd.s32 $0x88, s3;
	s6 =	simm.s32 @!p1 $0x1082;
	[sflag:s4] =	ssyncset.s32 $0xFFFFF086  }
0x25: {  	[simem:s6], [sflag:s4] =	dma.local [hbm:s3], $0xF7A  }
0x26: {  	[smem:$0x3F86] =	sst s1;
	(tag) =	ssettag s2;
	_ =	strace s9  }
0x27: {  	s1 =	sld [smem:$0x3F96]  }
0x28: {  	s2 =	sld [smem:$0x3F97]  }
0x29: {  	s4 =	sld [smem:$0x3F99]  }
0x2a: {  	p0 =	seq.s32 s5, $0x0;
	s5 =	sld [smem:$0x3F9A]  }
0x2b: {  	s6 =	sld [smem:$0x3F9B]  }
0x2c: {  	s7 =	sld [smem:$0x3F9C]  }
0x2d: {  	s3 =	simm.s32 $0x108;
	s8 =	sld [smem:$0x3F9D]  }
0x2e: {  	s3 =	simm.s32 @!p0 $0x1082;
	s9 =	sld [smem:$0x3F9E]  }
0x2f: {  	lr =	sadd.s32 s0, s3;
	s0 =	sld [smem:$0x3F95]  }
0x30: {  	s3 =	sld [smem:$0x3F98]  }
0x31: {  	[smem:$0x3FA1] =	sst s10  }
0x32: {  	s10 =	sld [smem:$0x3F9F];
	_ =	sdelay $0x3  }
0x33: {  	p0 =	seq.s32 s10, $0x1;
	s10 =	sld [smem:$0x3FA1];
	_ =	sdelay $0x3  }
0x34: {  	[smem:$0x3FA1] =	sst s10  }
0x35: {  	s10 =	sld [smem:$0x3FA0];
	_ =	sdelay $0x3  }
0x36: {  	p1 =	seq.s32 s10, $0x1;
	s10 =	sld [smem:$0x3FA1];
	_ =	sdelay $0x3  }
0x37: {  	[smem:$0x3FA1] =	sst s10  }
0x38: {  	s10 =	sld [smem:$0x3FA2]  }
0x39: {  	_ = 	snop;
	(pc) =	sbr.ind lr, $3  }
0x3a: {  	_ = 	snop  }
0x3b: {  	_ = 	snop  }
0x3c: {  	p2 =	seq.s32 s10, $0x1;
	s10 =	sld [smem:$0x3FA1]  }
0x3d: {  	_ =	shalt  }
0x3e: {  	_ =	shalt  }
0x3f: {  	_ =	shalt  }
0x40: {  	_ =	shalt  }
0x41: {  	_ =	shalt  }
0x42: {  	_ =	shalt  }
0x43: {  	_ =	shalt  }
0x44: {  	_ =	shalt  }
0x45: {  	_ =	shalt  }
0x46: {  	_ =	shalt  }
0x47: {  	_ =	shalt  }
0x48: {  	_ =	shalt  }
0x49: {  	_ =	shalt  }
0x4a: {  	_ =	shalt  }
0x4b: {  	_ =	shalt  }
0x4c: {  	_ =	shalt  }
0x4d: {  	_ =	shalt  }
0x4e: {  	_ =	shalt  }
0x4f: {  	_ =	shalt  }
0x50: {  	_ =	shalt  }
0x51: {  	_ =	shalt  }
0x52: {  	_ =	shalt  }
0x53: {  	_ =	shalt  }
0x54: {  	_ =	shalt  }
0x55: {  	_ =	shalt  }
0x56: {  	_ =	shalt  }
0x57: {  	_ =	shalt  }
0x58: {  	_ =	shalt  }
0x59: {  	_ =	shalt  }
0x5a: {  	_ =	shalt  }
0x5b: {  	_ =	shalt  }
0x5c: {  	_ =	shalt  }
0x5d: {  	_ =	shalt  }
0x5e: {  	_ =	shalt  }
0x5f: {  	_ =	shalt  }
0x60: {  	_ =	shalt  }
0x61: {  	_ =	shalt  }
0x62: {  	_ =	shalt  }
0x63: {  	_ =	shalt  }
0x64: {  	_ =	shalt  }
0x65: {  	_ =	shalt  }
0x66: {  	_ =	shalt  }
0x67: {  	_ =	shalt  }
0x68: {  	_ =	shalt  }
0x69: {  	_ =	shalt  }
0x6a: {  	_ =	shalt  }
0x6b: {  	_ =	shalt  }
0x6c: {  	_ =	shalt  }
0x6d: {  	_ =	shalt  }
0x6e: {  	_ =	shalt  }
0x6f: {  	_ =	shalt  }
0x70: {  	_ =	shalt  }
0x71: {  	_ =	shalt  }
0x72: {  	_ =	shalt  }
0x73: {  	_ =	shalt  }
0x74: {  	_ =	shalt  }
0x75: {  	_ =	shalt  }
0x76: {  	_ =	shalt  }
0x77: {  	_ =	shalt  }
0x78: {  	_ =	shalt  }
0x79: {  	_ =	shalt  }
0x7a: {  	_ =	shalt  }
0x7b: {  	_ =	shalt  }
0x7c: {  	_ =	shalt  }
0x7d: {  	_ =	shalt  }
0x7e: {  	_ =	shalt  }
0x7f: {  	_ =	shalt  }
0x80: {  	_ =	shalt  }
0x81: {  	_ =	shalt  }
0x82: {  	_ =	shalt  }
0x83: {  	_ =	shalt  }
0x84: {  	_ =	shalt  }
0x85: {  	_ =	shalt  }
0x86: {  	_ =	shalt  }
0x87: {  	_ =	shalt  }
.Lfunc_end0:
.L_simem_size_0:
called_computation.5_lowered:
.L_overlay_start_0:
0x88: {  	s2 =	sld [smem:$0x3FD9]  }
0x89: {  	s3 =	sld [smem:$0x3FFE];
	_ =	sdelay $0x1  }
0x8a: {  	s1 =	srdreg.scid  }
0x8b: {  	s0 =	sand.u32 $0x1, s1  }
0x8c: {  	s17 =	sshll.u32 s0, $0xA;
	s2 =	sadd.s32 s3, s2  }
0x8d: {  	s2 =	sadd.s32 s2, s17  }
0x8e: {  	[smem:$0x3FAD] =	sst s2  }
0x8f: {  	_ = 	snop  }
0x90: {  	(tm) =	ssettm $0x1  }
0x91: {  	s18 =	sld [smem:$0x3FFB];
	_ =	sdelay $0x3  }
0x92: {  	_ =	strace s18  }
0x93: {  	s2 =	sld [smem:$0x3FFC];
	_ =	sdelay $0x3  }
0x94: {  	_ =	strace s2  }
0x95: {  	s2 =	sld [smem:$0x3FFD];
	_ =	sdelay $0x3  }
0x96: {  	_ =	strace s2  }
0x97: {  	_ =	strace $0x8FFFFFFF  }
0x98: {  	s19 =	sld [smem:$0x3FDB];
	_ =	sdelay $0x1  }
0x99: {  	s20 =	simm.s32 $_scs_section_size  }
0x9a: {  	s4 =	simm.s32 $_size__tile_overlayer_lowered;
	s5 =	simm.s32 $_tile_overlayer_lowered  }
0x9b: {  	s6 =	simm.s32 $0x1BFF;
	s21 =	sshll.u32 s5, $0x1;
	s3 =	sadd.s32 s20, s19  }
0x9c: {  	s22 =	simm.s32 $0x0;
	s4 =	sshll.u32 s4, $0x1;
	s5 =	sadd.s32 s21, s3  }
0x9d: {  	[timem:s22], [sflag:s6] =	dma.local [hbm:s5], s4  }
0x9e: {  	_ =	swait.ge [sflag:s6], s4  }
0x9f: {  	s4 =	ssub.s32 $0x0, s4;
	[sflag:s6] =	ssyncset.done $0x0  }
0xa0: {  	[sflag:s6] =	ssyncadd.s32 s4;
	_ =	sdelay $0x1  }
0xa1: {  	s23 =	simm.s32 $0x1B8B  }
0xa2: {  	_ =	swait.ge [sflag:s23], $0x1  }
0xa3: {  	[sflag:s23] =	ssyncset.done $0x0  }
0xa4: {  	[sflag:s23] =	ssyncadd.s32 $0xFFFFFFFF  }
0xa5: {  	s4 =	sld [smem:$0x0]  }
0xa6: {  	s5 =	sand.u32 $0xFFFFFFFE, s1  }
0xa7: {  	p0 =	sne.s32 s1, s5  }
0xa8: {  	s5 =	sshll.u32 @p0 s5, $0xE  }
0xa9: {  	s5 =	sadd.s32 @p0 $0x11B8D, s5;
	s6 =	sshll.u32 @p0 s4, $0x11  }
0xaa: {  	s5 =	sor.u32 @p0 s6, s5  }
0xab: {  	[sflag:s5] =	ssyncadd.remote.s32 @p0 $0x1;
	_ =	sdelay $0x1  }
0xac: {  	s5 =	simm.s32 @p0 $0x1B8D  }
0xad: {  	_ =	swait.eq @p0 [sflag:s5], $0x1  }
0xae: {  	[sflag:s5] =	ssyncadd.s32 @p0 $0xFFFFFFFF  }
0xaf: {  	s6 =	sshll.u32 @!p0 s1, $0xE  }
0xb0: {  	s6 =	sor.u32 @!p0 $0x4000, s6;
	s5 =	simm.s32 @!p0 $0x1B8D  }
0xb1: {  	s4 =	sshll.u32 @!p0 s4, $0x11;
	s6 =	sadd.s32 @!p0 $0x11B8D, s6;
	_ =	swait.eq @!p0 [sflag:s5], $0x1  }
0xb2: {  	s4 =	sor.u32 @!p0 s4, s6;
	[sflag:s5] =	ssyncadd.s32 @!p0 $0xFFFFFFFF  }
0xb3: {  	s25 =	simm.s32 $0x1B8E;
	s24 =	sld [smem:$0x3FFE];
	[sflag:s4] =	ssyncadd.remote.s32 @!p0 $0x1  }
0xb4: {  	s26 =	simm.s32 $execute0_lowered;
	[smem:$0x3FD2] =	sst s25  }
0xb5: {  	s5 =	sshll.u32 s26, $0x1;
	_ =	strace $0x8000005B;
	[dreg:$0x1] =	wrdreg $0xFFFFFFFF  }
0xb6: {  	s28 =	simm.s32 $_size_execute0_lowered;
	s3 =	sadd.s32 s3, s5;
	[dreg:$0x0] =	wrdreg $0x0  }
0xb7: {  	s5 =	sshll.u32 s28, $0x1;
	[dreg:$0x2] =	wrdreg s3  }
0xb8: {  	[dreg:$0x3] =	wrdreg s5  }
0xb9: {  	[dreg:$0x4] =	wrdreg $0xC0  }
0xba: {  	_ =	task [dreg:s22], $0x5FFFF  }
0xbb: {  	[dreg:$0x1] =	wrdreg $0xFFFFFFFF  }
0xbc: {  	[dreg:$0x0] =	wrdreg $0x60  }
0xbd: {  	[dreg:$0x2] =	wrdreg s24  }
0xbe: {  	[dreg:$0x3] =	wrdreg $0x70000  }
0xbf: {  	[dreg:$0x4] =	wrdreg $0x9  }
0xc0: {  	_ =	task.clear_ibuf [dreg:s22], $0x5FFFF;
	_ =	strace $0x9000005B  }
0xc1: {  	s29 =	simm.s32 $0x9;
	_ =	strace $0x8000005D  }
0xc2: {  	_ =	swait.ge [sflag:s29], $0x1  }
0xc3: {  	[sflag:s29] =	ssyncadd.s32 $0xFFFFFFFF  }
0xc4: {  	_ =	strace $0x9000005D  }
0xc5: {  	_ =	sfence  }
0xc6: {  	s30 =	sld [smem:$0x0];
	_ =	sdelay $0x2  }
0xc7: {  	s31 =	sshll.u32 s1, $0xD;
	s1 =	sshrl.u32 s1, $0x2  }
0xc8: {  	s4 =	sand.u32 $0x4000, s31;
	s1 =	sadd.s32 s1, s30  }
0xc9: {  	s0 =	sor.u32 s4, s0;
	s1 =	sshll.u32 s1, $0x11  }
0xca: {  	s0 =	sor.u32 s1, s0  }
0xcb: {  	s0 =	sadd.s32 $0x8F2B, s0  }
0xcc: {  	[sflag:s0] =	ssyncadd.remote.s32 $0x1  }
0xcd: {  	_ =	sfence.sel $0xFFFF  }
0xce: {  	[dreg:$0x0] =	wrdreg $0xFFFFFFFF;
	(pc) =	sbr.abs _section_cstart, $3  }
0xcf: {  	[dreg:$0x1] =	wrdreg $0xFFFFFFFF  }
0xd0: {  	_ =	task.clear_ibuf [dreg:s22], $0x2FFFF;
	_ =	strace $0x9FFFFFFF  }
0xd1: {  	(tm) =	ssettm $0x7FFFFFFF  }
tec
execute0_lowered:
.L_overlay_start_1:
0x0: {  	(tag) =	ssettag $0x1  }
0x1: {  	s4 =	rddreg [dreg:$0x0]  }
0x2: {  	s2 =	rddreg [dreg:$0x1]  }
0x3: {  	s3 =	srdreg.scid;
	s1 =	stileid.u32  }
0x4: {  	s0 =	rddreg [dreg:$0x2];
	s16 =	simm.s32 $0x1;
	s17 =	simm.s32 $0x60  }
0x5: {  	s18 =	simm.s32 $0x2;
	s19 =	simm.s32 $0x80;
	s20 =	simm.s32 $0x3  }
0x6: {  	s21 =	simm.s32 $0x4;
	s22 =	simm.s32 $0x0;
	s6 =	smul.u32 $0x13C00, s1  }
0x7: {  	s7 =	sand.u32 $0x1, s3;
	s5 =	sshll.u32 s1, $0x1;
	s24 =	smul.u32 $0x4F000, s1  }
0x8: {  	s3 =	simm.s32 $0x0;
	s10 =	sadd.s32 $0x450000, s4;
	s31 =	smul.u32 $0x15000, s1  }
0x9: {  	s30 =	sshll.u32 s1, $0x6;
	s5 =	sor.u32 s7, s5;
	s9 =	smul.u32 $0x13C000, s7  }
0xa: {  	[smem:$0x7FF] =	sst s3;
	s12 =	ssub.s32 $0x2, s7;
	s15 =	smul.u32 $0xA800, s7  }
0xb: {  	s8 =	sshll.u32 s5, $0x9;
	_ =	strace $0x8000005C;
	s11 =	sshrl.u32 s6, $0x3  }
0xc: {  	s25 =	sshrl.u32 s12, $0x1;
	s26 =	sshrl.u32 s24, $0x2;
	s14 =	smul.u32 $0xA800, s5  }
0xd: {  	s5 =	sor.u32 $0x1C05, s30;
	s8 =	sadd.s32 s8, s4;
	s6 =	sadd.s32 s6, s9  }
0xe: {  	s11 =	sadd.s32 s11, s4;
	s28 =	ssub.s32 s12, s25;
	s29 =	sadd.s32 s26, s2  }
0xf: {  	s6 =	sshrl.u32 s6, $0x3;
	s9 =	smax.u32 s28, $0x1;
	s12 =	sshrl.u32 s29, $0x3  }
0x10: {  	s13 =	sadd.s32 s6, s4;
	s4 =	sadd.s32 $0x651400, s11;
	s6 =	sadd.s32 $0x6C7C00, s8  }
0x11: {  	s8 =	sadd.s32 s10, s14;
	s11 =	sadd.s32 s31, s10;
	s14 =	simm.s32 $0x1000  }
0x12: {  	s7 =	sadd.s32 $0x678C00, s13;
	s10 =	sadd.s32 $0x600, s8;
	s11 =	sadd.s32 s15, s11  }
0x13: {  	s13 =	simm.s32 $0x5;
	s15 =	simm.s32 $0x4000;
	s11 =	sadd.s32 $0x1200, s11  }
.LBB2_1:
0x14: {  	[spmem:s12], [sflag:s5] =	dma.local [hbm:s4], $0x2780  }
0x15: {  	_ =	swait.ge [sflag:s13], $0x2780  }
0x16: {  	[sflag:s13] =	ssyncset.done $0x0  }
0x17: {  	[sflag:s13] =	ssyncadd.s32 $0xFFFFD880  }
0x18: {  	[tilespmem:s3], [sflag:$0x5] =	stream.linear.gather [hbm4b:s6+s3], $0xE00, $0x38;
	[tilespmem:$0x1AC00] =	vst v63  }
0x19: {  	_ =	swait.ge [sflag:s13], $0xE00  }
0x1a: {  	[sflag:s13] =	ssyncset.done $0x0  }
0x1b: {  	[sflag:s13] =	ssyncadd.s32 $0xFFFFF200  }
0x1c: {  	[bflag:$0x0] =	sbarrier.arrive $0xFFFF  }
0x1d: {  	[tilespmem:s14], [sflag:$0x1] =	stream.linear.gather [hbm4b:s8+s3], $0x3000, $0x38;
	[tilespmem:$0x1AC00] =	vst v63  }
0x1e: {  	_ = 	snop  }
0x1f: {  	[tilespmem:s15], [sflag:$0x2] =	stream.linear.gather [hbm4b:s10+s3], $0x3000, $0x38;
	[tilespmem:$0x1AC00] =	vst v63  }
0x20: {  	_ =	swait.ge [sflag:s16], $0x3000  }
0x21: {  	[sflag:s16] =	ssyncset.done $0x0  }
0x22: {  	[sflag:s16] =	ssyncadd.s32 $0xFFFFD000  }
0x23: {  	[spmem:s2] =	stream.indirect.scatter.add.f32 [tilespmem:s14], [sflag:$0x3], $0x80, s3, s17, $0xb8;
	[tilespmem:$0x1AC00] =	vst v63  }
0x24: {  	_ =	swait.ge [sflag:s18], $0x3000  }
0x25: {  	[sflag:s18] =	ssyncset.done $0x0  }
0x26: {  	[sflag:s18] =	ssyncadd.s32 $0xFFFFD000  }
0x27: {  	[spmem:s2] =	stream.indirect.scatter.add.f32 [tilespmem:s15], [sflag:$0x4], $0x80, s19, s17, $0xb8;
	[tilespmem:$0x1AC00] =	vst v63  }
0x28: {  	_ =	swait.ge [sflag:s20], $0x3000  }
0x29: {  	[sflag:s20] =	ssyncset.done $0x0  }
0x2a: {  	s23 =	sadd.s32 $0xFFFFFA00, s11;
	[sflag:s20] =	ssyncadd.s32 $0xFFFFD000  }
0x2b: {  	[tilespmem:s14], [sflag:$0x1] =	stream.linear.gather [hbm4b:s23+s3], $0x3000, $0x38;
	[tilespmem:$0x1AC00] =	vst v63  }
0x2c: {  	_ =	swait.ge [sflag:s21], $0x3000  }
0x2d: {  	[sflag:s21] =	ssyncset.done $0x0  }
0x2e: {  	[sflag:s21] =	ssyncadd.s32 $0xFFFFD000  }
0x2f: {  	[tilespmem:s15], [sflag:$0x2] =	stream.linear.gather [hbm4b:s11+s3], $0x3000, $0x38;
	[tilespmem:$0x1AC00] =	vst v63  }
0x30: {  	_ =	swait.ge [sflag:s16], $0x3000  }
0x31: {  	[sflag:s16] =	ssyncset.done $0x0  }
0x32: {  	s31 =	simm.s32 $0x100;
	[sflag:s16] =	ssyncadd.s32 $0xFFFFD000  }
0x33: {  	[spmem:s2] =	stream.indirect.scatter.add.f32 [tilespmem:s14], [sflag:$0x3], $0x80, s31, s17, $0xb8;
	[tilespmem:$0x1AC00] =	vst v63  }
0x34: {  	_ =	swait.ge [sflag:s18], $0x3000  }
0x35: {  	s25 =	simm.s32 $0x180;
	[sflag:s18] =	ssyncset.done $0x0  }
0x36: {  	s24 =	sadd.s32 $0xC00, s11;
	s23 =	simm.s32 $0x400;
	[sflag:s18] =	ssyncadd.s32 $0xFFFFD000  }
.LBB2_2:
0x37: {  	[spmem:s2] =	stream.indirect.scatter.add.f32 [tilespmem:s15], [sflag:$0x4], $0x80, s25, s17, $0xb8;
	[tilespmem:$0x1AC00] =	vst v63  }
0x38: {  	s25 =	smov.u32 s23  }
0x39: {  	p0 =	sne.s32 s23, $0x3000;
	s23 =	sadd.s32 $0x400, s23;
	_ =	swait.ge [sflag:s20], $0x3000  }
0x3a: {  	[sflag:s20] =	ssyncset.done $0x0  }
0x3b: {  	s26 =	sadd.s32 $0xFFFFFA00, s24;
	[sflag:s20] =	ssyncadd.s32 $0xFFFFD000  }
0x3c: {  	[tilespmem:s14], [sflag:$0x1] =	stream.linear.gather [hbm4b:s26+s3], $0x3000, $0x38;
	[tilespmem:$0x1AC00] =	vst v63  }
0x3d: {  	_ =	swait.ge [sflag:s21], $0x3000  }
0x3e: {  	[sflag:s21] =	ssyncset.done $0x0  }
0x3f: {  	[sflag:s21] =	ssyncadd.s32 $0xFFFFD000  }
0x40: {  	[tilespmem:s15], [sflag:$0x2] =	stream.linear.gather [hbm4b:s24+s3], $0x3000, $0x38;
	[tilespmem:$0x1AC00] =	vst v63  }
0x41: {  	_ =	swait.ge [sflag:s16], $0x3000  }
0x42: {  	s25 =	sshra.s32 s25, $0x2;
	[sflag:s16] =	ssyncset.done $0x0  }
.Ltmp0:
0x43: {  	s26 =	sadd.s32 $0x100, s25;
	[sflag:s16] =	ssyncadd.s32 $0xFFFFD000;
	(pc) =	sbr.rel @p0 .LBB2_2-.Ltmp0, $4  }
0x44: {  	[spmem:s2] =	stream.indirect.scatter.add.f32 [tilespmem:s14], [sflag:$0x3], $0x80, s26, s17, $0xb8;
	[tilespmem:$0x1AC00] =	vst v63  }
0x45: {  	_ =	swait.ge [sflag:s18], $0x3000  }
0x46: {  	[sflag:s18] =	ssyncset.done $0x0  }
0x47: {  	s25 =	sadd.s32 $0x180, s25;
	s24 =	sadd.s32 $0xC00, s24;
	[sflag:s18] =	ssyncadd.s32 $0xFFFFD000  }
0x48: {  	[spmem:s2] =	stream.indirect.scatter.add.f32 [tilespmem:s15], [sflag:$0x4], $0x80, s25, s17, $0xb8;
	[tilespmem:$0x1AC00] =	vst v63  }
0x49: {  	_ =	swait.ge [sflag:s20], $0x3000  }
0x4a: {  	[sflag:s20] =	ssyncset.done $0x0  }
0x4b: {  	[sflag:s20] =	ssyncadd.s32 $0xFFFFD000  }
0x4c: {  	_ =	swait.ge [sflag:s21], $0x3000  }
0x4d: {  	s22 =	sadd.s32 $0x1, s22;
	[sflag:s21] =	ssyncset.done $0x0  }
0x4e: {  	p0 =	sne.s32 s22, s9;
	[sflag:s21] =	ssyncadd.s32 $0xFFFFD000  }
.Ltmp1:
0x4f: {  	[bflag:$0x0] =	sbarrier.arrive $0xFFFF;
	(pc) =	sbr.rel @p0 .LBB2_1-.Ltmp1, $4  }
0x50: {  	[hbm:s7], [sflag:s5] =	dma.local [spmem:s12], $0x2780  }
0x51: {  	_ =	swait.ge [sflag:s13], $0x2780  }
0x52: {  	[sflag:s13] =	ssyncset.done $0x0  }
0x53: {  	[sflag:s13] =	ssyncadd.s32 $0xFFFFD880  }
0x54: {  	_ =	sfence.sel $0x180000  }
0x55: {  	[bflag:$0x0] =	sbarrier.arrive $0xFFFF  }
0x56: {  	p0 =	sne.s32 s1, $0x0;
	_ =	strace $0x9000005C  }
0x57: {  	s0 =	sadd.s32 @!p0 $0x100000, s0;
	[bflag:$0x2] =	sbarrier.arrive $0xFFFF  }
0x58: {  	[sflag:s0] =	ssyncadd.tile.s32 @!p0 $0x1;
	_ =	shalt  }
.Lfunc_end2:
_tile_overlayer_lowered:
.L_overlay_start_2:
0x59: {  	(tag) =	ssettag $0x2  }
0x5a: {  	s0 =	rddreg [dreg:$0x0];
	s2 =	stileid.u32  }
0x5b: {  	s1 =	rddreg [dreg:$0x1];
	p0 =	sne.s32 s2, $0x0  }
0x5c: {  	s3 =	rddreg [dreg:$0x2];
	[bflag:$0x3] =	sbarrier.arrive $0xFFFF;
	s2 =	simm.s32 @!p0 $0x1C05  }
0x5d: {  	[timem:s3], [sflag:s2] =	dma.local @!p0 [hbm:s0], s1  }
0x5e: {  	s0 =	simm.s32 @!p0 $0x5  }
0x5f: {  	_ =	swait.ge @!p0 [sflag:s0], s1  }
0x60: {  	s1 =	ssub.s32 @!p0 $0x0, s1;
	[sflag:s0] =	ssyncset.done @!p0 $0x0  }
0x61: {  	[sflag:s0] =	ssyncadd.s32 @!p0 s1  }
0x62: {  	[bflag:$0x3] =	sbarrier.arrive $0xFFFF  }
0x63: {  	_ =	shalt  }

// kernel: kernel.36.cloned.1.call-start
scs
__scs_entry_jumppad:
0x0: {  	(pc) =	sbr.rel $0x88, $3  }
0x1: {  	(tag) =	ssettag $0x0;
	lr =	simm.s32 $0x1  }
0x2: {  	[smem:$0x3F86] =	sst lr;
	_ =	strace $0xD0000000  }
0x3: {  	_ = 	snop  }
0x4: {  	_ = 	snop  }
0x5: {  	_ = 	snop  }
0x6: {  	_ = 	snop  }
0x7: {  	_ = 	snop  }
__scs_overlays_trampoline_lowered:
0x8: {  	[smem:$0x3F95] =	sst s0  }
0x9: {  	[smem:$0x3F96] =	sst s1  }
0xa: {  	[smem:$0x3F97] =	sst s2  }
0xb: {  	[smem:$0x3F98] =	sst s3  }
0xc: {  	[smem:$0x3F99] =	sst s4  }
0xd: {  	[smem:$0x3F9A] =	sst s5  }
0xe: {  	[smem:$0x3F9B] =	sst s6  }
0xf: {  	[smem:$0x3F9C] =	sst s7  }
0x10: {  	[smem:$0x3F9D] =	sst s8  }
0x11: {  	[smem:$0x3F9E] =	sst s9;
	s0 =	simm.s32 @!p0 $0x0  }
0x12: {  	s1 =	sld [smem:$0x3F84];
	s0 =	simm.s32 @p0 $0x1  }
0x13: {  	[smem:$0x3F9F] =	sst s0;
	s0 =	simm.s32 @!p1 $0x0  }
0x14: {  	s2 =	sld [smem:$0x3F83];
	s0 =	simm.s32 @p1 $0x1  }
0x15: {  	[smem:$0x3FA0] =	sst s0;
	s0 =	simm.s32 @!p2 $0x0  }
0x16: {  	s3 =	sld [smem:$0x3FDB];
	s0 =	simm.s32 @p2 $0x1  }
0x17: {  	s4 =	simm.s32 $0x1BF5;
	[smem:$0x3FA2] =	sst s0  }
0x18: {  	s0 =	sld [smem:$0x3F85];
	_ =	swait.ge [sflag:s4], $0x0  }
0x19: {  	s7 =	sld [smem:$0x3F86]  }
0x1a: {  	s8 =	sadd.s32 $0xFFFFE003, lr  }
0x1b: {  	s9 =	sadd.s32 $0xFFFFFEF7, lr;
	s5 =	simm.s32 $0xFFFFFFFF;
	p2 =	slt.u32 s8, $0xFFFFF086  }
0x1c: {  	p1 =	slt.u32 s9, $0xF7A;
	s5 =	simm.s32 @!p2 $0x0  }
0x1d: {  	s5 =	simm.s32 @p1 $0x1;
	p0 =	seq.s32 s7, s2  }
0x1e: {  	s7 =	smul.u32 @!p0 $0xF7A, s2;
	p2 =	seq.s32 @!p0 s5, $0x0  }
0x1f: {  	s9 =	smul.u32 $0xF7A, s1;
	s8 =	simm.s32 @!p0 $0x1BF5;
	p2 =	por !p2, p0  }
0x20: {  	[sflag:s8] =	ssyncset.s32 @!p0 $0xFFFFF086;
	s6 =	sadd.s32 @!p0 s3, s7;
	s7 =	simm.s32 @!p0 $0x108  }
0x21: {  	s3 =	sadd.s32 s3, s9;
	s6 =	sadd.s32 @!p0 $0x88, s6;
	s7 =	simm.s32 @p2 $0x1082  }
0x22: {  	[simem:s7], [sflag:s8] =	dma.local @!p0 [hbm:s6], $0xF7A  }
0x23: {  	s9 =	sor.u32 $0xD0000000, s2;
	s6 =	simm.s32 $0x108;
	_ =	swait.ge @!p0 [sflag:s8], $0x0  }
0x24: {  	s3 =	sadd.s32 $0x88, s3;
	s6 =	simm.s32 @!p1 $0x1082;
	[sflag:s4] =	ssyncset.s32 $0xFFFFF086  }
0x25: {  	[simem:s6], [sflag:s4] =	dma.local [hbm:s3], $0xF7A  }
0x26: {  	[smem:$0x3F86] =	sst s1;
	(tag) =	ssettag s2;
	_ =	strace s9  }
0x27: {  	s1 =	sld [smem:$0x3F96]  }
0x28: {  	s2 =	sld [smem:$0x3F97]  }
0x29: {  	s4 =	sld [smem:$0x3F99]  }
0x2a: {  	p0 =	seq.s32 s5, $0x0;
	s5 =	sld [smem:$0x3F9A]  }
0x2b: {  	s6 =	sld [smem:$0x3F9B]  }
0x2c: {  	s7 =	sld [smem:$0x3F9C]  }
0x2d: {  	s3 =	simm.s32 $0x108;
	s8 =	sld [smem:$0x3F9D]  }
0x2e: {  	s3 =	simm.s32 @!p0 $0x1082;
	s9 =	sld [smem:$0x3F9E]  }
0x2f: {  	lr =	sadd.s32 s0, s3;
	s0 =	sld [smem:$0x3F95]  }
0x30: {  	s3 =	sld [smem:$0x3F98]  }
0x31: {  	[smem:$0x3FA1] =	sst s10  }
0x32: {  	s10 =	sld [smem:$0x3F9F];
	_ =	sdelay $0x3  }
0x33: {  	p0 =	seq.s32 s10, $0x1;
	s10 =	sld [smem:$0x3FA1];
	_ =	sdelay $0x3  }
0x34: {  	[smem:$0x3FA1] =	sst s10  }
0x35: {  	s10 =	sld [smem:$0x3FA0];
	_ =	sdelay $0x3  }
0x36: {  	p1 =	seq.s32 s10, $0x1;
	s10 =	sld [smem:$0x3FA1];
	_ =	sdelay $0x3  }
0x37: {  	[smem:$0x3FA1] =	sst s10  }
0x38: {  	s10 =	sld [smem:$0x3FA2]  }
0x39: {  	_ = 	snop;
	(pc) =	sbr.ind lr, $3  }
0x3a: {  	_ = 	snop  }
0x3b: {  	_ = 	snop  }
0x3c: {  	p2 =	seq.s32 s10, $0x1;
	s10 =	sld [smem:$0x3FA1]  }
0x3d: {  	_ =	shalt  }
0x3e: {  	_ =	shalt  }
0x3f: {  	_ =	shalt  }
0x40: {  	_ =	shalt  }
0x41: {  	_ =	shalt  }
0x42: {  	_ =	shalt  }
0x43: {  	_ =	shalt  }
0x44: {  	_ =	shalt  }
0x45: {  	_ =	shalt  }
0x46: {  	_ =	shalt  }
0x47: {  	_ =	shalt  }
0x48: {  	_ =	shalt  }
0x49: {  	_ =	shalt  }
0x4a: {  	_ =	shalt  }
0x4b: {  	_ =	shalt  }
0x4c: {  	_ =	shalt  }
0x4d: {  	_ =	shalt  }
0x4e: {  	_ =	shalt  }
0x4f: {  	_ =	shalt  }
0x50: {  	_ =	shalt  }
0x51: {  	_ =	shalt  }
0x52: {  	_ =	shalt  }
0x53: {  	_ =	shalt  }
0x54: {  	_ =	shalt  }
0x55: {  	_ =	shalt  }
0x56: {  	_ =	shalt  }
0x57: {  	_ =	shalt  }
0x58: {  	_ =	shalt  }
0x59: {  	_ =	shalt  }
0x5a: {  	_ =	shalt  }
0x5b: {  	_ =	shalt  }
0x5c: {  	_ =	shalt  }
0x5d: {  	_ =	shalt  }
0x5e: {  	_ =	shalt  }
0x5f: {  	_ =	shalt  }
0x60: {  	_ =	shalt  }
0x61: {  	_ =	shalt  }
0x62: {  	_ =	shalt  }
0x63: {  	_ =	shalt  }
0x64: {  	_ =	shalt  }
0x65: {  	_ =	shalt  }
0x66: {  	_ =	shalt  }
0x67: {  	_ =	shalt  }
0x68: {  	_ =	shalt  }
0x69: {  	_ =	shalt  }
0x6a: {  	_ =	shalt  }
0x6b: {  	_ =	shalt  }
0x6c: {  	_ =	shalt  }
0x6d: {  	_ =	shalt  }
0x6e: {  	_ =	shalt  }
0x6f: {  	_ =	shalt  }
0x70: {  	_ =	shalt  }
0x71: {  	_ =	shalt  }
0x72: {  	_ =	shalt  }
0x73: {  	_ =	shalt  }
0x74: {  	_ =	shalt  }
0x75: {  	_ =	shalt  }
0x76: {  	_ =	shalt  }
0x77: {  	_ =	shalt  }
0x78: {  	_ =	shalt  }
0x79: {  	_ =	shalt  }
0x7a: {  	_ =	shalt  }
0x7b: {  	_ =	shalt  }
0x7c: {  	_ =	shalt  }
0x7d: {  	_ =	shalt  }
0x7e: {  	_ =	shalt  }
0x7f: {  	_ =	shalt  }
0x80: {  	_ =	shalt  }
0x81: {  	_ =	shalt  }
0x82: {  	_ =	shalt  }
0x83: {  	_ =	shalt  }
0x84: {  	_ =	shalt  }
0x85: {  	_ =	shalt  }
0x86: {  	_ =	shalt  }
0x87: {  	_ =	shalt  }
.Lfunc_end0:
.L_simem_size_0:
called_computation.6_lowered:
.L_overlay_start_0:
0x88: {  	s2 =	sld [smem:$0x3FD9]  }
0x89: {  	s3 =	sld [smem:$0x3FFE];
	_ =	sdelay $0x1  }
0x8a: {  	s1 =	srdreg.scid  }
0x8b: {  	s0 =	sand.u32 $0x1, s1  }
0x8c: {  	s16 =	sshll.u32 s0, $0xA;
	s2 =	sadd.s32 s3, s2  }
0x8d: {  	s2 =	sadd.s32 s2, s16  }
0x8e: {  	[smem:$0x3FAD] =	sst s2  }
0x8f: {  	_ = 	snop  }
0x90: {  	(tm) =	ssettm $0x1  }
0x91: {  	s17 =	sld [smem:$0x3FFB];
	_ =	sdelay $0x3  }
0x92: {  	_ =	strace s17  }
0x93: {  	s2 =	sld [smem:$0x3FFC];
	_ =	sdelay $0x3  }
0x94: {  	_ =	strace s2  }
0x95: {  	s2 =	sld [smem:$0x3FFD];
	_ =	sdelay $0x3  }
0x96: {  	_ =	strace s2  }
0x97: {  	_ =	strace $0x8FFFFFFF  }
0x98: {  	s18 =	sld [smem:$0x3FDB];
	_ =	sdelay $0x1  }
0x99: {  	s19 =	simm.s32 $_scs_section_size  }
0x9a: {  	s4 =	simm.s32 $_size__tile_overlayer_lowered;
	s5 =	simm.s32 $_tile_overlayer_lowered  }
0x9b: {  	s22 =	simm.s32 $0x1BFF;
	s21 =	sshll.u32 s5, $0x1;
	s2 =	sadd.s32 s19, s18  }
0x9c: {  	s6 =	simm.s32 $0x0;
	s20 =	sshll.u32 s4, $0x1;
	s4 =	sadd.s32 s21, s2  }
0x9d: {  	[timem:s6], [sflag:s22] =	dma.local [hbm:s4], s20  }
0x9e: {  	_ =	swait.ge [sflag:s22], s20  }
0x9f: {  	s3 =	ssub.s32 $0x0, s20;
	[sflag:s22] =	ssyncset.done $0x0  }
0xa0: {  	[sflag:s22] =	ssyncadd.s32 s3;
	_ =	sdelay $0x1  }
0xa1: {  	s23 =	simm.s32 $0x1B8B  }
0xa2: {  	_ =	swait.ge [sflag:s23], $0x1  }
0xa3: {  	[sflag:s23] =	ssyncset.done $0x0  }
0xa4: {  	s25 =	simm.s32 $0x1B8E;
	s24 =	sld [smem:$0x3FFE];
	[sflag:s23] =	ssyncadd.s32 $0xFFFFFFFF  }
0xa5: {  	s26 =	simm.s32 $execute0_lowered;
	[smem:$0x3FD2] =	sst s25  }
0xa6: {  	s4 =	sshll.u32 s26, $0x1;
	_ =	strace $0x80000052;
	[dreg:$0x1] =	wrdreg $0xFFFFFFFF  }
0xa7: {  	s28 =	simm.s32 $_size_execute0_lowered;
	s2 =	sadd.s32 s2, s4;
	[dreg:$0x0] =	wrdreg $0x0  }
0xa8: {  	s4 =	sshll.u32 s28, $0x1;
	[dreg:$0x2] =	wrdreg s2  }
0xa9: {  	[dreg:$0x3] =	wrdreg s4  }
0xaa: {  	[dreg:$0x4] =	wrdreg $0xC0  }
0xab: {  	_ =	task [dreg:s6], $0x5FFFF  }
0xac: {  	[dreg:$0x1] =	wrdreg $0xFFFFFFFF  }
0xad: {  	[dreg:$0x0] =	wrdreg $0x60  }
0xae: {  	[dreg:$0x2] =	wrdreg s24  }
0xaf: {  	[dreg:$0x3] =	wrdreg $0x95000  }
0xb0: {  	[dreg:$0x4] =	wrdreg $0xA  }
0xb1: {  	_ =	task.clear_ibuf [dreg:s6], $0x5FFFF;
	_ =	strace $0x90000052  }
0xb2: {  	s29 =	simm.s32 $0xA;
	_ =	strace $0x80000054  }
0xb3: {  	_ =	swait.ge [sflag:s29], $0x1  }
0xb4: {  	[sflag:s29] =	ssyncadd.s32 $0xFFFFFFFF  }
0xb5: {  	_ =	strace $0x90000054  }
0xb6: {  	_ =	sfence  }
0xb7: {  	s30 =	sld [smem:$0x0];
	_ =	sdelay $0x2  }
0xb8: {  	s31 =	sshll.u32 s1, $0xD;
	s1 =	sshrl.u32 s1, $0x2  }
0xb9: {  	s3 =	sand.u32 $0x4000, s31;
	s1 =	sadd.s32 s1, s30  }
0xba: {  	s0 =	sor.u32 s3, s0;
	s1 =	sshll.u32 s1, $0x11  }
0xbb: {  	s0 =	sor.u32 s1, s0  }
0xbc: {  	s0 =	sadd.s32 $0x8F2B, s0  }
0xbd: {  	[sflag:s0] =	ssyncadd.remote.s32 $0x1  }
0xbe: {  	_ =	sfence.sel $0xFFFF  }
0xbf: {  	[dreg:$0x0] =	wrdreg $0xFFFFFFFF;
	(pc) =	sbr.abs _section_cstart, $3  }
0xc0: {  	[dreg:$0x1] =	wrdreg $0xFFFFFFFF  }
0xc1: {  	_ =	task.clear_ibuf [dreg:s6], $0x2FFFF;
	_ =	strace $0x9FFFFFFF  }
0xc2: {  	(tm) =	ssettm $0x7FFFFFFF  }
0xc3: {  	_ =	shalt  }
tec
execute0_lowered:
.L_overlay_start_1:
0x0: {  	(tag) =	ssettag $0x1  }
0x1: {  	s4 =	rddreg [dreg:$0x0]  }
0x2: {  	s2 =	rddreg [dreg:$0x1]  }
0x3: {  	s1 =	stileid.u32;
	s0 =	rddreg [dreg:$0x2];
	s3 =	simm.s32 $0x0  }
0x4: {  	s7 =	srdreg.scid;
	s16 =	simm.s32 $0x80;
	s17 =	simm.s32 $0x1500  }
0x5: {  	s18 =	simm.s32 $0x5500;
	s19 =	simm.s32 $0x1;
	s20 =	simm.s32 $0x2  }
0x6: {  	s21 =	simm.s32 $0x3;
	s22 =	simm.s32 $0x4;
	s5 =	smul.u32 $0x2780, s1  }
0x7: {  	s23 =	simm.s32 $0x0;
	[smem:$0x7FF] =	sst s3;
	s6 =	smul.u32 $0x1500, s1  }
0x8: {  	s25 =	sand.u32 $0x1, s7;
	s9 =	smul.u32 $0x4F000, s1;
	s10 =	sadd.s32 $0x305400, s4  }
0x9: {  	s12 =	sadd.s32 $0x455400, s4;
	s13 =	smul.u32 $0x15000, s1;
	s31 =	sshll.u32 s1, $0x6  }
0xa: {  	_ =	strace $0x80000053;
	s28 =	ssub.s32 $0x2, s25;
	p0 =	seq.s32 s25, $0x1  }
0xb: {  	s8 =	sadd.s32 s5, s4;
	s24 =	sshrl.u32 s6, $0x3;
	s29 =	sshrl.u32 s28, $0x1  }
0xc: {  	s30 =	sshrl.u32 s9, $0x2;
	s9 =	sadd.s32 s10, s13;
	s15 =	sor.u32 $0x800, s13  }
.Ltmp0:
0xd: {  	s26 =	sadd.s32 s24, s4;
	s11 =	ssub.s32 s28, s29;
	(pc) =	sbr.rel .LBB2_1-.Ltmp0, $4  }
0xe: {  	s14 =	sadd.s32 s30, s2;
	s4 =	sadd.s32 $0x678C00, s8;
	s6 =	sadd.s32 $0x6A0400, s8  }
0xf: {  	s10 =	sadd.s32 s10, s15;
	s5 =	sadd.s32 $0xE600, s26;
	s7 =	sadd.s32 $0xBC00, s26  }
0x10: {  	s8 =	smax.u32 s11, $0x1;
	s11 =	sadd.s32 s12, s13;
	s12 =	sadd.s32 s12, s15  }
0x11: {  	s13 =	sor.u32 $0x1C05, s31;
	s14 =	sshrl.u32 s14, $0x3;
	s15 =	simm.s32 $0x5  }
.LBB2_7:
0x12: {  	[hbm4b:s26+s3] =	stream.linear.scatter [tilespmem:s18], [sflag:$0x4], $0x4000, $0x38;
	[tilespmem:$0x1D100] =	vst v63  }
.LBB2_8:
0x13: {  	s23 =	sadd.s32 $0x1, s23  }
0x14: {  	_ =	swait.ge [sflag:s21], $0x4000;
	p1 =	sne.s32 s23, s8  }
.Ltmp1:
0x15: {  	[sflag:s21] =	ssyncset.done $0x0;
	(pc) =	sbr.rel @!p1 .LBB2_9-.Ltmp1, $4  }
0x16: {  	[sflag:s21] =	ssyncadd.s32 $0xFFFFC000  }
0x17: {  	_ =	swait.ge [sflag:s22], $0x4000  }
0x18: {  	[sflag:s22] =	ssyncset.done $0x0  }
0x19: {  	[sflag:s22] =	ssyncadd.s32 $0xFFFFC000  }
.LBB2_1:
.Ltmp2:
0x1a: {  	(pc) =	sbr.rel @!p0 .LBB2_2-.Ltmp2, $1  }
0x1b: {  	_ =	sdelay $0x3  }
0x1c: {  	[spmem:s14], [sflag:s13] =	dma.local [hbm:s6], $0x2780  }
0x1d: {  	_ =	swait.ge [sflag:s15], $0x2780  }
0x1e: {  	[sflag:s15] =	ssyncset.done $0x0  }
0x1f: {  	[sflag:s15] =	ssyncadd.s32 $0xFFFFD880  }
0x20: {  	[tilespmem:s3], [sflag:$0x5] =	stream.linear.gather [hbm4b:s7+s3], $0x1500, $0x38;
	[tilespmem:$0x1D100] =	vst v63  }
0x21: {  	_ =	swait.ge [sflag:s15], $0x1500  }
0x22: {  	[sflag:s15] =	ssyncset.done $0x0  }
0x23: {  	[sflag:s15] =	ssyncadd.s32 $0xFFFFEB00  }
0x24: {  	[bflag:$0x0] =	sbarrier.arrive $0xFFFF  }
0x25: {  	[tilespmem:s17], [sflag:$0x1] =	stream.indirect.gather [spmem:s2], $0x80, s3, s16, $0xb8;
	[tilespmem:$0x1D100] =	vst v63  }
0x26: {  	_ = 	snop  }
0x27: {  	[tilespmem:s18], [sflag:$0x2] =	stream.indirect.gather [spmem:s2], $0x80, s16, s16, $0xb8;
	[tilespmem:$0x1D100] =	vst v63  }
0x28: {  	_ =	swait.ge [sflag:s19], $0x4000  }
0x29: {  	[sflag:s19] =	ssyncset.done $0x0  }
0x2a: {  	[sflag:s19] =	ssyncadd.s32 $0xFFFFC000  }
0x2b: {  	[hbm4b:s11+s3] =	stream.linear.scatter [tilespmem:s17], [sflag:$0x3], $0x4000, $0x38;
	[tilespmem:$0x1D100] =	vst v63  }
0x2c: {  	_ =	swait.ge [sflag:s20], $0x4000  }
0x2d: {  	[sflag:s20] =	ssyncset.done $0x0  }
0x2e: {  	[sflag:s20] =	ssyncadd.s32 $0xFFFFC000  }
0x2f: {  	[hbm4b:s12+s3] =	stream.linear.scatter [tilespmem:s18], [sflag:$0x4], $0x4000, $0x38;
	[tilespmem:$0x1D100] =	vst v63  }
0x30: {  	_ =	swait.ge [sflag:s21], $0x4000  }
0x31: {  	[sflag:s21] =	ssyncset.done $0x0  }
0x32: {  	s24 =	simm.s32 $0x100;
	[sflag:s21] =	ssyncadd.s32 $0xFFFFC000  }
0x33: {  	[tilespmem:s17], [sflag:$0x1] =	stream.indirect.gather [spmem:s2], $0x80, s24, s16, $0xb8;
	[tilespmem:$0x1D100] =	vst v63  }
0x34: {  	_ =	swait.ge [sflag:s22], $0x4000  }
0x35: {  	[sflag:s22] =	ssyncset.done $0x0  }
0x36: {  	s30 =	simm.s32 $0x180;
	[sflag:s22] =	ssyncadd.s32 $0xFFFFC000  }
0x37: {  	[tilespmem:s18], [sflag:$0x2] =	stream.indirect.gather [spmem:s2], $0x80, s30, s16, $0xb8;
	[tilespmem:$0x1D100] =	vst v63  }
0x38: {  	_ =	swait.ge [sflag:s19], $0x4000  }
0x39: {  	s25 =	sadd.s32 $0xFFFEC000, s11;
	[sflag:s19] =	ssyncset.done $0x0  }
0x3a: {  	s31 =	sadd.s32 $0x15000, s25;
	[sflag:s19] =	ssyncadd.s32 $0xFFFFC000  }
0x3b: {  	[hbm4b:s31+s3] =	stream.linear.scatter [tilespmem:s17], [sflag:$0x3], $0x4000, $0x38;
	[tilespmem:$0x1D100] =	vst v63  }
0x3c: {  	_ =	swait.ge [sflag:s20], $0x4000  }
0x3d: {  	s26 =	sadd.s32 $0x15800, s25;
	[sflag:s20] =	ssyncset.done $0x0  }
0x3e: {  	s25 =	simm.s32 $0x280;
	s24 =	simm.s32 $0xFFFED000;
	[sflag:s20] =	ssyncadd.s32 $0xFFFFC000  }
.LBB2_6:
0x3f: {  	[hbm4b:s26+s3] =	stream.linear.scatter [tilespmem:s18], [sflag:$0x4], $0x4000, $0x38;
	[tilespmem:$0x1D100] =	vst v63  }
0x40: {  	s26 =	smov.u32 s24  }
0x41: {  	p1 =	sne.s32 s24, $0xFFFFF000;
	s24 =	sadd.s32 $0x1000, s24;
	_ =	swait.ge [sflag:s21], $0x4000  }
0x42: {  	[sflag:s21] =	ssyncset.done $0x0  }
0x43: {  	s28 =	sadd.s32 $0xFFFFFF80, s25;
	[sflag:s21] =	ssyncadd.s32 $0xFFFFC000  }
0x44: {  	[tilespmem:s17], [sflag:$0x1] =	stream.indirect.gather [spmem:s2], $0x80, s28, s16, $0xb8;
	[tilespmem:$0x1D100] =	vst v63  }
0x45: {  	_ =	swait.ge [sflag:s22], $0x4000  }
0x46: {  	[sflag:s22] =	ssyncset.done $0x0  }
0x47: {  	[sflag:s22] =	ssyncadd.s32 $0xFFFFC000  }
0x48: {  	[tilespmem:s18], [sflag:$0x2] =	stream.indirect.gather [spmem:s2], $0x80, s25, s16, $0xb8;
	[tilespmem:$0x1D100] =	vst v63  }
0x49: {  	_ =	swait.ge [sflag:s19], $0x4000  }
0x4a: {  	s26 =	sadd.s32 s26, s11;
	[sflag:s19] =	ssyncset.done $0x0  }
.Ltmp3:
0x4b: {  	s28 =	sadd.s32 $0x15000, s26;
	[sflag:s19] =	ssyncadd.s32 $0xFFFFC000;
	(pc) =	sbr.rel @p1 .LBB2_6-.Ltmp3, $4  }
0x4c: {  	[hbm4b:s28+s3] =	stream.linear.scatter [tilespmem:s17], [sflag:$0x3], $0x4000, $0x38;
	[tilespmem:$0x1D100] =	vst v63  }
0x4d: {  	_ =	swait.ge [sflag:s20], $0x4000  }
0x4e: {  	[sflag:s20] =	ssyncset.done $0x0  }
0x4f: {  	s26 =	sadd.s32 $0x15800, s26;
	s25 =	sadd.s32 $0x100, s25;
	[sflag:s20] =	ssyncadd.s32 $0xFFFFC000  }
.Ltmp4:
0x50: {  	_ = 	snop;
	(pc) =	sbr.rel .LBB2_7-.Ltmp4, $1  }
0x51: {  	_ =	sdelay $0x3  }
.LBB2_2:
0x52: {  	[spmem:s14], [sflag:s13] =	dma.local [hbm:s4], $0x2780  }
0x53: {  	_ =	swait.ge [sflag:s15], $0x2780  }
0x54: {  	[sflag:s15] =	ssyncset.done $0x0  }
0x55: {  	[sflag:s15] =	ssyncadd.s32 $0xFFFFD880  }
0x56: {  	[tilespmem:s3], [sflag:$0x5] =	stream.linear.gather [hbm4b:s5+s3], $0x1500, $0x38;
	[tilespmem:$0x1D100] =	vst v63  }
0x57: {  	_ =	swait.ge [sflag:s15], $0x1500  }
0x58: {  	[sflag:s15] =	ssyncset.done $0x0  }
0x59: {  	[sflag:s15] =	ssyncadd.s32 $0xFFFFEB00  }
0x5a: {  	[bflag:$0x0] =	sbarrier.arrive $0xFFFF  }
0x5b: {  	[tilespmem:s17], [sflag:$0x1] =	stream.indirect.gather [spmem:s2], $0x80, s3, s16, $0xb8;
	[tilespmem:$0x1D100] =	vst v63  }
0x5c: {  	_ = 	snop  }
0x5d: {  	[tilespmem:s18], [sflag:$0x2] =	stream.indirect.gather [spmem:s2], $0x80, s16, s16, $0xb8;
	[tilespmem:$0x1D100] =	vst v63  }
0x5e: {  	_ =	swait.ge [sflag:s19], $0x4000  }
0x5f: {  	[sflag:s19] =	ssyncset.done $0x0  }
0x60: {  	[sflag:s19] =	ssyncadd.s32 $0xFFFFC000  }
0x61: {  	[hbm4b:s9+s3] =	stream.linear.scatter [tilespmem:s17], [sflag:$0x3], $0x4000, $0x38;
	[tilespmem:$0x1D100] =	vst v63  }
0x62: {  	_ =	swait.ge [sflag:s20], $0x4000  }
0x63: {  	[sflag:s20] =	ssyncset.done $0x0  }
0x64: {  	[sflag:s20] =	ssyncadd.s32 $0xFFFFC000  }
0x65: {  	[hbm4b:s10+s3] =	stream.linear.scatter [tilespmem:s18], [sflag:$0x4], $0x4000, $0x38;
	[tilespmem:$0x1D100] =	vst v63  }
0x66: {  	_ =	swait.ge [sflag:s21], $0x4000  }
0x67: {  	[sflag:s21] =	ssyncset.done $0x0  }
0x68: {  	s24 =	simm.s32 $0x100;
	[sflag:s21] =	ssyncadd.s32 $0xFFFFC000  }
0x69: {  	[tilespmem:s17], [sflag:$0x1] =	stream.indirect.gather [spmem:s2], $0x80, s24, s16, $0xb8;
	[tilespmem:$0x1D100] =	vst v63  }
0x6a: {  	_ =	swait.ge [sflag:s22], $0x4000  }
0x6b: {  	[sflag:s22] =	ssyncset.done $0x0  }
0x6c: {  	s30 =	simm.s32 $0x180;
	[sflag:s22] =	ssyncadd.s32 $0xFFFFC000  }
0x6d: {  	[tilespmem:s18], [sflag:$0x2] =	stream.indirect.gather [spmem:s2], $0x80, s30, s16, $0xb8;
	[tilespmem:$0x1D100] =	vst v63  }
0x6e: {  	_ =	swait.ge [sflag:s19], $0x4000  }
0x6f: {  	s25 =	sadd.s32 $0xFFFEC000, s9;
	[sflag:s19] =	ssyncset.done $0x0  }
0x70: {  	s31 =	sadd.s32 $0x15000, s25;
	[sflag:s19] =	ssyncadd.s32 $0xFFFFC000  }
0x71: {  	[hbm4b:s31+s3] =	stream.linear.scatter [tilespmem:s17], [sflag:$0x3], $0x4000, $0x38;
	[tilespmem:$0x1D100] =	vst v63  }
0x72: {  	_ =	swait.ge [sflag:s20], $0x4000  }
0x73: {  	s26 =	sadd.s32 $0x15800, s25;
	[sflag:s20] =	ssyncset.done $0x0  }
0x74: {  	s25 =	simm.s32 $0x280;
	s24 =	simm.s32 $0xFFFED000;
	[sflag:s20] =	ssyncadd.s32 $0xFFFFC000  }
.LBB2_3:
0x75: {  	[hbm4b:s26+s3] =	stream.linear.scatter [tilespmem:s18], [sflag:$0x4], $0x4000, $0x38;
	[tilespmem:$0x1D100] =	vst v63  }
0x76: {  	s26 =	smov.u32 s24  }
0x77: {  	p1 =	seq.s32 s24, $0xFFFFF000;
	s24 =	sadd.s32 $0x1000, s24;
	_ =	swait.ge [sflag:s21], $0x4000  }
0x78: {  	[sflag:s21] =	ssyncset.done $0x0  }
0x79: {  	s28 =	sadd.s32 $0xFFFFFF80, s25;
	[sflag:s21] =	ssyncadd.s32 $0xFFFFC000  }
0x7a: {  	[tilespmem:s17], [sflag:$0x1] =	stream.indirect.gather [spmem:s2], $0x80, s28, s16, $0xb8;
	[tilespmem:$0x1D100] =	vst v63  }
0x7b: {  	_ =	swait.ge [sflag:s22], $0x4000  }
0x7c: {  	[sflag:s22] =	ssyncset.done $0x0  }
0x7d: {  	[sflag:s22] =	ssyncadd.s32 $0xFFFFC000  }
0x7e: {  	[tilespmem:s18], [sflag:$0x2] =	stream.indirect.gather [spmem:s2], $0x80, s25, s16, $0xb8;
	[tilespmem:$0x1D100] =	vst v63  }
0x7f: {  	_ =	swait.ge [sflag:s19], $0x4000  }
0x80: {  	s26 =	sadd.s32 s26, s9;
	[sflag:s19] =	ssyncset.done $0x0  }
.Ltmp5:
0x81: {  	s28 =	sadd.s32 $0x15000, s26;
	[sflag:s19] =	ssyncadd.s32 $0xFFFFC000;
	(pc) =	sbr.rel @!p1 .LBB2_3-.Ltmp5, $4  }
0x82: {  	[hbm4b:s28+s3] =	stream.linear.scatter [tilespmem:s17], [sflag:$0x3], $0x4000, $0x38;
	[tilespmem:$0x1D100] =	vst v63  }
0x83: {  	_ =	swait.ge [sflag:s20], $0x4000  }
0x84: {  	[sflag:s20] =	ssyncset.done $0x0  }
0x85: {  	s26 =	sadd.s32 $0x15800, s26;
	s25 =	sadd.s32 $0x100, s25;
	[sflag:s20] =	ssyncadd.s32 $0xFFFFC000  }
.Ltmp6:
0x86: {  	(pc) =	sbr.rel .LBB2_8-.Ltmp6, $2  }
0x87: {  	_ =	sdelay $0x2  }
0x88: {  	[hbm4b:s26+s3] =	stream.linear.scatter [tilespmem:s18], [sflag:$0x4], $0x4000, $0x38;
	[tilespmem:$0x1D100] =	vst v63  }
.LBB2_9:
0x89: {  	_ =	sfence.sel $0x180000  }
0x8a: {  	[bflag:$0x0] =	sbarrier.arrive $0xFFFF  }
0x8b: {  	p0 =	sne.s32 s1, $0x0;
	_ =	strace $0x90000053  }
0x8c: {  	s0 =	sadd.s32 @!p0 $0x100000, s0;
	[bflag:$0x2] =	sbarrier.arrive $0xFFFF  }
0x8d: {  	[sflag:s0] =	ssyncadd.tile.s32 @!p0 $0x1;
	_ =	shalt  }
.Lfunc_end2:
_tile_overlayer_lowered:
.L_overlay_start_2:
0x8e: {  	(tag) =	ssettag $0x2  }
0x8f: {  	s0 =	rddreg [dreg:$0x0];
	s2 =	stileid.u32  }
0x90: {  	s1 =	rddreg [dreg:$0x1];
	p0 =	sne.s32 s2, $0x0  }
0x91: {  	s3 =	rddreg [dreg:$0x2];
	[bflag:$0x3] =	sbarrier.arrive $0xFFFF;
	s2 =	simm.s32 @!p0 $0x1C05  }
0x92: {  	[timem:s3], [sflag:s2] =	dma.local @!p0 [hbm:s0], s1  }
0x93: {  	s0 =	simm.s32 @!p0 $0x5  }
0x94: {  	_ =	swait.ge @!p0 [sflag:s0], s1  }
0x95: {  	s1 =	ssub.s32 @!p0 $0x0, s1;
	[sflag:s0] =	ssyncset.done @!p0 $0x0  }
0x96: {  	[sflag:s0] =	ssyncadd.s32 @!p0 s1  }
0x97: {  	[bflag:$0x3] =	sbarrier.arrive $0xFFFF  }
0x98: {  	_ =	shalt  }

// kernel: kernel.39.cloned.1.call-start
scs
__scs_entry_jumppad:
0x0: {  	(pc) =	sbr.rel $0x88, $3  }
0x1: {  	(tag) =	ssettag $0x0;
	lr =	simm.s32 $0x1  }
0x2: {  	[smem:$0x3F86] =	sst lr;
	_ =	strace $0xD0000000  }
0x3: {  	_ = 	snop  }
0x4: {  	_ = 	snop  }
0x5: {  	_ = 	snop  }
0x6: {  	_ = 	snop  }
0x7: {  	_ = 	snop  }
__scs_overlays_trampoline_lowered:
0x8: {  	[smem:$0x3F95] =	sst s0  }
0x9: {  	[smem:$0x3F96] =	sst s1  }
0xa: {  	[smem:$0x3F97] =	sst s2  }
0xb: {  	[smem:$0x3F98] =	sst s3  }
0xc: {  	[smem:$0x3F99] =	sst s4  }
0xd: {  	[smem:$0x3F9A] =	sst s5  }
0xe: {  	[smem:$0x3F9B] =	sst s6  }
0xf: {  	[smem:$0x3F9C] =	sst s7  }
0x10: {  	[smem:$0x3F9D] =	sst s8  }
0x11: {  	[smem:$0x3F9E] =	sst s9;
	s0 =	simm.s32 @!p0 $0x0  }
0x12: {  	s1 =	sld [smem:$0x3F84];
	s0 =	simm.s32 @p0 $0x1  }
0x13: {  	[smem:$0x3F9F] =	sst s0;
	s0 =	simm.s32 @!p1 $0x0  }
0x14: {  	s2 =	sld [smem:$0x3F83];
	s0 =	simm.s32 @p1 $0x1  }
0x15: {  	[smem:$0x3FA0] =	sst s0;
	s0 =	simm.s32 @!p2 $0x0  }
0x16: {  	s3 =	sld [smem:$0x3FDB];
	s0 =	simm.s32 @p2 $0x1  }
0x17: {  	s4 =	simm.s32 $0x1BF5;
	[smem:$0x3FA2] =	sst s0  }
0x18: {  	s0 =	sld [smem:$0x3F85];
	_ =	swait.ge [sflag:s4], $0x0  }
0x19: {  	s7 =	sld [smem:$0x3F86]  }
0x1a: {  	s8 =	sadd.s32 $0xFFFFE003, lr  }
0x1b: {  	s9 =	sadd.s32 $0xFFFFFEF7, lr;
	s5 =	simm.s32 $0xFFFFFFFF;
	p2 =	slt.u32 s8, $0xFFFFF086  }
0x1c: {  	p1 =	slt.u32 s9, $0xF7A;
	s5 =	simm.s32 @!p2 $0x0  }
0x1d: {  	s5 =	simm.s32 @p1 $0x1;
	p0 =	seq.s32 s7, s2  }
0x1e: {  	s7 =	smul.u32 @!p0 $0xF7A, s2;
	p2 =	seq.s32 @!p0 s5, $0x0  }
0x1f: {  	s9 =	smul.u32 $0xF7A, s1;
	s8 =	simm.s32 @!p0 $0x1BF5;
	p2 =	por !p2, p0  }
0x20: {  	[sflag:s8] =	ssyncset.s32 @!p0 $0xFFFFF086;
	s6 =	sadd.s32 @!p0 s3, s7;
	s7 =	simm.s32 @!p0 $0x108  }
0x21: {  	s3 =	sadd.s32 s3, s9;
	s6 =	sadd.s32 @!p0 $0x88, s6;
	s7 =	simm.s32 @p2 $0x1082  }
0x22: {  	[simem:s7], [sflag:s8] =	dma.local @!p0 [hbm:s6], $0xF7A  }
0x23: {  	s9 =	sor.u32 $0xD0000000, s2;
	s6 =	simm.s32 $0x108;
	_ =	swait.ge @!p0 [sflag:s8], $0x0  }
0x24: {  	s3 =	sadd.s32 $0x88, s3;
	s6 =	simm.s32 @!p1 $0x1082;
	[sflag:s4] =	ssyncset.s32 $0xFFFFF086  }
0x25: {  	[simem:s6], [sflag:s4] =	dma.local [hbm:s3], $0xF7A  }
0x26: {  	[smem:$0x3F86] =	sst s1;
	(tag) =	ssettag s2;
	_ =	strace s9  }
0x27: {  	s1 =	sld [smem:$0x3F96]  }
0x28: {  	s2 =	sld [smem:$0x3F97]  }
0x29: {  	s4 =	sld [smem:$0x3F99]  }
0x2a: {  	p0 =	seq.s32 s5, $0x0;
	s5 =	sld [smem:$0x3F9A]  }
0x2b: {  	s6 =	sld [smem:$0x3F9B]  }
0x2c: {  	s7 =	sld [smem:$0x3F9C]  }
0x2d: {  	s3 =	simm.s32 $0x108;
	s8 =	sld [smem:$0x3F9D]  }
0x2e: {  	s3 =	simm.s32 @!p0 $0x1082;
	s9 =	sld [smem:$0x3F9E]  }
0x2f: {  	lr =	sadd.s32 s0, s3;
	s0 =	sld [smem:$0x3F95]  }
0x30: {  	s3 =	sld [smem:$0x3F98]  }
0x31: {  	[smem:$0x3FA1] =	sst s10  }
0x32: {  	s10 =	sld [smem:$0x3F9F];
	_ =	sdelay $0x3  }
0x33: {  	p0 =	seq.s32 s10, $0x1;
	s10 =	sld [smem:$0x3FA1];
	_ =	sdelay $0x3  }
0x34: {  	[smem:$0x3FA1] =	sst s10  }
0x35: {  	s10 =	sld [smem:$0x3FA0];
	_ =	sdelay $0x3  }
0x36: {  	p1 =	seq.s32 s10, $0x1;
	s10 =	sld [smem:$0x3FA1];
	_ =	sdelay $0x3  }
0x37: {  	[smem:$0x3FA1] =	sst s10  }
0x38: {  	s10 =	sld [smem:$0x3FA2]  }
0x39: {  	_ = 	snop;
	(pc) =	sbr.ind lr, $3  }
0x3a: {  	_ = 	snop  }
0x3b: {  	_ = 	snop  }
0x3c: {  	p2 =	seq.s32 s10, $0x1;
	s10 =	sld [smem:$0x3FA1]  }
0x3d: {  	_ =	shalt  }
0x3e: {  	_ =	shalt  }
0x3f: {  	_ =	shalt  }
0x40: {  	_ =	shalt  }
0x41: {  	_ =	shalt  }
0x42: {  	_ =	shalt  }
0x43: {  	_ =	shalt  }
0x44: {  	_ =	shalt  }
0x45: {  	_ =	shalt  }
0x46: {  	_ =	shalt  }
0x47: {  	_ =	shalt  }
0x48: {  	_ =	shalt  }
0x49: {  	_ =	shalt  }
0x4a: {  	_ =	shalt  }
0x4b: {  	_ =	shalt  }
0x4c: {  	_ =	shalt  }
0x4d: {  	_ =	shalt  }
0x4e: {  	_ =	shalt  }
0x4f: {  	_ =	shalt  }
0x50: {  	_ =	shalt  }
0x51: {  	_ =	shalt  }
0x52: {  	_ =	shalt  }
0x53: {  	_ =	shalt  }
0x54: {  	_ =	shalt  }
0x55: {  	_ =	shalt  }
0x56: {  	_ =	shalt  }
0x57: {  	_ =	shalt  }
0x58: {  	_ =	shalt  }
0x59: {  	_ =	shalt  }
0x5a: {  	_ =	shalt  }
0x5b: {  	_ =	shalt  }
0x5c: {  	_ =	shalt  }
0x5d: {  	_ =	shalt  }
0x5e: {  	_ =	shalt  }
0x5f: {  	_ =	shalt  }
0x60: {  	_ =	shalt  }
0x61: {  	_ =	shalt  }
0x62: {  	_ =	shalt  }
0x63: {  	_ =	shalt  }
0x64: {  	_ =	shalt  }
0x65: {  	_ =	shalt  }
0x66: {  	_ =	shalt  }
0x67: {  	_ =	shalt  }
0x68: {  	_ =	shalt  }
0x69: {  	_ =	shalt  }
0x6a: {  	_ =	shalt  }
0x6b: {  	_ =	shalt  }
0x6c: {  	_ =	shalt  }
0x6d: {  	_ =	shalt  }
0x6e: {  	_ =	shalt  }
0x6f: {  	_ =	shalt  }
0x70: {  	_ =	shalt  }
0x71: {  	_ =	shalt  }
0x72: {  	_ =	shalt  }
0x73: {  	_ =	shalt  }
0x74: {  	_ =	shalt  }
0x75: {  	_ =	shalt  }
0x76: {  	_ =	shalt  }
0x77: {  	_ =	shalt  }
0x78: {  	_ =	shalt  }
0x79: {  	_ =	shalt  }
0x7a: {  	_ =	shalt  }
0x7b: {  	_ =	shalt  }
0x7c: {  	_ =	shalt  }
0x7d: {  	_ =	shalt  }
0x7e: {  	_ =	shalt  }
0x7f: {  	_ =	shalt  }
0x80: {  	_ =	shalt  }
0x81: {  	_ =	shalt  }
0x82: {  	_ =	shalt  }
0x83: {  	_ =	shalt  }
0x84: {  	_ =	shalt  }
0x85: {  	_ =	shalt  }
0x86: {  	_ =	shalt  }
0x87: {  	_ =	shalt  }
.Lfunc_end0:
.L_simem_size_0:
called_computation.7_lowered:
.L_overlay_start_0:
0x88: {  	s2 =	sld [smem:$0x3FD9]  }
0x89: {  	s3 =	sld [smem:$0x3FFE];
	_ =	sdelay $0x1  }
0x8a: {  	s1 =	srdreg.scid  }
0x8b: {  	s0 =	sand.u32 $0x1, s1  }
0x8c: {  	s17 =	sshll.u32 s0, $0xA;
	s2 =	sadd.s32 s3, s2  }
0x8d: {  	s2 =	sadd.s32 s2, s17  }
0x8e: {  	[smem:$0x3FAD] =	sst s2  }
0x8f: {  	_ = 	snop  }
0x90: {  	(tm) =	ssettm $0x1  }
0x91: {  	s18 =	sld [smem:$0x3FFB];
	_ =	sdelay $0x3  }
0x92: {  	_ =	strace s18  }
0x93: {  	s2 =	sld [smem:$0x3FFC];
	_ =	sdelay $0x3  }
0x94: {  	_ =	strace s2  }
0x95: {  	s2 =	sld [smem:$0x3FFD];
	_ =	sdelay $0x3  }
0x96: {  	_ =	strace s2  }
0x97: {  	_ =	strace $0x8FFFFFFF  }
0x98: {  	s19 =	sld [smem:$0x3FDB];
	_ =	sdelay $0x1  }
0x99: {  	s20 =	simm.s32 $_scs_section_size  }
0x9a: {  	s4 =	simm.s32 $_size__tile_overlayer_lowered;
	s5 =	simm.s32 $_tile_overlayer_lowered  }
0x9b: {  	s6 =	simm.s32 $0x1BFF;
	s21 =	sshll.u32 s5, $0x1;
	s3 =	sadd.s32 s20, s19  }
0x9c: {  	s22 =	simm.s32 $0x0;
	s4 =	sshll.u32 s4, $0x1;
	s5 =	sadd.s32 s21, s3  }
0x9d: {  	[timem:s22], [sflag:s6] =	dma.local [hbm:s5], s4  }
0x9e: {  	_ =	swait.ge [sflag:s6], s4  }
0x9f: {  	s4 =	ssub.s32 $0x0, s4;
	[sflag:s6] =	ssyncset.done $0x0  }
0xa0: {  	[sflag:s6] =	ssyncadd.s32 s4;
	_ =	sdelay $0x1  }
0xa1: {  	s23 =	simm.s32 $0x1B8B  }
0xa2: {  	_ =	swait.ge [sflag:s23], $0x1  }
0xa3: {  	[sflag:s23] =	ssyncset.done $0x0  }
0xa4: {  	[sflag:s23] =	ssyncadd.s32 $0xFFFFFFFF  }
0xa5: {  	s4 =	sld [smem:$0x0]  }
0xa6: {  	s5 =	sand.u32 $0xFFFFFFFE, s1  }
0xa7: {  	p0 =	sne.s32 s1, s5  }
0xa8: {  	s5 =	sshll.u32 @p0 s5, $0xE  }
0xa9: {  	s5 =	sadd.s32 @p0 $0x11B8D, s5;
	s6 =	sshll.u32 @p0 s4, $0x11  }
0xaa: {  	s5 =	sor.u32 @p0 s6, s5  }
0xab: {  	[sflag:s5] =	ssyncadd.remote.s32 @p0 $0x1;
	_ =	sdelay $0x1  }
0xac: {  	s5 =	simm.s32 @p0 $0x1B8D  }
0xad: {  	_ =	swait.eq @p0 [sflag:s5], $0x1  }
0xae: {  	[sflag:s5] =	ssyncadd.s32 @p0 $0xFFFFFFFF  }
0xaf: {  	s6 =	sshll.u32 @!p0 s1, $0xE  }
0xb0: {  	s6 =	sor.u32 @!p0 $0x4000, s6;
	s5 =	simm.s32 @!p0 $0x1B8D  }
0xb1: {  	s4 =	sshll.u32 @!p0 s4, $0x11;
	s6 =	sadd.s32 @!p0 $0x11B8D, s6;
	_ =	swait.eq @!p0 [sflag:s5], $0x1  }
0xb2: {  	s4 =	sor.u32 @!p0 s4, s6;
	[sflag:s5] =	ssyncadd.s32 @!p0 $0xFFFFFFFF  }
0xb3: {  	s25 =	simm.s32 $0x1B8E;
	s24 =	sld [smem:$0x3FFE];
	[sflag:s4] =	ssyncadd.remote.s32 @!p0 $0x1  }
0xb4: {  	s26 =	simm.s32 $execute0_lowered;
	[smem:$0x3FD2] =	sst s25  }
0xb5: {  	s5 =	sshll.u32 s26, $0x1;
	_ =	strace $0x80000058;
	[dreg:$0x1] =	wrdreg $0xFFFFFFFF  }
0xb6: {  	s28 =	simm.s32 $_size_execute0_lowered;
	s3 =	sadd.s32 s3, s5;
	[dreg:$0x0] =	wrdreg $0x0  }
0xb7: {  	s5 =	sshll.u32 s28, $0x1;
	[dreg:$0x2] =	wrdreg s3  }
0xb8: {  	[dreg:$0x3] =	wrdreg s5  }
0xb9: {  	[dreg:$0x4] =	wrdreg $0xC0  }
0xba: {  	_ =	task [dreg:s22], $0x5FFFF  }
0xbb: {  	[dreg:$0x1] =	wrdreg $0xFFFFFFFF  }
0xbc: {  	[dreg:$0x0] =	wrdreg $0x60  }
0xbd: {  	[dreg:$0x2] =	wrdreg s24  }
0xbe: {  	[dreg:$0x3] =	wrdreg $0x70000  }
0xbf: {  	[dreg:$0x4] =	wrdreg $0xA  }
0xc0: {  	_ =	task.clear_ibuf [dreg:s22], $0x5FFFF;
	_ =	strace $0x90000058  }
0xc1: {  	s29 =	simm.s32 $0xA;
	_ =	strace $0x8000005A  }
0xc2: {  	_ =	swait.ge [sflag:s29], $0x1  }
0xc3: {  	[sflag:s29] =	ssyncadd.s32 $0xFFFFFFFF  }
0xc4: {  	_ =	strace $0x9000005A  }
0xc5: {  	_ =	sfence  }
0xc6: {  	s30 =	sld [smem:$0x0];
	_ =	sdelay $0x2  }
0xc7: {  	s31 =	sshll.u32 s1, $0xD;
	s1 =	sshrl.u32 s1, $0x2  }
0xc8: {  	s4 =	sand.u32 $0x4000, s31;
	s1 =	sadd.s32 s1, s30  }
0xc9: {  	s0 =	sor.u32 s4, s0;
	s1 =	sshll.u32 s1, $0x11  }
0xca: {  	s0 =	sor.u32 s1, s0  }
0xcb: {  	s0 =	sadd.s32 $0x8F2B, s0  }
0xcc: {  	[sflag:s0] =	ssyncadd.remote.s32 $0x1  }
0xcd: {  	_ =	sfence.sel $0xFFFF  }
0xce: {  	[dreg:$0x0] =	wrdreg $0xFFFFFFFF;
	(pc) =	sbr.abs _section_cstart, $3  }
0xcf: {  	[dreg:$0x1] =	wrdreg $0xFFFFFFFF  }
0xd0: {  	_ =	task.clear_ibuf [dreg:s22], $0x2FFFF;
	_ =	strace $0x9FFFFFFF  }
0xd1: {  	(tm) =	ssettm $0x7FFFFFFF  }
tec
execute0_lowered:
.L_overlay_start_1:
0x0: {  	(tag) =	ssettag $0x1  }
0x1: {  	s4 =	rddreg [dreg:$0x0]  }
0x2: {  	s2 =	rddreg [dreg:$0x1]  }
0x3: {  	s3 =	srdreg.scid;
	s1 =	stileid.u32  }
0x4: {  	s0 =	rddreg [dreg:$0x2];
	s16 =	simm.s32 $0x1;
	s17 =	simm.s32 $0x60  }
0x5: {  	s18 =	simm.s32 $0x2;
	s19 =	simm.s32 $0x80;
	s20 =	simm.s32 $0x3  }
0x6: {  	s21 =	simm.s32 $0x4;
	s22 =	simm.s32 $0x0;
	s6 =	smul.u32 $0x13C00, s1  }
0x7: {  	s7 =	sand.u32 $0x1, s3;
	s5 =	sshll.u32 s1, $0x1;
	s24 =	smul.u32 $0x4F000, s1  }
0x8: {  	s3 =	simm.s32 $0x0;
	s10 =	sadd.s32 $0x773C00, s4;
	s31 =	smul.u32 $0x15000, s1  }
0x9: {  	s30 =	sshll.u32 s1, $0x6;
	s5 =	sor.u32 s7, s5;
	s9 =	smul.u32 $0x13C000, s7  }
0xa: {  	[smem:$0x7FF] =	sst s3;
	s12 =	ssub.s32 $0x2, s7;
	s15 =	smul.u32 $0xA800, s7  }
0xb: {  	s8 =	sshll.u32 s5, $0x9;
	_ =	strace $0x80000059;
	s11 =	sshrl.u32 s6, $0x3  }
0xc: {  	s25 =	sshrl.u32 s12, $0x1;
	s26 =	sshrl.u32 s24, $0x2;
	s14 =	smul.u32 $0xA800, s5  }
0xd: {  	s5 =	sor.u32 $0x1C05, s30;
	s8 =	sadd.s32 s8, s4;
	s6 =	sadd.s32 s6, s9  }
0xe: {  	s11 =	sadd.s32 s11, s4;
	s28 =	ssub.s32 s12, s25;
	s29 =	sadd.s32 s26, s2  }
0xf: {  	s6 =	sshrl.u32 s6, $0x3;
	s9 =	smax.u32 s28, $0x1;
	s12 =	sshrl.u32 s29, $0x3  }
0x10: {  	s13 =	sadd.s32 s6, s4;
	s4 =	sadd.s32 $0x651400, s11;
	s6 =	sadd.s32 $0x5A5400, s8  }
0x11: {  	s8 =	sadd.s32 s10, s14;
	s11 =	sadd.s32 s31, s10;
	s14 =	simm.s32 $0x1000  }
0x12: {  	s7 =	sadd.s32 $0x2B1000, s13;
	s10 =	sadd.s32 $0x600, s8;
	s11 =	sadd.s32 s15, s11  }
0x13: {  	s13 =	simm.s32 $0x5;
	s15 =	simm.s32 $0x4000;
	s11 =	sadd.s32 $0x1200, s11  }
.LBB2_1:
0x14: {  	[spmem:s12], [sflag:s5] =	dma.local [hbm:s4], $0x2780  }
0x15: {  	_ =	swait.ge [sflag:s13], $0x2780  }
0x16: {  	[sflag:s13] =	ssyncset.done $0x0  }
0x17: {  	[sflag:s13] =	ssyncadd.s32 $0xFFFFD880  }
0x18: {  	[tilespmem:s3], [sflag:$0x5] =	stream.linear.gather [hbm4b:s6+s3], $0xE00, $0x38;
	[tilespmem:$0x1AC00] =	vst v63  }
0x19: {  	_ =	swait.ge [sflag:s13], $0xE00  }
0x1a: {  	[sflag:s13] =	ssyncset.done $0x0  }
0x1b: {  	[sflag:s13] =	ssyncadd.s32 $0xFFFFF200  }
0x1c: {  	[bflag:$0x0] =	sbarrier.arrive $0xFFFF  }
0x1d: {  	[tilespmem:s14], [sflag:$0x1] =	stream.linear.gather [hbm4b:s8+s3], $0x3000, $0x38;
	[tilespmem:$0x1AC00] =	vst v63  }
0x1e: {  	_ = 	snop  }
0x1f: {  	[tilespmem:s15], [sflag:$0x2] =	stream.linear.gather [hbm4b:s10+s3], $0x3000, $0x38;
	[tilespmem:$0x1AC00] =	vst v63  }
0x20: {  	_ =	swait.ge [sflag:s16], $0x3000  }
0x21: {  	[sflag:s16] =	ssyncset.done $0x0  }
0x22: {  	[sflag:s16] =	ssyncadd.s32 $0xFFFFD000  }
0x23: {  	[spmem:s2] =	stream.indirect.scatter.add.f32 [tilespmem:s14], [sflag:$0x3], $0x80, s3, s17, $0xb8;
	[tilespmem:$0x1AC00] =	vst v63  }
0x24: {  	_ =	swait.ge [sflag:s18], $0x3000  }
0x25: {  	[sflag:s18] =	ssyncset.done $0x0  }
0x26: {  	[sflag:s18] =	ssyncadd.s32 $0xFFFFD000  }
0x27: {  	[spmem:s2] =	stream.indirect.scatter.add.f32 [tilespmem:s15], [sflag:$0x4], $0x80, s19, s17, $0xb8;
	[tilespmem:$0x1AC00] =	vst v63  }
0x28: {  	_ =	swait.ge [sflag:s20], $0x3000  }
0x29: {  	[sflag:s20] =	ssyncset.done $0x0  }
0x2a: {  	s23 =	sadd.s32 $0xFFFFFA00, s11;
	[sflag:s20] =	ssyncadd.s32 $0xFFFFD000  }
0x2b: {  	[tilespmem:s14], [sflag:$0x1] =	stream.linear.gather [hbm4b:s23+s3], $0x3000, $0x38;
	[tilespmem:$0x1AC00] =	vst v63  }
0x2c: {  	_ =	swait.ge [sflag:s21], $0x3000  }
0x2d: {  	[sflag:s21] =	ssyncset.done $0x0  }
0x2e: {  	[sflag:s21] =	ssyncadd.s32 $0xFFFFD000  }
0x2f: {  	[tilespmem:s15], [sflag:$0x2] =	stream.linear.gather [hbm4b:s11+s3], $0x3000, $0x38;
	[tilespmem:$0x1AC00] =	vst v63  }
0x30: {  	_ =	swait.ge [sflag:s16], $0x3000  }
0x31: {  	[sflag:s16] =	ssyncset.done $0x0  }
0x32: {  	s31 =	simm.s32 $0x100;
	[sflag:s16] =	ssyncadd.s32 $0xFFFFD000  }
0x33: {  	[spmem:s2] =	stream.indirect.scatter.add.f32 [tilespmem:s14], [sflag:$0x3], $0x80, s31, s17, $0xb8;
	[tilespmem:$0x1AC00] =	vst v63  }
0x34: {  	_ =	swait.ge [sflag:s18], $0x3000  }
0x35: {  	s25 =	simm.s32 $0x180;
	[sflag:s18] =	ssyncset.done $0x0  }
0x36: {  	s24 =	sadd.s32 $0xC00, s11;
	s23 =	simm.s32 $0x400;
	[sflag:s18] =	ssyncadd.s32 $0xFFFFD000  }
.LBB2_2:
0x37: {  	[spmem:s2] =	stream.indirect.scatter.add.f32 [tilespmem:s15], [sflag:$0x4], $0x80, s25, s17, $0xb8;
	[tilespmem:$0x1AC00] =	vst v63  }
0x38: {  	s25 =	smov.u32 s23  }
0x39: {  	p0 =	sne.s32 s23, $0x3000;
	s23 =	sadd.s32 $0x400, s23;
	_ =	swait.ge [sflag:s20], $0x3000  }
0x3a: {  	[sflag:s20] =	ssyncset.done $0x0  }
0x3b: {  	s26 =	sadd.s32 $0xFFFFFA00, s24;
	[sflag:s20] =	ssyncadd.s32 $0xFFFFD000  }
0x3c: {  	[tilespmem:s14], [sflag:$0x1] =	stream.linear.gather [hbm4b:s26+s3], $0x3000, $0x38;
	[tilespmem:$0x1AC00] =	vst v63  }
0x3d: {  	_ =	swait.ge [sflag:s21], $0x3000  }
0x3e: {  	[sflag:s21] =	ssyncset.done $0x0  }
0x3f: {  	[sflag:s21] =	ssyncadd.s32 $0xFFFFD000  }
0x40: {  	[tilespmem:s15], [sflag:$0x2] =	stream.linear.gather [hbm4b:s24+s3], $0x3000, $0x38;
	[tilespmem:$0x1AC00] =	vst v63  }
0x41: {  	_ =	swait.ge [sflag:s16], $0x3000  }
0x42: {  	s25 =	sshra.s32 s25, $0x2;
	[sflag:s16] =	ssyncset.done $0x0  }
.Ltmp0:
0x43: {  	s26 =	sadd.s32 $0x100, s25;
	[sflag:s16] =	ssyncadd.s32 $0xFFFFD000;
	(pc) =	sbr.rel @p0 .LBB2_2-.Ltmp0, $4  }
0x44: {  	[spmem:s2] =	stream.indirect.scatter.add.f32 [tilespmem:s14], [sflag:$0x3], $0x80, s26, s17, $0xb8;
	[tilespmem:$0x1AC00] =	vst v63  }
0x45: {  	_ =	swait.ge [sflag:s18], $0x3000  }
0x46: {  	[sflag:s18] =	ssyncset.done $0x0  }
0x47: {  	s25 =	sadd.s32 $0x180, s25;
	s24 =	sadd.s32 $0xC00, s24;
	[sflag:s18] =	ssyncadd.s32 $0xFFFFD000  }
0x48: {  	[spmem:s2] =	stream.indirect.scatter.add.f32 [tilespmem:s15], [sflag:$0x4], $0x80, s25, s17, $0xb8;
	[tilespmem:$0x1AC00] =	vst v63  }
0x49: {  	_ =	swait.ge [sflag:s20], $0x3000  }
0x4a: {  	[sflag:s20] =	ssyncset.done $0x0  }
0x4b: {  	[sflag:s20] =	ssyncadd.s32 $0xFFFFD000  }
0x4c: {  	_ =	swait.ge [sflag:s21], $0x3000  }
0x4d: {  	s22 =	sadd.s32 $0x1, s22;
	[sflag:s21] =	ssyncset.done $0x0  }
0x4e: {  	p0 =	sne.s32 s22, s9;
	[sflag:s21] =	ssyncadd.s32 $0xFFFFD000  }
.Ltmp1:
0x4f: {  	[bflag:$0x0] =	sbarrier.arrive $0xFFFF;
	(pc) =	sbr.rel @p0 .LBB2_1-.Ltmp1, $4  }
0x50: {  	[hbm:s7], [sflag:s5] =	dma.local [spmem:s12], $0x2780  }
0x51: {  	_ =	swait.ge [sflag:s13], $0x2780  }
0x52: {  	[sflag:s13] =	ssyncset.done $0x0  }
0x53: {  	[sflag:s13] =	ssyncadd.s32 $0xFFFFD880  }
0x54: {  	_ =	sfence.sel $0x180000  }
0x55: {  	[bflag:$0x0] =	sbarrier.arrive $0xFFFF  }
0x56: {  	p0 =	sne.s32 s1, $0x0;
	_ =	strace $0x90000059  }
0x57: {  	s0 =	sadd.s32 @!p0 $0x100000, s0;
	[bflag:$0x2] =	sbarrier.arrive $0xFFFF  }
0x58: {  	[sflag:s0] =	ssyncadd.tile.s32 @!p0 $0x1;
	_ =	shalt  }
.Lfunc_end2:
_tile_overlayer_lowered:
.L_overlay_start_2:
0x59: {  	(tag) =	ssettag $0x2  }
0x5a: {  	s0 =	rddreg [dreg:$0x0];
	s2 =	stileid.u32  }
0x5b: {  	s1 =	rddreg [dreg:$0x1];
	p0 =	sne.s32 s2, $0x0  }
0x5c: {  	s3 =	rddreg [dreg:$0x2];
	[bflag:$0x3] =	sbarrier.arrive $0xFFFF;
	s2 =	simm.s32 @!p0 $0x1C05  }
0x5d: {  	[timem:s3], [sflag:s2] =	dma.local @!p0 [hbm:s0], s1  }
0x5e: {  	s0 =	simm.s32 @!p0 $0x5  }
0x5f: {  	_ =	swait.ge @!p0 [sflag:s0], s1  }
0x60: {  	s1 =	ssub.s32 @!p0 $0x0, s1;
	[sflag:s0] =	ssyncset.done @!p0 $0x0  }
0x61: {  	[sflag:s0] =	ssyncadd.s32 @!p0 s1  }
0x62: {  	[bflag:$0x3] =	sbarrier.arrive $0xFFFF  }
0x63: {  	_ =	shalt  }

</sc_bundles>
